<compile_context>
chip_gen: v7x
topology: tpu7x:2x2x1
jax: 0.10.2.dev20260603
libtpu: 0.0.44.dev20260713+nightly
codegen_flags: <defaults>
</compile_context>

<pallas_src>
import functools

import jax
import jax.numpy as jnp
from jax import lax
from jax.experimental import pallas as pl
from jax.experimental.pallas import tpu as pltpu
from jax.experimental.pallas import tpu_sc as plsc

_LANES = 16
_IDX_CHUNK = 16384


def _make_sc_gather(n, num_spatial, heads):
    nn = n * n
    mesh = plsc.VectorSubcoreMesh(core_axis_name="c", subcore_axis_name="s")

    @functools.partial(
        pl.kernel,
        out_type=jax.ShapeDtypeStruct((heads, n, n), jnp.float32),
        mesh=mesh,
        compiler_params=pltpu.CompilerParams(needs_layout_passes=False),
        scratch_types=[
            pltpu.VMEM((num_spatial * heads,), jnp.float32),
            pltpu.VMEM((num_spatial,), jnp.float32),
            pltpu.VMEM((2, _IDX_CHUNK), jnp.int32),
            pltpu.VMEM((n, n), jnp.float32),
            pltpu.SemaphoreType.DMA,
            pltpu.SemaphoreType.DMA,
        ],
    )
    def sc_gather(spatial_hbm, table_hbm, out_hbm, table_v, row_v, idx_v,
                  out_v, sem, idx_sem):
        cid = lax.axis_index("c")
        sid = lax.axis_index("s")
        h = sid * 2 + cid

        n_chunks = nn // _IDX_CHUNK
        rows_per_chunk = _IDX_CHUNK // n

        def idx_fetch(c):
            return pltpu.async_copy(
                spatial_hbm.at[pl.ds(c * _IDX_CHUNK, _IDX_CHUNK)],
                idx_v.at[c % 2], idx_sem)

        idx_pending = idx_fetch(0)
        pltpu.sync_copy(table_hbm, table_v)

        for i in range(num_spatial // _LANES):
            s_idx = lax.iota(jnp.int32, _LANES) + (i * _LANES)
            row_v[pl.ds(i * _LANES, _LANES)] = plsc.load_gather(
                table_v, [s_idx * heads + h])

        pending = []
        for c in range(n_chunks):
            idx_pending.wait()
            if c + 1 < n_chunks:
                idx_pending = idx_fetch(c + 1)
            buf = c % 2

            def row_body(r, c=c, buf=buf):
                row = c * rows_per_chunk + r
                for u in range(n // _LANES):
                    iv = idx_v[buf, pl.ds(r * n + u * _LANES, _LANES)]
                    out_v[row, pl.ds(u * _LANES, _LANES)] = (
                        plsc.load_gather(row_v, [iv]))

            plsc.parallel_loop(0, rows_per_chunk, unroll=4)(row_body)

            if len(pending) == 2:
                pending.pop(0).wait()
            pending.append(
                pltpu.async_copy(
                    out_v.at[pl.ds(c * rows_per_chunk, rows_per_chunk)],
                    out_hbm.at[h, pl.ds(c * rows_per_chunk, rows_per_chunk)],
                    sem))
        for cp in pending:
            cp.wait()

    return sc_gather


def _make_tc_broadcast(batch, n, heads):
    def body(bias_ref, out_ref, sem):
        copies = [pltpu.async_copy(bias_ref, out_ref.at[b], sem)
                  for b in range(batch)]
        for cp in copies:
            cp.wait()

    return pl.pallas_call(
        body,
        in_specs=[pl.BlockSpec(memory_space=pltpu.VMEM)],
        out_specs=pl.BlockSpec(memory_space=pl.ANY),
        out_shape=jax.ShapeDtypeStruct((batch, heads, n, n), jnp.float32),
        scratch_shapes=[pltpu.SemaphoreType.DMA],
    )


def kernel(x, spatial, table):
    batch = x.shape[0]
    n = spatial.shape[0]
    num_spatial, heads = table.shape
    sp_flat = spatial.reshape(-1).astype(jnp.int32)
    tab_flat = table.reshape(-1)
    bias = _make_sc_gather(n, num_spatial, heads)(sp_flat, tab_flat)
    return _make_tc_broadcast(batch, n, heads)(bias)

# --- scband reference (transcript-rebuilt; emitter-appended) ---
"""Pipeline reference for scband-graph-attn-spatial-bias-49993419325527 (READ-ONLY COPY).

The authoritative reference and input builder live on the scoring server;
editing this copy changes nothing except your own understanding.
"""

import jax, jax.numpy as jnp
import numpy as np

B, N, D_X = 32, 256, 128
NUM_SPATIAL, NUM_HEADS = 512, 32

def setup_inputs(seed: int = 0) -> dict:
    key = jax.random.key(seed)
    k1, k2, k3 = jax.random.split(key, 3)
    x = jax.random.normal(k1, (B, N, D_X), dtype=jnp.float32)
    spatial = jax.random.randint(k2, (N, N), 0, NUM_SPATIAL, dtype=jnp.int64)
    # nn.Embedding init: normal(0, 0.02), padding_idx=0 row zeroed
    table = jax.random.normal(k3, (NUM_SPATIAL, NUM_HEADS), dtype=jnp.float32) * 0.02
    table = table.at[0].set(0.0)
    return {"x": x, "spatial": spatial, "table": table}

def reference(x, spatial, table):
    b = x.shape[0]
    # spatial_pos.unsqueeze(0).expand((B, -1, -1))
    sp = jnp.broadcast_to(spatial[None, :, :], (b,) + spatial.shape)
    # embedding lookup -> [B, N, N, H]
    bias = jnp.take(table, sp, axis=0)
    # permute(0, 3, 1, 2) -> [B, H, N, N]
    return jnp.transpose(bias, (0, 3, 1, 2))

if __name__ == "__main__":
    import jax
    _d = setup_inputs()
    print(jax.jit(kernel)(*tuple(_d.values())))

</pallas_src>

<mosaic_0001>
#map = affine_map<(d0, d1) -> (0)>
#map1 = affine_map<(d0, d1) -> (0, 0, 0)>
module attributes {stable_mosaic.version = 14 : i64} {
  func.func @sc_gather(%arg0: i32, %arg1: i32, %arg2: memref<65536xi32, #tpu.memory_space<hbm>>, %arg3: memref<16384xf32, #tpu.memory_space<hbm>>, %arg4: memref<32x256x256xf32, #tpu.memory_space<hbm>>, %arg5: memref<16384xf32, #tpu.memory_space<vmem>>, %arg6: memref<512xf32, #tpu.memory_space<vmem>>, %arg7: memref<2x16384xi32, #tpu.memory_space<vmem>>, %arg8: memref<256x256xf32, #tpu.memory_space<vmem>>, %arg9: memref<!tpu.dma_semaphore, #tpu.memory_space<semaphore_mem>>, %arg10: memref<!tpu.dma_semaphore, #tpu.memory_space<semaphore_mem>>) attributes {dimension_semantics = [#tpu.dimension_semantics<core_parallel>, #tpu.dimension_semantics<subcore_parallel>], iteration_bounds = array<i64: 2, 16>, scalar_prefetch = 0 : i64, scratch_operands = 6 : i64, tpu.core_type = #tpu.core_type<sc_vector_subcore>, window_params = [{transform_indices = #map}, {transform_indices = #map}, {transform_indices = #map1}]} {
    %mul3A = arith.constant 2 : i32
    %mul3A_0 = arith.muli %arg1, %mul3A : i32
    %add3A = arith.addi %mul3A_0, %arg0 : i32
    %dma_start3A = arith.constant 0 : i32
    %dma_start3A_1 = arith.constant 0 : i32
    %dma_start3A_2 = tpu.memref_slice %arg7[%dma_start3A, %dma_start3A_1] : memref<2x16384xi32, #tpu.memory_space<vmem>> -> memref<1x16384xi32, #tpu.memory_space<vmem>>
    %dma_start3A_3 = tpu.memref_squeeze %dma_start3A_2 : memref<1x16384xi32, #tpu.memory_space<vmem>> -> memref<16384xi32, #tpu.memory_space<vmem>>
    %dma_start3A_4 = arith.constant 0 : i32
    %dma_start3A_5 = tpu.memref_slice %arg2[%dma_start3A_4] : memref<65536xi32, #tpu.memory_space<hbm>> -> memref<16384xi32, #tpu.memory_space<hbm>>
    %dma_start3A_6 = arith.constant 0 : i32
    %dma_start3A_7 = tpu.memref_slice %arg7[%dma_start3A, %dma_start3A_6] : memref<2x16384xi32, #tpu.memory_space<vmem>> -> memref<1x16384xi32, #tpu.memory_space<vmem>>
    %dma_start3A_8 = tpu.memref_squeeze %dma_start3A_7 : memref<1x16384xi32, #tpu.memory_space<vmem>> -> memref<16384xi32, #tpu.memory_space<vmem>>
    %dma_start3A_9 = arith.constant 0 : i32
    %dma_start3A_10 = tpu.memref_slice %arg2[%dma_start3A_9] : memref<65536xi32, #tpu.memory_space<hbm>> -> memref<16384xi32, #tpu.memory_space<hbm>>
    tpu.enqueue_dma source(%dma_start3A_10 : memref<16384xi32, #tpu.memory_space<hbm>>) target(%dma_start3A_8 : memref<16384xi32, #tpu.memory_space<vmem>>) target_semaphore(%arg10 : memref<!tpu.dma_semaphore, #tpu.memory_space<semaphore_mem>>)
    "tpu.region"() ({
      %run_scoped3A = tpu.sem_alloc : memref<!tpu.dma_semaphore, #tpu.memory_space<semaphore_mem>>
      tpu.enqueue_dma source(%arg3 : memref<16384xf32, #tpu.memory_space<hbm>>) target(%arg5 : memref<16384xf32, #tpu.memory_space<vmem>>) target_semaphore(%run_scoped3A : memref<!tpu.dma_semaphore, #tpu.memory_space<semaphore_mem>>)
      tpu.wait_dma2 semaphore(%run_scoped3A : memref<!tpu.dma_semaphore, #tpu.memory_space<semaphore_mem>>) src(%arg3 : memref<16384xf32, #tpu.memory_space<hbm>>) dst(%arg5 : memref<16384xf32, #tpu.memory_space<vmem>>)
      tpu.yield
    }) : () -> ()
    %iota3A = tpu.iota {dimensions = array<i32: 0>} : vector<16xi32>
    %add3A_11 = arith.constant 0 : i32
    %add3A_12 = vector.broadcast %add3A_11 : i32 to vector<16xi32>
    %add3A_13 = arith.addi %iota3A, %add3A_12 : vector<16xi32>
    %mul3A_14 = arith.constant 32 : i32
    %mul3A_15 = vector.broadcast %mul3A_14 : i32 to vector<16xi32>
    %mul3A_16 = arith.muli %add3A_13, %mul3A_15 : vector<16xi32>
    %add3A_17 = vector.broadcast %add3A : i32 to vector<16xi32>
    %add3A_18 = arith.addi %mul3A_16, %add3A_17 : vector<16xi32>
    %gather3A = tpu.vector_load_idx %arg5[%add3A_18] : memref<16384xf32, #tpu.memory_space<vmem>>[vector<16xi32>], vector<16xf32>,
    %swap3A = arith.constant 0 : index
    %swap3A_19 = tpu.vector_load %arg6[%swap3A] {strides = array<i32>} : memref<512xf32, #tpu.memory_space<vmem>>, vector<16xf32>,
    tpu.vector_store %arg6[%swap3A], %gather3A {strides = array<i32>} : memref<512xf32, #tpu.memory_space<vmem>>, vector<16xf32>,
    %iota3A_20 = tpu.iota {dimensions = array<i32: 0>} : vector<16xi32>
    %add3A_21 = arith.constant 16 : i32
    %add3A_22 = vector.broadcast %add3A_21 : i32 to vector<16xi32>
    %add3A_23 = arith.addi %iota3A_20, %add3A_22 : vector<16xi32>
    %mul3A_24 = arith.constant 32 : i32
    %mul3A_25 = vector.broadcast %mul3A_24 : i32 to vector<16xi32>
    %mul3A_26 = arith.muli %add3A_23, %mul3A_25 : vector<16xi32>
    %add3A_27 = vector.broadcast %add3A : i32 to vector<16xi32>
    %add3A_28 = arith.addi %mul3A_26, %add3A_27 : vector<16xi32>
    %gather3A_29 = tpu.vector_load_idx %arg5[%add3A_28] : memref<16384xf32, #tpu.memory_space<vmem>>[vector<16xi32>], vector<16xf32>,
    %swap3A_30 = arith.constant 16 : index
    %swap3A_31 = tpu.vector_load %arg6[%swap3A_30] {strides = array<i32>} : memref<512xf32, #tpu.memory_space<vmem>>, vector<16xf32>,
    tpu.vector_store %arg6[%swap3A_30], %gather3A_29 {strides = array<i32>} : memref<512xf32, #tpu.memory_space<vmem>>, vector<16xf32>,
    %iota3A_32 = tpu.iota {dimensions = array<i32: 0>} : vector<16xi32>
    %add3A_33 = arith.constant 32 : i32
    %add3A_34 = vector.broadcast %add3A_33 : i32 to vector<16xi32>
    %add3A_35 = arith.addi %iota3A_32, %add3A_34 : vector<16xi32>
    %mul3A_36 = arith.constant 32 : i32
    %mul3A_37 = vector.broadcast %mul3A_36 : i32 to vector<16xi32>
    %mul3A_38 = arith.muli %add3A_35, %mul3A_37 : vector<16xi32>
    %add3A_39 = vector.broadcast %add3A : i32 to vector<16xi32>
    %add3A_40 = arith.addi %mul3A_38, %add3A_39 : vector<16xi32>
    %gather3A_41 = tpu.vector_load_idx %arg5[%add3A_40] : memref<16384xf32, #tpu.memory_space<vmem>>[vector<16xi32>], vector<16xf32>,
    %swap3A_42 = arith.constant 32 : index
    %swap3A_43 = tpu.vector_load %arg6[%swap3A_42] {strides = array<i32>} : memref<512xf32, #tpu.memory_space<vmem>>, vector<16xf32>,
    tpu.vector_store %arg6[%swap3A_42], %gather3A_41 {strides = array<i32>} : memref<512xf32, #tpu.memory_space<vmem>>, vector<16xf32>,
    %iota3A_44 = tpu.iota {dimensions = array<i32: 0>} : vector<16xi32>
    %add3A_45 = arith.constant 48 : i32
    %add3A_46 = vector.broadcast %add3A_45 : i32 to vector<16xi32>
    %add3A_47 = arith.addi %iota3A_44, %add3A_46 : vector<16xi32>
    %mul3A_48 = arith.constant 32 : i32
    %mul3A_49 = vector.broadcast %mul3A_48 : i32 to vector<16xi32>
    %mul3A_50 = arith.muli %add3A_47, %mul3A_49 : vector<16xi32>
    %add3A_51 = vector.broadcast %add3A : i32 to vector<16xi32>
    %add3A_52 = arith.addi %mul3A_50, %add3A_51 : vector<16xi32>
    %gather3A_53 = tpu.vector_load_idx %arg5[%add3A_52] : memref<16384xf32, #tpu.memory_space<vmem>>[vector<16xi32>], vector<16xf32>,
    %swap3A_54 = arith.constant 48 : index
    %swap3A_55 = tpu.vector_load %arg6[%swap3A_54] {strides = array<i32>} : memref<512xf32, #tpu.memory_space<vmem>>, vector<16xf32>,
    tpu.vector_store %arg6[%swap3A_54], %gather3A_53 {strides = array<i32>} : memref<512xf32, #tpu.memory_space<vmem>>, vector<16xf32>,
    %iota3A_56 = tpu.iota {dimensions = array<i32: 0>} : vector<16xi32>
    %add3A_57 = arith.constant 64 : i32
    %add3A_58 = vector.broadcast %add3A_57 : i32 to vector<16xi32>
    %add3A_59 = arith.addi %iota3A_56, %add3A_58 : vector<16xi32>
    %mul3A_60 = arith.constant 32 : i32
    %mul3A_61 = vector.broadcast %mul3A_60 : i32 to vector<16xi32>
    %mul3A_62 = arith.muli %add3A_59, %mul3A_61 : vector<16xi32>
    %add3A_63 = vector.broadcast %add3A : i32 to vector<16xi32>
    %add3A_64 = arith.addi %mul3A_62, %add3A_63 : vector<16xi32>
    %gather3A_65 = tpu.vector_load_idx %arg5[%add3A_64] : memref<16384xf32, #tpu.memory_space<vmem>>[vector<16xi32>], vector<16xf32>,
    %swap3A_66 = arith.constant 64 : index
    %swap3A_67 = tpu.vector_load %arg6[%swap3A_66] {strides = array<i32>} : memref<512xf32, #tpu.memory_space<vmem>>, vector<16xf32>,
    tpu.vector_store %arg6[%swap3A_66], %gather3A_65 {strides = array<i32>} : memref<512xf32, #tpu.memory_space<vmem>>, vector<16xf32>,
    %iota3A_68 = tpu.iota {dimensions = array<i32: 0>} : vector<16xi32>
    %add3A_69 = arith.constant 80 : i32
    %add3A_70 = vector.broadcast %add3A_69 : i32 to vector<16xi32>
    %add3A_71 = arith.addi %iota3A_68, %add3A_70 : vector<16xi32>
    %mul3A_72 = arith.constant 32 : i32
    %mul3A_73 = vector.broadcast %mul3A_72 : i32 to vector<16xi32>
    %mul3A_74 = arith.muli %add3A_71, %mul3A_73 : vector<16xi32>
    %add3A_75 = vector.broadcast %add3A : i32 to vector<16xi32>
    %add3A_76 = arith.addi %mul3A_74, %add3A_75 : vector<16xi32>
    %gather3A_77 = tpu.vector_load_idx %arg5[%add3A_76] : memref<16384xf32, #tpu.memory_space<vmem>>[vector<16xi32>], vector<16xf32>,
    %swap3A_78 = arith.constant 80 : index
    %swap3A_79 = tpu.vector_load %arg6[%swap3A_78] {strides = array<i32>} : memref<512xf32, #tpu.memory_space<vmem>>, vector<16xf32>,
    tpu.vector_store %arg6[%swap3A_78], %gather3A_77 {strides = array<i32>} : memref<512xf32, #tpu.memory_space<vmem>>, vector<16xf32>,
    %iota3A_80 = tpu.iota {dimensions = array<i32: 0>} : vector<16xi32>
    %add3A_81 = arith.constant 96 : i32
    %add3A_82 = vector.broadcast %add3A_81 : i32 to vector<16xi32>
    %add3A_83 = arith.addi %iota3A_80, %add3A_82 : vector<16xi32>
    %mul3A_84 = arith.constant 32 : i32
    %mul3A_85 = vector.broadcast %mul3A_84 : i32 to vector<16xi32>
    %mul3A_86 = arith.muli %add3A_83, %mul3A_85 : vector<16xi32>
    %add3A_87 = vector.broadcast %add3A : i32 to vector<16xi32>
    %add3A_88 = arith.addi %mul3A_86, %add3A_87 : vector<16xi32>
    %gather3A_89 = tpu.vector_load_idx %arg5[%add3A_88] : memref<16384xf32, #tpu.memory_space<vmem>>[vector<16xi32>], vector<16xf32>,
    %swap3A_90 = arith.constant 96 : index
    %swap3A_91 = tpu.vector_load %arg6[%swap3A_90] {strides = array<i32>} : memref<512xf32, #tpu.memory_space<vmem>>, vector<16xf32>,
    tpu.vector_store %arg6[%swap3A_90], %gather3A_89 {strides = array<i32>} : memref<512xf32, #tpu.memory_space<vmem>>, vector<16xf32>,
    %iota3A_92 = tpu.iota {dimensions = array<i32: 0>} : vector<16xi32>
    %add3A_93 = arith.constant 112 : i32
    %add3A_94 = vector.broadcast %add3A_93 : i32 to vector<16xi32>
    %add3A_95 = arith.addi %iota3A_92, %add3A_94 : vector<16xi32>
    %mul3A_96 = arith.constant 32 : i32
    %mul3A_97 = vector.broadcast %mul3A_96 : i32 to vector<16xi32>
    %mul3A_98 = arith.muli %add3A_95, %mul3A_97 : vector<16xi32>
    %add3A_99 = vector.broadcast %add3A : i32 to vector<16xi32>
    %add3A_100 = arith.addi %mul3A_98, %add3A_99 : vector<16xi32>
    %gather3A_101 = tpu.vector_load_idx %arg5[%add3A_100] : memref<16384xf32, #tpu.memory_space<vmem>>[vector<16xi32>], vector<16xf32>,
    %swap3A_102 = arith.constant 112 : index
    %swap3A_103 = tpu.vector_load %arg6[%swap3A_102] {strides = array<i32>} : memref<512xf32, #tpu.memory_space<vmem>>, vector<16xf32>,
    tpu.vector_store %arg6[%swap3A_102], %gather3A_101 {strides = array<i32>} : memref<512xf32, #tpu.memory_space<vmem>>, vector<16xf32>,
    %iota3A_104 = tpu.iota {dimensions = array<i32: 0>} : vector<16xi32>
    %add3A_105 = arith.constant 128 : i32
    %add3A_106 = vector.broadcast %add3A_105 : i32 to vector<16xi32>
    %add3A_107 = arith.addi %iota3A_104, %add3A_106 : vector<16xi32>
    %mul3A_108 = arith.constant 32 : i32
    %mul3A_109 = vector.broadcast %mul3A_108 : i32 to vector<16xi32>
    %mul3A_110 = arith.muli %add3A_107, %mul3A_109 : vector<16xi32>
    %add3A_111 = vector.broadcast %add3A : i32 to vector<16xi32>
    %add3A_112 = arith.addi %mul3A_110, %add3A_111 : vector<16xi32>
    %gather3A_113 = tpu.vector_load_idx %arg5[%add3A_112] : memref<16384xf32, #tpu.memory_space<vmem>>[vector<16xi32>], vector<16xf32>,
    %swap3A_114 = arith.constant 128 : index
    %swap3A_115 = tpu.vector_load %arg6[%swap3A_114] {strides = array<i32>} : memref<512xf32, #tpu.memory_space<vmem>>, vector<16xf32>,
    tpu.vector_store %arg6[%swap3A_114], %gather3A_113 {strides = array<i32>} : memref<512xf32, #tpu.memory_space<vmem>>, vector<16xf32>,
    %iota3A_116 = tpu.iota {dimensions = array<i32: 0>} : vector<16xi32>
    %add3A_117 = arith.constant 144 : i32
    %add3A_118 = vector.broadcast %add3A_117 : i32 to vector<16xi32>
    %add3A_119 = arith.addi %iota3A_116, %add3A_118 : vector<16xi32>
    %mul3A_120 = arith.constant 32 : i32
    %mul3A_121 = vector.broadcast %mul3A_120 : i32 to vector<16xi32>
    %mul3A_122 = arith.muli %add3A_119, %mul3A_121 : vector<16xi32>
    %add3A_123 = vector.broadcast %add3A : i32 to vector<16xi32>
    %add3A_124 = arith.addi %mul3A_122, %add3A_123 : vector<16xi32>
    %gather3A_125 = tpu.vector_load_idx %arg5[%add3A_124] : memref<16384xf32, #tpu.memory_space<vmem>>[vector<16xi32>], vector<16xf32>,
    %swap3A_126 = arith.constant 144 : index
    %swap3A_127 = tpu.vector_load %arg6[%swap3A_126] {strides = array<i32>} : memref<512xf32, #tpu.memory_space<vmem>>, vector<16xf32>,
    tpu.vector_store %arg6[%swap3A_126], %gather3A_125 {strides = array<i32>} : memref<512xf32, #tpu.memory_space<vmem>>, vector<16xf32>,
    %iota3A_128 = tpu.iota {dimensions = array<i32: 0>} : vector<16xi32>
    %add3A_129 = arith.constant 160 : i32
    %add3A_130 = vector.broadcast %add3A_129 : i32 to vector<16xi32>
    %add3A_131 = arith.addi %iota3A_128, %add3A_130 : vector<16xi32>
    %mul3A_132 = arith.constant 32 : i32
    %mul3A_133 = vector.broadcast %mul3A_132 : i32 to vector<16xi32>
    %mul3A_134 = arith.muli %add3A_131, %mul3A_133 : vector<16xi32>
    %add3A_135 = vector.broadcast %add3A : i32 to vector<16xi32>
    %add3A_136 = arith.addi %mul3A_134, %add3A_135 : vector<16xi32>
    %gather3A_137 = tpu.vector_load_idx %arg5[%add3A_136] : memref<16384xf32, #tpu.memory_space<vmem>>[vector<16xi32>], vector<16xf32>,
    %swap3A_138 = arith.constant 160 : index
    %swap3A_139 = tpu.vector_load %arg6[%swap3A_138] {strides = array<i32>} : memref<512xf32, #tpu.memory_space<vmem>>, vector<16xf32>,
    tpu.vector_store %arg6[%swap3A_138], %gather3A_137 {strides = array<i32>} : memref<512xf32, #tpu.memory_space<vmem>>, vector<16xf32>,
    %iota3A_140 = tpu.iota {dimensions = array<i32: 0>} : vector<16xi32>
    %add3A_141 = arith.constant 176 : i32
    %add3A_142 = vector.broadcast %add3A_141 : i32 to vector<16xi32>
    %add3A_143 = arith.addi %iota3A_140, %add3A_142 : vector<16xi32>
    %mul3A_144 = arith.constant 32 : i32
    %mul3A_145 = vector.broadcast %mul3A_144 : i32 to vector<16xi32>
    %mul3A_146 = arith.muli %add3A_143, %mul3A_145 : vector<16xi32>
    %add3A_147 = vector.broadcast %add3A : i32 to vector<16xi32>
    %add3A_148 = arith.addi %mul3A_146, %add3A_147 : vector<16xi32>
    %gather3A_149 = tpu.vector_load_idx %arg5[%add3A_148] : memref<16384xf32, #tpu.memory_space<vmem>>[vector<16xi32>], vector<16xf32>,
    %swap3A_150 = arith.constant 176 : index
    %swap3A_151 = tpu.vector_load %arg6[%swap3A_150] {strides = array<i32>} : memref<512xf32, #tpu.memory_space<vmem>>, vector<16xf32>,
    tpu.vector_store %arg6[%swap3A_150], %gather3A_149 {strides = array<i32>} : memref<512xf32, #tpu.memory_space<vmem>>, vector<16xf32>,
    %iota3A_152 = tpu.iota {dimensions = array<i32: 0>} : vector<16xi32>
    %add3A_153 = arith.constant 192 : i32
    %add3A_154 = vector.broadcast %add3A_153 : i32 to vector<16xi32>
    %add3A_155 = arith.addi %iota3A_152, %add3A_154 : vector<16xi32>
    %mul3A_156 = arith.constant 32 : i32
    %mul3A_157 = vector.broadcast %mul3A_156 : i32 to vector<16xi32>
    %mul3A_158 = arith.muli %add3A_155, %mul3A_157 : vector<16xi32>
    %add3A_159 = vector.broadcast %add3A : i32 to vector<16xi32>
    %add3A_160 = arith.addi %mul3A_158, %add3A_159 : vector<16xi32>
    %gather3A_161 = tpu.vector_load_idx %arg5[%add3A_160] : memref<16384xf32, #tpu.memory_space<vmem>>[vector<16xi32>], vector<16xf32>,
    %swap3A_162 = arith.constant 192 : index
    %swap3A_163 = tpu.vector_load %arg6[%swap3A_162] {strides = array<i32>} : memref<512xf32, #tpu.memory_space<vmem>>, vector<16xf32>,
    tpu.vector_store %arg6[%swap3A_162], %gather3A_161 {strides = array<i32>} : memref<512xf32, #tpu.memory_space<vmem>>, vector<16xf32>,
    %iota3A_164 = tpu.iota {dimensions = array<i32: 0>} : vector<16xi32>
    %add3A_165 = arith.constant 208 : i32
    %add3A_166 = vector.broadcast %add3A_165 : i32 to vector<16xi32>
    %add3A_167 = arith.addi %iota3A_164, %add3A_166 : vector<16xi32>
    %mul3A_168 = arith.constant 32 : i32
    %mul3A_169 = vector.broadcast %mul3A_168 : i32 to vector<16xi32>
    %mul3A_170 = arith.muli %add3A_167, %mul3A_169 : vector<16xi32>
    %add3A_171 = vector.broadcast %add3A : i32 to vector<16xi32>
    %add3A_172 = arith.addi %mul3A_170, %add3A_171 : vector<16xi32>
    %gather3A_173 = tpu.vector_load_idx %arg5[%add3A_172] : memref<16384xf32, #tpu.memory_space<vmem>>[vector<16xi32>], vector<16xf32>,
    %swap3A_174 = arith.constant 208 : index
    %swap3A_175 = tpu.vector_load %arg6[%swap3A_174] {strides = array<i32>} : memref<512xf32, #tpu.memory_space<vmem>>, vector<16xf32>,
    tpu.vector_store %arg6[%swap3A_174], %gather3A_173 {strides = array<i32>} : memref<512xf32, #tpu.memory_space<vmem>>, vector<16xf32>,
    %iota3A_176 = tpu.iota {dimensions = array<i32: 0>} : vector<16xi32>
    %add3A_177 = arith.constant 224 : i32
    %add3A_178 = vector.broadcast %add3A_177 : i32 to vector<16xi32>
    %add3A_179 = arith.addi %iota3A_176, %add3A_178 : vector<16xi32>
    %mul3A_180 = arith.constant 32 : i32
    %mul3A_181 = vector.broadcast %mul3A_180 : i32 to vector<16xi32>
    %mul3A_182 = arith.muli %add3A_179, %mul3A_181 : vector<16xi32>
    %add3A_183 = vector.broadcast %add3A : i32 to vector<16xi32>
    %add3A_184 = arith.addi %mul3A_182, %add3A_183 : vector<16xi32>
    %gather3A_185 = tpu.vector_load_idx %arg5[%add3A_184] : memref<16384xf32, #tpu.memory_space<vmem>>[vector<16xi32>], vector<16xf32>,
    %swap3A_186 = arith.constant 224 : index
    %swap3A_187 = tpu.vector_load %arg6[%swap3A_186] {strides = array<i32>} : memref<512xf32, #tpu.memory_space<vmem>>, vector<16xf32>,
    tpu.vector_store %arg6[%swap3A_186], %gather3A_185 {strides = array<i32>} : memref<512xf32, #tpu.memory_space<vmem>>, vector<16xf32>,
    %iota3A_188 = tpu.iota {dimensions = array<i32: 0>} : vector<16xi32>
    %add3A_189 = arith.constant 240 : i32
    %add3A_190 = vector.broadcast %add3A_189 : i32 to vector<16xi32>
    %add3A_191 = arith.addi %iota3A_188, %add3A_190 : vector<16xi32>
    %mul3A_192 = arith.constant 32 : i32
    %mul3A_193 = vector.broadcast %mul3A_192 : i32 to vector<16xi32>
    %mul3A_194 = arith.muli %add3A_191, %mul3A_193 : vector<16xi32>
    %add3A_195 = vector.broadcast %add3A : i32 to vector<16xi32>
    %add3A_196 = arith.addi %mul3A_194, %add3A_195 : vector<16xi32>
    %gather3A_197 = tpu.vector_load_idx %arg5[%add3A_196] : memref<16384xf32, #tpu.memory_space<vmem>>[vector<16xi32>], vector<16xf32>,
    %swap3A_198 = arith.constant 240 : index
    %swap3A_199 = tpu.vector_load %arg6[%swap3A_198] {strides = array<i32>} : memref<512xf32, #tpu.memory_space<vmem>>, vector<16xf32>,
    tpu.vector_store %arg6[%swap3A_198], %gather3A_197 {strides = array<i32>} : memref<512xf32, #tpu.memory_space<vmem>>, vector<16xf32>,
    %iota3A_200 = tpu.iota {dimensions = array<i32: 0>} : vector<16xi32>
    %add3A_201 = arith.constant 256 : i32
    %add3A_202 = vector.broadcast %add3A_201 : i32 to vector<16xi32>
    %add3A_203 = arith.addi %iota3A_200, %add3A_202 : vector<16xi32>
    %mul3A_204 = arith.constant 32 : i32
    %mul3A_205 = vector.broadcast %mul3A_204 : i32 to vector<16xi32>
    %mul3A_206 = arith.muli %add3A_203, %mul3A_205 : vector<16xi32>
    %add3A_207 = vector.broadcast %add3A : i32 to vector<16xi32>
    %add3A_208 = arith.addi %mul3A_206, %add3A_207 : vector<16xi32>
    %gather3A_209 = tpu.vector_load_idx %arg5[%add3A_208] : memref<16384xf32, #tpu.memory_space<vmem>>[vector<16xi32>], vector<16xf32>,
    %swap3A_210 = arith.constant 256 : index
    %swap3A_211 = tpu.vector_load %arg6[%swap3A_210] {strides = array<i32>} : memref<512xf32, #tpu.memory_space<vmem>>, vector<16xf32>,
    tpu.vector_store %arg6[%swap3A_210], %gather3A_209 {strides = array<i32>} : memref<512xf32, #tpu.memory_space<vmem>>, vector<16xf32>,
    %iota3A_212 = tpu.iota {dimensions = array<i32: 0>} : vector<16xi32>
    %add3A_213 = arith.constant 272 : i32
    %add3A_214 = vector.broadcast %add3A_213 : i32 to vector<16xi32>
    %add3A_215 = arith.addi %iota3A_212, %add3A_214 : vector<16xi32>
    %mul3A_216 = arith.constant 32 : i32
    %mul3A_217 = vector.broadcast %mul3A_216 : i32 to vector<16xi32>
    %mul3A_218 = arith.muli %add3A_215, %mul3A_217 : vector<16xi32>
    %add3A_219 = vector.broadcast %add3A : i32 to vector<16xi32>
    %add3A_220 = arith.addi %mul3A_218, %add3A_219 : vector<16xi32>
    %gather3A_221 = tpu.vector_load_idx %arg5[%add3A_220] : memref<16384xf32, #tpu.memory_space<vmem>>[vector<16xi32>], vector<16xf32>,
    %swap3A_222 = arith.constant 272 : index
    %swap3A_223 = tpu.vector_load %arg6[%swap3A_222] {strides = array<i32>} : memref<512xf32, #tpu.memory_space<vmem>>, vector<16xf32>,
    tpu.vector_store %arg6[%swap3A_222], %gather3A_221 {strides = array<i32>} : memref<512xf32, #tpu.memory_space<vmem>>, vector<16xf32>,
    %iota3A_224 = tpu.iota {dimensions = array<i32: 0>} : vector<16xi32>
    %add3A_225 = arith.constant 288 : i32
    %add3A_226 = vector.broadcast %add3A_225 : i32 to vector<16xi32>
    %add3A_227 = arith.addi %iota3A_224, %add3A_226 : vector<16xi32>
    %mul3A_228 = arith.constant 32 : i32
    %mul3A_229 = vector.broadcast %mul3A_228 : i32 to vector<16xi32>
    %mul3A_230 = arith.muli %add3A_227, %mul3A_229 : vector<16xi32>
    %add3A_231 = vector.broadcast %add3A : i32 to vector<16xi32>
    %add3A_232 = arith.addi %mul3A_230, %add3A_231 : vector<16xi32>
    %gather3A_233 = tpu.vector_load_idx %arg5[%add3A_232] : memref<16384xf32, #tpu.memory_space<vmem>>[vector<16xi32>], vector<16xf32>,
    %swap3A_234 = arith.constant 288 : index
    %swap3A_235 = tpu.vector_load %arg6[%swap3A_234] {strides = array<i32>} : memref<512xf32, #tpu.memory_space<vmem>>, vector<16xf32>,
    tpu.vector_store %arg6[%swap3A_234], %gather3A_233 {strides = array<i32>} : memref<512xf32, #tpu.memory_space<vmem>>, vector<16xf32>,
    %iota3A_236 = tpu.iota {dimensions = array<i32: 0>} : vector<16xi32>
    %add3A_237 = arith.constant 304 : i32
    %add3A_238 = vector.broadcast %add3A_237 : i32 to vector<16xi32>
    %add3A_239 = arith.addi %iota3A_236, %add3A_238 : vector<16xi32>
    %mul3A_240 = arith.constant 32 : i32
    %mul3A_241 = vector.broadcast %mul3A_240 : i32 to vector<16xi32>
    %mul3A_242 = arith.muli %add3A_239, %mul3A_241 : vector<16xi32>
    %add3A_243 = vector.broadcast %add3A : i32 to vector<16xi32>
    %add3A_244 = arith.addi %mul3A_242, %add3A_243 : vector<16xi32>
    %gather3A_245 = tpu.vector_load_idx %arg5[%add3A_244] : memref<16384xf32, #tpu.memory_space<vmem>>[vector<16xi32>], vector<16xf32>,
    %swap3A_246 = arith.constant 304 : index
    %swap3A_247 = tpu.vector_load %arg6[%swap3A_246] {strides = array<i32>} : memref<512xf32, #tpu.memory_space<vmem>>, vector<16xf32>,
    tpu.vector_store %arg6[%swap3A_246], %gather3A_245 {strides = array<i32>} : memref<512xf32, #tpu.memory_space<vmem>>, vector<16xf32>,
    %iota3A_248 = tpu.iota {dimensions = array<i32: 0>} : vector<16xi32>
    %add3A_249 = arith.constant 320 : i32
    %add3A_250 = vector.broadcast %add3A_249 : i32 to vector<16xi32>
    %add3A_251 = arith.addi %iota3A_248, %add3A_250 : vector<16xi32>
    %mul3A_252 = arith.constant 32 : i32
    %mul3A_253 = vector.broadcast %mul3A_252 : i32 to vector<16xi32>
    %mul3A_254 = arith.muli %add3A_251, %mul3A_253 : vector<16xi32>
    %add3A_255 = vector.broadcast %add3A : i32 to vector<16xi32>
    %add3A_256 = arith.addi %mul3A_254, %add3A_255 : vector<16xi32>
    %gather3A_257 = tpu.vector_load_idx %arg5[%add3A_256] : memref<16384xf32, #tpu.memory_space<vmem>>[vector<16xi32>], vector<16xf32>,
    %swap3A_258 = arith.constant 320 : index
    %swap3A_259 = tpu.vector_load %arg6[%swap3A_258] {strides = array<i32>} : memref<512xf32, #tpu.memory_space<vmem>>, vector<16xf32>,
    tpu.vector_store %arg6[%swap3A_258], %gather3A_257 {strides = array<i32>} : memref<512xf32, #tpu.memory_space<vmem>>, vector<16xf32>,
    %iota3A_260 = tpu.iota {dimensions = array<i32: 0>} : vector<16xi32>
    %add3A_261 = arith.constant 336 : i32
    %add3A_262 = vector.broadcast %add3A_261 : i32 to vector<16xi32>
    %add3A_263 = arith.addi %iota3A_260, %add3A_262 : vector<16xi32>
    %mul3A_264 = arith.constant 32 : i32
    %mul3A_265 = vector.broadcast %mul3A_264 : i32 to vector<16xi32>
    %mul3A_266 = arith.muli %add3A_263, %mul3A_265 : vector<16xi32>
    %add3A_267 = vector.broadcast %add3A : i32 to vector<16xi32>
    %add3A_268 = arith.addi %mul3A_266, %add3A_267 : vector<16xi32>
    %gather3A_269 = tpu.vector_load_idx %arg5[%add3A_268] : memref<16384xf32, #tpu.memory_space<vmem>>[vector<16xi32>], vector<16xf32>,
    %swap3A_270 = arith.constant 336 : index
    %swap3A_271 = tpu.vector_load %arg6[%swap3A_270] {strides = array<i32>} : memref<512xf32, #tpu.memory_space<vmem>>, vector<16xf32>,
    tpu.vector_store %arg6[%swap3A_270], %gather3A_269 {strides = array<i32>} : memref<512xf32, #tpu.memory_space<vmem>>, vector<16xf32>,
    %iota3A_272 = tpu.iota {dimensions = array<i32: 0>} : vector<16xi32>
    %add3A_273 = arith.constant 352 : i32
    %add3A_274 = vector.broadcast %add3A_273 : i32 to vector<16xi32>
    %add3A_275 = arith.addi %iota3A_272, %add3A_274 : vector<16xi32>
    %mul3A_276 = arith.constant 32 : i32
    %mul3A_277 = vector.broadcast %mul3A_276 : i32 to vector<16xi32>
    %mul3A_278 = arith.muli %add3A_275, %mul3A_277 : vector<16xi32>
    %add3A_279 = vector.broadcast %add3A : i32 to vector<16xi32>
    %add3A_280 = arith.addi %mul3A_278, %add3A_279 : vector<16xi32>
    %gather3A_281 = tpu.vector_load_idx %arg5[%add3A_280] : memref<16384xf32, #tpu.memory_space<vmem>>[vector<16xi32>], vector<16xf32>,
    %swap3A_282 = arith.constant 352 : index
    %swap3A_283 = tpu.vector_load %arg6[%swap3A_282] {strides = array<i32>} : memref<512xf32, #tpu.memory_space<vmem>>, vector<16xf32>,
    tpu.vector_store %arg6[%swap3A_282], %gather3A_281 {strides = array<i32>} : memref<512xf32, #tpu.memory_space<vmem>>, vector<16xf32>,
    %iota3A_284 = tpu.iota {dimensions = array<i32: 0>} : vector<16xi32>
    %add3A_285 = arith.constant 368 : i32
    %add3A_286 = vector.broadcast %add3A_285 : i32 to vector<16xi32>
    %add3A_287 = arith.addi %iota3A_284, %add3A_286 : vector<16xi32>
    %mul3A_288 = arith.constant 32 : i32
    %mul3A_289 = vector.broadcast %mul3A_288 : i32 to vector<16xi32>
    %mul3A_290 = arith.muli %add3A_287, %mul3A_289 : vector<16xi32>
    %add3A_291 = vector.broadcast %add3A : i32 to vector<16xi32>
    %add3A_292 = arith.addi %mul3A_290, %add3A_291 : vector<16xi32>
    %gather3A_293 = tpu.vector_load_idx %arg5[%add3A_292] : memref<16384xf32, #tpu.memory_space<vmem>>[vector<16xi32>], vector<16xf32>,
    %swap3A_294 = arith.constant 368 : index
    %swap3A_295 = tpu.vector_load %arg6[%swap3A_294] {strides = array<i32>} : memref<512xf32, #tpu.memory_space<vmem>>, vector<16xf32>,
    tpu.vector_store %arg6[%swap3A_294], %gather3A_293 {strides = array<i32>} : memref<512xf32, #tpu.memory_space<vmem>>, vector<16xf32>,
    %iota3A_296 = tpu.iota {dimensions = array<i32: 0>} : vector<16xi32>
    %add3A_297 = arith.constant 384 : i32
    %add3A_298 = vector.broadcast %add3A_297 : i32 to vector<16xi32>
    %add3A_299 = arith.addi %iota3A_296, %add3A_298 : vector<16xi32>
    %mul3A_300 = arith.constant 32 : i32
    %mul3A_301 = vector.broadcast %mul3A_300 : i32 to vector<16xi32>
    %mul3A_302 = arith.muli %add3A_299, %mul3A_301 : vector<16xi32>
    %add3A_303 = vector.broadcast %add3A : i32 to vector<16xi32>
    %add3A_304 = arith.addi %mul3A_302, %add3A_303 : vector<16xi32>
    %gather3A_305 = tpu.vector_load_idx %arg5[%add3A_304] : memref<16384xf32, #tpu.memory_space<vmem>>[vector<16xi32>], vector<16xf32>,
    %swap3A_306 = arith.constant 384 : index
    %swap3A_307 = tpu.vector_load %arg6[%swap3A_306] {strides = array<i32>} : memref<512xf32, #tpu.memory_space<vmem>>, vector<16xf32>,
    tpu.vector_store %arg6[%swap3A_306], %gather3A_305 {strides = array<i32>} : memref<512xf32, #tpu.memory_space<vmem>>, vector<16xf32>,
    %iota3A_308 = tpu.iota {dimensions = array<i32: 0>} : vector<16xi32>
    %add3A_309 = arith.constant 400 : i32
    %add3A_310 = vector.broadcast %add3A_309 : i32 to vector<16xi32>
    %add3A_311 = arith.addi %iota3A_308, %add3A_310 : vector<16xi32>
    %mul3A_312 = arith.constant 32 : i32
    %mul3A_313 = vector.broadcast %mul3A_312 : i32 to vector<16xi32>
    %mul3A_314 = arith.muli %add3A_311, %mul3A_313 : vector<16xi32>
    %add3A_315 = vector.broadcast %add3A : i32 to vector<16xi32>
    %add3A_316 = arith.addi %mul3A_314, %add3A_315 : vector<16xi32>
    %gather3A_317 = tpu.vector_load_idx %arg5[%add3A_316] : memref<16384xf32, #tpu.memory_space<vmem>>[vector<16xi32>], vector<16xf32>,
    %swap3A_318 = arith.constant 400 : index
    %swap3A_319 = tpu.vector_load %arg6[%swap3A_318] {strides = array<i32>} : memref<512xf32, #tpu.memory_space<vmem>>, vector<16xf32>,
    tpu.vector_store %arg6[%swap3A_318], %gather3A_317 {strides = array<i32>} : memref<512xf32, #tpu.memory_space<vmem>>, vector<16xf32>,
    %iota3A_320 = tpu.iota {dimensions = array<i32: 0>} : vector<16xi32>
    %add3A_321 = arith.constant 416 : i32
    %add3A_322 = vector.broadcast %add3A_321 : i32 to vector<16xi32>
    %add3A_323 = arith.addi %iota3A_320, %add3A_322 : vector<16xi32>
    %mul3A_324 = arith.constant 32 : i32
    %mul3A_325 = vector.broadcast %mul3A_324 : i32 to vector<16xi32>
    %mul3A_326 = arith.muli %add3A_323, %mul3A_325 : vector<16xi32>
    %add3A_327 = vector.broadcast %add3A : i32 to vector<16xi32>
    %add3A_328 = arith.addi %mul3A_326, %add3A_327 : vector<16xi32>
    %gather3A_329 = tpu.vector_load_idx %arg5[%add3A_328] : memref<16384xf32, #tpu.memory_space<vmem>>[vector<16xi32>], vector<16xf32>,
    %swap3A_330 = arith.constant 416 : index
    %swap3A_331 = tpu.vector_load %arg6[%swap3A_330] {strides = array<i32>} : memref<512xf32, #tpu.memory_space<vmem>>, vector<16xf32>,
    tpu.vector_store %arg6[%swap3A_330], %gather3A_329 {strides = array<i32>} : memref<512xf32, #tpu.memory_space<vmem>>, vector<16xf32>,
    %iota3A_332 = tpu.iota {dimensions = array<i32: 0>} : vector<16xi32>
    %add3A_333 = arith.constant 432 : i32
    %add3A_334 = vector.broadcast %add3A_333 : i32 to vector<16xi32>
    %add3A_335 = arith.addi %iota3A_332, %add3A_334 : vector<16xi32>
    %mul3A_336 = arith.constant 32 : i32
    %mul3A_337 = vector.broadcast %mul3A_336 : i32 to vector<16xi32>
    %mul3A_338 = arith.muli %add3A_335, %mul3A_337 : vector<16xi32>
    %add3A_339 = vector.broadcast %add3A : i32 to vector<16xi32>
    %add3A_340 = arith.addi %mul3A_338, %add3A_339 : vector<16xi32>
    %gather3A_341 = tpu.vector_load_idx %arg5[%add3A_340] : memref<16384xf32, #tpu.memory_space<vmem>>[vector<16xi32>], vector<16xf32>,
    %swap3A_342 = arith.constant 432 : index
    %swap3A_343 = tpu.vector_load %arg6[%swap3A_342] {strides = array<i32>} : memref<512xf32, #tpu.memory_space<vmem>>, vector<16xf32>,
    tpu.vector_store %arg6[%swap3A_342], %gather3A_341 {strides = array<i32>} : memref<512xf32, #tpu.memory_space<vmem>>, vector<16xf32>,
    %iota3A_344 = tpu.iota {dimensions = array<i32: 0>} : vector<16xi32>
    %add3A_345 = arith.constant 448 : i32
    %add3A_346 = vector.broadcast %add3A_345 : i32 to vector<16xi32>
    %add3A_347 = arith.addi %iota3A_344, %add3A_346 : vector<16xi32>
    %mul3A_348 = arith.constant 32 : i32
    %mul3A_349 = vector.broadcast %mul3A_348 : i32 to vector<16xi32>
    %mul3A_350 = arith.muli %add3A_347, %mul3A_349 : vector<16xi32>
    %add3A_351 = vector.broadcast %add3A : i32 to vector<16xi32>
    %add3A_352 = arith.addi %mul3A_350, %add3A_351 : vector<16xi32>
    %gather3A_353 = tpu.vector_load_idx %arg5[%add3A_352] : memref<16384xf32, #tpu.memory_space<vmem>>[vector<16xi32>], vector<16xf32>,
    %swap3A_354 = arith.constant 448 : index
    %swap3A_355 = tpu.vector_load %arg6[%swap3A_354] {strides = array<i32>} : memref<512xf32, #tpu.memory_space<vmem>>, vector<16xf32>,
    tpu.vector_store %arg6[%swap3A_354], %gather3A_353 {strides = array<i32>} : memref<512xf32, #tpu.memory_space<vmem>>, vector<16xf32>,
    %iota3A_356 = tpu.iota {dimensions = array<i32: 0>} : vector<16xi32>
    %add3A_357 = arith.constant 464 : i32
    %add3A_358 = vector.broadcast %add3A_357 : i32 to vector<16xi32>
    %add3A_359 = arith.addi %iota3A_356, %add3A_358 : vector<16xi32>
    %mul3A_360 = arith.constant 32 : i32
    %mul3A_361 = vector.broadcast %mul3A_360 : i32 to vector<16xi32>
    %mul3A_362 = arith.muli %add3A_359, %mul3A_361 : vector<16xi32>
    %add3A_363 = vector.broadcast %add3A : i32 to vector<16xi32>
    %add3A_364 = arith.addi %mul3A_362, %add3A_363 : vector<16xi32>
    %gather3A_365 = tpu.vector_load_idx %arg5[%add3A_364] : memref<16384xf32, #tpu.memory_space<vmem>>[vector<16xi32>], vector<16xf32>,
    %swap3A_366 = arith.constant 464 : index
    %swap3A_367 = tpu.vector_load %arg6[%swap3A_366] {strides = array<i32>} : memref<512xf32, #tpu.memory_space<vmem>>, vector<16xf32>,
    tpu.vector_store %arg6[%swap3A_366], %gather3A_365 {strides = array<i32>} : memref<512xf32, #tpu.memory_space<vmem>>, vector<16xf32>,
    %iota3A_368 = tpu.iota {dimensions = array<i32: 0>} : vector<16xi32>
    %add3A_369 = arith.constant 480 : i32
    %add3A_370 = vector.broadcast %add3A_369 : i32 to vector<16xi32>
    %add3A_371 = arith.addi %iota3A_368, %add3A_370 : vector<16xi32>
    %mul3A_372 = arith.constant 32 : i32
    %mul3A_373 = vector.broadcast %mul3A_372 : i32 to vector<16xi32>
    %mul3A_374 = arith.muli %add3A_371, %mul3A_373 : vector<16xi32>
    %add3A_375 = vector.broadcast %add3A : i32 to vector<16xi32>
    %add3A_376 = arith.addi %mul3A_374, %add3A_375 : vector<16xi32>
    %gather3A_377 = tpu.vector_load_idx %arg5[%add3A_376] : memref<16384xf32, #tpu.memory_space<vmem>>[vector<16xi32>], vector<16xf32>,
    %swap3A_378 = arith.constant 480 : index
    %swap3A_379 = tpu.vector_load %arg6[%swap3A_378] {strides = array<i32>} : memref<512xf32, #tpu.memory_space<vmem>>, vector<16xf32>,
    tpu.vector_store %arg6[%swap3A_378], %gather3A_377 {strides = array<i32>} : memref<512xf32, #tpu.memory_space<vmem>>, vector<16xf32>,
    %iota3A_380 = tpu.iota {dimensions = array<i32: 0>} : vector<16xi32>
    %add3A_381 = arith.constant 496 : i32
    %add3A_382 = vector.broadcast %add3A_381 : i32 to vector<16xi32>
    %add3A_383 = arith.addi %iota3A_380, %add3A_382 : vector<16xi32>
    %mul3A_384 = arith.constant 32 : i32
    %mul3A_385 = vector.broadcast %mul3A_384 : i32 to vector<16xi32>
    %mul3A_386 = arith.muli %add3A_383, %mul3A_385 : vector<16xi32>
    %add3A_387 = vector.broadcast %add3A : i32 to vector<16xi32>
    %add3A_388 = arith.addi %mul3A_386, %add3A_387 : vector<16xi32>
    %gather3A_389 = tpu.vector_load_idx %arg5[%add3A_388] : memref<16384xf32, #tpu.memory_space<vmem>>[vector<16xi32>], vector<16xf32>,
    %swap3A_390 = arith.constant 496 : index
    %swap3A_391 = tpu.vector_load %arg6[%swap3A_390] {strides = array<i32>} : memref<512xf32, #tpu.memory_space<vmem>>, vector<16xf32>,
    tpu.vector_store %arg6[%swap3A_390], %gather3A_389 {strides = array<i32>} : memref<512xf32, #tpu.memory_space<vmem>>, vector<16xf32>,
    %dma_wait3A = arith.constant 0 : i32
    %dma_wait3A_392 = arith.constant 0 : i32
    %dma_wait3A_393 = tpu.memref_slice %arg7[%dma_wait3A, %dma_wait3A_392] : memref<2x16384xi32, #tpu.memory_space<vmem>> -> memref<1x16384xi32, #tpu.memory_space<vmem>>
    %dma_wait3A_394 = tpu.memref_squeeze %dma_wait3A_393 : memref<1x16384xi32, #tpu.memory_space<vmem>> -> memref<16384xi32, #tpu.memory_space<vmem>>
    %dma_wait3A_395 = arith.constant 0 : i32
    %dma_wait3A_396 = tpu.memref_slice %arg2[%dma_wait3A_395] : memref<65536xi32, #tpu.memory_space<hbm>> -> memref<16384xi32, #tpu.memory_space<hbm>>
    %dma_wait3A_397 = arith.constant 0 : i32
    %dma_wait3A_398 = tpu.memref_slice %arg7[%dma_wait3A, %dma_wait3A_397] : memref<2x16384xi32, #tpu.memory_space<vmem>> -> memref<1x16384xi32, #tpu.memory_space<vmem>>
    %dma_wait3A_399 = tpu.memref_squeeze %dma_wait3A_398 : memref<1x16384xi32, #tpu.memory_space<vmem>> -> memref<16384xi32, #tpu.memory_space<vmem>>
    %dma_wait3A_400 = arith.constant 0 : i32
    %dma_wait3A_401 = tpu.memref_slice %arg2[%dma_wait3A_400] : memref<65536xi32, #tpu.memory_space<hbm>> -> memref<16384xi32, #tpu.memory_space<hbm>>
    tpu.wait_dma2 semaphore(%arg10 : memref<!tpu.dma_semaphore, #tpu.memory_space<semaphore_mem>>) src(%dma_wait3A_401 : memref<16384xi32, #tpu.memory_space<hbm>>) dst(%dma_wait3A_399 : memref<16384xi32, #tpu.memory_space<vmem>>)
    %dma_start3A_402 = arith.constant 1 : i32
    %dma_start3A_403 = arith.constant 0 : i32
    %dma_start3A_404 = tpu.memref_slice %arg7[%dma_start3A_402, %dma_start3A_403] : memref<2x16384xi32, #tpu.memory_space<vmem>> -> memref<1x16384xi32, #tpu.memory_space<vmem>>
    %dma_start3A_405 = tpu.memref_squeeze %dma_start3A_404 : memref<1x16384xi32, #tpu.memory_space<vmem>> -> memref<16384xi32, #tpu.memory_space<vmem>>
    %dma_start3A_406 = arith.constant 16384 : i32
    %dma_start3A_407 = tpu.memref_slice %arg2[%dma_start3A_406] : memref<65536xi32, #tpu.memory_space<hbm>> -> memref<16384xi32, #tpu.memory_space<hbm>>
    %dma_start3A_408 = arith.constant 0 : i32
    %dma_start3A_409 = tpu.memref_slice %arg7[%dma_start3A_402, %dma_start3A_408] : memref<2x16384xi32, #tpu.memory_space<vmem>> -> memref<1x16384xi32, #tpu.memory_space<vmem>>
    %dma_start3A_410 = tpu.memref_squeeze %dma_start3A_409 : memref<1x16384xi32, #tpu.memory_space<vmem>> -> memref<16384xi32, #tpu.memory_space<vmem>>
    %dma_start3A_411 = arith.constant 16384 : i32
    %dma_start3A_412 = tpu.memref_slice %arg2[%dma_start3A_411] : memref<65536xi32, #tpu.memory_space<hbm>> -> memref<16384xi32, #tpu.memory_space<hbm>>
    tpu.enqueue_dma source(%dma_start3A_412 : memref<16384xi32, #tpu.memory_space<hbm>>) target(%dma_start3A_410 : memref<16384xi32, #tpu.memory_space<vmem>>) target_semaphore(%arg10 : memref<!tpu.dma_semaphore, #tpu.memory_space<semaphore_mem>>)
    %parallel_loop3A = arith.constant 0 : i32
    %parallel_loop3A_413 = arith.constant 64 : i32
    %parallel_loop3A_414 = arith.constant 1 : i32
    scf.for %parallel_loop3A_591 = %parallel_loop3A to %parallel_loop3A_413 step %parallel_loop3A_414  : i32 {
      %parallel_loop3A_592 = arith.constant 0 : i32
      %parallel_loop3A_593 = arith.addi %parallel_loop3A_592, %parallel_loop3A_591 : i32
      %parallel_loop3A_594 = arith.constant 256 : i32
      %parallel_loop3A_595 = arith.muli %parallel_loop3A_591, %parallel_loop3A_594 : i32
      %parallel_loop3A_596 = arith.constant 0 : i32
      %parallel_loop3A_597 = arith.addi %parallel_loop3A_595, %parallel_loop3A_596 : i32
      %parallel_loop3A_598 = arith.constant 0 : i32
      %parallel_loop3A_599 = arith.index_cast %parallel_loop3A_598 : i32 to index
      %parallel_loop3A_600 = arith.index_cast %parallel_loop3A_597 : i32 to index
      %parallel_loop3A_601 = tpu.vector_load %arg7[%parallel_loop3A_599, %parallel_loop3A_600] {strides = array<i32>} : memref<2x16384xi32, #tpu.memory_space<vmem>>, vector<16xi32>,
      %parallel_loop3A_602 = tpu.vector_load_idx %arg6[%parallel_loop3A_601] : memref<512xf32, #tpu.memory_space<vmem>>[vector<16xi32>], vector<16xf32>,
      %parallel_loop3A_603 = arith.index_cast %parallel_loop3A_593 : i32 to index
      %parallel_loop3A_604 = arith.constant 0 : index
      %parallel_loop3A_605 = tpu.vector_load %arg8[%parallel_loop3A_603, %parallel_loop3A_604] {strides = array<i32>} : memref<256x256xf32, #tpu.memory_space<vmem>>, vector<16xf32>,
      tpu.vector_store %arg8[%parallel_loop3A_603, %parallel_loop3A_604], %parallel_loop3A_602 {strides = array<i32>} : memref<256x256xf32, #tpu.memory_space<vmem>>, vector<16xf32>,
      %parallel_loop3A_606 = arith.constant 256 : i32
      %parallel_loop3A_607 = arith.muli %parallel_loop3A_591, %parallel_loop3A_606 : i32
      %parallel_loop3A_608 = arith.constant 16 : i32
      %parallel_loop3A_609 = arith.addi %parallel_loop3A_607, %parallel_loop3A_608 : i32
      %parallel_loop3A_610 = arith.constant 0 : i32
      %parallel_loop3A_611 = arith.index_cast %parallel_loop3A_610 : i32 to index
      %parallel_loop3A_612 = arith.index_cast %parallel_loop3A_609 : i32 to index
      %parallel_loop3A_613 = tpu.vector_load %arg7[%parallel_loop3A_611, %parallel_loop3A_612] {strides = array<i32>} : memref<2x16384xi32, #tpu.memory_space<vmem>>, vector<16xi32>,
      %parallel_loop3A_614 = tpu.vector_load_idx %arg6[%parallel_loop3A_613] : memref<512xf32, #tpu.memory_space<vmem>>[vector<16xi32>], vector<16xf32>,
      %parallel_loop3A_615 = arith.index_cast %parallel_loop3A_593 : i32 to index
      %parallel_loop3A_616 = arith.constant 16 : index
      %parallel_loop3A_617 = tpu.vector_load %arg8[%parallel_loop3A_615, %parallel_loop3A_616] {strides = array<i32>} : memref<256x256xf32, #tpu.memory_space<vmem>>, vector<16xf32>,
      tpu.vector_store %arg8[%parallel_loop3A_615, %parallel_loop3A_616], %parallel_loop3A_614 {strides = array<i32>} : memref<256x256xf32, #tpu.memory_space<vmem>>, vector<16xf32>,
      %parallel_loop3A_618 = arith.constant 256 : i32
      %parallel_loop3A_619 = arith.muli %parallel_loop3A_591, %parallel_loop3A_618 : i32
      %parallel_loop3A_620 = arith.constant 32 : i32
      %parallel_loop3A_621 = arith.addi %parallel_loop3A_619, %parallel_loop3A_620 : i32
      %parallel_loop3A_622 = arith.constant 0 : i32
      %parallel_loop3A_623 = arith.index_cast %parallel_loop3A_622 : i32 to index
      %parallel_loop3A_624 = arith.index_cast %parallel_loop3A_621 : i32 to index
      %parallel_loop3A_625 = tpu.vector_load %arg7[%parallel_loop3A_623, %parallel_loop3A_624] {strides = array<i32>} : memref<2x16384xi32, #tpu.memory_space<vmem>>, vector<16xi32>,
      %parallel_loop3A_626 = tpu.vector_load_idx %arg6[%parallel_loop3A_625] : memref<512xf32, #tpu.memory_space<vmem>>[vector<16xi32>], vector<16xf32>,
      %parallel_loop3A_627 = arith.index_cast %parallel_loop3A_593 : i32 to index
      %parallel_loop3A_628 = arith.constant 32 : index
      %parallel_loop3A_629 = tpu.vector_load %arg8[%parallel_loop3A_627, %parallel_loop3A_628] {strides = array<i32>} : memref<256x256xf32, #tpu.memory_space<vmem>>, vector<16xf32>,
      tpu.vector_store %arg8[%parallel_loop3A_627, %parallel_loop3A_628], %parallel_loop3A_626 {strides = array<i32>} : memref<256x256xf32, #tpu.memory_space<vmem>>, vector<16xf32>,
      %parallel_loop3A_630 = arith.constant 256 : i32
      %parallel_loop3A_631 = arith.muli %parallel_loop3A_591, %parallel_loop3A_630 : i32
      %parallel_loop3A_632 = arith.constant 48 : i32
      %parallel_loop3A_633 = arith.addi %parallel_loop3A_631, %parallel_loop3A_632 : i32
      %parallel_loop3A_634 = arith.constant 0 : i32
      %parallel_loop3A_635 = arith.index_cast %parallel_loop3A_634 : i32 to index
      %parallel_loop3A_636 = arith.index_cast %parallel_loop3A_633 : i32 to index
      %parallel_loop3A_637 = tpu.vector_load %arg7[%parallel_loop3A_635, %parallel_loop3A_636] {strides = array<i32>} : memref<2x16384xi32, #tpu.memory_space<vmem>>, vector<16xi32>,
      %parallel_loop3A_638 = tpu.vector_load_idx %arg6[%parallel_loop3A_637] : memref<512xf32, #tpu.memory_space<vmem>>[vector<16xi32>], vector<16xf32>,
      %parallel_loop3A_639 = arith.index_cast %parallel_loop3A_593 : i32 to index
      %parallel_loop3A_640 = arith.constant 48 : index
      %parallel_loop3A_641 = tpu.vector_load %arg8[%parallel_loop3A_639, %parallel_loop3A_640] {strides = array<i32>} : memref<256x256xf32, #tpu.memory_space<vmem>>, vector<16xf32>,
      tpu.vector_store %arg8[%parallel_loop3A_639, %parallel_loop3A_640], %parallel_loop3A_638 {strides = array<i32>} : memref<256x256xf32, #tpu.memory_space<vmem>>, vector<16xf32>,
      %parallel_loop3A_642 = arith.constant 256 : i32
      %parallel_loop3A_643 = arith.muli %parallel_loop3A_591, %parallel_loop3A_642 : i32
      %parallel_loop3A_644 = arith.constant 64 : i32
      %parallel_loop3A_645 = arith.addi %parallel_loop3A_643, %parallel_loop3A_644 : i32
      %parallel_loop3A_646 = arith.constant 0 : i32
      %parallel_loop3A_647 = arith.index_cast %parallel_loop3A_646 : i32 to index
      %parallel_loop3A_648 = arith.index_cast %parallel_loop3A_645 : i32 to index
      %parallel_loop3A_649 = tpu.vector_load %arg7[%parallel_loop3A_647, %parallel_loop3A_648] {strides = array<i32>} : memref<2x16384xi32, #tpu.memory_space<vmem>>, vector<16xi32>,
      %parallel_loop3A_650 = tpu.vector_load_idx %arg6[%parallel_loop3A_649] : memref<512xf32, #tpu.memory_space<vmem>>[vector<16xi32>], vector<16xf32>,
      %parallel_loop3A_651 = arith.index_cast %parallel_loop3A_593 : i32 to index
      %parallel_loop3A_652 = arith.constant 64 : index
      %parallel_loop3A_653 = tpu.vector_load %arg8[%parallel_loop3A_651, %parallel_loop3A_652] {strides = array<i32>} : memref<256x256xf32, #tpu.memory_space<vmem>>, vector<16xf32>,
      tpu.vector_store %arg8[%parallel_loop3A_651, %parallel_loop3A_652], %parallel_loop3A_650 {strides = array<i32>} : memref<256x256xf32, #tpu.memory_space<vmem>>, vector<16xf32>,
      %parallel_loop3A_654 = arith.constant 256 : i32
      %parallel_loop3A_655 = arith.muli %parallel_loop3A_591, %parallel_loop3A_654 : i32
      %parallel_loop3A_656 = arith.constant 80 : i32
      %parallel_loop3A_657 = arith.addi %parallel_loop3A_655, %parallel_loop3A_656 : i32
      %parallel_loop3A_658 = arith.constant 0 : i32
      %parallel_loop3A_659 = arith.index_cast %parallel_loop3A_658 : i32 to index
      %parallel_loop3A_660 = arith.index_cast %parallel_loop3A_657 : i32 to index
      %parallel_loop3A_661 = tpu.vector_load %arg7[%parallel_loop3A_659, %parallel_loop3A_660] {strides = array<i32>} : memref<2x16384xi32, #tpu.memory_space<vmem>>, vector<16xi32>,
      %parallel_loop3A_662 = tpu.vector_load_idx %arg6[%parallel_loop3A_661] : memref<512xf32, #tpu.memory_space<vmem>>[vector<16xi32>], vector<16xf32>,
      %parallel_loop3A_663 = arith.index_cast %parallel_loop3A_593 : i32 to index
      %parallel_loop3A_664 = arith.constant 80 : index
      %parallel_loop3A_665 = tpu.vector_load %arg8[%parallel_loop3A_663, %parallel_loop3A_664] {strides = array<i32>} : memref<256x256xf32, #tpu.memory_space<vmem>>, vector<16xf32>,
      tpu.vector_store %arg8[%parallel_loop3A_663, %parallel_loop3A_664], %parallel_loop3A_662 {strides = array<i32>} : memref<256x256xf32, #tpu.memory_space<vmem>>, vector<16xf32>,
      %parallel_loop3A_666 = arith.constant 256 : i32
      %parallel_loop3A_667 = arith.muli %parallel_loop3A_591, %parallel_loop3A_666 : i32
      %parallel_loop3A_668 = arith.constant 96 : i32
      %parallel_loop3A_669 = arith.addi %parallel_loop3A_667, %parallel_loop3A_668 : i32
      %parallel_loop3A_670 = arith.constant 0 : i32
      %parallel_loop3A_671 = arith.index_cast %parallel_loop3A_670 : i32 to index
      %parallel_loop3A_672 = arith.index_cast %parallel_loop3A_669 : i32 to index
      %parallel_loop3A_673 = tpu.vector_load %arg7[%parallel_loop3A_671, %parallel_loop3A_672] {strides = array<i32>} : memref<2x16384xi32, #tpu.memory_space<vmem>>, vector<16xi32>,
      %parallel_loop3A_674 = tpu.vector_load_idx %arg6[%parallel_loop3A_673] : memref<512xf32, #tpu.memory_space<vmem>>[vector<16xi32>], vector<16xf32>,
      %parallel_loop3A_675 = arith.index_cast %parallel_loop3A_593 : i32 to index
      %parallel_loop3A_676 = arith.constant 96 : index
      %parallel_loop3A_677 = tpu.vector_load %arg8[%parallel_loop3A_675, %parallel_loop3A_676] {strides = array<i32>} : memref<256x256xf32, #tpu.memory_space<vmem>>, vector<16xf32>,
      tpu.vector_store %arg8[%parallel_loop3A_675, %parallel_loop3A_676], %parallel_loop3A_674 {strides = array<i32>} : memref<256x256xf32, #tpu.memory_space<vmem>>, vector<16xf32>,
      %parallel_loop3A_678 = arith.constant 256 : i32
      %parallel_loop3A_679 = arith.muli %parallel_loop3A_591, %parallel_loop3A_678 : i32
      %parallel_loop3A_680 = arith.constant 112 : i32
      %parallel_loop3A_681 = arith.addi %parallel_loop3A_679, %parallel_loop3A_680 : i32
      %parallel_loop3A_682 = arith.constant 0 : i32
      %parallel_loop3A_683 = arith.index_cast %parallel_loop3A_682 : i32 to index
      %parallel_loop3A_684 = arith.index_cast %parallel_loop3A_681 : i32 to index
      %parallel_loop3A_685 = tpu.vector_load %arg7[%parallel_loop3A_683, %parallel_loop3A_684] {strides = array<i32>} : memref<2x16384xi32, #tpu.memory_space<vmem>>, vector<16xi32>,
      %parallel_loop3A_686 = tpu.vector_load_idx %arg6[%parallel_loop3A_685] : memref<512xf32, #tpu.memory_space<vmem>>[vector<16xi32>], vector<16xf32>,
      %parallel_loop3A_687 = arith.index_cast %parallel_loop3A_593 : i32 to index
      %parallel_loop3A_688 = arith.constant 112 : index
      %parallel_loop3A_689 = tpu.vector_load %arg8[%parallel_loop3A_687, %parallel_loop3A_688] {strides = array<i32>} : memref<256x256xf32, #tpu.memory_space<vmem>>, vector<16xf32>,
      tpu.vector_store %arg8[%parallel_loop3A_687, %parallel_loop3A_688], %parallel_loop3A_686 {strides = array<i32>} : memref<256x256xf32, #tpu.memory_space<vmem>>, vector<16xf32>,
      %parallel_loop3A_690 = arith.constant 256 : i32
      %parallel_loop3A_691 = arith.muli %parallel_loop3A_591, %parallel_loop3A_690 : i32
      %parallel_loop3A_692 = arith.constant 128 : i32
      %parallel_loop3A_693 = arith.addi %parallel_loop3A_691, %parallel_loop3A_692 : i32
      %parallel_loop3A_694 = arith.constant 0 : i32
      %parallel_loop3A_695 = arith.index_cast %parallel_loop3A_694 : i32 to index
      %parallel_loop3A_696 = arith.index_cast %parallel_loop3A_693 : i32 to index
      %parallel_loop3A_697 = tpu.vector_load %arg7[%parallel_loop3A_695, %parallel_loop3A_696] {strides = array<i32>} : memref<2x16384xi32, #tpu.memory_space<vmem>>, vector<16xi32>,
      %parallel_loop3A_698 = tpu.vector_load_idx %arg6[%parallel_loop3A_697] : memref<512xf32, #tpu.memory_space<vmem>>[vector<16xi32>], vector<16xf32>,
      %parallel_loop3A_699 = arith.index_cast %parallel_loop3A_593 : i32 to index
      %parallel_loop3A_700 = arith.constant 128 : index
      %parallel_loop3A_701 = tpu.vector_load %arg8[%parallel_loop3A_699, %parallel_loop3A_700] {strides = array<i32>} : memref<256x256xf32, #tpu.memory_space<vmem>>, vector<16xf32>,
      tpu.vector_store %arg8[%parallel_loop3A_699, %parallel_loop3A_700], %parallel_loop3A_698 {strides = array<i32>} : memref<256x256xf32, #tpu.memory_space<vmem>>, vector<16xf32>,
      %parallel_loop3A_702 = arith.constant 256 : i32
      %parallel_loop3A_703 = arith.muli %parallel_loop3A_591, %parallel_loop3A_702 : i32
      %parallel_loop3A_704 = arith.constant 144 : i32
      %parallel_loop3A_705 = arith.addi %parallel_loop3A_703, %parallel_loop3A_704 : i32
      %parallel_loop3A_706 = arith.constant 0 : i32
      %parallel_loop3A_707 = arith.index_cast %parallel_loop3A_706 : i32 to index
      %parallel_loop3A_708 = arith.index_cast %parallel_loop3A_705 : i32 to index
      %parallel_loop3A_709 = tpu.vector_load %arg7[%parallel_loop3A_707, %parallel_loop3A_708] {strides = array<i32>} : memref<2x16384xi32, #tpu.memory_space<vmem>>, vector<16xi32>,
      %parallel_loop3A_710 = tpu.vector_load_idx %arg6[%parallel_loop3A_709] : memref<512xf32, #tpu.memory_space<vmem>>[vector<16xi32>], vector<16xf32>,
      %parallel_loop3A_711 = arith.index_cast %parallel_loop3A_593 : i32 to index
      %parallel_loop3A_712 = arith.constant 144 : index
      %parallel_loop3A_713 = tpu.vector_load %arg8[%parallel_loop3A_711, %parallel_loop3A_712] {strides = array<i32>} : memref<256x256xf32, #tpu.memory_space<vmem>>, vector<16xf32>,
      tpu.vector_store %arg8[%parallel_loop3A_711, %parallel_loop3A_712], %parallel_loop3A_710 {strides = array<i32>} : memref<256x256xf32, #tpu.memory_space<vmem>>, vector<16xf32>,
      %parallel_loop3A_714 = arith.constant 256 : i32
      %parallel_loop3A_715 = arith.muli %parallel_loop3A_591, %parallel_loop3A_714 : i32
      %parallel_loop3A_716 = arith.constant 160 : i32
      %parallel_loop3A_717 = arith.addi %parallel_loop3A_715, %parallel_loop3A_716 : i32
      %parallel_loop3A_718 = arith.constant 0 : i32
      %parallel_loop3A_719 = arith.index_cast %parallel_loop3A_718 : i32 to index
      %parallel_loop3A_720 = arith.index_cast %parallel_loop3A_717 : i32 to index
      %parallel_loop3A_721 = tpu.vector_load %arg7[%parallel_loop3A_719, %parallel_loop3A_720] {strides = array<i32>} : memref<2x16384xi32, #tpu.memory_space<vmem>>, vector<16xi32>,
      %parallel_loop3A_722 = tpu.vector_load_idx %arg6[%parallel_loop3A_721] : memref<512xf32, #tpu.memory_space<vmem>>[vector<16xi32>], vector<16xf32>,
      %parallel_loop3A_723 = arith.index_cast %parallel_loop3A_593 : i32 to index
      %parallel_loop3A_724 = arith.constant 160 : index
      %parallel_loop3A_725 = tpu.vector_load %arg8[%parallel_loop3A_723, %parallel_loop3A_724] {strides = array<i32>} : memref<256x256xf32, #tpu.memory_space<vmem>>, vector<16xf32>,
      tpu.vector_store %arg8[%parallel_loop3A_723, %parallel_loop3A_724], %parallel_loop3A_722 {strides = array<i32>} : memref<256x256xf32, #tpu.memory_space<vmem>>, vector<16xf32>,
      %parallel_loop3A_726 = arith.constant 256 : i32
      %parallel_loop3A_727 = arith.muli %parallel_loop3A_591, %parallel_loop3A_726 : i32
      %parallel_loop3A_728 = arith.constant 176 : i32
      %parallel_loop3A_729 = arith.addi %parallel_loop3A_727, %parallel_loop3A_728 : i32
      %parallel_loop3A_730 = arith.constant 0 : i32
      %parallel_loop3A_731 = arith.index_cast %parallel_loop3A_730 : i32 to index
      %parallel_loop3A_732 = arith.index_cast %parallel_loop3A_729 : i32 to index
      %parallel_loop3A_733 = tpu.vector_load %arg7[%parallel_loop3A_731, %parallel_loop3A_732] {strides = array<i32>} : memref<2x16384xi32, #tpu.memory_space<vmem>>, vector<16xi32>,
      %parallel_loop3A_734 = tpu.vector_load_idx %arg6[%parallel_loop3A_733] : memref<512xf32, #tpu.memory_space<vmem>>[vector<16xi32>], vector<16xf32>,
      %parallel_loop3A_735 = arith.index_cast %parallel_loop3A_593 : i32 to index
      %parallel_loop3A_736 = arith.constant 176 : index
      %parallel_loop3A_737 = tpu.vector_load %arg8[%parallel_loop3A_735, %parallel_loop3A_736] {strides = array<i32>} : memref<256x256xf32, #tpu.memory_space<vmem>>, vector<16xf32>,
      tpu.vector_store %arg8[%parallel_loop3A_735, %parallel_loop3A_736], %parallel_loop3A_734 {strides = array<i32>} : memref<256x256xf32, #tpu.memory_space<vmem>>, vector<16xf32>,
      %parallel_loop3A_738 = arith.constant 256 : i32
      %parallel_loop3A_739 = arith.muli %parallel_loop3A_591, %parallel_loop3A_738 : i32
      %parallel_loop3A_740 = arith.constant 192 : i32
      %parallel_loop3A_741 = arith.addi %parallel_loop3A_739, %parallel_loop3A_740 : i32
      %parallel_loop3A_742 = arith.constant 0 : i32
      %parallel_loop3A_743 = arith.index_cast %parallel_loop3A_742 : i32 to index
      %parallel_loop3A_744 = arith.index_cast %parallel_loop3A_741 : i32 to index
      %parallel_loop3A_745 = tpu.vector_load %arg7[%parallel_loop3A_743, %parallel_loop3A_744] {strides = array<i32>} : memref<2x16384xi32, #tpu.memory_space<vmem>>, vector<16xi32>,
      %parallel_loop3A_746 = tpu.vector_load_idx %arg6[%parallel_loop3A_745] : memref<512xf32, #tpu.memory_space<vmem>>[vector<16xi32>], vector<16xf32>,
      %parallel_loop3A_747 = arith.index_cast %parallel_loop3A_593 : i32 to index
      %parallel_loop3A_748 = arith.constant 192 : index
      %parallel_loop3A_749 = tpu.vector_load %arg8[%parallel_loop3A_747, %parallel_loop3A_748] {strides = array<i32>} : memref<256x256xf32, #tpu.memory_space<vmem>>, vector<16xf32>,
      tpu.vector_store %arg8[%parallel_loop3A_747, %parallel_loop3A_748], %parallel_loop3A_746 {strides = array<i32>} : memref<256x256xf32, #tpu.memory_space<vmem>>, vector<16xf32>,
      %parallel_loop3A_750 = arith.constant 256 : i32
      %parallel_loop3A_751 = arith.muli %parallel_loop3A_591, %parallel_loop3A_750 : i32
      %parallel_loop3A_752 = arith.constant 208 : i32
      %parallel_loop3A_753 = arith.addi %parallel_loop3A_751, %parallel_loop3A_752 : i32
      %parallel_loop3A_754 = arith.constant 0 : i32
      %parallel_loop3A_755 = arith.index_cast %parallel_loop3A_754 : i32 to index
      %parallel_loop3A_756 = arith.index_cast %parallel_loop3A_753 : i32 to index
      %parallel_loop3A_757 = tpu.vector_load %arg7[%parallel_loop3A_755, %parallel_loop3A_756] {strides = array<i32>} : memref<2x16384xi32, #tpu.memory_space<vmem>>, vector<16xi32>,
      %parallel_loop3A_758 = tpu.vector_load_idx %arg6[%parallel_loop3A_757] : memref<512xf32, #tpu.memory_space<vmem>>[vector<16xi32>], vector<16xf32>,
      %parallel_loop3A_759 = arith.index_cast %parallel_loop3A_593 : i32 to index
      %parallel_loop3A_760 = arith.constant 208 : index
      %parallel_loop3A_761 = tpu.vector_load %arg8[%parallel_loop3A_759, %parallel_loop3A_760] {strides = array<i32>} : memref<256x256xf32, #tpu.memory_space<vmem>>, vector<16xf32>,
      tpu.vector_store %arg8[%parallel_loop3A_759, %parallel_loop3A_760], %parallel_loop3A_758 {strides = array<i32>} : memref<256x256xf32, #tpu.memory_space<vmem>>, vector<16xf32>,
      %parallel_loop3A_762 = arith.constant 256 : i32
      %parallel_loop3A_763 = arith.muli %parallel_loop3A_591, %parallel_loop3A_762 : i32
      %parallel_loop3A_764 = arith.constant 224 : i32
      %parallel_loop3A_765 = arith.addi %parallel_loop3A_763, %parallel_loop3A_764 : i32
      %parallel_loop3A_766 = arith.constant 0 : i32
      %parallel_loop3A_767 = arith.index_cast %parallel_loop3A_766 : i32 to index
      %parallel_loop3A_768 = arith.index_cast %parallel_loop3A_765 : i32 to index
      %parallel_loop3A_769 = tpu.vector_load %arg7[%parallel_loop3A_767, %parallel_loop3A_768] {strides = array<i32>} : memref<2x16384xi32, #tpu.memory_space<vmem>>, vector<16xi32>,
      %parallel_loop3A_770 = tpu.vector_load_idx %arg6[%parallel_loop3A_769] : memref<512xf32, #tpu.memory_space<vmem>>[vector<16xi32>], vector<16xf32>,
      %parallel_loop3A_771 = arith.index_cast %parallel_loop3A_593 : i32 to index
      %parallel_loop3A_772 = arith.constant 224 : index
      %parallel_loop3A_773 = tpu.vector_load %arg8[%parallel_loop3A_771, %parallel_loop3A_772] {strides = array<i32>} : memref<256x256xf32, #tpu.memory_space<vmem>>, vector<16xf32>,
      tpu.vector_store %arg8[%parallel_loop3A_771, %parallel_loop3A_772], %parallel_loop3A_770 {strides = array<i32>} : memref<256x256xf32, #tpu.memory_space<vmem>>, vector<16xf32>,
      %parallel_loop3A_774 = arith.constant 256 : i32
      %parallel_loop3A_775 = arith.muli %parallel_loop3A_591, %parallel_loop3A_774 : i32
      %parallel_loop3A_776 = arith.constant 240 : i32
      %parallel_loop3A_777 = arith.addi %parallel_loop3A_775, %parallel_loop3A_776 : i32
      %parallel_loop3A_778 = arith.constant 0 : i32
      %parallel_loop3A_779 = arith.index_cast %parallel_loop3A_778 : i32 to index
      %parallel_loop3A_780 = arith.index_cast %parallel_loop3A_777 : i32 to index
      %parallel_loop3A_781 = tpu.vector_load %arg7[%parallel_loop3A_779, %parallel_loop3A_780] {strides = array<i32>} : memref<2x16384xi32, #tpu.memory_space<vmem>>, vector<16xi32>,
      %parallel_loop3A_782 = tpu.vector_load_idx %arg6[%parallel_loop3A_781] : memref<512xf32, #tpu.memory_space<vmem>>[vector<16xi32>], vector<16xf32>,
      %parallel_loop3A_783 = arith.index_cast %parallel_loop3A_593 : i32 to index
      %parallel_loop3A_784 = arith.constant 240 : index
      %parallel_loop3A_785 = tpu.vector_load %arg8[%parallel_loop3A_783, %parallel_loop3A_784] {strides = array<i32>} : memref<256x256xf32, #tpu.memory_space<vmem>>, vector<16xf32>,
      tpu.vector_store %arg8[%parallel_loop3A_783, %parallel_loop3A_784], %parallel_loop3A_782 {strides = array<i32>} : memref<256x256xf32, #tpu.memory_space<vmem>>, vector<16xf32>,
    } {sc.loop_unroll_factor = 4 : i64, sc.parallel_access}
    %dma_start3A_415 = arith.constant 0 : i32
    %dma_start3A_416 = arith.constant 0 : i32
    %dma_start3A_417 = tpu.memref_slice %arg8[%dma_start3A_415, %dma_start3A_416] : memref<256x256xf32, #tpu.memory_space<vmem>> -> memref<64x256xf32, #tpu.memory_space<vmem>>
    %dma_start3A_418 = arith.constant 0 : i32
    %dma_start3A_419 = arith.constant 0 : i32
    %dma_start3A_420 = tpu.memref_slice %arg4[%add3A, %dma_start3A_418, %dma_start3A_419] : memref<32x256x256xf32, #tpu.memory_space<hbm>> -> memref<1x64x256xf32, #tpu.memory_space<hbm>>
    %dma_start3A_421 = tpu.memref_squeeze %dma_start3A_420 : memref<1x64x256xf32, #tpu.memory_space<hbm>> -> memref<64x256xf32, #tpu.memory_space<hbm>>
    %dma_start3A_422 = arith.constant 0 : i32
    %dma_start3A_423 = arith.constant 0 : i32
    %dma_start3A_424 = tpu.memref_slice %arg4[%add3A, %dma_start3A_422, %dma_start3A_423] : memref<32x256x256xf32, #tpu.memory_space<hbm>> -> memref<1x64x256xf32, #tpu.memory_space<hbm>>
    %dma_start3A_425 = tpu.memref_squeeze %dma_start3A_424 : memref<1x64x256xf32, #tpu.memory_space<hbm>> -> memref<64x256xf32, #tpu.memory_space<hbm>>
    %dma_start3A_426 = arith.constant 0 : i32
    %dma_start3A_427 = arith.constant 0 : i32
    %dma_start3A_428 = tpu.memref_slice %arg8[%dma_start3A_426, %dma_start3A_427] : memref<256x256xf32, #tpu.memory_space<vmem>> -> memref<64x256xf32, #tpu.memory_space<vmem>>
    tpu.enqueue_dma source(%dma_start3A_428 : memref<64x256xf32, #tpu.memory_space<vmem>>) target(%dma_start3A_425 : memref<64x256xf32, #tpu.memory_space<hbm>>) target_semaphore(%arg9 : memref<!tpu.dma_semaphore, #tpu.memory_space<semaphore_mem>>)
    %dma_wait3A_429 = arith.constant 1 : i32
    %dma_wait3A_430 = arith.constant 0 : i32
    %dma_wait3A_431 = tpu.memref_slice %arg7[%dma_wait3A_429, %dma_wait3A_430] : memref<2x16384xi32, #tpu.memory_space<vmem>> -> memref<1x16384xi32, #tpu.memory_space<vmem>>
    %dma_wait3A_432 = tpu.memref_squeeze %dma_wait3A_431 : memref<1x16384xi32, #tpu.memory_space<vmem>> -> memref<16384xi32, #tpu.memory_space<vmem>>
    %dma_wait3A_433 = arith.constant 16384 : i32
    %dma_wait3A_434 = tpu.memref_slice %arg2[%dma_wait3A_433] : memref<65536xi32, #tpu.memory_space<hbm>> -> memref<16384xi32, #tpu.memory_space<hbm>>
    %dma_wait3A_435 = arith.constant 0 : i32
    %dma_wait3A_436 = tpu.memref_slice %arg7[%dma_wait3A_429, %dma_wait3A_435] : memref<2x16384xi32, #tpu.memory_space<vmem>> -> memref<1x16384xi32, #tpu.memory_space<vmem>>
    %dma_wait3A_437 = tpu.memref_squeeze %dma_wait3A_436 : memref<1x16384xi32, #tpu.memory_space<vmem>> -> memref<16384xi32, #tpu.memory_space<vmem>>
    %dma_wait3A_438 = arith.constant 16384 : i32
    %dma_wait3A_439 = tpu.memref_slice %arg2[%dma_wait3A_438] : memref<65536xi32, #tpu.memory_space<hbm>> -> memref<16384xi32, #tpu.memory_space<hbm>>
    tpu.wait_dma2 semaphore(%arg10 : memref<!tpu.dma_semaphore, #tpu.memory_space<semaphore_mem>>) src(%dma_wait3A_439 : memref<16384xi32, #tpu.memory_space<hbm>>) dst(%dma_wait3A_437 : memref<16384xi32, #tpu.memory_space<vmem>>)
    %dma_start3A_440 = arith.constant 0 : i32
    %dma_start3A_441 = arith.constant 0 : i32
    %dma_start3A_442 = tpu.memref_slice %arg7[%dma_start3A_440, %dma_start3A_441] : memref<2x16384xi32, #tpu.memory_space<vmem>> -> memref<1x16384xi32, #tpu.memory_space<vmem>>
    %dma_start3A_443 = tpu.memref_squeeze %dma_start3A_442 : memref<1x16384xi32, #tpu.memory_space<vmem>> -> memref<16384xi32, #tpu.memory_space<vmem>>
    %dma_start3A_444 = arith.constant 32768 : i32
    %dma_start3A_445 = tpu.memref_slice %arg2[%dma_start3A_444] : memref<65536xi32, #tpu.memory_space<hbm>> -> memref<16384xi32, #tpu.memory_space<hbm>>
    %dma_start3A_446 = arith.constant 0 : i32
    %dma_start3A_447 = tpu.memref_slice %arg7[%dma_start3A_440, %dma_start3A_446] : memref<2x16384xi32, #tpu.memory_space<vmem>> -> memref<1x16384xi32, #tpu.memory_space<vmem>>
    %dma_start3A_448 = tpu.memref_squeeze %dma_start3A_447 : memref<1x16384xi32, #tpu.memory_space<vmem>> -> memref<16384xi32, #tpu.memory_space<vmem>>
    %dma_start3A_449 = arith.constant 32768 : i32
    %dma_start3A_450 = tpu.memref_slice %arg2[%dma_start3A_449] : memref<65536xi32, #tpu.memory_space<hbm>> -> memref<16384xi32, #tpu.memory_space<hbm>>
    tpu.enqueue_dma source(%dma_start3A_450 : memref<16384xi32, #tpu.memory_space<hbm>>) target(%dma_start3A_448 : memref<16384xi32, #tpu.memory_space<vmem>>) target_semaphore(%arg10 : memref<!tpu.dma_semaphore, #tpu.memory_space<semaphore_mem>>)
    %parallel_loop3A_451 = arith.constant 0 : i32
    %parallel_loop3A_452 = arith.constant 64 : i32
    %parallel_loop3A_453 = arith.constant 1 : i32
    scf.for %parallel_loop3A_591 = %parallel_loop3A_451 to %parallel_loop3A_452 step %parallel_loop3A_453  : i32 {
      %parallel_loop3A_592 = arith.constant 64 : i32
      %parallel_loop3A_593 = arith.addi %parallel_loop3A_592, %parallel_loop3A_591 : i32
      %parallel_loop3A_594 = arith.constant 256 : i32
      %parallel_loop3A_595 = arith.muli %parallel_loop3A_591, %parallel_loop3A_594 : i32
      %parallel_loop3A_596 = arith.constant 0 : i32
      %parallel_loop3A_597 = arith.addi %parallel_loop3A_595, %parallel_loop3A_596 : i32
      %parallel_loop3A_598 = arith.constant 1 : i32
      %parallel_loop3A_599 = arith.index_cast %parallel_loop3A_598 : i32 to index
      %parallel_loop3A_600 = arith.index_cast %parallel_loop3A_597 : i32 to index
      %parallel_loop3A_601 = tpu.vector_load %arg7[%parallel_loop3A_599, %parallel_loop3A_600] {strides = array<i32>} : memref<2x16384xi32, #tpu.memory_space<vmem>>, vector<16xi32>,
      %parallel_loop3A_602 = tpu.vector_load_idx %arg6[%parallel_loop3A_601] : memref<512xf32, #tpu.memory_space<vmem>>[vector<16xi32>], vector<16xf32>,
      %parallel_loop3A_603 = arith.index_cast %parallel_loop3A_593 : i32 to index
      %parallel_loop3A_604 = arith.constant 0 : index
      %parallel_loop3A_605 = tpu.vector_load %arg8[%parallel_loop3A_603, %parallel_loop3A_604] {strides = array<i32>} : memref<256x256xf32, #tpu.memory_space<vmem>>, vector<16xf32>,
      tpu.vector_store %arg8[%parallel_loop3A_603, %parallel_loop3A_604], %parallel_loop3A_602 {strides = array<i32>} : memref<256x256xf32, #tpu.memory_space<vmem>>, vector<16xf32>,
      %parallel_loop3A_606 = arith.constant 256 : i32
      %parallel_loop3A_607 = arith.muli %parallel_loop3A_591, %parallel_loop3A_606 : i32
      %parallel_loop3A_608 = arith.constant 16 : i32
      %parallel_loop3A_609 = arith.addi %parallel_loop3A_607, %parallel_loop3A_608 : i32
      %parallel_loop3A_610 = arith.constant 1 : i32
      %parallel_loop3A_611 = arith.index_cast %parallel_loop3A_610 : i32 to index
      %parallel_loop3A_612 = arith.index_cast %parallel_loop3A_609 : i32 to index
      %parallel_loop3A_613 = tpu.vector_load %arg7[%parallel_loop3A_611, %parallel_loop3A_612] {strides = array<i32>} : memref<2x16384xi32, #tpu.memory_space<vmem>>, vector<16xi32>,
      %parallel_loop3A_614 = tpu.vector_load_idx %arg6[%parallel_loop3A_613] : memref<512xf32, #tpu.memory_space<vmem>>[vector<16xi32>], vector<16xf32>,
      %parallel_loop3A_615 = arith.index_cast %parallel_loop3A_593 : i32 to index
      %parallel_loop3A_616 = arith.constant 16 : index
      %parallel_loop3A_617 = tpu.vector_load %arg8[%parallel_loop3A_615, %parallel_loop3A_616] {strides = array<i32>} : memref<256x256xf32, #tpu.memory_space<vmem>>, vector<16xf32>,
      tpu.vector_store %arg8[%parallel_loop3A_615, %parallel_loop3A_616], %parallel_loop3A_614 {strides = array<i32>} : memref<256x256xf32, #tpu.memory_space<vmem>>, vector<16xf32>,
      %parallel_loop3A_618 = arith.constant 256 : i32
      %parallel_loop3A_619 = arith.muli %parallel_loop3A_591, %parallel_loop3A_618 : i32
      %parallel_loop3A_620 = arith.constant 32 : i32
      %parallel_loop3A_621 = arith.addi %parallel_loop3A_619, %parallel_loop3A_620 : i32
      %parallel_loop3A_622 = arith.constant 1 : i32
      %parallel_loop3A_623 = arith.index_cast %parallel_loop3A_622 : i32 to index
      %parallel_loop3A_624 = arith.index_cast %parallel_loop3A_621 : i32 to index
      %parallel_loop3A_625 = tpu.vector_load %arg7[%parallel_loop3A_623, %parallel_loop3A_624] {strides = array<i32>} : memref<2x16384xi32, #tpu.memory_space<vmem>>, vector<16xi32>,
      %parallel_loop3A_626 = tpu.vector_load_idx %arg6[%parallel_loop3A_625] : memref<512xf32, #tpu.memory_space<vmem>>[vector<16xi32>], vector<16xf32>,
      %parallel_loop3A_627 = arith.index_cast %parallel_loop3A_593 : i32 to index
      %parallel_loop3A_628 = arith.constant 32 : index
      %parallel_loop3A_629 = tpu.vector_load %arg8[%parallel_loop3A_627, %parallel_loop3A_628] {strides = array<i32>} : memref<256x256xf32, #tpu.memory_space<vmem>>, vector<16xf32>,
      tpu.vector_store %arg8[%parallel_loop3A_627, %parallel_loop3A_628], %parallel_loop3A_626 {strides = array<i32>} : memref<256x256xf32, #tpu.memory_space<vmem>>, vector<16xf32>,
      %parallel_loop3A_630 = arith.constant 256 : i32
      %parallel_loop3A_631 = arith.muli %parallel_loop3A_591, %parallel_loop3A_630 : i32
      %parallel_loop3A_632 = arith.constant 48 : i32
      %parallel_loop3A_633 = arith.addi %parallel_loop3A_631, %parallel_loop3A_632 : i32
      %parallel_loop3A_634 = arith.constant 1 : i32
      %parallel_loop3A_635 = arith.index_cast %parallel_loop3A_634 : i32 to index
      %parallel_loop3A_636 = arith.index_cast %parallel_loop3A_633 : i32 to index
      %parallel_loop3A_637 = tpu.vector_load %arg7[%parallel_loop3A_635, %parallel_loop3A_636] {strides = array<i32>} : memref<2x16384xi32, #tpu.memory_space<vmem>>, vector<16xi32>,
      %parallel_loop3A_638 = tpu.vector_load_idx %arg6[%parallel_loop3A_637] : memref<512xf32, #tpu.memory_space<vmem>>[vector<16xi32>], vector<16xf32>,
      %parallel_loop3A_639 = arith.index_cast %parallel_loop3A_593 : i32 to index
      %parallel_loop3A_640 = arith.constant 48 : index
      %parallel_loop3A_641 = tpu.vector_load %arg8[%parallel_loop3A_639, %parallel_loop3A_640] {strides = array<i32>} : memref<256x256xf32, #tpu.memory_space<vmem>>, vector<16xf32>,
      tpu.vector_store %arg8[%parallel_loop3A_639, %parallel_loop3A_640], %parallel_loop3A_638 {strides = array<i32>} : memref<256x256xf32, #tpu.memory_space<vmem>>, vector<16xf32>,
      %parallel_loop3A_642 = arith.constant 256 : i32
      %parallel_loop3A_643 = arith.muli %parallel_loop3A_591, %parallel_loop3A_642 : i32
      %parallel_loop3A_644 = arith.constant 64 : i32
      %parallel_loop3A_645 = arith.addi %parallel_loop3A_643, %parallel_loop3A_644 : i32
      %parallel_loop3A_646 = arith.constant 1 : i32
      %parallel_loop3A_647 = arith.index_cast %parallel_loop3A_646 : i32 to index
      %parallel_loop3A_648 = arith.index_cast %parallel_loop3A_645 : i32 to index
      %parallel_loop3A_649 = tpu.vector_load %arg7[%parallel_loop3A_647, %parallel_loop3A_648] {strides = array<i32>} : memref<2x16384xi32, #tpu.memory_space<vmem>>, vector<16xi32>,
      %parallel_loop3A_650 = tpu.vector_load_idx %arg6[%parallel_loop3A_649] : memref<512xf32, #tpu.memory_space<vmem>>[vector<16xi32>], vector<16xf32>,
      %parallel_loop3A_651 = arith.index_cast %parallel_loop3A_593 : i32 to index
      %parallel_loop3A_652 = arith.constant 64 : index
      %parallel_loop3A_653 = tpu.vector_load %arg8[%parallel_loop3A_651, %parallel_loop3A_652] {strides = array<i32>} : memref<256x256xf32, #tpu.memory_space<vmem>>, vector<16xf32>,
      tpu.vector_store %arg8[%parallel_loop3A_651, %parallel_loop3A_652], %parallel_loop3A_650 {strides = array<i32>} : memref<256x256xf32, #tpu.memory_space<vmem>>, vector<16xf32>,
      %parallel_loop3A_654 = arith.constant 256 : i32
      %parallel_loop3A_655 = arith.muli %parallel_loop3A_591, %parallel_loop3A_654 : i32
      %parallel_loop3A_656 = arith.constant 80 : i32
      %parallel_loop3A_657 = arith.addi %parallel_loop3A_655, %parallel_loop3A_656 : i32
      %parallel_loop3A_658 = arith.constant 1 : i32
      %parallel_loop3A_659 = arith.index_cast %parallel_loop3A_658 : i32 to index
      %parallel_loop3A_660 = arith.index_cast %parallel_loop3A_657 : i32 to index
      %parallel_loop3A_661 = tpu.vector_load %arg7[%parallel_loop3A_659, %parallel_loop3A_660] {strides = array<i32>} : memref<2x16384xi32, #tpu.memory_space<vmem>>, vector<16xi32>,
      %parallel_loop3A_662 = tpu.vector_load_idx %arg6[%parallel_loop3A_661] : memref<512xf32, #tpu.memory_space<vmem>>[vector<16xi32>], vector<16xf32>,
      %parallel_loop3A_663 = arith.index_cast %parallel_loop3A_593 : i32 to index
      %parallel_loop3A_664 = arith.constant 80 : index
      %parallel_loop3A_665 = tpu.vector_load %arg8[%parallel_loop3A_663, %parallel_loop3A_664] {strides = array<i32>} : memref<256x256xf32, #tpu.memory_space<vmem>>, vector<16xf32>,
      tpu.vector_store %arg8[%parallel_loop3A_663, %parallel_loop3A_664], %parallel_loop3A_662 {strides = array<i32>} : memref<256x256xf32, #tpu.memory_space<vmem>>, vector<16xf32>,
      %parallel_loop3A_666 = arith.constant 256 : i32
      %parallel_loop3A_667 = arith.muli %parallel_loop3A_591, %parallel_loop3A_666 : i32
      %parallel_loop3A_668 = arith.constant 96 : i32
      %parallel_loop3A_669 = arith.addi %parallel_loop3A_667, %parallel_loop3A_668 : i32
      %parallel_loop3A_670 = arith.constant 1 : i32
      %parallel_loop3A_671 = arith.index_cast %parallel_loop3A_670 : i32 to index
      %parallel_loop3A_672 = arith.index_cast %parallel_loop3A_669 : i32 to index
      %parallel_loop3A_673 = tpu.vector_load %arg7[%parallel_loop3A_671, %parallel_loop3A_672] {strides = array<i32>} : memref<2x16384xi32, #tpu.memory_space<vmem>>, vector<16xi32>,
      %parallel_loop3A_674 = tpu.vector_load_idx %arg6[%parallel_loop3A_673] : memref<512xf32, #tpu.memory_space<vmem>>[vector<16xi32>], vector<16xf32>,
      %parallel_loop3A_675 = arith.index_cast %parallel_loop3A_593 : i32 to index
      %parallel_loop3A_676 = arith.constant 96 : index
      %parallel_loop3A_677 = tpu.vector_load %arg8[%parallel_loop3A_675, %parallel_loop3A_676] {strides = array<i32>} : memref<256x256xf32, #tpu.memory_space<vmem>>, vector<16xf32>,
      tpu.vector_store %arg8[%parallel_loop3A_675, %parallel_loop3A_676], %parallel_loop3A_674 {strides = array<i32>} : memref<256x256xf32, #tpu.memory_space<vmem>>, vector<16xf32>,
      %parallel_loop3A_678 = arith.constant 256 : i32
      %parallel_loop3A_679 = arith.muli %parallel_loop3A_591, %parallel_loop3A_678 : i32
      %parallel_loop3A_680 = arith.constant 112 : i32
      %parallel_loop3A_681 = arith.addi %parallel_loop3A_679, %parallel_loop3A_680 : i32
      %parallel_loop3A_682 = arith.constant 1 : i32
      %parallel_loop3A_683 = arith.index_cast %parallel_loop3A_682 : i32 to index
      %parallel_loop3A_684 = arith.index_cast %parallel_loop3A_681 : i32 to index
      %parallel_loop3A_685 = tpu.vector_load %arg7[%parallel_loop3A_683, %parallel_loop3A_684] {strides = array<i32>} : memref<2x16384xi32, #tpu.memory_space<vmem>>, vector<16xi32>,
      %parallel_loop3A_686 = tpu.vector_load_idx %arg6[%parallel_loop3A_685] : memref<512xf32, #tpu.memory_space<vmem>>[vector<16xi32>], vector<16xf32>,
      %parallel_loop3A_687 = arith.index_cast %parallel_loop3A_593 : i32 to index
      %parallel_loop3A_688 = arith.constant 112 : index
      %parallel_loop3A_689 = tpu.vector_load %arg8[%parallel_loop3A_687, %parallel_loop3A_688] {strides = array<i32>} : memref<256x256xf32, #tpu.memory_space<vmem>>, vector<16xf32>,
      tpu.vector_store %arg8[%parallel_loop3A_687, %parallel_loop3A_688], %parallel_loop3A_686 {strides = array<i32>} : memref<256x256xf32, #tpu.memory_space<vmem>>, vector<16xf32>,
      %parallel_loop3A_690 = arith.constant 256 : i32
      %parallel_loop3A_691 = arith.muli %parallel_loop3A_591, %parallel_loop3A_690 : i32
      %parallel_loop3A_692 = arith.constant 128 : i32
      %parallel_loop3A_693 = arith.addi %parallel_loop3A_691, %parallel_loop3A_692 : i32
      %parallel_loop3A_694 = arith.constant 1 : i32
      %parallel_loop3A_695 = arith.index_cast %parallel_loop3A_694 : i32 to index
      %parallel_loop3A_696 = arith.index_cast %parallel_loop3A_693 : i32 to index
      %parallel_loop3A_697 = tpu.vector_load %arg7[%parallel_loop3A_695, %parallel_loop3A_696] {strides = array<i32>} : memref<2x16384xi32, #tpu.memory_space<vmem>>, vector<16xi32>,
      %parallel_loop3A_698 = tpu.vector_load_idx %arg6[%parallel_loop3A_697] : memref<512xf32, #tpu.memory_space<vmem>>[vector<16xi32>], vector<16xf32>,
      %parallel_loop3A_699 = arith.index_cast %parallel_loop3A_593 : i32 to index
      %parallel_loop3A_700 = arith.constant 128 : index
      %parallel_loop3A_701 = tpu.vector_load %arg8[%parallel_loop3A_699, %parallel_loop3A_700] {strides = array<i32>} : memref<256x256xf32, #tpu.memory_space<vmem>>, vector<16xf32>,
      tpu.vector_store %arg8[%parallel_loop3A_699, %parallel_loop3A_700], %parallel_loop3A_698 {strides = array<i32>} : memref<256x256xf32, #tpu.memory_space<vmem>>, vector<16xf32>,
      %parallel_loop3A_702 = arith.constant 256 : i32
      %parallel_loop3A_703 = arith.muli %parallel_loop3A_591, %parallel_loop3A_702 : i32
      %parallel_loop3A_704 = arith.constant 144 : i32
      %parallel_loop3A_705 = arith.addi %parallel_loop3A_703, %parallel_loop3A_704 : i32
      %parallel_loop3A_706 = arith.constant 1 : i32
      %parallel_loop3A_707 = arith.index_cast %parallel_loop3A_706 : i32 to index
      %parallel_loop3A_708 = arith.index_cast %parallel_loop3A_705 : i32 to index
      %parallel_loop3A_709 = tpu.vector_load %arg7[%parallel_loop3A_707, %parallel_loop3A_708] {strides = array<i32>} : memref<2x16384xi32, #tpu.memory_space<vmem>>, vector<16xi32>,
      %parallel_loop3A_710 = tpu.vector_load_idx %arg6[%parallel_loop3A_709] : memref<512xf32, #tpu.memory_space<vmem>>[vector<16xi32>], vector<16xf32>,
      %parallel_loop3A_711 = arith.index_cast %parallel_loop3A_593 : i32 to index
      %parallel_loop3A_712 = arith.constant 144 : index
      %parallel_loop3A_713 = tpu.vector_load %arg8[%parallel_loop3A_711, %parallel_loop3A_712] {strides = array<i32>} : memref<256x256xf32, #tpu.memory_space<vmem>>, vector<16xf32>,
      tpu.vector_store %arg8[%parallel_loop3A_711, %parallel_loop3A_712], %parallel_loop3A_710 {strides = array<i32>} : memref<256x256xf32, #tpu.memory_space<vmem>>, vector<16xf32>,
      %parallel_loop3A_714 = arith.constant 256 : i32
      %parallel_loop3A_715 = arith.muli %parallel_loop3A_591, %parallel_loop3A_714 : i32
      %parallel_loop3A_716 = arith.constant 160 : i32
      %parallel_loop3A_717 = arith.addi %parallel_loop3A_715, %parallel_loop3A_716 : i32
      %parallel_loop3A_718 = arith.constant 1 : i32
      %parallel_loop3A_719 = arith.index_cast %parallel_loop3A_718 : i32 to index
      %parallel_loop3A_720 = arith.index_cast %parallel_loop3A_717 : i32 to index
      %parallel_loop3A_721 = tpu.vector_load %arg7[%parallel_loop3A_719, %parallel_loop3A_720] {strides = array<i32>} : memref<2x16384xi32, #tpu.memory_space<vmem>>, vector<16xi32>,
      %parallel_loop3A_722 = tpu.vector_load_idx %arg6[%parallel_loop3A_721] : memref<512xf32, #tpu.memory_space<vmem>>[vector<16xi32>], vector<16xf32>,
      %parallel_loop3A_723 = arith.index_cast %parallel_loop3A_593 : i32 to index
      %parallel_loop3A_724 = arith.constant 160 : index
      %parallel_loop3A_725 = tpu.vector_load %arg8[%parallel_loop3A_723, %parallel_loop3A_724] {strides = array<i32>} : memref<256x256xf32, #tpu.memory_space<vmem>>, vector<16xf32>,
      tpu.vector_store %arg8[%parallel_loop3A_723, %parallel_loop3A_724], %parallel_loop3A_722 {strides = array<i32>} : memref<256x256xf32, #tpu.memory_space<vmem>>, vector<16xf32>,
      %parallel_loop3A_726 = arith.constant 256 : i32
      %parallel_loop3A_727 = arith.muli %parallel_loop3A_591, %parallel_loop3A_726 : i32
      %parallel_loop3A_728 = arith.constant 176 : i32
      %parallel_loop3A_729 = arith.addi %parallel_loop3A_727, %parallel_loop3A_728 : i32
      %parallel_loop3A_730 = arith.constant 1 : i32
      %parallel_loop3A_731 = arith.index_cast %parallel_loop3A_730 : i32 to index
      %parallel_loop3A_732 = arith.index_cast %parallel_loop3A_729 : i32 to index
      %parallel_loop3A_733 = tpu.vector_load %arg7[%parallel_loop3A_731, %parallel_loop3A_732] {strides = array<i32>} : memref<2x16384xi32, #tpu.memory_space<vmem>>, vector<16xi32>,
      %parallel_loop3A_734 = tpu.vector_load_idx %arg6[%parallel_loop3A_733] : memref<512xf32, #tpu.memory_space<vmem>>[vector<16xi32>], vector<16xf32>,
      %parallel_loop3A_735 = arith.index_cast %parallel_loop3A_593 : i32 to index
      %parallel_loop3A_736 = arith.constant 176 : index
      %parallel_loop3A_737 = tpu.vector_load %arg8[%parallel_loop3A_735, %parallel_loop3A_736] {strides = array<i32>} : memref<256x256xf32, #tpu.memory_space<vmem>>, vector<16xf32>,
      tpu.vector_store %arg8[%parallel_loop3A_735, %parallel_loop3A_736], %parallel_loop3A_734 {strides = array<i32>} : memref<256x256xf32, #tpu.memory_space<vmem>>, vector<16xf32>,
      %parallel_loop3A_738 = arith.constant 256 : i32
      %parallel_loop3A_739 = arith.muli %parallel_loop3A_591, %parallel_loop3A_738 : i32
      %parallel_loop3A_740 = arith.constant 192 : i32
      %parallel_loop3A_741 = arith.addi %parallel_loop3A_739, %parallel_loop3A_740 : i32
      %parallel_loop3A_742 = arith.constant 1 : i32
      %parallel_loop3A_743 = arith.index_cast %parallel_loop3A_742 : i32 to index
      %parallel_loop3A_744 = arith.index_cast %parallel_loop3A_741 : i32 to index
      %parallel_loop3A_745 = tpu.vector_load %arg7[%parallel_loop3A_743, %parallel_loop3A_744] {strides = array<i32>} : memref<2x16384xi32, #tpu.memory_space<vmem>>, vector<16xi32>,
      %parallel_loop3A_746 = tpu.vector_load_idx %arg6[%parallel_loop3A_745] : memref<512xf32, #tpu.memory_space<vmem>>[vector<16xi32>], vector<16xf32>,
      %parallel_loop3A_747 = arith.index_cast %parallel_loop3A_593 : i32 to index
      %parallel_loop3A_748 = arith.constant 192 : index
      %parallel_loop3A_749 = tpu.vector_load %arg8[%parallel_loop3A_747, %parallel_loop3A_748] {strides = array<i32>} : memref<256x256xf32, #tpu.memory_space<vmem>>, vector<16xf32>,
      tpu.vector_store %arg8[%parallel_loop3A_747, %parallel_loop3A_748], %parallel_loop3A_746 {strides = array<i32>} : memref<256x256xf32, #tpu.memory_space<vmem>>, vector<16xf32>,
      %parallel_loop3A_750 = arith.constant 256 : i32
      %parallel_loop3A_751 = arith.muli %parallel_loop3A_591, %parallel_loop3A_750 : i32
      %parallel_loop3A_752 = arith.constant 208 : i32
      %parallel_loop3A_753 = arith.addi %parallel_loop3A_751, %parallel_loop3A_752 : i32
      %parallel_loop3A_754 = arith.constant 1 : i32
      %parallel_loop3A_755 = arith.index_cast %parallel_loop3A_754 : i32 to index
      %parallel_loop3A_756 = arith.index_cast %parallel_loop3A_753 : i32 to index
      %parallel_loop3A_757 = tpu.vector_load %arg7[%parallel_loop3A_755, %parallel_loop3A_756] {strides = array<i32>} : memref<2x16384xi32, #tpu.memory_space<vmem>>, vector<16xi32>,
      %parallel_loop3A_758 = tpu.vector_load_idx %arg6[%parallel_loop3A_757] : memref<512xf32, #tpu.memory_space<vmem>>[vector<16xi32>], vector<16xf32>,
      %parallel_loop3A_759 = arith.index_cast %parallel_loop3A_593 : i32 to index
      %parallel_loop3A_760 = arith.constant 208 : index
      %parallel_loop3A_761 = tpu.vector_load %arg8[%parallel_loop3A_759, %parallel_loop3A_760] {strides = array<i32>} : memref<256x256xf32, #tpu.memory_space<vmem>>, vector<16xf32>,
      tpu.vector_store %arg8[%parallel_loop3A_759, %parallel_loop3A_760], %parallel_loop3A_758 {strides = array<i32>} : memref<256x256xf32, #tpu.memory_space<vmem>>, vector<16xf32>,
      %parallel_loop3A_762 = arith.constant 256 : i32
      %parallel_loop3A_763 = arith.muli %parallel_loop3A_591, %parallel_loop3A_762 : i32
      %parallel_loop3A_764 = arith.constant 224 : i32
      %parallel_loop3A_765 = arith.addi %parallel_loop3A_763, %parallel_loop3A_764 : i32
      %parallel_loop3A_766 = arith.constant 1 : i32
      %parallel_loop3A_767 = arith.index_cast %parallel_loop3A_766 : i32 to index
      %parallel_loop3A_768 = arith.index_cast %parallel_loop3A_765 : i32 to index
      %parallel_loop3A_769 = tpu.vector_load %arg7[%parallel_loop3A_767, %parallel_loop3A_768] {strides = array<i32>} : memref<2x16384xi32, #tpu.memory_space<vmem>>, vector<16xi32>,
      %parallel_loop3A_770 = tpu.vector_load_idx %arg6[%parallel_loop3A_769] : memref<512xf32, #tpu.memory_space<vmem>>[vector<16xi32>], vector<16xf32>,
      %parallel_loop3A_771 = arith.index_cast %parallel_loop3A_593 : i32 to index
      %parallel_loop3A_772 = arith.constant 224 : index
      %parallel_loop3A_773 = tpu.vector_load %arg8[%parallel_loop3A_771, %parallel_loop3A_772] {strides = array<i32>} : memref<256x256xf32, #tpu.memory_space<vmem>>, vector<16xf32>,
      tpu.vector_store %arg8[%parallel_loop3A_771, %parallel_loop3A_772], %parallel_loop3A_770 {strides = array<i32>} : memref<256x256xf32, #tpu.memory_space<vmem>>, vector<16xf32>,
      %parallel_loop3A_774 = arith.constant 256 : i32
      %parallel_loop3A_775 = arith.muli %parallel_loop3A_591, %parallel_loop3A_774 : i32
      %parallel_loop3A_776 = arith.constant 240 : i32
      %parallel_loop3A_777 = arith.addi %parallel_loop3A_775, %parallel_loop3A_776 : i32
      %parallel_loop3A_778 = arith.constant 1 : i32
      %parallel_loop3A_779 = arith.index_cast %parallel_loop3A_778 : i32 to index
      %parallel_loop3A_780 = arith.index_cast %parallel_loop3A_777 : i32 to index
      %parallel_loop3A_781 = tpu.vector_load %arg7[%parallel_loop3A_779, %parallel_loop3A_780] {strides = array<i32>} : memref<2x16384xi32, #tpu.memory_space<vmem>>, vector<16xi32>,
      %parallel_loop3A_782 = tpu.vector_load_idx %arg6[%parallel_loop3A_781] : memref<512xf32, #tpu.memory_space<vmem>>[vector<16xi32>], vector<16xf32>,
      %parallel_loop3A_783 = arith.index_cast %parallel_loop3A_593 : i32 to index
      %parallel_loop3A_784 = arith.constant 240 : index
      %parallel_loop3A_785 = tpu.vector_load %arg8[%parallel_loop3A_783, %parallel_loop3A_784] {strides = array<i32>} : memref<256x256xf32, #tpu.memory_space<vmem>>, vector<16xf32>,
      tpu.vector_store %arg8[%parallel_loop3A_783, %parallel_loop3A_784], %parallel_loop3A_782 {strides = array<i32>} : memref<256x256xf32, #tpu.memory_space<vmem>>, vector<16xf32>,
    } {sc.loop_unroll_factor = 4 : i64, sc.parallel_access}
    %dma_start3A_454 = arith.constant 64 : i32
    %dma_start3A_455 = arith.constant 0 : i32
    %dma_start3A_456 = tpu.memref_slice %arg8[%dma_start3A_454, %dma_start3A_455] : memref<256x256xf32, #tpu.memory_space<vmem>> -> memref<64x256xf32, #tpu.memory_space<vmem>>
    %dma_start3A_457 = arith.constant 64 : i32
    %dma_start3A_458 = arith.constant 0 : i32
    %dma_start3A_459 = tpu.memref_slice %arg4[%add3A, %dma_start3A_457, %dma_start3A_458] : memref<32x256x256xf32, #tpu.memory_space<hbm>> -> memref<1x64x256xf32, #tpu.memory_space<hbm>>
    %dma_start3A_460 = tpu.memref_squeeze %dma_start3A_459 : memref<1x64x256xf32, #tpu.memory_space<hbm>> -> memref<64x256xf32, #tpu.memory_space<hbm>>
    %dma_start3A_461 = arith.constant 64 : i32
    %dma_start3A_462 = arith.constant 0 : i32
    %dma_start3A_463 = tpu.memref_slice %arg4[%add3A, %dma_start3A_461, %dma_start3A_462] : memref<32x256x256xf32, #tpu.memory_space<hbm>> -> memref<1x64x256xf32, #tpu.memory_space<hbm>>
    %dma_start3A_464 = tpu.memref_squeeze %dma_start3A_463 : memref<1x64x256xf32, #tpu.memory_space<hbm>> -> memref<64x256xf32, #tpu.memory_space<hbm>>
    %dma_start3A_465 = arith.constant 64 : i32
    %dma_start3A_466 = arith.constant 0 : i32
    %dma_start3A_467 = tpu.memref_slice %arg8[%dma_start3A_465, %dma_start3A_466] : memref<256x256xf32, #tpu.memory_space<vmem>> -> memref<64x256xf32, #tpu.memory_space<vmem>>
    tpu.enqueue_dma source(%dma_start3A_467 : memref<64x256xf32, #tpu.memory_space<vmem>>) target(%dma_start3A_464 : memref<64x256xf32, #tpu.memory_space<hbm>>) target_semaphore(%arg9 : memref<!tpu.dma_semaphore, #tpu.memory_space<semaphore_mem>>)
    %dma_wait3A_468 = arith.constant 0 : i32
    %dma_wait3A_469 = arith.constant 0 : i32
    %dma_wait3A_470 = tpu.memref_slice %arg7[%dma_wait3A_468, %dma_wait3A_469] : memref<2x16384xi32, #tpu.memory_space<vmem>> -> memref<1x16384xi32, #tpu.memory_space<vmem>>
    %dma_wait3A_471 = tpu.memref_squeeze %dma_wait3A_470 : memref<1x16384xi32, #tpu.memory_space<vmem>> -> memref<16384xi32, #tpu.memory_space<vmem>>
    %dma_wait3A_472 = arith.constant 32768 : i32
    %dma_wait3A_473 = tpu.memref_slice %arg2[%dma_wait3A_472] : memref<65536xi32, #tpu.memory_space<hbm>> -> memref<16384xi32, #tpu.memory_space<hbm>>
    %dma_wait3A_474 = arith.constant 0 : i32
    %dma_wait3A_475 = tpu.memref_slice %arg7[%dma_wait3A_468, %dma_wait3A_474] : memref<2x16384xi32, #tpu.memory_space<vmem>> -> memref<1x16384xi32, #tpu.memory_space<vmem>>
    %dma_wait3A_476 = tpu.memref_squeeze %dma_wait3A_475 : memref<1x16384xi32, #tpu.memory_space<vmem>> -> memref<16384xi32, #tpu.memory_space<vmem>>
    %dma_wait3A_477 = arith.constant 32768 : i32
    %dma_wait3A_478 = tpu.memref_slice %arg2[%dma_wait3A_477] : memref<65536xi32, #tpu.memory_space<hbm>> -> memref<16384xi32, #tpu.memory_space<hbm>>
    tpu.wait_dma2 semaphore(%arg10 : memref<!tpu.dma_semaphore, #tpu.memory_space<semaphore_mem>>) src(%dma_wait3A_478 : memref<16384xi32, #tpu.memory_space<hbm>>) dst(%dma_wait3A_476 : memref<16384xi32, #tpu.memory_space<vmem>>)
    %dma_start3A_479 = arith.constant 1 : i32
    %dma_start3A_480 = arith.constant 0 : i32
    %dma_start3A_481 = tpu.memref_slice %arg7[%dma_start3A_479, %dma_start3A_480] : memref<2x16384xi32, #tpu.memory_space<vmem>> -> memref<1x16384xi32, #tpu.memory_space<vmem>>
    %dma_start3A_482 = tpu.memref_squeeze %dma_start3A_481 : memref<1x16384xi32, #tpu.memory_space<vmem>> -> memref<16384xi32, #tpu.memory_space<vmem>>
    %dma_start3A_483 = arith.constant 49152 : i32
    %dma_start3A_484 = tpu.memref_slice %arg2[%dma_start3A_483] : memref<65536xi32, #tpu.memory_space<hbm>> -> memref<16384xi32, #tpu.memory_space<hbm>>
    %dma_start3A_485 = arith.constant 0 : i32
    %dma_start3A_486 = tpu.memref_slice %arg7[%dma_start3A_479, %dma_start3A_485] : memref<2x16384xi32, #tpu.memory_space<vmem>> -> memref<1x16384xi32, #tpu.memory_space<vmem>>
    %dma_start3A_487 = tpu.memref_squeeze %dma_start3A_486 : memref<1x16384xi32, #tpu.memory_space<vmem>> -> memref<16384xi32, #tpu.memory_space<vmem>>
    %dma_start3A_488 = arith.constant 49152 : i32
    %dma_start3A_489 = tpu.memref_slice %arg2[%dma_start3A_488] : memref<65536xi32, #tpu.memory_space<hbm>> -> memref<16384xi32, #tpu.memory_space<hbm>>
    tpu.enqueue_dma source(%dma_start3A_489 : memref<16384xi32, #tpu.memory_space<hbm>>) target(%dma_start3A_487 : memref<16384xi32, #tpu.memory_space<vmem>>) target_semaphore(%arg10 : memref<!tpu.dma_semaphore, #tpu.memory_space<semaphore_mem>>)
    %parallel_loop3A_490 = arith.constant 0 : i32
    %parallel_loop3A_491 = arith.constant 64 : i32
    %parallel_loop3A_492 = arith.constant 1 : i32
    scf.for %parallel_loop3A_591 = %parallel_loop3A_490 to %parallel_loop3A_491 step %parallel_loop3A_492  : i32 {
      %parallel_loop3A_592 = arith.constant 128 : i32
      %parallel_loop3A_593 = arith.addi %parallel_loop3A_592, %parallel_loop3A_591 : i32
      %parallel_loop3A_594 = arith.constant 256 : i32
      %parallel_loop3A_595 = arith.muli %parallel_loop3A_591, %parallel_loop3A_594 : i32
      %parallel_loop3A_596 = arith.constant 0 : i32
      %parallel_loop3A_597 = arith.addi %parallel_loop3A_595, %parallel_loop3A_596 : i32
      %parallel_loop3A_598 = arith.constant 0 : i32
      %parallel_loop3A_599 = arith.index_cast %parallel_loop3A_598 : i32 to index
      %parallel_loop3A_600 = arith.index_cast %parallel_loop3A_597 : i32 to index
      %parallel_loop3A_601 = tpu.vector_load %arg7[%parallel_loop3A_599, %parallel_loop3A_600] {strides = array<i32>} : memref<2x16384xi32, #tpu.memory_space<vmem>>, vector<16xi32>,
      %parallel_loop3A_602 = tpu.vector_load_idx %arg6[%parallel_loop3A_601] : memref<512xf32, #tpu.memory_space<vmem>>[vector<16xi32>], vector<16xf32>,
      %parallel_loop3A_603 = arith.index_cast %parallel_loop3A_593 : i32 to index
      %parallel_loop3A_604 = arith.constant 0 : index
      %parallel_loop3A_605 = tpu.vector_load %arg8[%parallel_loop3A_603, %parallel_loop3A_604] {strides = array<i32>} : memref<256x256xf32, #tpu.memory_space<vmem>>, vector<16xf32>,
      tpu.vector_store %arg8[%parallel_loop3A_603, %parallel_loop3A_604], %parallel_loop3A_602 {strides = array<i32>} : memref<256x256xf32, #tpu.memory_space<vmem>>, vector<16xf32>,
      %parallel_loop3A_606 = arith.constant 256 : i32
      %parallel_loop3A_607 = arith.muli %parallel_loop3A_591, %parallel_loop3A_606 : i32
      %parallel_loop3A_608 = arith.constant 16 : i32
      %parallel_loop3A_609 = arith.addi %parallel_loop3A_607, %parallel_loop3A_608 : i32
      %parallel_loop3A_610 = arith.constant 0 : i32
      %parallel_loop3A_611 = arith.index_cast %parallel_loop3A_610 : i32 to index
      %parallel_loop3A_612 = arith.index_cast %parallel_loop3A_609 : i32 to index
      %parallel_loop3A_613 = tpu.vector_load %arg7[%parallel_loop3A_611, %parallel_loop3A_612] {strides = array<i32>} : memref<2x16384xi32, #tpu.memory_space<vmem>>, vector<16xi32>,
      %parallel_loop3A_614 = tpu.vector_load_idx %arg6[%parallel_loop3A_613] : memref<512xf32, #tpu.memory_space<vmem>>[vector<16xi32>], vector<16xf32>,
      %parallel_loop3A_615 = arith.index_cast %parallel_loop3A_593 : i32 to index
      %parallel_loop3A_616 = arith.constant 16 : index
      %parallel_loop3A_617 = tpu.vector_load %arg8[%parallel_loop3A_615, %parallel_loop3A_616] {strides = array<i32>} : memref<256x256xf32, #tpu.memory_space<vmem>>, vector<16xf32>,
      tpu.vector_store %arg8[%parallel_loop3A_615, %parallel_loop3A_616], %parallel_loop3A_614 {strides = array<i32>} : memref<256x256xf32, #tpu.memory_space<vmem>>, vector<16xf32>,
      %parallel_loop3A_618 = arith.constant 256 : i32
      %parallel_loop3A_619 = arith.muli %parallel_loop3A_591, %parallel_loop3A_618 : i32
      %parallel_loop3A_620 = arith.constant 32 : i32
      %parallel_loop3A_621 = arith.addi %parallel_loop3A_619, %parallel_loop3A_620 : i32
      %parallel_loop3A_622 = arith.constant 0 : i32
      %parallel_loop3A_623 = arith.index_cast %parallel_loop3A_622 : i32 to index
      %parallel_loop3A_624 = arith.index_cast %parallel_loop3A_621 : i32 to index
      %parallel_loop3A_625 = tpu.vector_load %arg7[%parallel_loop3A_623, %parallel_loop3A_624] {strides = array<i32>} : memref<2x16384xi32, #tpu.memory_space<vmem>>, vector<16xi32>,
      %parallel_loop3A_626 = tpu.vector_load_idx %arg6[%parallel_loop3A_625] : memref<512xf32, #tpu.memory_space<vmem>>[vector<16xi32>], vector<16xf32>,
      %parallel_loop3A_627 = arith.index_cast %parallel_loop3A_593 : i32 to index
      %parallel_loop3A_628 = arith.constant 32 : index
      %parallel_loop3A_629 = tpu.vector_load %arg8[%parallel_loop3A_627, %parallel_loop3A_628] {strides = array<i32>} : memref<256x256xf32, #tpu.memory_space<vmem>>, vector<16xf32>,
      tpu.vector_store %arg8[%parallel_loop3A_627, %parallel_loop3A_628], %parallel_loop3A_626 {strides = array<i32>} : memref<256x256xf32, #tpu.memory_space<vmem>>, vector<16xf32>,
      %parallel_loop3A_630 = arith.constant 256 : i32
      %parallel_loop3A_631 = arith.muli %parallel_loop3A_591, %parallel_loop3A_630 : i32
      %parallel_loop3A_632 = arith.constant 48 : i32
      %parallel_loop3A_633 = arith.addi %parallel_loop3A_631, %parallel_loop3A_632 : i32
      %parallel_loop3A_634 = arith.constant 0 : i32
      %parallel_loop3A_635 = arith.index_cast %parallel_loop3A_634 : i32 to index
      %parallel_loop3A_636 = arith.index_cast %parallel_loop3A_633 : i32 to index
      %parallel_loop3A_637 = tpu.vector_load %arg7[%parallel_loop3A_635, %parallel_loop3A_636] {strides = array<i32>} : memref<2x16384xi32, #tpu.memory_space<vmem>>, vector<16xi32>,
      %parallel_loop3A_638 = tpu.vector_load_idx %arg6[%parallel_loop3A_637] : memref<512xf32, #tpu.memory_space<vmem>>[vector<16xi32>], vector<16xf32>,
      %parallel_loop3A_639 = arith.index_cast %parallel_loop3A_593 : i32 to index
      %parallel_loop3A_640 = arith.constant 48 : index
      %parallel_loop3A_641 = tpu.vector_load %arg8[%parallel_loop3A_639, %parallel_loop3A_640] {strides = array<i32>} : memref<256x256xf32, #tpu.memory_space<vmem>>, vector<16xf32>,
      tpu.vector_store %arg8[%parallel_loop3A_639, %parallel_loop3A_640], %parallel_loop3A_638 {strides = array<i32>} : memref<256x256xf32, #tpu.memory_space<vmem>>, vector<16xf32>,
      %parallel_loop3A_642 = arith.constant 256 : i32
      %parallel_loop3A_643 = arith.muli %parallel_loop3A_591, %parallel_loop3A_642 : i32
      %parallel_loop3A_644 = arith.constant 64 : i32
      %parallel_loop3A_645 = arith.addi %parallel_loop3A_643, %parallel_loop3A_644 : i32
      %parallel_loop3A_646 = arith.constant 0 : i32
      %parallel_loop3A_647 = arith.index_cast %parallel_loop3A_646 : i32 to index
      %parallel_loop3A_648 = arith.index_cast %parallel_loop3A_645 : i32 to index
      %parallel_loop3A_649 = tpu.vector_load %arg7[%parallel_loop3A_647, %parallel_loop3A_648] {strides = array<i32>} : memref<2x16384xi32, #tpu.memory_space<vmem>>, vector<16xi32>,
      %parallel_loop3A_650 = tpu.vector_load_idx %arg6[%parallel_loop3A_649] : memref<512xf32, #tpu.memory_space<vmem>>[vector<16xi32>], vector<16xf32>,
      %parallel_loop3A_651 = arith.index_cast %parallel_loop3A_593 : i32 to index
      %parallel_loop3A_652 = arith.constant 64 : index
      %parallel_loop3A_653 = tpu.vector_load %arg8[%parallel_loop3A_651, %parallel_loop3A_652] {strides = array<i32>} : memref<256x256xf32, #tpu.memory_space<vmem>>, vector<16xf32>,
      tpu.vector_store %arg8[%parallel_loop3A_651, %parallel_loop3A_652], %parallel_loop3A_650 {strides = array<i32>} : memref<256x256xf32, #tpu.memory_space<vmem>>, vector<16xf32>,
      %parallel_loop3A_654 = arith.constant 256 : i32
      %parallel_loop3A_655 = arith.muli %parallel_loop3A_591, %parallel_loop3A_654 : i32
      %parallel_loop3A_656 = arith.constant 80 : i32
      %parallel_loop3A_657 = arith.addi %parallel_loop3A_655, %parallel_loop3A_656 : i32
      %parallel_loop3A_658 = arith.constant 0 : i32
      %parallel_loop3A_659 = arith.index_cast %parallel_loop3A_658 : i32 to index
      %parallel_loop3A_660 = arith.index_cast %parallel_loop3A_657 : i32 to index
      %parallel_loop3A_661 = tpu.vector_load %arg7[%parallel_loop3A_659, %parallel_loop3A_660] {strides = array<i32>} : memref<2x16384xi32, #tpu.memory_space<vmem>>, vector<16xi32>,
      %parallel_loop3A_662 = tpu.vector_load_idx %arg6[%parallel_loop3A_661] : memref<512xf32, #tpu.memory_space<vmem>>[vector<16xi32>], vector<16xf32>,
      %parallel_loop3A_663 = arith.index_cast %parallel_loop3A_593 : i32 to index
      %parallel_loop3A_664 = arith.constant 80 : index
      %parallel_loop3A_665 = tpu.vector_load %arg8[%parallel_loop3A_663, %parallel_loop3A_664] {strides = array<i32>} : memref<256x256xf32, #tpu.memory_space<vmem>>, vector<16xf32>,
      tpu.vector_store %arg8[%parallel_loop3A_663, %parallel_loop3A_664], %parallel_loop3A_662 {strides = array<i32>} : memref<256x256xf32, #tpu.memory_space<vmem>>, vector<16xf32>,
      %parallel_loop3A_666 = arith.constant 256 : i32
      %parallel_loop3A_667 = arith.muli %parallel_loop3A_591, %parallel_loop3A_666 : i32
      %parallel_loop3A_668 = arith.constant 96 : i32
      %parallel_loop3A_669 = arith.addi %parallel_loop3A_667, %parallel_loop3A_668 : i32
      %parallel_loop3A_670 = arith.constant 0 : i32
      %parallel_loop3A_671 = arith.index_cast %parallel_loop3A_670 : i32 to index
      %parallel_loop3A_672 = arith.index_cast %parallel_loop3A_669 : i32 to index
      %parallel_loop3A_673 = tpu.vector_load %arg7[%parallel_loop3A_671, %parallel_loop3A_672] {strides = array<i32>} : memref<2x16384xi32, #tpu.memory_space<vmem>>, vector<16xi32>,
      %parallel_loop3A_674 = tpu.vector_load_idx %arg6[%parallel_loop3A_673] : memref<512xf32, #tpu.memory_space<vmem>>[vector<16xi32>], vector<16xf32>,
      %parallel_loop3A_675 = arith.index_cast %parallel_loop3A_593 : i32 to index
      %parallel_loop3A_676 = arith.constant 96 : index
      %parallel_loop3A_677 = tpu.vector_load %arg8[%parallel_loop3A_675, %parallel_loop3A_676] {strides = array<i32>} : memref<256x256xf32, #tpu.memory_space<vmem>>, vector<16xf32>,
      tpu.vector_store %arg8[%parallel_loop3A_675, %parallel_loop3A_676], %parallel_loop3A_674 {strides = array<i32>} : memref<256x256xf32, #tpu.memory_space<vmem>>, vector<16xf32>,
      %parallel_loop3A_678 = arith.constant 256 : i32
      %parallel_loop3A_679 = arith.muli %parallel_loop3A_591, %parallel_loop3A_678 : i32
      %parallel_loop3A_680 = arith.constant 112 : i32
      %parallel_loop3A_681 = arith.addi %parallel_loop3A_679, %parallel_loop3A_680 : i32
      %parallel_loop3A_682 = arith.constant 0 : i32
      %parallel_loop3A_683 = arith.index_cast %parallel_loop3A_682 : i32 to index
      %parallel_loop3A_684 = arith.index_cast %parallel_loop3A_681 : i32 to index
      %parallel_loop3A_685 = tpu.vector_load %arg7[%parallel_loop3A_683, %parallel_loop3A_684] {strides = array<i32>} : memref<2x16384xi32, #tpu.memory_space<vmem>>, vector<16xi32>,
      %parallel_loop3A_686 = tpu.vector_load_idx %arg6[%parallel_loop3A_685] : memref<512xf32, #tpu.memory_space<vmem>>[vector<16xi32>], vector<16xf32>,
      %parallel_loop3A_687 = arith.index_cast %parallel_loop3A_593 : i32 to index
      %parallel_loop3A_688 = arith.constant 112 : index
      %parallel_loop3A_689 = tpu.vector_load %arg8[%parallel_loop3A_687, %parallel_loop3A_688] {strides = array<i32>} : memref<256x256xf32, #tpu.memory_space<vmem>>, vector<16xf32>,
      tpu.vector_store %arg8[%parallel_loop3A_687, %parallel_loop3A_688], %parallel_loop3A_686 {strides = array<i32>} : memref<256x256xf32, #tpu.memory_space<vmem>>, vector<16xf32>,
      %parallel_loop3A_690 = arith.constant 256 : i32
      %parallel_loop3A_691 = arith.muli %parallel_loop3A_591, %parallel_loop3A_690 : i32
      %parallel_loop3A_692 = arith.constant 128 : i32
      %parallel_loop3A_693 = arith.addi %parallel_loop3A_691, %parallel_loop3A_692 : i32
      %parallel_loop3A_694 = arith.constant 0 : i32
      %parallel_loop3A_695 = arith.index_cast %parallel_loop3A_694 : i32 to index
      %parallel_loop3A_696 = arith.index_cast %parallel_loop3A_693 : i32 to index
      %parallel_loop3A_697 = tpu.vector_load %arg7[%parallel_loop3A_695, %parallel_loop3A_696] {strides = array<i32>} : memref<2x16384xi32, #tpu.memory_space<vmem>>, vector<16xi32>,
      %parallel_loop3A_698 = tpu.vector_load_idx %arg6[%parallel_loop3A_697] : memref<512xf32, #tpu.memory_space<vmem>>[vector<16xi32>], vector<16xf32>,
      %parallel_loop3A_699 = arith.index_cast %parallel_loop3A_593 : i32 to index
      %parallel_loop3A_700 = arith.constant 128 : index
      %parallel_loop3A_701 = tpu.vector_load %arg8[%parallel_loop3A_699, %parallel_loop3A_700] {strides = array<i32>} : memref<256x256xf32, #tpu.memory_space<vmem>>, vector<16xf32>,
      tpu.vector_store %arg8[%parallel_loop3A_699, %parallel_loop3A_700], %parallel_loop3A_698 {strides = array<i32>} : memref<256x256xf32, #tpu.memory_space<vmem>>, vector<16xf32>,
      %parallel_loop3A_702 = arith.constant 256 : i32
      %parallel_loop3A_703 = arith.muli %parallel_loop3A_591, %parallel_loop3A_702 : i32
      %parallel_loop3A_704 = arith.constant 144 : i32
      %parallel_loop3A_705 = arith.addi %parallel_loop3A_703, %parallel_loop3A_704 : i32
      %parallel_loop3A_706 = arith.constant 0 : i32
      %parallel_loop3A_707 = arith.index_cast %parallel_loop3A_706 : i32 to index
      %parallel_loop3A_708 = arith.index_cast %parallel_loop3A_705 : i32 to index
      %parallel_loop3A_709 = tpu.vector_load %arg7[%parallel_loop3A_707, %parallel_loop3A_708] {strides = array<i32>} : memref<2x16384xi32, #tpu.memory_space<vmem>>, vector<16xi32>,
      %parallel_loop3A_710 = tpu.vector_load_idx %arg6[%parallel_loop3A_709] : memref<512xf32, #tpu.memory_space<vmem>>[vector<16xi32>], vector<16xf32>,
      %parallel_loop3A_711 = arith.index_cast %parallel_loop3A_593 : i32 to index
      %parallel_loop3A_712 = arith.constant 144 : index
      %parallel_loop3A_713 = tpu.vector_load %arg8[%parallel_loop3A_711, %parallel_loop3A_712] {strides = array<i32>} : memref<256x256xf32, #tpu.memory_space<vmem>>, vector<16xf32>,
      tpu.vector_store %arg8[%parallel_loop3A_711, %parallel_loop3A_712], %parallel_loop3A_710 {strides = array<i32>} : memref<256x256xf32, #tpu.memory_space<vmem>>, vector<16xf32>,
      %parallel_loop3A_714 = arith.constant 256 : i32
      %parallel_loop3A_715 = arith.muli %parallel_loop3A_591, %parallel_loop3A_714 : i32
      %parallel_loop3A_716 = arith.constant 160 : i32
      %parallel_loop3A_717 = arith.addi %parallel_loop3A_715, %parallel_loop3A_716 : i32
      %parallel_loop3A_718 = arith.constant 0 : i32
      %parallel_loop3A_719 = arith.index_cast %parallel_loop3A_718 : i32 to index
      %parallel_loop3A_720 = arith.index_cast %parallel_loop3A_717 : i32 to index
      %parallel_loop3A_721 = tpu.vector_load %arg7[%parallel_loop3A_719, %parallel_loop3A_720] {strides = array<i32>} : memref<2x16384xi32, #tpu.memory_space<vmem>>, vector<16xi32>,
      %parallel_loop3A_722 = tpu.vector_load_idx %arg6[%parallel_loop3A_721] : memref<512xf32, #tpu.memory_space<vmem>>[vector<16xi32>], vector<16xf32>,
      %parallel_loop3A_723 = arith.index_cast %parallel_loop3A_593 : i32 to index
      %parallel_loop3A_724 = arith.constant 160 : index
      %parallel_loop3A_725 = tpu.vector_load %arg8[%parallel_loop3A_723, %parallel_loop3A_724] {strides = array<i32>} : memref<256x256xf32, #tpu.memory_space<vmem>>, vector<16xf32>,
      tpu.vector_store %arg8[%parallel_loop3A_723, %parallel_loop3A_724], %parallel_loop3A_722 {strides = array<i32>} : memref<256x256xf32, #tpu.memory_space<vmem>>, vector<16xf32>,
      %parallel_loop3A_726 = arith.constant 256 : i32
      %parallel_loop3A_727 = arith.muli %parallel_loop3A_591, %parallel_loop3A_726 : i32
      %parallel_loop3A_728 = arith.constant 176 : i32
      %parallel_loop3A_729 = arith.addi %parallel_loop3A_727, %parallel_loop3A_728 : i32
      %parallel_loop3A_730 = arith.constant 0 : i32
      %parallel_loop3A_731 = arith.index_cast %parallel_loop3A_730 : i32 to index
      %parallel_loop3A_732 = arith.index_cast %parallel_loop3A_729 : i32 to index
      %parallel_loop3A_733 = tpu.vector_load %arg7[%parallel_loop3A_731, %parallel_loop3A_732] {strides = array<i32>} : memref<2x16384xi32, #tpu.memory_space<vmem>>, vector<16xi32>,
      %parallel_loop3A_734 = tpu.vector_load_idx %arg6[%parallel_loop3A_733] : memref<512xf32, #tpu.memory_space<vmem>>[vector<16xi32>], vector<16xf32>,
      %parallel_loop3A_735 = arith.index_cast %parallel_loop3A_593 : i32 to index
      %parallel_loop3A_736 = arith.constant 176 : index
      %parallel_loop3A_737 = tpu.vector_load %arg8[%parallel_loop3A_735, %parallel_loop3A_736] {strides = array<i32>} : memref<256x256xf32, #tpu.memory_space<vmem>>, vector<16xf32>,
      tpu.vector_store %arg8[%parallel_loop3A_735, %parallel_loop3A_736], %parallel_loop3A_734 {strides = array<i32>} : memref<256x256xf32, #tpu.memory_space<vmem>>, vector<16xf32>,
      %parallel_loop3A_738 = arith.constant 256 : i32
      %parallel_loop3A_739 = arith.muli %parallel_loop3A_591, %parallel_loop3A_738 : i32
      %parallel_loop3A_740 = arith.constant 192 : i32
      %parallel_loop3A_741 = arith.addi %parallel_loop3A_739, %parallel_loop3A_740 : i32
      %parallel_loop3A_742 = arith.constant 0 : i32
      %parallel_loop3A_743 = arith.index_cast %parallel_loop3A_742 : i32 to index
      %parallel_loop3A_744 = arith.index_cast %parallel_loop3A_741 : i32 to index
      %parallel_loop3A_745 = tpu.vector_load %arg7[%parallel_loop3A_743, %parallel_loop3A_744] {strides = array<i32>} : memref<2x16384xi32, #tpu.memory_space<vmem>>, vector<16xi32>,
      %parallel_loop3A_746 = tpu.vector_load_idx %arg6[%parallel_loop3A_745] : memref<512xf32, #tpu.memory_space<vmem>>[vector<16xi32>], vector<16xf32>,
      %parallel_loop3A_747 = arith.index_cast %parallel_loop3A_593 : i32 to index
      %parallel_loop3A_748 = arith.constant 192 : index
      %parallel_loop3A_749 = tpu.vector_load %arg8[%parallel_loop3A_747, %parallel_loop3A_748] {strides = array<i32>} : memref<256x256xf32, #tpu.memory_space<vmem>>, vector<16xf32>,
      tpu.vector_store %arg8[%parallel_loop3A_747, %parallel_loop3A_748], %parallel_loop3A_746 {strides = array<i32>} : memref<256x256xf32, #tpu.memory_space<vmem>>, vector<16xf32>,
      %parallel_loop3A_750 = arith.constant 256 : i32
      %parallel_loop3A_751 = arith.muli %parallel_loop3A_591, %parallel_loop3A_750 : i32
      %parallel_loop3A_752 = arith.constant 208 : i32
      %parallel_loop3A_753 = arith.addi %parallel_loop3A_751, %parallel_loop3A_752 : i32
      %parallel_loop3A_754 = arith.constant 0 : i32
      %parallel_loop3A_755 = arith.index_cast %parallel_loop3A_754 : i32 to index
      %parallel_loop3A_756 = arith.index_cast %parallel_loop3A_753 : i32 to index
      %parallel_loop3A_757 = tpu.vector_load %arg7[%parallel_loop3A_755, %parallel_loop3A_756] {strides = array<i32>} : memref<2x16384xi32, #tpu.memory_space<vmem>>, vector<16xi32>,
      %parallel_loop3A_758 = tpu.vector_load_idx %arg6[%parallel_loop3A_757] : memref<512xf32, #tpu.memory_space<vmem>>[vector<16xi32>], vector<16xf32>,
      %parallel_loop3A_759 = arith.index_cast %parallel_loop3A_593 : i32 to index
      %parallel_loop3A_760 = arith.constant 208 : index
      %parallel_loop3A_761 = tpu.vector_load %arg8[%parallel_loop3A_759, %parallel_loop3A_760] {strides = array<i32>} : memref<256x256xf32, #tpu.memory_space<vmem>>, vector<16xf32>,
      tpu.vector_store %arg8[%parallel_loop3A_759, %parallel_loop3A_760], %parallel_loop3A_758 {strides = array<i32>} : memref<256x256xf32, #tpu.memory_space<vmem>>, vector<16xf32>,
      %parallel_loop3A_762 = arith.constant 256 : i32
      %parallel_loop3A_763 = arith.muli %parallel_loop3A_591, %parallel_loop3A_762 : i32
      %parallel_loop3A_764 = arith.constant 224 : i32
      %parallel_loop3A_765 = arith.addi %parallel_loop3A_763, %parallel_loop3A_764 : i32
      %parallel_loop3A_766 = arith.constant 0 : i32
      %parallel_loop3A_767 = arith.index_cast %parallel_loop3A_766 : i32 to index
      %parallel_loop3A_768 = arith.index_cast %parallel_loop3A_765 : i32 to index
      %parallel_loop3A_769 = tpu.vector_load %arg7[%parallel_loop3A_767, %parallel_loop3A_768] {strides = array<i32>} : memref<2x16384xi32, #tpu.memory_space<vmem>>, vector<16xi32>,
      %parallel_loop3A_770 = tpu.vector_load_idx %arg6[%parallel_loop3A_769] : memref<512xf32, #tpu.memory_space<vmem>>[vector<16xi32>], vector<16xf32>,
      %parallel_loop3A_771 = arith.index_cast %parallel_loop3A_593 : i32 to index
      %parallel_loop3A_772 = arith.constant 224 : index
      %parallel_loop3A_773 = tpu.vector_load %arg8[%parallel_loop3A_771, %parallel_loop3A_772] {strides = array<i32>} : memref<256x256xf32, #tpu.memory_space<vmem>>, vector<16xf32>,
      tpu.vector_store %arg8[%parallel_loop3A_771, %parallel_loop3A_772], %parallel_loop3A_770 {strides = array<i32>} : memref<256x256xf32, #tpu.memory_space<vmem>>, vector<16xf32>,
      %parallel_loop3A_774 = arith.constant 256 : i32
      %parallel_loop3A_775 = arith.muli %parallel_loop3A_591, %parallel_loop3A_774 : i32
      %parallel_loop3A_776 = arith.constant 240 : i32
      %parallel_loop3A_777 = arith.addi %parallel_loop3A_775, %parallel_loop3A_776 : i32
      %parallel_loop3A_778 = arith.constant 0 : i32
      %parallel_loop3A_779 = arith.index_cast %parallel_loop3A_778 : i32 to index
      %parallel_loop3A_780 = arith.index_cast %parallel_loop3A_777 : i32 to index
      %parallel_loop3A_781 = tpu.vector_load %arg7[%parallel_loop3A_779, %parallel_loop3A_780] {strides = array<i32>} : memref<2x16384xi32, #tpu.memory_space<vmem>>, vector<16xi32>,
      %parallel_loop3A_782 = tpu.vector_load_idx %arg6[%parallel_loop3A_781] : memref<512xf32, #tpu.memory_space<vmem>>[vector<16xi32>], vector<16xf32>,
      %parallel_loop3A_783 = arith.index_cast %parallel_loop3A_593 : i32 to index
      %parallel_loop3A_784 = arith.constant 240 : index
      %parallel_loop3A_785 = tpu.vector_load %arg8[%parallel_loop3A_783, %parallel_loop3A_784] {strides = array<i32>} : memref<256x256xf32, #tpu.memory_space<vmem>>, vector<16xf32>,
      tpu.vector_store %arg8[%parallel_loop3A_783, %parallel_loop3A_784], %parallel_loop3A_782 {strides = array<i32>} : memref<256x256xf32, #tpu.memory_space<vmem>>, vector<16xf32>,
    } {sc.loop_unroll_factor = 4 : i64, sc.parallel_access}
    %dma_wait3A_493 = arith.constant 0 : i32
    %dma_wait3A_494 = arith.constant 0 : i32
    %dma_wait3A_495 = tpu.memref_slice %arg8[%dma_wait3A_493, %dma_wait3A_494] : memref<256x256xf32, #tpu.memory_space<vmem>> -> memref<64x256xf32, #tpu.memory_space<vmem>>
    %dma_wait3A_496 = arith.constant 0 : i32
    %dma_wait3A_497 = arith.constant 0 : i32
    %dma_wait3A_498 = tpu.memref_slice %arg4[%add3A, %dma_wait3A_496, %dma_wait3A_497] : memref<32x256x256xf32, #tpu.memory_space<hbm>> -> memref<1x64x256xf32, #tpu.memory_space<hbm>>
    %dma_wait3A_499 = tpu.memref_squeeze %dma_wait3A_498 : memref<1x64x256xf32, #tpu.memory_space<hbm>> -> memref<64x256xf32, #tpu.memory_space<hbm>>
    %dma_wait3A_500 = arith.constant 0 : i32
    %dma_wait3A_501 = arith.constant 0 : i32
    %dma_wait3A_502 = tpu.memref_slice %arg4[%add3A, %dma_wait3A_500, %dma_wait3A_501] : memref<32x256x256xf32, #tpu.memory_space<hbm>> -> memref<1x64x256xf32, #tpu.memory_space<hbm>>
    %dma_wait3A_503 = tpu.memref_squeeze %dma_wait3A_502 : memref<1x64x256xf32, #tpu.memory_space<hbm>> -> memref<64x256xf32, #tpu.memory_space<hbm>>
    %dma_wait3A_504 = arith.constant 0 : i32
    %dma_wait3A_505 = arith.constant 0 : i32
    %dma_wait3A_506 = tpu.memref_slice %arg8[%dma_wait3A_504, %dma_wait3A_505] : memref<256x256xf32, #tpu.memory_space<vmem>> -> memref<64x256xf32, #tpu.memory_space<vmem>>
    tpu.wait_dma2 semaphore(%arg9 : memref<!tpu.dma_semaphore, #tpu.memory_space<semaphore_mem>>) src(%dma_wait3A_506 : memref<64x256xf32, #tpu.memory_space<vmem>>) dst(%dma_wait3A_503 : memref<64x256xf32, #tpu.memory_space<hbm>>)
    %dma_start3A_507 = arith.constant 128 : i32
    %dma_start3A_508 = arith.constant 0 : i32
    %dma_start3A_509 = tpu.memref_slice %arg8[%dma_start3A_507, %dma_start3A_508] : memref<256x256xf32, #tpu.memory_space<vmem>> -> memref<64x256xf32, #tpu.memory_space<vmem>>
    %dma_start3A_510 = arith.constant 128 : i32
    %dma_start3A_511 = arith.constant 0 : i32
    %dma_start3A_512 = tpu.memref_slice %arg4[%add3A, %dma_start3A_510, %dma_start3A_511] : memref<32x256x256xf32, #tpu.memory_space<hbm>> -> memref<1x64x256xf32, #tpu.memory_space<hbm>>
    %dma_start3A_513 = tpu.memref_squeeze %dma_start3A_512 : memref<1x64x256xf32, #tpu.memory_space<hbm>> -> memref<64x256xf32, #tpu.memory_space<hbm>>
    %dma_start3A_514 = arith.constant 128 : i32
    %dma_start3A_515 = arith.constant 0 : i32
    %dma_start3A_516 = tpu.memref_slice %arg4[%add3A, %dma_start3A_514, %dma_start3A_515] : memref<32x256x256xf32, #tpu.memory_space<hbm>> -> memref<1x64x256xf32, #tpu.memory_space<hbm>>
    %dma_start3A_517 = tpu.memref_squeeze %dma_start3A_516 : memref<1x64x256xf32, #tpu.memory_space<hbm>> -> memref<64x256xf32, #tpu.memory_space<hbm>>
    %dma_start3A_518 = arith.constant 128 : i32
    %dma_start3A_519 = arith.constant 0 : i32
    %dma_start3A_520 = tpu.memref_slice %arg8[%dma_start3A_518, %dma_start3A_519] : memref<256x256xf32, #tpu.memory_space<vmem>> -> memref<64x256xf32, #tpu.memory_space<vmem>>
    tpu.enqueue_dma source(%dma_start3A_520 : memref<64x256xf32, #tpu.memory_space<vmem>>) target(%dma_start3A_517 : memref<64x256xf32, #tpu.memory_space<hbm>>) target_semaphore(%arg9 : memref<!tpu.dma_semaphore, #tpu.memory_space<semaphore_mem>>)
    %dma_wait3A_521 = arith.constant 1 : i32
    %dma_wait3A_522 = arith.constant 0 : i32
    %dma_wait3A_523 = tpu.memref_slice %arg7[%dma_wait3A_521, %dma_wait3A_522] : memref<2x16384xi32, #tpu.memory_space<vmem>> -> memref<1x16384xi32, #tpu.memory_space<vmem>>
    %dma_wait3A_524 = tpu.memref_squeeze %dma_wait3A_523 : memref<1x16384xi32, #tpu.memory_space<vmem>> -> memref<16384xi32, #tpu.memory_space<vmem>>
    %dma_wait3A_525 = arith.constant 49152 : i32
    %dma_wait3A_526 = tpu.memref_slice %arg2[%dma_wait3A_525] : memref<65536xi32, #tpu.memory_space<hbm>> -> memref<16384xi32, #tpu.memory_space<hbm>>
    %dma_wait3A_527 = arith.constant 0 : i32
    %dma_wait3A_528 = tpu.memref_slice %arg7[%dma_wait3A_521, %dma_wait3A_527] : memref<2x16384xi32, #tpu.memory_space<vmem>> -> memref<1x16384xi32, #tpu.memory_space<vmem>>
    %dma_wait3A_529 = tpu.memref_squeeze %dma_wait3A_528 : memref<1x16384xi32, #tpu.memory_space<vmem>> -> memref<16384xi32, #tpu.memory_space<vmem>>
    %dma_wait3A_530 = arith.constant 49152 : i32
    %dma_wait3A_531 = tpu.memref_slice %arg2[%dma_wait3A_530] : memref<65536xi32, #tpu.memory_space<hbm>> -> memref<16384xi32, #tpu.memory_space<hbm>>
    tpu.wait_dma2 semaphore(%arg10 : memref<!tpu.dma_semaphore, #tpu.memory_space<semaphore_mem>>) src(%dma_wait3A_531 : memref<16384xi32, #tpu.memory_space<hbm>>) dst(%dma_wait3A_529 : memref<16384xi32, #tpu.memory_space<vmem>>)
    %parallel_loop3A_532 = arith.constant 0 : i32
    %parallel_loop3A_533 = arith.constant 64 : i32
    %parallel_loop3A_534 = arith.constant 1 : i32
    scf.for %parallel_loop3A_591 = %parallel_loop3A_532 to %parallel_loop3A_533 step %parallel_loop3A_534  : i32 {
      %parallel_loop3A_592 = arith.constant 192 : i32
      %parallel_loop3A_593 = arith.addi %parallel_loop3A_592, %parallel_loop3A_591 : i32
      %parallel_loop3A_594 = arith.constant 256 : i32
      %parallel_loop3A_595 = arith.muli %parallel_loop3A_591, %parallel_loop3A_594 : i32
      %parallel_loop3A_596 = arith.constant 0 : i32
      %parallel_loop3A_597 = arith.addi %parallel_loop3A_595, %parallel_loop3A_596 : i32
      %parallel_loop3A_598 = arith.constant 1 : i32
      %parallel_loop3A_599 = arith.index_cast %parallel_loop3A_598 : i32 to index
      %parallel_loop3A_600 = arith.index_cast %parallel_loop3A_597 : i32 to index
      %parallel_loop3A_601 = tpu.vector_load %arg7[%parallel_loop3A_599, %parallel_loop3A_600] {strides = array<i32>} : memref<2x16384xi32, #tpu.memory_space<vmem>>, vector<16xi32>,
      %parallel_loop3A_602 = tpu.vector_load_idx %arg6[%parallel_loop3A_601] : memref<512xf32, #tpu.memory_space<vmem>>[vector<16xi32>], vector<16xf32>,
      %parallel_loop3A_603 = arith.index_cast %parallel_loop3A_593 : i32 to index
      %parallel_loop3A_604 = arith.constant 0 : index
      %parallel_loop3A_605 = tpu.vector_load %arg8[%parallel_loop3A_603, %parallel_loop3A_604] {strides = array<i32>} : memref<256x256xf32, #tpu.memory_space<vmem>>, vector<16xf32>,
      tpu.vector_store %arg8[%parallel_loop3A_603, %parallel_loop3A_604], %parallel_loop3A_602 {strides = array<i32>} : memref<256x256xf32, #tpu.memory_space<vmem>>, vector<16xf32>,
      %parallel_loop3A_606 = arith.constant 256 : i32
      %parallel_loop3A_607 = arith.muli %parallel_loop3A_591, %parallel_loop3A_606 : i32
      %parallel_loop3A_608 = arith.constant 16 : i32
      %parallel_loop3A_609 = arith.addi %parallel_loop3A_607, %parallel_loop3A_608 : i32
      %parallel_loop3A_610 = arith.constant 1 : i32
      %parallel_loop3A_611 = arith.index_cast %parallel_loop3A_610 : i32 to index
      %parallel_loop3A_612 = arith.index_cast %parallel_loop3A_609 : i32 to index
      %parallel_loop3A_613 = tpu.vector_load %arg7[%parallel_loop3A_611, %parallel_loop3A_612] {strides = array<i32>} : memref<2x16384xi32, #tpu.memory_space<vmem>>, vector<16xi32>,
      %parallel_loop3A_614 = tpu.vector_load_idx %arg6[%parallel_loop3A_613] : memref<512xf32, #tpu.memory_space<vmem>>[vector<16xi32>], vector<16xf32>,
      %parallel_loop3A_615 = arith.index_cast %parallel_loop3A_593 : i32 to index
      %parallel_loop3A_616 = arith.constant 16 : index
      %parallel_loop3A_617 = tpu.vector_load %arg8[%parallel_loop3A_615, %parallel_loop3A_616] {strides = array<i32>} : memref<256x256xf32, #tpu.memory_space<vmem>>, vector<16xf32>,
      tpu.vector_store %arg8[%parallel_loop3A_615, %parallel_loop3A_616], %parallel_loop3A_614 {strides = array<i32>} : memref<256x256xf32, #tpu.memory_space<vmem>>, vector<16xf32>,
      %parallel_loop3A_618 = arith.constant 256 : i32
      %parallel_loop3A_619 = arith.muli %parallel_loop3A_591, %parallel_loop3A_618 : i32
      %parallel_loop3A_620 = arith.constant 32 : i32
      %parallel_loop3A_621 = arith.addi %parallel_loop3A_619, %parallel_loop3A_620 : i32
      %parallel_loop3A_622 = arith.constant 1 : i32
      %parallel_loop3A_623 = arith.index_cast %parallel_loop3A_622 : i32 to index
      %parallel_loop3A_624 = arith.index_cast %parallel_loop3A_621 : i32 to index
      %parallel_loop3A_625 = tpu.vector_load %arg7[%parallel_loop3A_623, %parallel_loop3A_624] {strides = array<i32>} : memref<2x16384xi32, #tpu.memory_space<vmem>>, vector<16xi32>,
      %parallel_loop3A_626 = tpu.vector_load_idx %arg6[%parallel_loop3A_625] : memref<512xf32, #tpu.memory_space<vmem>>[vector<16xi32>], vector<16xf32>,
      %parallel_loop3A_627 = arith.index_cast %parallel_loop3A_593 : i32 to index
      %parallel_loop3A_628 = arith.constant 32 : index
      %parallel_loop3A_629 = tpu.vector_load %arg8[%parallel_loop3A_627, %parallel_loop3A_628] {strides = array<i32>} : memref<256x256xf32, #tpu.memory_space<vmem>>, vector<16xf32>,
      tpu.vector_store %arg8[%parallel_loop3A_627, %parallel_loop3A_628], %parallel_loop3A_626 {strides = array<i32>} : memref<256x256xf32, #tpu.memory_space<vmem>>, vector<16xf32>,
      %parallel_loop3A_630 = arith.constant 256 : i32
      %parallel_loop3A_631 = arith.muli %parallel_loop3A_591, %parallel_loop3A_630 : i32
      %parallel_loop3A_632 = arith.constant 48 : i32
      %parallel_loop3A_633 = arith.addi %parallel_loop3A_631, %parallel_loop3A_632 : i32
      %parallel_loop3A_634 = arith.constant 1 : i32
      %parallel_loop3A_635 = arith.index_cast %parallel_loop3A_634 : i32 to index
      %parallel_loop3A_636 = arith.index_cast %parallel_loop3A_633 : i32 to index
      %parallel_loop3A_637 = tpu.vector_load %arg7[%parallel_loop3A_635, %parallel_loop3A_636] {strides = array<i32>} : memref<2x16384xi32, #tpu.memory_space<vmem>>, vector<16xi32>,
      %parallel_loop3A_638 = tpu.vector_load_idx %arg6[%parallel_loop3A_637] : memref<512xf32, #tpu.memory_space<vmem>>[vector<16xi32>], vector<16xf32>,
      %parallel_loop3A_639 = arith.index_cast %parallel_loop3A_593 : i32 to index
      %parallel_loop3A_640 = arith.constant 48 : index
      %parallel_loop3A_641 = tpu.vector_load %arg8[%parallel_loop3A_639, %parallel_loop3A_640] {strides = array<i32>} : memref<256x256xf32, #tpu.memory_space<vmem>>, vector<16xf32>,
      tpu.vector_store %arg8[%parallel_loop3A_639, %parallel_loop3A_640], %parallel_loop3A_638 {strides = array<i32>} : memref<256x256xf32, #tpu.memory_space<vmem>>, vector<16xf32>,
      %parallel_loop3A_642 = arith.constant 256 : i32
      %parallel_loop3A_643 = arith.muli %parallel_loop3A_591, %parallel_loop3A_642 : i32
      %parallel_loop3A_644 = arith.constant 64 : i32
      %parallel_loop3A_645 = arith.addi %parallel_loop3A_643, %parallel_loop3A_644 : i32
      %parallel_loop3A_646 = arith.constant 1 : i32
      %parallel_loop3A_647 = arith.index_cast %parallel_loop3A_646 : i32 to index
      %parallel_loop3A_648 = arith.index_cast %parallel_loop3A_645 : i32 to index
      %parallel_loop3A_649 = tpu.vector_load %arg7[%parallel_loop3A_647, %parallel_loop3A_648] {strides = array<i32>} : memref<2x16384xi32, #tpu.memory_space<vmem>>, vector<16xi32>,
      %parallel_loop3A_650 = tpu.vector_load_idx %arg6[%parallel_loop3A_649] : memref<512xf32, #tpu.memory_space<vmem>>[vector<16xi32>], vector<16xf32>,
      %parallel_loop3A_651 = arith.index_cast %parallel_loop3A_593 : i32 to index
      %parallel_loop3A_652 = arith.constant 64 : index
      %parallel_loop3A_653 = tpu.vector_load %arg8[%parallel_loop3A_651, %parallel_loop3A_652] {strides = array<i32>} : memref<256x256xf32, #tpu.memory_space<vmem>>, vector<16xf32>,
      tpu.vector_store %arg8[%parallel_loop3A_651, %parallel_loop3A_652], %parallel_loop3A_650 {strides = array<i32>} : memref<256x256xf32, #tpu.memory_space<vmem>>, vector<16xf32>,
      %parallel_loop3A_654 = arith.constant 256 : i32
      %parallel_loop3A_655 = arith.muli %parallel_loop3A_591, %parallel_loop3A_654 : i32
      %parallel_loop3A_656 = arith.constant 80 : i32
      %parallel_loop3A_657 = arith.addi %parallel_loop3A_655, %parallel_loop3A_656 : i32
      %parallel_loop3A_658 = arith.constant 1 : i32
      %parallel_loop3A_659 = arith.index_cast %parallel_loop3A_658 : i32 to index
      %parallel_loop3A_660 = arith.index_cast %parallel_loop3A_657 : i32 to index
      %parallel_loop3A_661 = tpu.vector_load %arg7[%parallel_loop3A_659, %parallel_loop3A_660] {strides = array<i32>} : memref<2x16384xi32, #tpu.memory_space<vmem>>, vector<16xi32>,
      %parallel_loop3A_662 = tpu.vector_load_idx %arg6[%parallel_loop3A_661] : memref<512xf32, #tpu.memory_space<vmem>>[vector<16xi32>], vector<16xf32>,
      %parallel_loop3A_663 = arith.index_cast %parallel_loop3A_593 : i32 to index
      %parallel_loop3A_664 = arith.constant 80 : index
      %parallel_loop3A_665 = tpu.vector_load %arg8[%parallel_loop3A_663, %parallel_loop3A_664] {strides = array<i32>} : memref<256x256xf32, #tpu.memory_space<vmem>>, vector<16xf32>,
      tpu.vector_store %arg8[%parallel_loop3A_663, %parallel_loop3A_664], %parallel_loop3A_662 {strides = array<i32>} : memref<256x256xf32, #tpu.memory_space<vmem>>, vector<16xf32>,
      %parallel_loop3A_666 = arith.constant 256 : i32
      %parallel_loop3A_667 = arith.muli %parallel_loop3A_591, %parallel_loop3A_666 : i32
      %parallel_loop3A_668 = arith.constant 96 : i32
      %parallel_loop3A_669 = arith.addi %parallel_loop3A_667, %parallel_loop3A_668 : i32
      %parallel_loop3A_670 = arith.constant 1 : i32
      %parallel_loop3A_671 = arith.index_cast %parallel_loop3A_670 : i32 to index
      %parallel_loop3A_672 = arith.index_cast %parallel_loop3A_669 : i32 to index
      %parallel_loop3A_673 = tpu.vector_load %arg7[%parallel_loop3A_671, %parallel_loop3A_672] {strides = array<i32>} : memref<2x16384xi32, #tpu.memory_space<vmem>>, vector<16xi32>,
      %parallel_loop3A_674 = tpu.vector_load_idx %arg6[%parallel_loop3A_673] : memref<512xf32, #tpu.memory_space<vmem>>[vector<16xi32>], vector<16xf32>,
      %parallel_loop3A_675 = arith.index_cast %parallel_loop3A_593 : i32 to index
      %parallel_loop3A_676 = arith.constant 96 : index
      %parallel_loop3A_677 = tpu.vector_load %arg8[%parallel_loop3A_675, %parallel_loop3A_676] {strides = array<i32>} : memref<256x256xf32, #tpu.memory_space<vmem>>, vector<16xf32>,
      tpu.vector_store %arg8[%parallel_loop3A_675, %parallel_loop3A_676], %parallel_loop3A_674 {strides = array<i32>} : memref<256x256xf32, #tpu.memory_space<vmem>>, vector<16xf32>,
      %parallel_loop3A_678 = arith.constant 256 : i32
      %parallel_loop3A_679 = arith.muli %parallel_loop3A_591, %parallel_loop3A_678 : i32
      %parallel_loop3A_680 = arith.constant 112 : i32
      %parallel_loop3A_681 = arith.addi %parallel_loop3A_679, %parallel_loop3A_680 : i32
      %parallel_loop3A_682 = arith.constant 1 : i32
      %parallel_loop3A_683 = arith.index_cast %parallel_loop3A_682 : i32 to index
      %parallel_loop3A_684 = arith.index_cast %parallel_loop3A_681 : i32 to index
      %parallel_loop3A_685 = tpu.vector_load %arg7[%parallel_loop3A_683, %parallel_loop3A_684] {strides = array<i32>} : memref<2x16384xi32, #tpu.memory_space<vmem>>, vector<16xi32>,
      %parallel_loop3A_686 = tpu.vector_load_idx %arg6[%parallel_loop3A_685] : memref<512xf32, #tpu.memory_space<vmem>>[vector<16xi32>], vector<16xf32>,
      %parallel_loop3A_687 = arith.index_cast %parallel_loop3A_593 : i32 to index
      %parallel_loop3A_688 = arith.constant 112 : index
      %parallel_loop3A_689 = tpu.vector_load %arg8[%parallel_loop3A_687, %parallel_loop3A_688] {strides = array<i32>} : memref<256x256xf32, #tpu.memory_space<vmem>>, vector<16xf32>,
      tpu.vector_store %arg8[%parallel_loop3A_687, %parallel_loop3A_688], %parallel_loop3A_686 {strides = array<i32>} : memref<256x256xf32, #tpu.memory_space<vmem>>, vector<16xf32>,
      %parallel_loop3A_690 = arith.constant 256 : i32
      %parallel_loop3A_691 = arith.muli %parallel_loop3A_591, %parallel_loop3A_690 : i32
      %parallel_loop3A_692 = arith.constant 128 : i32
      %parallel_loop3A_693 = arith.addi %parallel_loop3A_691, %parallel_loop3A_692 : i32
      %parallel_loop3A_694 = arith.constant 1 : i32
      %parallel_loop3A_695 = arith.index_cast %parallel_loop3A_694 : i32 to index
      %parallel_loop3A_696 = arith.index_cast %parallel_loop3A_693 : i32 to index
      %parallel_loop3A_697 = tpu.vector_load %arg7[%parallel_loop3A_695, %parallel_loop3A_696] {strides = array<i32>} : memref<2x16384xi32, #tpu.memory_space<vmem>>, vector<16xi32>,
      %parallel_loop3A_698 = tpu.vector_load_idx %arg6[%parallel_loop3A_697] : memref<512xf32, #tpu.memory_space<vmem>>[vector<16xi32>], vector<16xf32>,
      %parallel_loop3A_699 = arith.index_cast %parallel_loop3A_593 : i32 to index
      %parallel_loop3A_700 = arith.constant 128 : index
      %parallel_loop3A_701 = tpu.vector_load %arg8[%parallel_loop3A_699, %parallel_loop3A_700] {strides = array<i32>} : memref<256x256xf32, #tpu.memory_space<vmem>>, vector<16xf32>,
      tpu.vector_store %arg8[%parallel_loop3A_699, %parallel_loop3A_700], %parallel_loop3A_698 {strides = array<i32>} : memref<256x256xf32, #tpu.memory_space<vmem>>, vector<16xf32>,
      %parallel_loop3A_702 = arith.constant 256 : i32
      %parallel_loop3A_703 = arith.muli %parallel_loop3A_591, %parallel_loop3A_702 : i32
      %parallel_loop3A_704 = arith.constant 144 : i32
      %parallel_loop3A_705 = arith.addi %parallel_loop3A_703, %parallel_loop3A_704 : i32
      %parallel_loop3A_706 = arith.constant 1 : i32
      %parallel_loop3A_707 = arith.index_cast %parallel_loop3A_706 : i32 to index
      %parallel_loop3A_708 = arith.index_cast %parallel_loop3A_705 : i32 to index
      %parallel_loop3A_709 = tpu.vector_load %arg7[%parallel_loop3A_707, %parallel_loop3A_708] {strides = array<i32>} : memref<2x16384xi32, #tpu.memory_space<vmem>>, vector<16xi32>,
      %parallel_loop3A_710 = tpu.vector_load_idx %arg6[%parallel_loop3A_709] : memref<512xf32, #tpu.memory_space<vmem>>[vector<16xi32>], vector<16xf32>,
      %parallel_loop3A_711 = arith.index_cast %parallel_loop3A_593 : i32 to index
      %parallel_loop3A_712 = arith.constant 144 : index
      %parallel_loop3A_713 = tpu.vector_load %arg8[%parallel_loop3A_711, %parallel_loop3A_712] {strides = array<i32>} : memref<256x256xf32, #tpu.memory_space<vmem>>, vector<16xf32>,
      tpu.vector_store %arg8[%parallel_loop3A_711, %parallel_loop3A_712], %parallel_loop3A_710 {strides = array<i32>} : memref<256x256xf32, #tpu.memory_space<vmem>>, vector<16xf32>,
      %parallel_loop3A_714 = arith.constant 256 : i32
      %parallel_loop3A_715 = arith.muli %parallel_loop3A_591, %parallel_loop3A_714 : i32
      %parallel_loop3A_716 = arith.constant 160 : i32
      %parallel_loop3A_717 = arith.addi %parallel_loop3A_715, %parallel_loop3A_716 : i32
      %parallel_loop3A_718 = arith.constant 1 : i32
      %parallel_loop3A_719 = arith.index_cast %parallel_loop3A_718 : i32 to index
      %parallel_loop3A_720 = arith.index_cast %parallel_loop3A_717 : i32 to index
      %parallel_loop3A_721 = tpu.vector_load %arg7[%parallel_loop3A_719, %parallel_loop3A_720] {strides = array<i32>} : memref<2x16384xi32, #tpu.memory_space<vmem>>, vector<16xi32>,
      %parallel_loop3A_722 = tpu.vector_load_idx %arg6[%parallel_loop3A_721] : memref<512xf32, #tpu.memory_space<vmem>>[vector<16xi32>], vector<16xf32>,
      %parallel_loop3A_723 = arith.index_cast %parallel_loop3A_593 : i32 to index
      %parallel_loop3A_724 = arith.constant 160 : index
      %parallel_loop3A_725 = tpu.vector_load %arg8[%parallel_loop3A_723, %parallel_loop3A_724] {strides = array<i32>} : memref<256x256xf32, #tpu.memory_space<vmem>>, vector<16xf32>,
      tpu.vector_store %arg8[%parallel_loop3A_723, %parallel_loop3A_724], %parallel_loop3A_722 {strides = array<i32>} : memref<256x256xf32, #tpu.memory_space<vmem>>, vector<16xf32>,
      %parallel_loop3A_726 = arith.constant 256 : i32
      %parallel_loop3A_727 = arith.muli %parallel_loop3A_591, %parallel_loop3A_726 : i32
      %parallel_loop3A_728 = arith.constant 176 : i32
      %parallel_loop3A_729 = arith.addi %parallel_loop3A_727, %parallel_loop3A_728 : i32
      %parallel_loop3A_730 = arith.constant 1 : i32
      %parallel_loop3A_731 = arith.index_cast %parallel_loop3A_730 : i32 to index
      %parallel_loop3A_732 = arith.index_cast %parallel_loop3A_729 : i32 to index
      %parallel_loop3A_733 = tpu.vector_load %arg7[%parallel_loop3A_731, %parallel_loop3A_732] {strides = array<i32>} : memref<2x16384xi32, #tpu.memory_space<vmem>>, vector<16xi32>,
      %parallel_loop3A_734 = tpu.vector_load_idx %arg6[%parallel_loop3A_733] : memref<512xf32, #tpu.memory_space<vmem>>[vector<16xi32>], vector<16xf32>,
      %parallel_loop3A_735 = arith.index_cast %parallel_loop3A_593 : i32 to index
      %parallel_loop3A_736 = arith.constant 176 : index
      %parallel_loop3A_737 = tpu.vector_load %arg8[%parallel_loop3A_735, %parallel_loop3A_736] {strides = array<i32>} : memref<256x256xf32, #tpu.memory_space<vmem>>, vector<16xf32>,
      tpu.vector_store %arg8[%parallel_loop3A_735, %parallel_loop3A_736], %parallel_loop3A_734 {strides = array<i32>} : memref<256x256xf32, #tpu.memory_space<vmem>>, vector<16xf32>,
      %parallel_loop3A_738 = arith.constant 256 : i32
      %parallel_loop3A_739 = arith.muli %parallel_loop3A_591, %parallel_loop3A_738 : i32
      %parallel_loop3A_740 = arith.constant 192 : i32
      %parallel_loop3A_741 = arith.addi %parallel_loop3A_739, %parallel_loop3A_740 : i32
      %parallel_loop3A_742 = arith.constant 1 : i32
      %parallel_loop3A_743 = arith.index_cast %parallel_loop3A_742 : i32 to index
      %parallel_loop3A_744 = arith.index_cast %parallel_loop3A_741 : i32 to index
      %parallel_loop3A_745 = tpu.vector_load %arg7[%parallel_loop3A_743, %parallel_loop3A_744] {strides = array<i32>} : memref<2x16384xi32, #tpu.memory_space<vmem>>, vector<16xi32>,
      %parallel_loop3A_746 = tpu.vector_load_idx %arg6[%parallel_loop3A_745] : memref<512xf32, #tpu.memory_space<vmem>>[vector<16xi32>], vector<16xf32>,
      %parallel_loop3A_747 = arith.index_cast %parallel_loop3A_593 : i32 to index
      %parallel_loop3A_748 = arith.constant 192 : index
      %parallel_loop3A_749 = tpu.vector_load %arg8[%parallel_loop3A_747, %parallel_loop3A_748] {strides = array<i32>} : memref<256x256xf32, #tpu.memory_space<vmem>>, vector<16xf32>,
      tpu.vector_store %arg8[%parallel_loop3A_747, %parallel_loop3A_748], %parallel_loop3A_746 {strides = array<i32>} : memref<256x256xf32, #tpu.memory_space<vmem>>, vector<16xf32>,
      %parallel_loop3A_750 = arith.constant 256 : i32
      %parallel_loop3A_751 = arith.muli %parallel_loop3A_591, %parallel_loop3A_750 : i32
      %parallel_loop3A_752 = arith.constant 208 : i32
      %parallel_loop3A_753 = arith.addi %parallel_loop3A_751, %parallel_loop3A_752 : i32
      %parallel_loop3A_754 = arith.constant 1 : i32
      %parallel_loop3A_755 = arith.index_cast %parallel_loop3A_754 : i32 to index
      %parallel_loop3A_756 = arith.index_cast %parallel_loop3A_753 : i32 to index
      %parallel_loop3A_757 = tpu.vector_load %arg7[%parallel_loop3A_755, %parallel_loop3A_756] {strides = array<i32>} : memref<2x16384xi32, #tpu.memory_space<vmem>>, vector<16xi32>,
      %parallel_loop3A_758 = tpu.vector_load_idx %arg6[%parallel_loop3A_757] : memref<512xf32, #tpu.memory_space<vmem>>[vector<16xi32>], vector<16xf32>,
      %parallel_loop3A_759 = arith.index_cast %parallel_loop3A_593 : i32 to index
      %parallel_loop3A_760 = arith.constant 208 : index
      %parallel_loop3A_761 = tpu.vector_load %arg8[%parallel_loop3A_759, %parallel_loop3A_760] {strides = array<i32>} : memref<256x256xf32, #tpu.memory_space<vmem>>, vector<16xf32>,
      tpu.vector_store %arg8[%parallel_loop3A_759, %parallel_loop3A_760], %parallel_loop3A_758 {strides = array<i32>} : memref<256x256xf32, #tpu.memory_space<vmem>>, vector<16xf32>,
      %parallel_loop3A_762 = arith.constant 256 : i32
      %parallel_loop3A_763 = arith.muli %parallel_loop3A_591, %parallel_loop3A_762 : i32
      %parallel_loop3A_764 = arith.constant 224 : i32
      %parallel_loop3A_765 = arith.addi %parallel_loop3A_763, %parallel_loop3A_764 : i32
      %parallel_loop3A_766 = arith.constant 1 : i32
      %parallel_loop3A_767 = arith.index_cast %parallel_loop3A_766 : i32 to index
      %parallel_loop3A_768 = arith.index_cast %parallel_loop3A_765 : i32 to index
      %parallel_loop3A_769 = tpu.vector_load %arg7[%parallel_loop3A_767, %parallel_loop3A_768] {strides = array<i32>} : memref<2x16384xi32, #tpu.memory_space<vmem>>, vector<16xi32>,
      %parallel_loop3A_770 = tpu.vector_load_idx %arg6[%parallel_loop3A_769] : memref<512xf32, #tpu.memory_space<vmem>>[vector<16xi32>], vector<16xf32>,
      %parallel_loop3A_771 = arith.index_cast %parallel_loop3A_593 : i32 to index
      %parallel_loop3A_772 = arith.constant 224 : index
      %parallel_loop3A_773 = tpu.vector_load %arg8[%parallel_loop3A_771, %parallel_loop3A_772] {strides = array<i32>} : memref<256x256xf32, #tpu.memory_space<vmem>>, vector<16xf32>,
      tpu.vector_store %arg8[%parallel_loop3A_771, %parallel_loop3A_772], %parallel_loop3A_770 {strides = array<i32>} : memref<256x256xf32, #tpu.memory_space<vmem>>, vector<16xf32>,
      %parallel_loop3A_774 = arith.constant 256 : i32
      %parallel_loop3A_775 = arith.muli %parallel_loop3A_591, %parallel_loop3A_774 : i32
      %parallel_loop3A_776 = arith.constant 240 : i32
      %parallel_loop3A_777 = arith.addi %parallel_loop3A_775, %parallel_loop3A_776 : i32
      %parallel_loop3A_778 = arith.constant 1 : i32
      %parallel_loop3A_779 = arith.index_cast %parallel_loop3A_778 : i32 to index
      %parallel_loop3A_780 = arith.index_cast %parallel_loop3A_777 : i32 to index
      %parallel_loop3A_781 = tpu.vector_load %arg7[%parallel_loop3A_779, %parallel_loop3A_780] {strides = array<i32>} : memref<2x16384xi32, #tpu.memory_space<vmem>>, vector<16xi32>,
      %parallel_loop3A_782 = tpu.vector_load_idx %arg6[%parallel_loop3A_781] : memref<512xf32, #tpu.memory_space<vmem>>[vector<16xi32>], vector<16xf32>,
      %parallel_loop3A_783 = arith.index_cast %parallel_loop3A_593 : i32 to index
      %parallel_loop3A_784 = arith.constant 240 : index
      %parallel_loop3A_785 = tpu.vector_load %arg8[%parallel_loop3A_783, %parallel_loop3A_784] {strides = array<i32>} : memref<256x256xf32, #tpu.memory_space<vmem>>, vector<16xf32>,
      tpu.vector_store %arg8[%parallel_loop3A_783, %parallel_loop3A_784], %parallel_loop3A_782 {strides = array<i32>} : memref<256x256xf32, #tpu.memory_space<vmem>>, vector<16xf32>,
    } {sc.loop_unroll_factor = 4 : i64, sc.parallel_access}
    %dma_wait3A_535 = arith.constant 64 : i32
    %dma_wait3A_536 = arith.constant 0 : i32
    %dma_wait3A_537 = tpu.memref_slice %arg8[%dma_wait3A_535, %dma_wait3A_536] : memref<256x256xf32, #tpu.memory_space<vmem>> -> memref<64x256xf32, #tpu.memory_space<vmem>>
    %dma_wait3A_538 = arith.constant 64 : i32
    %dma_wait3A_539 = arith.constant 0 : i32
    %dma_wait3A_540 = tpu.memref_slice %arg4[%add3A, %dma_wait3A_538, %dma_wait3A_539] : memref<32x256x256xf32, #tpu.memory_space<hbm>> -> memref<1x64x256xf32, #tpu.memory_space<hbm>>
    %dma_wait3A_541 = tpu.memref_squeeze %dma_wait3A_540 : memref<1x64x256xf32, #tpu.memory_space<hbm>> -> memref<64x256xf32, #tpu.memory_space<hbm>>
    %dma_wait3A_542 = arith.constant 64 : i32
    %dma_wait3A_543 = arith.constant 0 : i32
    %dma_wait3A_544 = tpu.memref_slice %arg4[%add3A, %dma_wait3A_542, %dma_wait3A_543] : memref<32x256x256xf32, #tpu.memory_space<hbm>> -> memref<1x64x256xf32, #tpu.memory_space<hbm>>
    %dma_wait3A_545 = tpu.memref_squeeze %dma_wait3A_544 : memref<1x64x256xf32, #tpu.memory_space<hbm>> -> memref<64x256xf32, #tpu.memory_space<hbm>>
    %dma_wait3A_546 = arith.constant 64 : i32
    %dma_wait3A_547 = arith.constant 0 : i32
    %dma_wait3A_548 = tpu.memref_slice %arg8[%dma_wait3A_546, %dma_wait3A_547] : memref<256x256xf32, #tpu.memory_space<vmem>> -> memref<64x256xf32, #tpu.memory_space<vmem>>
    tpu.wait_dma2 semaphore(%arg9 : memref<!tpu.dma_semaphore, #tpu.memory_space<semaphore_mem>>) src(%dma_wait3A_548 : memref<64x256xf32, #tpu.memory_space<vmem>>) dst(%dma_wait3A_545 : memref<64x256xf32, #tpu.memory_space<hbm>>)
    %dma_start3A_549 = arith.constant 192 : i32
    %dma_start3A_550 = arith.constant 0 : i32
    %dma_start3A_551 = tpu.memref_slice %arg8[%dma_start3A_549, %dma_start3A_550] : memref<256x256xf32, #tpu.memory_space<vmem>> -> memref<64x256xf32, #tpu.memory_space<vmem>>
    %dma_start3A_552 = arith.constant 192 : i32
    %dma_start3A_553 = arith.constant 0 : i32
    %dma_start3A_554 = tpu.memref_slice %arg4[%add3A, %dma_start3A_552, %dma_start3A_553] : memref<32x256x256xf32, #tpu.memory_space<hbm>> -> memref<1x64x256xf32, #tpu.memory_space<hbm>>
    %dma_start3A_555 = tpu.memref_squeeze %dma_start3A_554 : memref<1x64x256xf32, #tpu.memory_space<hbm>> -> memref<64x256xf32, #tpu.memory_space<hbm>>
    %dma_start3A_556 = arith.constant 192 : i32
    %dma_start3A_557 = arith.constant 0 : i32
    %dma_start3A_558 = tpu.memref_slice %arg4[%add3A, %dma_start3A_556, %dma_start3A_557] : memref<32x256x256xf32, #tpu.memory_space<hbm>> -> memref<1x64x256xf32, #tpu.memory_space<hbm>>
    %dma_start3A_559 = tpu.memref_squeeze %dma_start3A_558 : memref<1x64x256xf32, #tpu.memory_space<hbm>> -> memref<64x256xf32, #tpu.memory_space<hbm>>
    %dma_start3A_560 = arith.constant 192 : i32
    %dma_start3A_561 = arith.constant 0 : i32
    %dma_start3A_562 = tpu.memref_slice %arg8[%dma_start3A_560, %dma_start3A_561] : memref<256x256xf32, #tpu.memory_space<vmem>> -> memref<64x256xf32, #tpu.memory_space<vmem>>
    tpu.enqueue_dma source(%dma_start3A_562 : memref<64x256xf32, #tpu.memory_space<vmem>>) target(%dma_start3A_559 : memref<64x256xf32, #tpu.memory_space<hbm>>) target_semaphore(%arg9 : memref<!tpu.dma_semaphore, #tpu.memory_space<semaphore_mem>>)
    %dma_wait3A_563 = arith.constant 128 : i32
    %dma_wait3A_564 = arith.constant 0 : i32
    %dma_wait3A_565 = tpu.memref_slice %arg8[%dma_wait3A_563, %dma_wait3A_564] : memref<256x256xf32, #tpu.memory_space<vmem>> -> memref<64x256xf32, #tpu.memory_space<vmem>>
    %dma_wait3A_566 = arith.constant 128 : i32
    %dma_wait3A_567 = arith.constant 0 : i32
    %dma_wait3A_568 = tpu.memref_slice %arg4[%add3A, %dma_wait3A_566, %dma_wait3A_567] : memref<32x256x256xf32, #tpu.memory_space<hbm>> -> memref<1x64x256xf32, #tpu.memory_space<hbm>>
    %dma_wait3A_569 = tpu.memref_squeeze %dma_wait3A_568 : memref<1x64x256xf32, #tpu.memory_space<hbm>> -> memref<64x256xf32, #tpu.memory_space<hbm>>
    %dma_wait3A_570 = arith.constant 128 : i32
    %dma_wait3A_571 = arith.constant 0 : i32
    %dma_wait3A_572 = tpu.memref_slice %arg4[%add3A, %dma_wait3A_570, %dma_wait3A_571] : memref<32x256x256xf32, #tpu.memory_space<hbm>> -> memref<1x64x256xf32, #tpu.memory_space<hbm>>
    %dma_wait3A_573 = tpu.memref_squeeze %dma_wait3A_572 : memref<1x64x256xf32, #tpu.memory_space<hbm>> -> memref<64x256xf32, #tpu.memory_space<hbm>>
    %dma_wait3A_574 = arith.constant 128 : i32
    %dma_wait3A_575 = arith.constant 0 : i32
    %dma_wait3A_576 = tpu.memref_slice %arg8[%dma_wait3A_574, %dma_wait3A_575] : memref<256x256xf32, #tpu.memory_space<vmem>> -> memref<64x256xf32, #tpu.memory_space<vmem>>
    tpu.wait_dma2 semaphore(%arg9 : memref<!tpu.dma_semaphore, #tpu.memory_space<semaphore_mem>>) src(%dma_wait3A_576 : memref<64x256xf32, #tpu.memory_space<vmem>>) dst(%dma_wait3A_573 : memref<64x256xf32, #tpu.memory_space<hbm>>)
    %dma_wait3A_577 = arith.constant 192 : i32
    %dma_wait3A_578 = arith.constant 0 : i32
    %dma_wait3A_579 = tpu.memref_slice %arg8[%dma_wait3A_577, %dma_wait3A_578] : memref<256x256xf32, #tpu.memory_space<vmem>> -> memref<64x256xf32, #tpu.memory_space<vmem>>
    %dma_wait3A_580 = arith.constant 192 : i32
    %dma_wait3A_581 = arith.constant 0 : i32
    %dma_wait3A_582 = tpu.memref_slice %arg4[%add3A, %dma_wait3A_580, %dma_wait3A_581] : memref<32x256x256xf32, #tpu.memory_space<hbm>> -> memref<1x64x256xf32, #tpu.memory_space<hbm>>
    %dma_wait3A_583 = tpu.memref_squeeze %dma_wait3A_582 : memref<1x64x256xf32, #tpu.memory_space<hbm>> -> memref<64x256xf32, #tpu.memory_space<hbm>>
    %dma_wait3A_584 = arith.constant 192 : i32
    %dma_wait3A_585 = arith.constant 0 : i32
    %dma_wait3A_586 = tpu.memref_slice %arg4[%add3A, %dma_wait3A_584, %dma_wait3A_585] : memref<32x256x256xf32, #tpu.memory_space<hbm>> -> memref<1x64x256xf32, #tpu.memory_space<hbm>>
    %dma_wait3A_587 = tpu.memref_squeeze %dma_wait3A_586 : memref<1x64x256xf32, #tpu.memory_space<hbm>> -> memref<64x256xf32, #tpu.memory_space<hbm>>
    %dma_wait3A_588 = arith.constant 192 : i32
    %dma_wait3A_589 = arith.constant 0 : i32
    %dma_wait3A_590 = tpu.memref_slice %arg8[%dma_wait3A_588, %dma_wait3A_589] : memref<256x256xf32, #tpu.memory_space<vmem>> -> memref<64x256xf32, #tpu.memory_space<vmem>>
    tpu.wait_dma2 semaphore(%arg9 : memref<!tpu.dma_semaphore, #tpu.memory_space<semaphore_mem>>) src(%dma_wait3A_590 : memref<64x256xf32, #tpu.memory_space<vmem>>) dst(%dma_wait3A_587 : memref<64x256xf32, #tpu.memory_space<hbm>>)
    return
  }
}

module attributes {stable_mosaic.version = 14 : i64} {
  func.func @body(%arg0: memref<32x256x256xf32, #tpu.memory_space<vmem>>, %arg1: memref<32x32x256x256xf32, #tpu.memory_space<any>>, %arg2: memref<!tpu.dma_semaphore, #tpu.memory_space<semaphore_mem>>) attributes {dimension_semantics = [], scalar_prefetch = 0 : i64, scratch_operands = 1 : i64, tpu.core_type = #tpu.core_type<tc>} {
    %dma_start3A = arith.constant 0 : i32
    %dma_start3A_0 = arith.constant 0 : i32
    %dma_start3A_1 = arith.constant 0 : i32
    %dma_start3A_2 = arith.constant 0 : i32
    %dma_start3A_3 = tpu.memref_slice %arg1[%dma_start3A, %dma_start3A_0, %dma_start3A_1, %dma_start3A_2] : memref<32x32x256x256xf32, #tpu.memory_space<any>> -> memref<1x32x256x256xf32, #tpu.memory_space<any>>
    %dma_start3A_4 = tpu.memref_squeeze %dma_start3A_3 : memref<1x32x256x256xf32, #tpu.memory_space<any>> -> memref<32x256x256xf32, #tpu.memory_space<any>>
    tpu.enqueue_dma source(%arg0 : memref<32x256x256xf32, #tpu.memory_space<vmem>>) target(%dma_start3A_4 : memref<32x256x256xf32, #tpu.memory_space<any>>) target_semaphore(%arg2 : memref<!tpu.dma_semaphore, #tpu.memory_space<semaphore_mem>>)
    %dma_start3A_5 = arith.constant 1 : i32
    %dma_start3A_6 = arith.constant 0 : i32
    %dma_start3A_7 = arith.constant 0 : i32
    %dma_start3A_8 = arith.constant 0 : i32
    %dma_start3A_9 = tpu.memref_slice %arg1[%dma_start3A_5, %dma_start3A_6, %dma_start3A_7, %dma_start3A_8] : memref<32x32x256x256xf32, #tpu.memory_space<any>> -> memref<1x32x256x256xf32, #tpu.memory_space<any>>
    %dma_start3A_10 = tpu.memref_squeeze %dma_start3A_9 : memref<1x32x256x256xf32, #tpu.memory_space<any>> -> memref<32x256x256xf32, #tpu.memory_space<any>>
    tpu.enqueue_dma source(%arg0 : memref<32x256x256xf32, #tpu.memory_space<vmem>>) target(%dma_start3A_10 : memref<32x256x256xf32, #tpu.memory_space<any>>) target_semaphore(%arg2 : memref<!tpu.dma_semaphore, #tpu.memory_space<semaphore_mem>>)
    %dma_start3A_11 = arith.constant 2 : i32
    %dma_start3A_12 = arith.constant 0 : i32
    %dma_start3A_13 = arith.constant 0 : i32
    %dma_start3A_14 = arith.constant 0 : i32
    %dma_start3A_15 = tpu.memref_slice %arg1[%dma_start3A_11, %dma_start3A_12, %dma_start3A_13, %dma_start3A_14] : memref<32x32x256x256xf32, #tpu.memory_space<any>> -> memref<1x32x256x256xf32, #tpu.memory_space<any>>
    %dma_start3A_16 = tpu.memref_squeeze %dma_start3A_15 : memref<1x32x256x256xf32, #tpu.memory_space<any>> -> memref<32x256x256xf32, #tpu.memory_space<any>>
    tpu.enqueue_dma source(%arg0 : memref<32x256x256xf32, #tpu.memory_space<vmem>>) target(%dma_start3A_16 : memref<32x256x256xf32, #tpu.memory_space<any>>) target_semaphore(%arg2 : memref<!tpu.dma_semaphore, #tpu.memory_space<semaphore_mem>>)
    %dma_start3A_17 = arith.constant 3 : i32
    %dma_start3A_18 = arith.constant 0 : i32
    %dma_start3A_19 = arith.constant 0 : i32
    %dma_start3A_20 = arith.constant 0 : i32
    %dma_start3A_21 = tpu.memref_slice %arg1[%dma_start3A_17, %dma_start3A_18, %dma_start3A_19, %dma_start3A_20] : memref<32x32x256x256xf32, #tpu.memory_space<any>> -> memref<1x32x256x256xf32, #tpu.memory_space<any>>
    %dma_start3A_22 = tpu.memref_squeeze %dma_start3A_21 : memref<1x32x256x256xf32, #tpu.memory_space<any>> -> memref<32x256x256xf32, #tpu.memory_space<any>>
    tpu.enqueue_dma source(%arg0 : memref<32x256x256xf32, #tpu.memory_space<vmem>>) target(%dma_start3A_22 : memref<32x256x256xf32, #tpu.memory_space<any>>) target_semaphore(%arg2 : memref<!tpu.dma_semaphore, #tpu.memory_space<semaphore_mem>>)
    %dma_start3A_23 = arith.constant 4 : i32
    %dma_start3A_24 = arith.constant 0 : i32
    %dma_start3A_25 = arith.constant 0 : i32
    %dma_start3A_26 = arith.constant 0 : i32
    %dma_start3A_27 = tpu.memref_slice %arg1[%dma_start3A_23, %dma_start3A_24, %dma_start3A_25, %dma_start3A_26] : memref<32x32x256x256xf32, #tpu.memory_space<any>> -> memref<1x32x256x256xf32, #tpu.memory_space<any>>
    %dma_start3A_28 = tpu.memref_squeeze %dma_start3A_27 : memref<1x32x256x256xf32, #tpu.memory_space<any>> -> memref<32x256x256xf32, #tpu.memory_space<any>>
    tpu.enqueue_dma source(%arg0 : memref<32x256x256xf32, #tpu.memory_space<vmem>>) target(%dma_start3A_28 : memref<32x256x256xf32, #tpu.memory_space<any>>) target_semaphore(%arg2 : memref<!tpu.dma_semaphore, #tpu.memory_space<semaphore_mem>>)
    %dma_start3A_29 = arith.constant 5 : i32
    %dma_start3A_30 = arith.constant 0 : i32
    %dma_start3A_31 = arith.constant 0 : i32
    %dma_start3A_32 = arith.constant 0 : i32
    %dma_start3A_33 = tpu.memref_slice %arg1[%dma_start3A_29, %dma_start3A_30, %dma_start3A_31, %dma_start3A_32] : memref<32x32x256x256xf32, #tpu.memory_space<any>> -> memref<1x32x256x256xf32, #tpu.memory_space<any>>
    %dma_start3A_34 = tpu.memref_squeeze %dma_start3A_33 : memref<1x32x256x256xf32, #tpu.memory_space<any>> -> memref<32x256x256xf32, #tpu.memory_space<any>>
    tpu.enqueue_dma source(%arg0 : memref<32x256x256xf32, #tpu.memory_space<vmem>>) target(%dma_start3A_34 : memref<32x256x256xf32, #tpu.memory_space<any>>) target_semaphore(%arg2 : memref<!tpu.dma_semaphore, #tpu.memory_space<semaphore_mem>>)
    %dma_start3A_35 = arith.constant 6 : i32
    %dma_start3A_36 = arith.constant 0 : i32
    %dma_start3A_37 = arith.constant 0 : i32
    %dma_start3A_38 = arith.constant 0 : i32
    %dma_start3A_39 = tpu.memref_slice %arg1[%dma_start3A_35, %dma_start3A_36, %dma_start3A_37, %dma_start3A_38] : memref<32x32x256x256xf32, #tpu.memory_space<any>> -> memref<1x32x256x256xf32, #tpu.memory_space<any>>
    %dma_start3A_40 = tpu.memref_squeeze %dma_start3A_39 : memref<1x32x256x256xf32, #tpu.memory_space<any>> -> memref<32x256x256xf32, #tpu.memory_space<any>>
    tpu.enqueue_dma source(%arg0 : memref<32x256x256xf32, #tpu.memory_space<vmem>>) target(%dma_start3A_40 : memref<32x256x256xf32, #tpu.memory_space<any>>) target_semaphore(%arg2 : memref<!tpu.dma_semaphore, #tpu.memory_space<semaphore_mem>>)
    %dma_start3A_41 = arith.constant 7 : i32
    %dma_start3A_42 = arith.constant 0 : i32
    %dma_start3A_43 = arith.constant 0 : i32
    %dma_start3A_44 = arith.constant 0 : i32
    %dma_start3A_45 = tpu.memref_slice %arg1[%dma_start3A_41, %dma_start3A_42, %dma_start3A_43, %dma_start3A_44] : memref<32x32x256x256xf32, #tpu.memory_space<any>> -> memref<1x32x256x256xf32, #tpu.memory_space<any>>
    %dma_start3A_46 = tpu.memref_squeeze %dma_start3A_45 : memref<1x32x256x256xf32, #tpu.memory_space<any>> -> memref<32x256x256xf32, #tpu.memory_space<any>>
    tpu.enqueue_dma source(%arg0 : memref<32x256x256xf32, #tpu.memory_space<vmem>>) target(%dma_start3A_46 : memref<32x256x256xf32, #tpu.memory_space<any>>) target_semaphore(%arg2 : memref<!tpu.dma_semaphore, #tpu.memory_space<semaphore_mem>>)
    %dma_start3A_47 = arith.constant 8 : i32
    %dma_start3A_48 = arith.constant 0 : i32
    %dma_start3A_49 = arith.constant 0 : i32
    %dma_start3A_50 = arith.constant 0 : i32
    %dma_start3A_51 = tpu.memref_slice %arg1[%dma_start3A_47, %dma_start3A_48, %dma_start3A_49, %dma_start3A_50] : memref<32x32x256x256xf32, #tpu.memory_space<any>> -> memref<1x32x256x256xf32, #tpu.memory_space<any>>
    %dma_start3A_52 = tpu.memref_squeeze %dma_start3A_51 : memref<1x32x256x256xf32, #tpu.memory_space<any>> -> memref<32x256x256xf32, #tpu.memory_space<any>>
    tpu.enqueue_dma source(%arg0 : memref<32x256x256xf32, #tpu.memory_space<vmem>>) target(%dma_start3A_52 : memref<32x256x256xf32, #tpu.memory_space<any>>) target_semaphore(%arg2 : memref<!tpu.dma_semaphore, #tpu.memory_space<semaphore_mem>>)
    %dma_start3A_53 = arith.constant 9 : i32
    %dma_start3A_54 = arith.constant 0 : i32
    %dma_start3A_55 = arith.constant 0 : i32
    %dma_start3A_56 = arith.constant 0 : i32
    %dma_start3A_57 = tpu.memref_slice %arg1[%dma_start3A_53, %dma_start3A_54, %dma_start3A_55, %dma_start3A_56] : memref<32x32x256x256xf32, #tpu.memory_space<any>> -> memref<1x32x256x256xf32, #tpu.memory_space<any>>
    %dma_start3A_58 = tpu.memref_squeeze %dma_start3A_57 : memref<1x32x256x256xf32, #tpu.memory_space<any>> -> memref<32x256x256xf32, #tpu.memory_space<any>>
    tpu.enqueue_dma source(%arg0 : memref<32x256x256xf32, #tpu.memory_space<vmem>>) target(%dma_start3A_58 : memref<32x256x256xf32, #tpu.memory_space<any>>) target_semaphore(%arg2 : memref<!tpu.dma_semaphore, #tpu.memory_space<semaphore_mem>>)
    %dma_start3A_59 = arith.constant 10 : i32
    %dma_start3A_60 = arith.constant 0 : i32
    %dma_start3A_61 = arith.constant 0 : i32
    %dma_start3A_62 = arith.constant 0 : i32
    %dma_start3A_63 = tpu.memref_slice %arg1[%dma_start3A_59, %dma_start3A_60, %dma_start3A_61, %dma_start3A_62] : memref<32x32x256x256xf32, #tpu.memory_space<any>> -> memref<1x32x256x256xf32, #tpu.memory_space<any>>
    %dma_start3A_64 = tpu.memref_squeeze %dma_start3A_63 : memref<1x32x256x256xf32, #tpu.memory_space<any>> -> memref<32x256x256xf32, #tpu.memory_space<any>>
    tpu.enqueue_dma source(%arg0 : memref<32x256x256xf32, #tpu.memory_space<vmem>>) target(%dma_start3A_64 : memref<32x256x256xf32, #tpu.memory_space<any>>) target_semaphore(%arg2 : memref<!tpu.dma_semaphore, #tpu.memory_space<semaphore_mem>>)
    %dma_start3A_65 = arith.constant 11 : i32
    %dma_start3A_66 = arith.constant 0 : i32
    %dma_start3A_67 = arith.constant 0 : i32
    %dma_start3A_68 = arith.constant 0 : i32
    %dma_start3A_69 = tpu.memref_slice %arg1[%dma_start3A_65, %dma_start3A_66, %dma_start3A_67, %dma_start3A_68] : memref<32x32x256x256xf32, #tpu.memory_space<any>> -> memref<1x32x256x256xf32, #tpu.memory_space<any>>
    %dma_start3A_70 = tpu.memref_squeeze %dma_start3A_69 : memref<1x32x256x256xf32, #tpu.memory_space<any>> -> memref<32x256x256xf32, #tpu.memory_space<any>>
    tpu.enqueue_dma source(%arg0 : memref<32x256x256xf32, #tpu.memory_space<vmem>>) target(%dma_start3A_70 : memref<32x256x256xf32, #tpu.memory_space<any>>) target_semaphore(%arg2 : memref<!tpu.dma_semaphore, #tpu.memory_space<semaphore_mem>>)
    %dma_start3A_71 = arith.constant 12 : i32
    %dma_start3A_72 = arith.constant 0 : i32
    %dma_start3A_73 = arith.constant 0 : i32
    %dma_start3A_74 = arith.constant 0 : i32
    %dma_start3A_75 = tpu.memref_slice %arg1[%dma_start3A_71, %dma_start3A_72, %dma_start3A_73, %dma_start3A_74] : memref<32x32x256x256xf32, #tpu.memory_space<any>> -> memref<1x32x256x256xf32, #tpu.memory_space<any>>
    %dma_start3A_76 = tpu.memref_squeeze %dma_start3A_75 : memref<1x32x256x256xf32, #tpu.memory_space<any>> -> memref<32x256x256xf32, #tpu.memory_space<any>>
    tpu.enqueue_dma source(%arg0 : memref<32x256x256xf32, #tpu.memory_space<vmem>>) target(%dma_start3A_76 : memref<32x256x256xf32, #tpu.memory_space<any>>) target_semaphore(%arg2 : memref<!tpu.dma_semaphore, #tpu.memory_space<semaphore_mem>>)
    %dma_start3A_77 = arith.constant 13 : i32
    %dma_start3A_78 = arith.constant 0 : i32
    %dma_start3A_79 = arith.constant 0 : i32
    %dma_start3A_80 = arith.constant 0 : i32
    %dma_start3A_81 = tpu.memref_slice %arg1[%dma_start3A_77, %dma_start3A_78, %dma_start3A_79, %dma_start3A_80] : memref<32x32x256x256xf32, #tpu.memory_space<any>> -> memref<1x32x256x256xf32, #tpu.memory_space<any>>
    %dma_start3A_82 = tpu.memref_squeeze %dma_start3A_81 : memref<1x32x256x256xf32, #tpu.memory_space<any>> -> memref<32x256x256xf32, #tpu.memory_space<any>>
    tpu.enqueue_dma source(%arg0 : memref<32x256x256xf32, #tpu.memory_space<vmem>>) target(%dma_start3A_82 : memref<32x256x256xf32, #tpu.memory_space<any>>) target_semaphore(%arg2 : memref<!tpu.dma_semaphore, #tpu.memory_space<semaphore_mem>>)
    %dma_start3A_83 = arith.constant 14 : i32
    %dma_start3A_84 = arith.constant 0 : i32
    %dma_start3A_85 = arith.constant 0 : i32
    %dma_start3A_86 = arith.constant 0 : i32
    %dma_start3A_87 = tpu.memref_slice %arg1[%dma_start3A_83, %dma_start3A_84, %dma_start3A_85, %dma_start3A_86] : memref<32x32x256x256xf32, #tpu.memory_space<any>> -> memref<1x32x256x256xf32, #tpu.memory_space<any>>
    %dma_start3A_88 = tpu.memref_squeeze %dma_start3A_87 : memref<1x32x256x256xf32, #tpu.memory_space<any>> -> memref<32x256x256xf32, #tpu.memory_space<any>>
    tpu.enqueue_dma source(%arg0 : memref<32x256x256xf32, #tpu.memory_space<vmem>>) target(%dma_start3A_88 : memref<32x256x256xf32, #tpu.memory_space<any>>) target_semaphore(%arg2 : memref<!tpu.dma_semaphore, #tpu.memory_space<semaphore_mem>>)
    %dma_start3A_89 = arith.constant 15 : i32
    %dma_start3A_90 = arith.constant 0 : i32
    %dma_start3A_91 = arith.constant 0 : i32
    %dma_start3A_92 = arith.constant 0 : i32
    %dma_start3A_93 = tpu.memref_slice %arg1[%dma_start3A_89, %dma_start3A_90, %dma_start3A_91, %dma_start3A_92] : memref<32x32x256x256xf32, #tpu.memory_space<any>> -> memref<1x32x256x256xf32, #tpu.memory_space<any>>
    %dma_start3A_94 = tpu.memref_squeeze %dma_start3A_93 : memref<1x32x256x256xf32, #tpu.memory_space<any>> -> memref<32x256x256xf32, #tpu.memory_space<any>>
    tpu.enqueue_dma source(%arg0 : memref<32x256x256xf32, #tpu.memory_space<vmem>>) target(%dma_start3A_94 : memref<32x256x256xf32, #tpu.memory_space<any>>) target_semaphore(%arg2 : memref<!tpu.dma_semaphore, #tpu.memory_space<semaphore_mem>>)
    %dma_start3A_95 = arith.constant 16 : i32
    %dma_start3A_96 = arith.constant 0 : i32
    %dma_start3A_97 = arith.constant 0 : i32
    %dma_start3A_98 = arith.constant 0 : i32
    %dma_start3A_99 = tpu.memref_slice %arg1[%dma_start3A_95, %dma_start3A_96, %dma_start3A_97, %dma_start3A_98] : memref<32x32x256x256xf32, #tpu.memory_space<any>> -> memref<1x32x256x256xf32, #tpu.memory_space<any>>
    %dma_start3A_100 = tpu.memref_squeeze %dma_start3A_99 : memref<1x32x256x256xf32, #tpu.memory_space<any>> -> memref<32x256x256xf32, #tpu.memory_space<any>>
    tpu.enqueue_dma source(%arg0 : memref<32x256x256xf32, #tpu.memory_space<vmem>>) target(%dma_start3A_100 : memref<32x256x256xf32, #tpu.memory_space<any>>) target_semaphore(%arg2 : memref<!tpu.dma_semaphore, #tpu.memory_space<semaphore_mem>>)
    %dma_start3A_101 = arith.constant 17 : i32
    %dma_start3A_102 = arith.constant 0 : i32
    %dma_start3A_103 = arith.constant 0 : i32
    %dma_start3A_104 = arith.constant 0 : i32
    %dma_start3A_105 = tpu.memref_slice %arg1[%dma_start3A_101, %dma_start3A_102, %dma_start3A_103, %dma_start3A_104] : memref<32x32x256x256xf32, #tpu.memory_space<any>> -> memref<1x32x256x256xf32, #tpu.memory_space<any>>
    %dma_start3A_106 = tpu.memref_squeeze %dma_start3A_105 : memref<1x32x256x256xf32, #tpu.memory_space<any>> -> memref<32x256x256xf32, #tpu.memory_space<any>>
    tpu.enqueue_dma source(%arg0 : memref<32x256x256xf32, #tpu.memory_space<vmem>>) target(%dma_start3A_106 : memref<32x256x256xf32, #tpu.memory_space<any>>) target_semaphore(%arg2 : memref<!tpu.dma_semaphore, #tpu.memory_space<semaphore_mem>>)
    %dma_start3A_107 = arith.constant 18 : i32
    %dma_start3A_108 = arith.constant 0 : i32
    %dma_start3A_109 = arith.constant 0 : i32
    %dma_start3A_110 = arith.constant 0 : i32
    %dma_start3A_111 = tpu.memref_slice %arg1[%dma_start3A_107, %dma_start3A_108, %dma_start3A_109, %dma_start3A_110] : memref<32x32x256x256xf32, #tpu.memory_space<any>> -> memref<1x32x256x256xf32, #tpu.memory_space<any>>
    %dma_start3A_112 = tpu.memref_squeeze %dma_start3A_111 : memref<1x32x256x256xf32, #tpu.memory_space<any>> -> memref<32x256x256xf32, #tpu.memory_space<any>>
    tpu.enqueue_dma source(%arg0 : memref<32x256x256xf32, #tpu.memory_space<vmem>>) target(%dma_start3A_112 : memref<32x256x256xf32, #tpu.memory_space<any>>) target_semaphore(%arg2 : memref<!tpu.dma_semaphore, #tpu.memory_space<semaphore_mem>>)
    %dma_start3A_113 = arith.constant 19 : i32
    %dma_start3A_114 = arith.constant 0 : i32
    %dma_start3A_115 = arith.constant 0 : i32
    %dma_start3A_116 = arith.constant 0 : i32
    %dma_start3A_117 = tpu.memref_slice %arg1[%dma_start3A_113, %dma_start3A_114, %dma_start3A_115, %dma_start3A_116] : memref<32x32x256x256xf32, #tpu.memory_space<any>> -> memref<1x32x256x256xf32, #tpu.memory_space<any>>
    %dma_start3A_118 = tpu.memref_squeeze %dma_start3A_117 : memref<1x32x256x256xf32, #tpu.memory_space<any>> -> memref<32x256x256xf32, #tpu.memory_space<any>>
    tpu.enqueue_dma source(%arg0 : memref<32x256x256xf32, #tpu.memory_space<vmem>>) target(%dma_start3A_118 : memref<32x256x256xf32, #tpu.memory_space<any>>) target_semaphore(%arg2 : memref<!tpu.dma_semaphore, #tpu.memory_space<semaphore_mem>>)
    %dma_start3A_119 = arith.constant 20 : i32
    %dma_start3A_120 = arith.constant 0 : i32
    %dma_start3A_121 = arith.constant 0 : i32
    %dma_start3A_122 = arith.constant 0 : i32
    %dma_start3A_123 = tpu.memref_slice %arg1[%dma_start3A_119, %dma_start3A_120, %dma_start3A_121, %dma_start3A_122] : memref<32x32x256x256xf32, #tpu.memory_space<any>> -> memref<1x32x256x256xf32, #tpu.memory_space<any>>
    %dma_start3A_124 = tpu.memref_squeeze %dma_start3A_123 : memref<1x32x256x256xf32, #tpu.memory_space<any>> -> memref<32x256x256xf32, #tpu.memory_space<any>>
    tpu.enqueue_dma source(%arg0 : memref<32x256x256xf32, #tpu.memory_space<vmem>>) target(%dma_start3A_124 : memref<32x256x256xf32, #tpu.memory_space<any>>) target_semaphore(%arg2 : memref<!tpu.dma_semaphore, #tpu.memory_space<semaphore_mem>>)
    %dma_start3A_125 = arith.constant 21 : i32
    %dma_start3A_126 = arith.constant 0 : i32
    %dma_start3A_127 = arith.constant 0 : i32
    %dma_start3A_128 = arith.constant 0 : i32
    %dma_start3A_129 = tpu.memref_slice %arg1[%dma_start3A_125, %dma_start3A_126, %dma_start3A_127, %dma_start3A_128] : memref<32x32x256x256xf32, #tpu.memory_space<any>> -> memref<1x32x256x256xf32, #tpu.memory_space<any>>
    %dma_start3A_130 = tpu.memref_squeeze %dma_start3A_129 : memref<1x32x256x256xf32, #tpu.memory_space<any>> -> memref<32x256x256xf32, #tpu.memory_space<any>>
    tpu.enqueue_dma source(%arg0 : memref<32x256x256xf32, #tpu.memory_space<vmem>>) target(%dma_start3A_130 : memref<32x256x256xf32, #tpu.memory_space<any>>) target_semaphore(%arg2 : memref<!tpu.dma_semaphore, #tpu.memory_space<semaphore_mem>>)
    %dma_start3A_131 = arith.constant 22 : i32
    %dma_start3A_132 = arith.constant 0 : i32
    %dma_start3A_133 = arith.constant 0 : i32
    %dma_start3A_134 = arith.constant 0 : i32
    %dma_start3A_135 = tpu.memref_slice %arg1[%dma_start3A_131, %dma_start3A_132, %dma_start3A_133, %dma_start3A_134] : memref<32x32x256x256xf32, #tpu.memory_space<any>> -> memref<1x32x256x256xf32, #tpu.memory_space<any>>
    %dma_start3A_136 = tpu.memref_squeeze %dma_start3A_135 : memref<1x32x256x256xf32, #tpu.memory_space<any>> -> memref<32x256x256xf32, #tpu.memory_space<any>>
    tpu.enqueue_dma source(%arg0 : memref<32x256x256xf32, #tpu.memory_space<vmem>>) target(%dma_start3A_136 : memref<32x256x256xf32, #tpu.memory_space<any>>) target_semaphore(%arg2 : memref<!tpu.dma_semaphore, #tpu.memory_space<semaphore_mem>>)
    %dma_start3A_137 = arith.constant 23 : i32
    %dma_start3A_138 = arith.constant 0 : i32
    %dma_start3A_139 = arith.constant 0 : i32
    %dma_start3A_140 = arith.constant 0 : i32
    %dma_start3A_141 = tpu.memref_slice %arg1[%dma_start3A_137, %dma_start3A_138, %dma_start3A_139, %dma_start3A_140] : memref<32x32x256x256xf32, #tpu.memory_space<any>> -> memref<1x32x256x256xf32, #tpu.memory_space<any>>
    %dma_start3A_142 = tpu.memref_squeeze %dma_start3A_141 : memref<1x32x256x256xf32, #tpu.memory_space<any>> -> memref<32x256x256xf32, #tpu.memory_space<any>>
    tpu.enqueue_dma source(%arg0 : memref<32x256x256xf32, #tpu.memory_space<vmem>>) target(%dma_start3A_142 : memref<32x256x256xf32, #tpu.memory_space<any>>) target_semaphore(%arg2 : memref<!tpu.dma_semaphore, #tpu.memory_space<semaphore_mem>>)
    %dma_start3A_143 = arith.constant 24 : i32
    %dma_start3A_144 = arith.constant 0 : i32
    %dma_start3A_145 = arith.constant 0 : i32
    %dma_start3A_146 = arith.constant 0 : i32
    %dma_start3A_147 = tpu.memref_slice %arg1[%dma_start3A_143, %dma_start3A_144, %dma_start3A_145, %dma_start3A_146] : memref<32x32x256x256xf32, #tpu.memory_space<any>> -> memref<1x32x256x256xf32, #tpu.memory_space<any>>
    %dma_start3A_148 = tpu.memref_squeeze %dma_start3A_147 : memref<1x32x256x256xf32, #tpu.memory_space<any>> -> memref<32x256x256xf32, #tpu.memory_space<any>>
    tpu.enqueue_dma source(%arg0 : memref<32x256x256xf32, #tpu.memory_space<vmem>>) target(%dma_start3A_148 : memref<32x256x256xf32, #tpu.memory_space<any>>) target_semaphore(%arg2 : memref<!tpu.dma_semaphore, #tpu.memory_space<semaphore_mem>>)
    %dma_start3A_149 = arith.constant 25 : i32
    %dma_start3A_150 = arith.constant 0 : i32
    %dma_start3A_151 = arith.constant 0 : i32
    %dma_start3A_152 = arith.constant 0 : i32
    %dma_start3A_153 = tpu.memref_slice %arg1[%dma_start3A_149, %dma_start3A_150, %dma_start3A_151, %dma_start3A_152] : memref<32x32x256x256xf32, #tpu.memory_space<any>> -> memref<1x32x256x256xf32, #tpu.memory_space<any>>
    %dma_start3A_154 = tpu.memref_squeeze %dma_start3A_153 : memref<1x32x256x256xf32, #tpu.memory_space<any>> -> memref<32x256x256xf32, #tpu.memory_space<any>>
    tpu.enqueue_dma source(%arg0 : memref<32x256x256xf32, #tpu.memory_space<vmem>>) target(%dma_start3A_154 : memref<32x256x256xf32, #tpu.memory_space<any>>) target_semaphore(%arg2 : memref<!tpu.dma_semaphore, #tpu.memory_space<semaphore_mem>>)
    %dma_start3A_155 = arith.constant 26 : i32
    %dma_start3A_156 = arith.constant 0 : i32
    %dma_start3A_157 = arith.constant 0 : i32
    %dma_start3A_158 = arith.constant 0 : i32
    %dma_start3A_159 = tpu.memref_slice %arg1[%dma_start3A_155, %dma_start3A_156, %dma_start3A_157, %dma_start3A_158] : memref<32x32x256x256xf32, #tpu.memory_space<any>> -> memref<1x32x256x256xf32, #tpu.memory_space<any>>
    %dma_start3A_160 = tpu.memref_squeeze %dma_start3A_159 : memref<1x32x256x256xf32, #tpu.memory_space<any>> -> memref<32x256x256xf32, #tpu.memory_space<any>>
    tpu.enqueue_dma source(%arg0 : memref<32x256x256xf32, #tpu.memory_space<vmem>>) target(%dma_start3A_160 : memref<32x256x256xf32, #tpu.memory_space<any>>) target_semaphore(%arg2 : memref<!tpu.dma_semaphore, #tpu.memory_space<semaphore_mem>>)
    %dma_start3A_161 = arith.constant 27 : i32
    %dma_start3A_162 = arith.constant 0 : i32
    %dma_start3A_163 = arith.constant 0 : i32
    %dma_start3A_164 = arith.constant 0 : i32
    %dma_start3A_165 = tpu.memref_slice %arg1[%dma_start3A_161, %dma_start3A_162, %dma_start3A_163, %dma_start3A_164] : memref<32x32x256x256xf32, #tpu.memory_space<any>> -> memref<1x32x256x256xf32, #tpu.memory_space<any>>
    %dma_start3A_166 = tpu.memref_squeeze %dma_start3A_165 : memref<1x32x256x256xf32, #tpu.memory_space<any>> -> memref<32x256x256xf32, #tpu.memory_space<any>>
    tpu.enqueue_dma source(%arg0 : memref<32x256x256xf32, #tpu.memory_space<vmem>>) target(%dma_start3A_166 : memref<32x256x256xf32, #tpu.memory_space<any>>) target_semaphore(%arg2 : memref<!tpu.dma_semaphore, #tpu.memory_space<semaphore_mem>>)
    %dma_start3A_167 = arith.constant 28 : i32
    %dma_start3A_168 = arith.constant 0 : i32
    %dma_start3A_169 = arith.constant 0 : i32
    %dma_start3A_170 = arith.constant 0 : i32
    %dma_start3A_171 = tpu.memref_slice %arg1[%dma_start3A_167, %dma_start3A_168, %dma_start3A_169, %dma_start3A_170] : memref<32x32x256x256xf32, #tpu.memory_space<any>> -> memref<1x32x256x256xf32, #tpu.memory_space<any>>
    %dma_start3A_172 = tpu.memref_squeeze %dma_start3A_171 : memref<1x32x256x256xf32, #tpu.memory_space<any>> -> memref<32x256x256xf32, #tpu.memory_space<any>>
    tpu.enqueue_dma source(%arg0 : memref<32x256x256xf32, #tpu.memory_space<vmem>>) target(%dma_start3A_172 : memref<32x256x256xf32, #tpu.memory_space<any>>) target_semaphore(%arg2 : memref<!tpu.dma_semaphore, #tpu.memory_space<semaphore_mem>>)
    %dma_start3A_173 = arith.constant 29 : i32
    %dma_start3A_174 = arith.constant 0 : i32
    %dma_start3A_175 = arith.constant 0 : i32
    %dma_start3A_176 = arith.constant 0 : i32
    %dma_start3A_177 = tpu.memref_slice %arg1[%dma_start3A_173, %dma_start3A_174, %dma_start3A_175, %dma_start3A_176] : memref<32x32x256x256xf32, #tpu.memory_space<any>> -> memref<1x32x256x256xf32, #tpu.memory_space<any>>
    %dma_start3A_178 = tpu.memref_squeeze %dma_start3A_177 : memref<1x32x256x256xf32, #tpu.memory_space<any>> -> memref<32x256x256xf32, #tpu.memory_space<any>>
    tpu.enqueue_dma source(%arg0 : memref<32x256x256xf32, #tpu.memory_space<vmem>>) target(%dma_start3A_178 : memref<32x256x256xf32, #tpu.memory_space<any>>) target_semaphore(%arg2 : memref<!tpu.dma_semaphore, #tpu.memory_space<semaphore_mem>>)
    %dma_start3A_179 = arith.constant 30 : i32
    %dma_start3A_180 = arith.constant 0 : i32
    %dma_start3A_181 = arith.constant 0 : i32
    %dma_start3A_182 = arith.constant 0 : i32
    %dma_start3A_183 = tpu.memref_slice %arg1[%dma_start3A_179, %dma_start3A_180, %dma_start3A_181, %dma_start3A_182] : memref<32x32x256x256xf32, #tpu.memory_space<any>> -> memref<1x32x256x256xf32, #tpu.memory_space<any>>
    %dma_start3A_184 = tpu.memref_squeeze %dma_start3A_183 : memref<1x32x256x256xf32, #tpu.memory_space<any>> -> memref<32x256x256xf32, #tpu.memory_space<any>>
    tpu.enqueue_dma source(%arg0 : memref<32x256x256xf32, #tpu.memory_space<vmem>>) target(%dma_start3A_184 : memref<32x256x256xf32, #tpu.memory_space<any>>) target_semaphore(%arg2 : memref<!tpu.dma_semaphore, #tpu.memory_space<semaphore_mem>>)
    %dma_start3A_185 = arith.constant 31 : i32
    %dma_start3A_186 = arith.constant 0 : i32
    %dma_start3A_187 = arith.constant 0 : i32
    %dma_start3A_188 = arith.constant 0 : i32
    %dma_start3A_189 = tpu.memref_slice %arg1[%dma_start3A_185, %dma_start3A_186, %dma_start3A_187, %dma_start3A_188] : memref<32x32x256x256xf32, #tpu.memory_space<any>> -> memref<1x32x256x256xf32, #tpu.memory_space<any>>
    %dma_start3A_190 = tpu.memref_squeeze %dma_start3A_189 : memref<1x32x256x256xf32, #tpu.memory_space<any>> -> memref<32x256x256xf32, #tpu.memory_space<any>>
    tpu.enqueue_dma source(%arg0 : memref<32x256x256xf32, #tpu.memory_space<vmem>>) target(%dma_start3A_190 : memref<32x256x256xf32, #tpu.memory_space<any>>) target_semaphore(%arg2 : memref<!tpu.dma_semaphore, #tpu.memory_space<semaphore_mem>>)
    %dma_wait3A = arith.constant 0 : i32
    %dma_wait3A_191 = arith.constant 0 : i32
    %dma_wait3A_192 = arith.constant 0 : i32
    %dma_wait3A_193 = arith.constant 0 : i32
    %dma_wait3A_194 = tpu.memref_slice %arg1[%dma_wait3A, %dma_wait3A_191, %dma_wait3A_192, %dma_wait3A_193] : memref<32x32x256x256xf32, #tpu.memory_space<any>> -> memref<1x32x256x256xf32, #tpu.memory_space<any>>
    %dma_wait3A_195 = tpu.memref_squeeze %dma_wait3A_194 : memref<1x32x256x256xf32, #tpu.memory_space<any>> -> memref<32x256x256xf32, #tpu.memory_space<any>>
    tpu.wait_dma2 semaphore(%arg2 : memref<!tpu.dma_semaphore, #tpu.memory_space<semaphore_mem>>) src(%arg0 : memref<32x256x256xf32, #tpu.memory_space<vmem>>) dst(%dma_wait3A_195 : memref<32x256x256xf32, #tpu.memory_space<any>>)
    %dma_wait3A_196 = arith.constant 1 : i32
    %dma_wait3A_197 = arith.constant 0 : i32
    %dma_wait3A_198 = arith.constant 0 : i32
    %dma_wait3A_199 = arith.constant 0 : i32
    %dma_wait3A_200 = tpu.memref_slice %arg1[%dma_wait3A_196, %dma_wait3A_197, %dma_wait3A_198, %dma_wait3A_199] : memref<32x32x256x256xf32, #tpu.memory_space<any>> -> memref<1x32x256x256xf32, #tpu.memory_space<any>>
    %dma_wait3A_201 = tpu.memref_squeeze %dma_wait3A_200 : memref<1x32x256x256xf32, #tpu.memory_space<any>> -> memref<32x256x256xf32, #tpu.memory_space<any>>
    tpu.wait_dma2 semaphore(%arg2 : memref<!tpu.dma_semaphore, #tpu.memory_space<semaphore_mem>>) src(%arg0 : memref<32x256x256xf32, #tpu.memory_space<vmem>>) dst(%dma_wait3A_201 : memref<32x256x256xf32, #tpu.memory_space<any>>)
    %dma_wait3A_202 = arith.constant 2 : i32
    %dma_wait3A_203 = arith.constant 0 : i32
    %dma_wait3A_204 = arith.constant 0 : i32
    %dma_wait3A_205 = arith.constant 0 : i32
    %dma_wait3A_206 = tpu.memref_slice %arg1[%dma_wait3A_202, %dma_wait3A_203, %dma_wait3A_204, %dma_wait3A_205] : memref<32x32x256x256xf32, #tpu.memory_space<any>> -> memref<1x32x256x256xf32, #tpu.memory_space<any>>
    %dma_wait3A_207 = tpu.memref_squeeze %dma_wait3A_206 : memref<1x32x256x256xf32, #tpu.memory_space<any>> -> memref<32x256x256xf32, #tpu.memory_space<any>>
    tpu.wait_dma2 semaphore(%arg2 : memref<!tpu.dma_semaphore, #tpu.memory_space<semaphore_mem>>) src(%arg0 : memref<32x256x256xf32, #tpu.memory_space<vmem>>) dst(%dma_wait3A_207 : memref<32x256x256xf32, #tpu.memory_space<any>>)
    %dma_wait3A_208 = arith.constant 3 : i32
    %dma_wait3A_209 = arith.constant 0 : i32
    %dma_wait3A_210 = arith.constant 0 : i32
    %dma_wait3A_211 = arith.constant 0 : i32
    %dma_wait3A_212 = tpu.memref_slice %arg1[%dma_wait3A_208, %dma_wait3A_209, %dma_wait3A_210, %dma_wait3A_211] : memref<32x32x256x256xf32, #tpu.memory_space<any>> -> memref<1x32x256x256xf32, #tpu.memory_space<any>>
    %dma_wait3A_213 = tpu.memref_squeeze %dma_wait3A_212 : memref<1x32x256x256xf32, #tpu.memory_space<any>> -> memref<32x256x256xf32, #tpu.memory_space<any>>
    tpu.wait_dma2 semaphore(%arg2 : memref<!tpu.dma_semaphore, #tpu.memory_space<semaphore_mem>>) src(%arg0 : memref<32x256x256xf32, #tpu.memory_space<vmem>>) dst(%dma_wait3A_213 : memref<32x256x256xf32, #tpu.memory_space<any>>)
    %dma_wait3A_214 = arith.constant 4 : i32
    %dma_wait3A_215 = arith.constant 0 : i32
    %dma_wait3A_216 = arith.constant 0 : i32
    %dma_wait3A_217 = arith.constant 0 : i32
    %dma_wait3A_218 = tpu.memref_slice %arg1[%dma_wait3A_214, %dma_wait3A_215, %dma_wait3A_216, %dma_wait3A_217] : memref<32x32x256x256xf32, #tpu.memory_space<any>> -> memref<1x32x256x256xf32, #tpu.memory_space<any>>
    %dma_wait3A_219 = tpu.memref_squeeze %dma_wait3A_218 : memref<1x32x256x256xf32, #tpu.memory_space<any>> -> memref<32x256x256xf32, #tpu.memory_space<any>>
    tpu.wait_dma2 semaphore(%arg2 : memref<!tpu.dma_semaphore, #tpu.memory_space<semaphore_mem>>) src(%arg0 : memref<32x256x256xf32, #tpu.memory_space<vmem>>) dst(%dma_wait3A_219 : memref<32x256x256xf32, #tpu.memory_space<any>>)
    %dma_wait3A_220 = arith.constant 5 : i32
    %dma_wait3A_221 = arith.constant 0 : i32
    %dma_wait3A_222 = arith.constant 0 : i32
    %dma_wait3A_223 = arith.constant 0 : i32
    %dma_wait3A_224 = tpu.memref_slice %arg1[%dma_wait3A_220, %dma_wait3A_221, %dma_wait3A_222, %dma_wait3A_223] : memref<32x32x256x256xf32, #tpu.memory_space<any>> -> memref<1x32x256x256xf32, #tpu.memory_space<any>>
    %dma_wait3A_225 = tpu.memref_squeeze %dma_wait3A_224 : memref<1x32x256x256xf32, #tpu.memory_space<any>> -> memref<32x256x256xf32, #tpu.memory_space<any>>
    tpu.wait_dma2 semaphore(%arg2 : memref<!tpu.dma_semaphore, #tpu.memory_space<semaphore_mem>>) src(%arg0 : memref<32x256x256xf32, #tpu.memory_space<vmem>>) dst(%dma_wait3A_225 : memref<32x256x256xf32, #tpu.memory_space<any>>)
    %dma_wait3A_226 = arith.constant 6 : i32
    %dma_wait3A_227 = arith.constant 0 : i32
    %dma_wait3A_228 = arith.constant 0 : i32
    %dma_wait3A_229 = arith.constant 0 : i32
    %dma_wait3A_230 = tpu.memref_slice %arg1[%dma_wait3A_226, %dma_wait3A_227, %dma_wait3A_228, %dma_wait3A_229] : memref<32x32x256x256xf32, #tpu.memory_space<any>> -> memref<1x32x256x256xf32, #tpu.memory_space<any>>
    %dma_wait3A_231 = tpu.memref_squeeze %dma_wait3A_230 : memref<1x32x256x256xf32, #tpu.memory_space<any>> -> memref<32x256x256xf32, #tpu.memory_space<any>>
    tpu.wait_dma2 semaphore(%arg2 : memref<!tpu.dma_semaphore, #tpu.memory_space<semaphore_mem>>) src(%arg0 : memref<32x256x256xf32, #tpu.memory_space<vmem>>) dst(%dma_wait3A_231 : memref<32x256x256xf32, #tpu.memory_space<any>>)
    %dma_wait3A_232 = arith.constant 7 : i32
    %dma_wait3A_233 = arith.constant 0 : i32
    %dma_wait3A_234 = arith.constant 0 : i32
    %dma_wait3A_235 = arith.constant 0 : i32
    %dma_wait3A_236 = tpu.memref_slice %arg1[%dma_wait3A_232, %dma_wait3A_233, %dma_wait3A_234, %dma_wait3A_235] : memref<32x32x256x256xf32, #tpu.memory_space<any>> -> memref<1x32x256x256xf32, #tpu.memory_space<any>>
    %dma_wait3A_237 = tpu.memref_squeeze %dma_wait3A_236 : memref<1x32x256x256xf32, #tpu.memory_space<any>> -> memref<32x256x256xf32, #tpu.memory_space<any>>
    tpu.wait_dma2 semaphore(%arg2 : memref<!tpu.dma_semaphore, #tpu.memory_space<semaphore_mem>>) src(%arg0 : memref<32x256x256xf32, #tpu.memory_space<vmem>>) dst(%dma_wait3A_237 : memref<32x256x256xf32, #tpu.memory_space<any>>)
    %dma_wait3A_238 = arith.constant 8 : i32
    %dma_wait3A_239 = arith.constant 0 : i32
    %dma_wait3A_240 = arith.constant 0 : i32
    %dma_wait3A_241 = arith.constant 0 : i32
    %dma_wait3A_242 = tpu.memref_slice %arg1[%dma_wait3A_238, %dma_wait3A_239, %dma_wait3A_240, %dma_wait3A_241] : memref<32x32x256x256xf32, #tpu.memory_space<any>> -> memref<1x32x256x256xf32, #tpu.memory_space<any>>
    %dma_wait3A_243 = tpu.memref_squeeze %dma_wait3A_242 : memref<1x32x256x256xf32, #tpu.memory_space<any>> -> memref<32x256x256xf32, #tpu.memory_space<any>>
    tpu.wait_dma2 semaphore(%arg2 : memref<!tpu.dma_semaphore, #tpu.memory_space<semaphore_mem>>) src(%arg0 : memref<32x256x256xf32, #tpu.memory_space<vmem>>) dst(%dma_wait3A_243 : memref<32x256x256xf32, #tpu.memory_space<any>>)
    %dma_wait3A_244 = arith.constant 9 : i32
    %dma_wait3A_245 = arith.constant 0 : i32
    %dma_wait3A_246 = arith.constant 0 : i32
    %dma_wait3A_247 = arith.constant 0 : i32
    %dma_wait3A_248 = tpu.memref_slice %arg1[%dma_wait3A_244, %dma_wait3A_245, %dma_wait3A_246, %dma_wait3A_247] : memref<32x32x256x256xf32, #tpu.memory_space<any>> -> memref<1x32x256x256xf32, #tpu.memory_space<any>>
    %dma_wait3A_249 = tpu.memref_squeeze %dma_wait3A_248 : memref<1x32x256x256xf32, #tpu.memory_space<any>> -> memref<32x256x256xf32, #tpu.memory_space<any>>
    tpu.wait_dma2 semaphore(%arg2 : memref<!tpu.dma_semaphore, #tpu.memory_space<semaphore_mem>>) src(%arg0 : memref<32x256x256xf32, #tpu.memory_space<vmem>>) dst(%dma_wait3A_249 : memref<32x256x256xf32, #tpu.memory_space<any>>)
    %dma_wait3A_250 = arith.constant 10 : i32
    %dma_wait3A_251 = arith.constant 0 : i32
    %dma_wait3A_252 = arith.constant 0 : i32
    %dma_wait3A_253 = arith.constant 0 : i32
    %dma_wait3A_254 = tpu.memref_slice %arg1[%dma_wait3A_250, %dma_wait3A_251, %dma_wait3A_252, %dma_wait3A_253] : memref<32x32x256x256xf32, #tpu.memory_space<any>> -> memref<1x32x256x256xf32, #tpu.memory_space<any>>
    %dma_wait3A_255 = tpu.memref_squeeze %dma_wait3A_254 : memref<1x32x256x256xf32, #tpu.memory_space<any>> -> memref<32x256x256xf32, #tpu.memory_space<any>>
    tpu.wait_dma2 semaphore(%arg2 : memref<!tpu.dma_semaphore, #tpu.memory_space<semaphore_mem>>) src(%arg0 : memref<32x256x256xf32, #tpu.memory_space<vmem>>) dst(%dma_wait3A_255 : memref<32x256x256xf32, #tpu.memory_space<any>>)
    %dma_wait3A_256 = arith.constant 11 : i32
    %dma_wait3A_257 = arith.constant 0 : i32
    %dma_wait3A_258 = arith.constant 0 : i32
    %dma_wait3A_259 = arith.constant 0 : i32
    %dma_wait3A_260 = tpu.memref_slice %arg1[%dma_wait3A_256, %dma_wait3A_257, %dma_wait3A_258, %dma_wait3A_259] : memref<32x32x256x256xf32, #tpu.memory_space<any>> -> memref<1x32x256x256xf32, #tpu.memory_space<any>>
    %dma_wait3A_261 = tpu.memref_squeeze %dma_wait3A_260 : memref<1x32x256x256xf32, #tpu.memory_space<any>> -> memref<32x256x256xf32, #tpu.memory_space<any>>
    tpu.wait_dma2 semaphore(%arg2 : memref<!tpu.dma_semaphore, #tpu.memory_space<semaphore_mem>>) src(%arg0 : memref<32x256x256xf32, #tpu.memory_space<vmem>>) dst(%dma_wait3A_261 : memref<32x256x256xf32, #tpu.memory_space<any>>)
    %dma_wait3A_262 = arith.constant 12 : i32
    %dma_wait3A_263 = arith.constant 0 : i32
    %dma_wait3A_264 = arith.constant 0 : i32
    %dma_wait3A_265 = arith.constant 0 : i32
    %dma_wait3A_266 = tpu.memref_slice %arg1[%dma_wait3A_262, %dma_wait3A_263, %dma_wait3A_264, %dma_wait3A_265] : memref<32x32x256x256xf32, #tpu.memory_space<any>> -> memref<1x32x256x256xf32, #tpu.memory_space<any>>
    %dma_wait3A_267 = tpu.memref_squeeze %dma_wait3A_266 : memref<1x32x256x256xf32, #tpu.memory_space<any>> -> memref<32x256x256xf32, #tpu.memory_space<any>>
    tpu.wait_dma2 semaphore(%arg2 : memref<!tpu.dma_semaphore, #tpu.memory_space<semaphore_mem>>) src(%arg0 : memref<32x256x256xf32, #tpu.memory_space<vmem>>) dst(%dma_wait3A_267 : memref<32x256x256xf32, #tpu.memory_space<any>>)
    %dma_wait3A_268 = arith.constant 13 : i32
    %dma_wait3A_269 = arith.constant 0 : i32
    %dma_wait3A_270 = arith.constant 0 : i32
    %dma_wait3A_271 = arith.constant 0 : i32
    %dma_wait3A_272 = tpu.memref_slice %arg1[%dma_wait3A_268, %dma_wait3A_269, %dma_wait3A_270, %dma_wait3A_271] : memref<32x32x256x256xf32, #tpu.memory_space<any>> -> memref<1x32x256x256xf32, #tpu.memory_space<any>>
    %dma_wait3A_273 = tpu.memref_squeeze %dma_wait3A_272 : memref<1x32x256x256xf32, #tpu.memory_space<any>> -> memref<32x256x256xf32, #tpu.memory_space<any>>
    tpu.wait_dma2 semaphore(%arg2 : memref<!tpu.dma_semaphore, #tpu.memory_space<semaphore_mem>>) src(%arg0 : memref<32x256x256xf32, #tpu.memory_space<vmem>>) dst(%dma_wait3A_273 : memref<32x256x256xf32, #tpu.memory_space<any>>)
    %dma_wait3A_274 = arith.constant 14 : i32
    %dma_wait3A_275 = arith.constant 0 : i32
    %dma_wait3A_276 = arith.constant 0 : i32
    %dma_wait3A_277 = arith.constant 0 : i32
    %dma_wait3A_278 = tpu.memref_slice %arg1[%dma_wait3A_274, %dma_wait3A_275, %dma_wait3A_276, %dma_wait3A_277] : memref<32x32x256x256xf32, #tpu.memory_space<any>> -> memref<1x32x256x256xf32, #tpu.memory_space<any>>
    %dma_wait3A_279 = tpu.memref_squeeze %dma_wait3A_278 : memref<1x32x256x256xf32, #tpu.memory_space<any>> -> memref<32x256x256xf32, #tpu.memory_space<any>>
    tpu.wait_dma2 semaphore(%arg2 : memref<!tpu.dma_semaphore, #tpu.memory_space<semaphore_mem>>) src(%arg0 : memref<32x256x256xf32, #tpu.memory_space<vmem>>) dst(%dma_wait3A_279 : memref<32x256x256xf32, #tpu.memory_space<any>>)
    %dma_wait3A_280 = arith.constant 15 : i32
    %dma_wait3A_281 = arith.constant 0 : i32
    %dma_wait3A_282 = arith.constant 0 : i32
    %dma_wait3A_283 = arith.constant 0 : i32
    %dma_wait3A_284 = tpu.memref_slice %arg1[%dma_wait3A_280, %dma_wait3A_281, %dma_wait3A_282, %dma_wait3A_283] : memref<32x32x256x256xf32, #tpu.memory_space<any>> -> memref<1x32x256x256xf32, #tpu.memory_space<any>>
    %dma_wait3A_285 = tpu.memref_squeeze %dma_wait3A_284 : memref<1x32x256x256xf32, #tpu.memory_space<any>> -> memref<32x256x256xf32, #tpu.memory_space<any>>
    tpu.wait_dma2 semaphore(%arg2 : memref<!tpu.dma_semaphore, #tpu.memory_space<semaphore_mem>>) src(%arg0 : memref<32x256x256xf32, #tpu.memory_space<vmem>>) dst(%dma_wait3A_285 : memref<32x256x256xf32, #tpu.memory_space<any>>)
    %dma_wait3A_286 = arith.constant 16 : i32
    %dma_wait3A_287 = arith.constant 0 : i32
    %dma_wait3A_288 = arith.constant 0 : i32
    %dma_wait3A_289 = arith.constant 0 : i32
    %dma_wait3A_290 = tpu.memref_slice %arg1[%dma_wait3A_286, %dma_wait3A_287, %dma_wait3A_288, %dma_wait3A_289] : memref<32x32x256x256xf32, #tpu.memory_space<any>> -> memref<1x32x256x256xf32, #tpu.memory_space<any>>
    %dma_wait3A_291 = tpu.memref_squeeze %dma_wait3A_290 : memref<1x32x256x256xf32, #tpu.memory_space<any>> -> memref<32x256x256xf32, #tpu.memory_space<any>>
    tpu.wait_dma2 semaphore(%arg2 : memref<!tpu.dma_semaphore, #tpu.memory_space<semaphore_mem>>) src(%arg0 : memref<32x256x256xf32, #tpu.memory_space<vmem>>) dst(%dma_wait3A_291 : memref<32x256x256xf32, #tpu.memory_space<any>>)
    %dma_wait3A_292 = arith.constant 17 : i32
    %dma_wait3A_293 = arith.constant 0 : i32
    %dma_wait3A_294 = arith.constant 0 : i32
    %dma_wait3A_295 = arith.constant 0 : i32
    %dma_wait3A_296 = tpu.memref_slice %arg1[%dma_wait3A_292, %dma_wait3A_293, %dma_wait3A_294, %dma_wait3A_295] : memref<32x32x256x256xf32, #tpu.memory_space<any>> -> memref<1x32x256x256xf32, #tpu.memory_space<any>>
    %dma_wait3A_297 = tpu.memref_squeeze %dma_wait3A_296 : memref<1x32x256x256xf32, #tpu.memory_space<any>> -> memref<32x256x256xf32, #tpu.memory_space<any>>
    tpu.wait_dma2 semaphore(%arg2 : memref<!tpu.dma_semaphore, #tpu.memory_space<semaphore_mem>>) src(%arg0 : memref<32x256x256xf32, #tpu.memory_space<vmem>>) dst(%dma_wait3A_297 : memref<32x256x256xf32, #tpu.memory_space<any>>)
    %dma_wait3A_298 = arith.constant 18 : i32
    %dma_wait3A_299 = arith.constant 0 : i32
    %dma_wait3A_300 = arith.constant 0 : i32
    %dma_wait3A_301 = arith.constant 0 : i32
    %dma_wait3A_302 = tpu.memref_slice %arg1[%dma_wait3A_298, %dma_wait3A_299, %dma_wait3A_300, %dma_wait3A_301] : memref<32x32x256x256xf32, #tpu.memory_space<any>> -> memref<1x32x256x256xf32, #tpu.memory_space<any>>
    %dma_wait3A_303 = tpu.memref_squeeze %dma_wait3A_302 : memref<1x32x256x256xf32, #tpu.memory_space<any>> -> memref<32x256x256xf32, #tpu.memory_space<any>>
    tpu.wait_dma2 semaphore(%arg2 : memref<!tpu.dma_semaphore, #tpu.memory_space<semaphore_mem>>) src(%arg0 : memref<32x256x256xf32, #tpu.memory_space<vmem>>) dst(%dma_wait3A_303 : memref<32x256x256xf32, #tpu.memory_space<any>>)
    %dma_wait3A_304 = arith.constant 19 : i32
    %dma_wait3A_305 = arith.constant 0 : i32
    %dma_wait3A_306 = arith.constant 0 : i32
    %dma_wait3A_307 = arith.constant 0 : i32
    %dma_wait3A_308 = tpu.memref_slice %arg1[%dma_wait3A_304, %dma_wait3A_305, %dma_wait3A_306, %dma_wait3A_307] : memref<32x32x256x256xf32, #tpu.memory_space<any>> -> memref<1x32x256x256xf32, #tpu.memory_space<any>>
    %dma_wait3A_309 = tpu.memref_squeeze %dma_wait3A_308 : memref<1x32x256x256xf32, #tpu.memory_space<any>> -> memref<32x256x256xf32, #tpu.memory_space<any>>
    tpu.wait_dma2 semaphore(%arg2 : memref<!tpu.dma_semaphore, #tpu.memory_space<semaphore_mem>>) src(%arg0 : memref<32x256x256xf32, #tpu.memory_space<vmem>>) dst(%dma_wait3A_309 : memref<32x256x256xf32, #tpu.memory_space<any>>)
    %dma_wait3A_310 = arith.constant 20 : i32
    %dma_wait3A_311 = arith.constant 0 : i32
    %dma_wait3A_312 = arith.constant 0 : i32
    %dma_wait3A_313 = arith.constant 0 : i32
    %dma_wait3A_314 = tpu.memref_slice %arg1[%dma_wait3A_310, %dma_wait3A_311, %dma_wait3A_312, %dma_wait3A_313] : memref<32x32x256x256xf32, #tpu.memory_space<any>> -> memref<1x32x256x256xf32, #tpu.memory_space<any>>
    %dma_wait3A_315 = tpu.memref_squeeze %dma_wait3A_314 : memref<1x32x256x256xf32, #tpu.memory_space<any>> -> memref<32x256x256xf32, #tpu.memory_space<any>>
    tpu.wait_dma2 semaphore(%arg2 : memref<!tpu.dma_semaphore, #tpu.memory_space<semaphore_mem>>) src(%arg0 : memref<32x256x256xf32, #tpu.memory_space<vmem>>) dst(%dma_wait3A_315 : memref<32x256x256xf32, #tpu.memory_space<any>>)
    %dma_wait3A_316 = arith.constant 21 : i32
    %dma_wait3A_317 = arith.constant 0 : i32
    %dma_wait3A_318 = arith.constant 0 : i32
    %dma_wait3A_319 = arith.constant 0 : i32
    %dma_wait3A_320 = tpu.memref_slice %arg1[%dma_wait3A_316, %dma_wait3A_317, %dma_wait3A_318, %dma_wait3A_319] : memref<32x32x256x256xf32, #tpu.memory_space<any>> -> memref<1x32x256x256xf32, #tpu.memory_space<any>>
    %dma_wait3A_321 = tpu.memref_squeeze %dma_wait3A_320 : memref<1x32x256x256xf32, #tpu.memory_space<any>> -> memref<32x256x256xf32, #tpu.memory_space<any>>
    tpu.wait_dma2 semaphore(%arg2 : memref<!tpu.dma_semaphore, #tpu.memory_space<semaphore_mem>>) src(%arg0 : memref<32x256x256xf32, #tpu.memory_space<vmem>>) dst(%dma_wait3A_321 : memref<32x256x256xf32, #tpu.memory_space<any>>)
    %dma_wait3A_322 = arith.constant 22 : i32
    %dma_wait3A_323 = arith.constant 0 : i32
    %dma_wait3A_324 = arith.constant 0 : i32
    %dma_wait3A_325 = arith.constant 0 : i32
    %dma_wait3A_326 = tpu.memref_slice %arg1[%dma_wait3A_322, %dma_wait3A_323, %dma_wait3A_324, %dma_wait3A_325] : memref<32x32x256x256xf32, #tpu.memory_space<any>> -> memref<1x32x256x256xf32, #tpu.memory_space<any>>
    %dma_wait3A_327 = tpu.memref_squeeze %dma_wait3A_326 : memref<1x32x256x256xf32, #tpu.memory_space<any>> -> memref<32x256x256xf32, #tpu.memory_space<any>>
    tpu.wait_dma2 semaphore(%arg2 : memref<!tpu.dma_semaphore, #tpu.memory_space<semaphore_mem>>) src(%arg0 : memref<32x256x256xf32, #tpu.memory_space<vmem>>) dst(%dma_wait3A_327 : memref<32x256x256xf32, #tpu.memory_space<any>>)
    %dma_wait3A_328 = arith.constant 23 : i32
    %dma_wait3A_329 = arith.constant 0 : i32
    %dma_wait3A_330 = arith.constant 0 : i32
    %dma_wait3A_331 = arith.constant 0 : i32
    %dma_wait3A_332 = tpu.memref_slice %arg1[%dma_wait3A_328, %dma_wait3A_329, %dma_wait3A_330, %dma_wait3A_331] : memref<32x32x256x256xf32, #tpu.memory_space<any>> -> memref<1x32x256x256xf32, #tpu.memory_space<any>>
    %dma_wait3A_333 = tpu.memref_squeeze %dma_wait3A_332 : memref<1x32x256x256xf32, #tpu.memory_space<any>> -> memref<32x256x256xf32, #tpu.memory_space<any>>
    tpu.wait_dma2 semaphore(%arg2 : memref<!tpu.dma_semaphore, #tpu.memory_space<semaphore_mem>>) src(%arg0 : memref<32x256x256xf32, #tpu.memory_space<vmem>>) dst(%dma_wait3A_333 : memref<32x256x256xf32, #tpu.memory_space<any>>)
    %dma_wait3A_334 = arith.constant 24 : i32
    %dma_wait3A_335 = arith.constant 0 : i32
    %dma_wait3A_336 = arith.constant 0 : i32
    %dma_wait3A_337 = arith.constant 0 : i32
    %dma_wait3A_338 = tpu.memref_slice %arg1[%dma_wait3A_334, %dma_wait3A_335, %dma_wait3A_336, %dma_wait3A_337] : memref<32x32x256x256xf32, #tpu.memory_space<any>> -> memref<1x32x256x256xf32, #tpu.memory_space<any>>
    %dma_wait3A_339 = tpu.memref_squeeze %dma_wait3A_338 : memref<1x32x256x256xf32, #tpu.memory_space<any>> -> memref<32x256x256xf32, #tpu.memory_space<any>>
    tpu.wait_dma2 semaphore(%arg2 : memref<!tpu.dma_semaphore, #tpu.memory_space<semaphore_mem>>) src(%arg0 : memref<32x256x256xf32, #tpu.memory_space<vmem>>) dst(%dma_wait3A_339 : memref<32x256x256xf32, #tpu.memory_space<any>>)
    %dma_wait3A_340 = arith.constant 25 : i32
    %dma_wait3A_341 = arith.constant 0 : i32
    %dma_wait3A_342 = arith.constant 0 : i32
    %dma_wait3A_343 = arith.constant 0 : i32
    %dma_wait3A_344 = tpu.memref_slice %arg1[%dma_wait3A_340, %dma_wait3A_341, %dma_wait3A_342, %dma_wait3A_343] : memref<32x32x256x256xf32, #tpu.memory_space<any>> -> memref<1x32x256x256xf32, #tpu.memory_space<any>>
    %dma_wait3A_345 = tpu.memref_squeeze %dma_wait3A_344 : memref<1x32x256x256xf32, #tpu.memory_space<any>> -> memref<32x256x256xf32, #tpu.memory_space<any>>
    tpu.wait_dma2 semaphore(%arg2 : memref<!tpu.dma_semaphore, #tpu.memory_space<semaphore_mem>>) src(%arg0 : memref<32x256x256xf32, #tpu.memory_space<vmem>>) dst(%dma_wait3A_345 : memref<32x256x256xf32, #tpu.memory_space<any>>)
    %dma_wait3A_346 = arith.constant 26 : i32
    %dma_wait3A_347 = arith.constant 0 : i32
    %dma_wait3A_348 = arith.constant 0 : i32
    %dma_wait3A_349 = arith.constant 0 : i32
    %dma_wait3A_350 = tpu.memref_slice %arg1[%dma_wait3A_346, %dma_wait3A_347, %dma_wait3A_348, %dma_wait3A_349] : memref<32x32x256x256xf32, #tpu.memory_space<any>> -> memref<1x32x256x256xf32, #tpu.memory_space<any>>
    %dma_wait3A_351 = tpu.memref_squeeze %dma_wait3A_350 : memref<1x32x256x256xf32, #tpu.memory_space<any>> -> memref<32x256x256xf32, #tpu.memory_space<any>>
    tpu.wait_dma2 semaphore(%arg2 : memref<!tpu.dma_semaphore, #tpu.memory_space<semaphore_mem>>) src(%arg0 : memref<32x256x256xf32, #tpu.memory_space<vmem>>) dst(%dma_wait3A_351 : memref<32x256x256xf32, #tpu.memory_space<any>>)
    %dma_wait3A_352 = arith.constant 27 : i32
    %dma_wait3A_353 = arith.constant 0 : i32
    %dma_wait3A_354 = arith.constant 0 : i32
    %dma_wait3A_355 = arith.constant 0 : i32
    %dma_wait3A_356 = tpu.memref_slice %arg1[%dma_wait3A_352, %dma_wait3A_353, %dma_wait3A_354, %dma_wait3A_355] : memref<32x32x256x256xf32, #tpu.memory_space<any>> -> memref<1x32x256x256xf32, #tpu.memory_space<any>>
    %dma_wait3A_357 = tpu.memref_squeeze %dma_wait3A_356 : memref<1x32x256x256xf32, #tpu.memory_space<any>> -> memref<32x256x256xf32, #tpu.memory_space<any>>
    tpu.wait_dma2 semaphore(%arg2 : memref<!tpu.dma_semaphore, #tpu.memory_space<semaphore_mem>>) src(%arg0 : memref<32x256x256xf32, #tpu.memory_space<vmem>>) dst(%dma_wait3A_357 : memref<32x256x256xf32, #tpu.memory_space<any>>)
    %dma_wait3A_358 = arith.constant 28 : i32
    %dma_wait3A_359 = arith.constant 0 : i32
    %dma_wait3A_360 = arith.constant 0 : i32
    %dma_wait3A_361 = arith.constant 0 : i32
    %dma_wait3A_362 = tpu.memref_slice %arg1[%dma_wait3A_358, %dma_wait3A_359, %dma_wait3A_360, %dma_wait3A_361] : memref<32x32x256x256xf32, #tpu.memory_space<any>> -> memref<1x32x256x256xf32, #tpu.memory_space<any>>
    %dma_wait3A_363 = tpu.memref_squeeze %dma_wait3A_362 : memref<1x32x256x256xf32, #tpu.memory_space<any>> -> memref<32x256x256xf32, #tpu.memory_space<any>>
    tpu.wait_dma2 semaphore(%arg2 : memref<!tpu.dma_semaphore, #tpu.memory_space<semaphore_mem>>) src(%arg0 : memref<32x256x256xf32, #tpu.memory_space<vmem>>) dst(%dma_wait3A_363 : memref<32x256x256xf32, #tpu.memory_space<any>>)
    %dma_wait3A_364 = arith.constant 29 : i32
    %dma_wait3A_365 = arith.constant 0 : i32
    %dma_wait3A_366 = arith.constant 0 : i32
    %dma_wait3A_367 = arith.constant 0 : i32
    %dma_wait3A_368 = tpu.memref_slice %arg1[%dma_wait3A_364, %dma_wait3A_365, %dma_wait3A_366, %dma_wait3A_367] : memref<32x32x256x256xf32, #tpu.memory_space<any>> -> memref<1x32x256x256xf32, #tpu.memory_space<any>>
    %dma_wait3A_369 = tpu.memref_squeeze %dma_wait3A_368 : memref<1x32x256x256xf32, #tpu.memory_space<any>> -> memref<32x256x256xf32, #tpu.memory_space<any>>
    tpu.wait_dma2 semaphore(%arg2 : memref<!tpu.dma_semaphore, #tpu.memory_space<semaphore_mem>>) src(%arg0 : memref<32x256x256xf32, #tpu.memory_space<vmem>>) dst(%dma_wait3A_369 : memref<32x256x256xf32, #tpu.memory_space<any>>)
    %dma_wait3A_370 = arith.constant 30 : i32
    %dma_wait3A_371 = arith.constant 0 : i32
    %dma_wait3A_372 = arith.constant 0 : i32
    %dma_wait3A_373 = arith.constant 0 : i32
    %dma_wait3A_374 = tpu.memref_slice %arg1[%dma_wait3A_370, %dma_wait3A_371, %dma_wait3A_372, %dma_wait3A_373] : memref<32x32x256x256xf32, #tpu.memory_space<any>> -> memref<1x32x256x256xf32, #tpu.memory_space<any>>
    %dma_wait3A_375 = tpu.memref_squeeze %dma_wait3A_374 : memref<1x32x256x256xf32, #tpu.memory_space<any>> -> memref<32x256x256xf32, #tpu.memory_space<any>>
    tpu.wait_dma2 semaphore(%arg2 : memref<!tpu.dma_semaphore, #tpu.memory_space<semaphore_mem>>) src(%arg0 : memref<32x256x256xf32, #tpu.memory_space<vmem>>) dst(%dma_wait3A_375 : memref<32x256x256xf32, #tpu.memory_space<any>>)
    %dma_wait3A_376 = arith.constant 31 : i32
    %dma_wait3A_377 = arith.constant 0 : i32
    %dma_wait3A_378 = arith.constant 0 : i32
    %dma_wait3A_379 = arith.constant 0 : i32
    %dma_wait3A_380 = tpu.memref_slice %arg1[%dma_wait3A_376, %dma_wait3A_377, %dma_wait3A_378, %dma_wait3A_379] : memref<32x32x256x256xf32, #tpu.memory_space<any>> -> memref<1x32x256x256xf32, #tpu.memory_space<any>>
    %dma_wait3A_381 = tpu.memref_squeeze %dma_wait3A_380 : memref<1x32x256x256xf32, #tpu.memory_space<any>> -> memref<32x256x256xf32, #tpu.memory_space<any>>
    tpu.wait_dma2 semaphore(%arg2 : memref<!tpu.dma_semaphore, #tpu.memory_space<semaphore_mem>>) src(%arg0 : memref<32x256x256xf32, #tpu.memory_space<vmem>>) dst(%dma_wait3A_381 : memref<32x256x256xf32, #tpu.memory_space<any>>)
    return
  }
}

</mosaic_0001>

<sc_bundles>
// kernel: kernel.4.cloned.1.call-start
scs
__scs_entry_jumppad:
0x0: {  	(pc) =	sbr.rel $0x88, $3  }
0x1: {  	(tag) =	ssettag $0x0;
	lr =	simm.s32 $0x1  }
0x2: {  	[smem:$0x3F9F] =	sst lr;
	_ =	strace $0xD0000000  }
0x3: {  	_ = 	snop  }
0x4: {  	_ = 	snop  }
0x5: {  	_ = 	snop  }
0x6: {  	_ = 	snop  }
0x7: {  	_ = 	snop  }
__scs_overlays_trampoline_lowered:
0x8: {  	[smem:$0x3FAE] =	sst s0  }
0x9: {  	[smem:$0x3FAF] =	sst s1  }
0xa: {  	[smem:$0x3FB0] =	sst s2  }
0xb: {  	[smem:$0x3FB1] =	sst s3  }
0xc: {  	[smem:$0x3FB2] =	sst s4  }
0xd: {  	[smem:$0x3FB3] =	sst s5  }
0xe: {  	[smem:$0x3FB4] =	sst s6  }
0xf: {  	[smem:$0x3FB5] =	sst s7  }
0x10: {  	[smem:$0x3FB6] =	sst s8  }
0x11: {  	[smem:$0x3FB7] =	sst s9;
	s0 =	simm.s32 @!p0 $0x0  }
0x12: {  	s1 =	sld [smem:$0x3F9D];
	s0 =	simm.s32 @p0 $0x1  }
0x13: {  	[smem:$0x3FB8] =	sst s0;
	s0 =	simm.s32 @!p1 $0x0  }
0x14: {  	s2 =	sld [smem:$0x3F9C];
	s0 =	simm.s32 @p1 $0x1  }
0x15: {  	[smem:$0x3FB9] =	sst s0;
	s0 =	simm.s32 @!p2 $0x0  }
0x16: {  	s3 =	sld [smem:$0x3FDB];
	s0 =	simm.s32 @p2 $0x1  }
0x17: {  	s4 =	simm.s32 $0x1BF5;
	[smem:$0x3FBB] =	sst s0  }
0x18: {  	s0 =	sld [smem:$0x3F9E];
	_ =	swait.ge [sflag:s4], $0x0  }
0x19: {  	s7 =	sld [smem:$0x3F9F]  }
0x1a: {  	s8 =	sadd.s32 $0xFFFFE003, lr  }
0x1b: {  	s9 =	sadd.s32 $0xFFFFFEF7, lr;
	s5 =	simm.s32 $0xFFFFFFFF;
	p2 =	slt.u32 s8, $0xFFFFF086  }
0x1c: {  	p1 =	slt.u32 s9, $0xF7A;
	s5 =	simm.s32 @!p2 $0x0  }
0x1d: {  	s5 =	simm.s32 @p1 $0x1;
	p0 =	seq.s32 s7, s2  }
0x1e: {  	s7 =	smul.u32 @!p0 $0xF7A, s2;
	p2 =	seq.s32 @!p0 s5, $0x0  }
0x1f: {  	s9 =	smul.u32 $0xF7A, s1;
	s8 =	simm.s32 @!p0 $0x1BF5;
	p2 =	por !p2, p0  }
0x20: {  	[sflag:s8] =	ssyncset.s32 @!p0 $0xFFFFF086;
	s6 =	sadd.s32 @!p0 s3, s7;
	s7 =	simm.s32 @!p0 $0x108  }
0x21: {  	s3 =	sadd.s32 s3, s9;
	s6 =	sadd.s32 @!p0 $0x88, s6;
	s7 =	simm.s32 @p2 $0x1082  }
0x22: {  	[simem:s7], [sflag:s8] =	dma.local @!p0 [hbm:s6], $0xF7A  }
0x23: {  	s9 =	sor.u32 $0xD0000000, s2;
	s6 =	simm.s32 $0x108;
	_ =	swait.ge @!p0 [sflag:s8], $0x0  }
0x24: {  	s3 =	sadd.s32 $0x88, s3;
	s6 =	simm.s32 @!p1 $0x1082;
	[sflag:s4] =	ssyncset.s32 $0xFFFFF086  }
0x25: {  	[simem:s6], [sflag:s4] =	dma.local [hbm:s3], $0xF7A  }
0x26: {  	[smem:$0x3F9F] =	sst s1;
	(tag) =	ssettag s2;
	_ =	strace s9  }
0x27: {  	s1 =	sld [smem:$0x3FAF]  }
0x28: {  	s2 =	sld [smem:$0x3FB0]  }
0x29: {  	s4 =	sld [smem:$0x3FB2]  }
0x2a: {  	p0 =	seq.s32 s5, $0x0;
	s5 =	sld [smem:$0x3FB3]  }
0x2b: {  	s6 =	sld [smem:$0x3FB4]  }
0x2c: {  	s7 =	sld [smem:$0x3FB5]  }
0x2d: {  	s3 =	simm.s32 $0x108;
	s8 =	sld [smem:$0x3FB6]  }
0x2e: {  	s3 =	simm.s32 @!p0 $0x1082;
	s9 =	sld [smem:$0x3FB7]  }
0x2f: {  	lr =	sadd.s32 s0, s3;
	s0 =	sld [smem:$0x3FAE]  }
0x30: {  	s3 =	sld [smem:$0x3FB1]  }
0x31: {  	[smem:$0x3FBA] =	sst s10  }
0x32: {  	s10 =	sld [smem:$0x3FB8];
	_ =	sdelay $0x3  }
0x33: {  	p0 =	seq.s32 s10, $0x1;
	s10 =	sld [smem:$0x3FBA];
	_ =	sdelay $0x3  }
0x34: {  	[smem:$0x3FBA] =	sst s10  }
0x35: {  	s10 =	sld [smem:$0x3FB9];
	_ =	sdelay $0x3  }
0x36: {  	p1 =	seq.s32 s10, $0x1;
	s10 =	sld [smem:$0x3FBA];
	_ =	sdelay $0x3  }
0x37: {  	[smem:$0x3FBA] =	sst s10  }
0x38: {  	s10 =	sld [smem:$0x3FBB]  }
0x39: {  	_ = 	snop;
	(pc) =	sbr.ind lr, $3  }
0x3a: {  	_ = 	snop  }
0x3b: {  	_ = 	snop  }
0x3c: {  	p2 =	seq.s32 s10, $0x1;
	s10 =	sld [smem:$0x3FBA]  }
0x3d: {  	_ =	shalt  }
0x3e: {  	_ =	shalt  }
0x3f: {  	_ =	shalt  }
0x40: {  	_ =	shalt  }
0x41: {  	_ =	shalt  }
0x42: {  	_ =	shalt  }
0x43: {  	_ =	shalt  }
0x44: {  	_ =	shalt  }
0x45: {  	_ =	shalt  }
0x46: {  	_ =	shalt  }
0x47: {  	_ =	shalt  }
0x48: {  	_ =	shalt  }
0x49: {  	_ =	shalt  }
0x4a: {  	_ =	shalt  }
0x4b: {  	_ =	shalt  }
0x4c: {  	_ =	shalt  }
0x4d: {  	_ =	shalt  }
0x4e: {  	_ =	shalt  }
0x4f: {  	_ =	shalt  }
0x50: {  	_ =	shalt  }
0x51: {  	_ =	shalt  }
0x52: {  	_ =	shalt  }
0x53: {  	_ =	shalt  }
0x54: {  	_ =	shalt  }
0x55: {  	_ =	shalt  }
0x56: {  	_ =	shalt  }
0x57: {  	_ =	shalt  }
0x58: {  	_ =	shalt  }
0x59: {  	_ =	shalt  }
0x5a: {  	_ =	shalt  }
0x5b: {  	_ =	shalt  }
0x5c: {  	_ =	shalt  }
0x5d: {  	_ =	shalt  }
0x5e: {  	_ =	shalt  }
0x5f: {  	_ =	shalt  }
0x60: {  	_ =	shalt  }
0x61: {  	_ =	shalt  }
0x62: {  	_ =	shalt  }
0x63: {  	_ =	shalt  }
0x64: {  	_ =	shalt  }
0x65: {  	_ =	shalt  }
0x66: {  	_ =	shalt  }
0x67: {  	_ =	shalt  }
0x68: {  	_ =	shalt  }
0x69: {  	_ =	shalt  }
0x6a: {  	_ =	shalt  }
0x6b: {  	_ =	shalt  }
0x6c: {  	_ =	shalt  }
0x6d: {  	_ =	shalt  }
0x6e: {  	_ =	shalt  }
0x6f: {  	_ =	shalt  }
0x70: {  	_ =	shalt  }
0x71: {  	_ =	shalt  }
0x72: {  	_ =	shalt  }
0x73: {  	_ =	shalt  }
0x74: {  	_ =	shalt  }
0x75: {  	_ =	shalt  }
0x76: {  	_ =	shalt  }
0x77: {  	_ =	shalt  }
0x78: {  	_ =	shalt  }
0x79: {  	_ =	shalt  }
0x7a: {  	_ =	shalt  }
0x7b: {  	_ =	shalt  }
0x7c: {  	_ =	shalt  }
0x7d: {  	_ =	shalt  }
0x7e: {  	_ =	shalt  }
0x7f: {  	_ =	shalt  }
0x80: {  	_ =	shalt  }
0x81: {  	_ =	shalt  }
0x82: {  	_ =	shalt  }
0x83: {  	_ =	shalt  }
0x84: {  	_ =	shalt  }
0x85: {  	_ =	shalt  }
0x86: {  	_ =	shalt  }
0x87: {  	_ =	shalt  }
.Lfunc_end0:
.L_simem_size_0:
called_computation_lowered:
.L_overlay_start_0:
0x88: {  	s2 =	sld [smem:$0x3FD9]  }
0x89: {  	s3 =	sld [smem:$0x3FFE];
	_ =	sdelay $0x1  }
0x8a: {  	s1 =	srdreg.scid  }
0x8b: {  	s0 =	sand.u32 $0x1, s1  }
0x8c: {  	s17 =	sshll.u32 s0, $0xA;
	s2 =	sadd.s32 s3, s2  }
0x8d: {  	s2 =	sadd.s32 s2, s17  }
0x8e: {  	[smem:$0x3FC6] =	sst s2  }
0x8f: {  	_ = 	snop  }
0x90: {  	s2 =	sld [smem:$0x3FD0];
	(tm) =	ssettm $0x1  }
0x91: {  	s18 =	sld [smem:$0x3FFB];
	_ =	sdelay $0x3  }
0x92: {  	_ =	strace s18  }
0x93: {  	s3 =	sld [smem:$0x3FFC];
	_ =	sdelay $0x3  }
0x94: {  	_ =	strace s3  }
0x95: {  	s3 =	sld [smem:$0x3FFD];
	_ =	sdelay $0x3  }
0x96: {  	_ =	strace s3  }
0x97: {  	_ =	strace $0x8FFFFFFF  }
0x98: {  	s19 =	sld [smem:$0x3FDB];
	_ =	sdelay $0x1  }
0x99: {  	s4 =	simm.s32 $_scs_section_size  }
0x9a: {  	s5 =	simm.s32 $_size__tile_overlayer_lowered;
	s6 =	simm.s32 $_tile_overlayer_lowered  }
0x9b: {  	s22 =	simm.s32 $0x1BFF;
	s21 =	sshll.u32 s6, $0x1;
	s3 =	sadd.s32 s4, s19  }
0x9c: {  	s7 =	simm.s32 $0x0;
	s20 =	sshll.u32 s5, $0x1;
	s5 =	sadd.s32 s21, s3  }
0x9d: {  	[timem:s7], [sflag:s22] =	dma.local [hbm:s5], s20  }
0x9e: {  	_ =	swait.ge [sflag:s22], s20  }
0x9f: {  	s4 =	ssub.s32 $0x0, s20;
	[sflag:s22] =	ssyncset.done $0x0  }
0xa0: {  	[sflag:s22] =	ssyncadd.s32 s4;
	_ =	sdelay $0x1  }
0xa1: {  	s23 =	simm.s32 $0x1B8B  }
0xa2: {  	_ =	swait.ge [sflag:s23], $0x1  }
0xa3: {  	[sflag:s23] =	ssyncset.done $0x0  }
0xa4: {  	s25 =	simm.s32 $0x1B8E;
	s24 =	sld [smem:$0x3FFE];
	[sflag:s23] =	ssyncadd.s32 $0xFFFFFFFF  }
0xa5: {  	s26 =	simm.s32 $execute0_lowered;
	[smem:$0x3FD2] =	sst s25  }
0xa6: {  	s5 =	sshll.u32 s26, $0x1;
	_ =	strace $0x80000046;
	[dreg:$0x1] =	wrdreg $0xFFFFFFFF  }
0xa7: {  	s28 =	simm.s32 $_size_execute0_lowered;
	s3 =	sadd.s32 s3, s5;
	[dreg:$0x0] =	wrdreg $0x0  }
0xa8: {  	s5 =	sshll.u32 s28, $0x1;
	[dreg:$0x2] =	wrdreg s3  }
0xa9: {  	[dreg:$0x3] =	wrdreg s5  }
0xaa: {  	[dreg:$0x4] =	wrdreg $0xC0  }
0xab: {  	_ =	task [dreg:s7], $0x5FFFF  }
0xac: {  	[dreg:$0x1] =	wrdreg $0xFFFFFFFF  }
0xad: {  	[dreg:$0x0] =	wrdreg $0x60  }
0xae: {  	[dreg:$0x2] =	wrdreg s24  }
0xaf: {  	[dreg:$0x3] =	wrdreg s2  }
0xb0: {  	[dreg:$0x4] =	wrdreg $0x9  }
0xb1: {  	_ =	task.clear_ibuf [dreg:s7], $0x5FFFF;
	_ =	strace $0x90000046  }
0xb2: {  	s29 =	simm.s32 $0x9;
	_ =	strace $0x80000048  }
0xb3: {  	_ =	swait.ge [sflag:s29], $0x1  }
0xb4: {  	[sflag:s29] =	ssyncadd.s32 $0xFFFFFFFF  }
0xb5: {  	_ =	strace $0x90000048  }
0xb6: {  	_ =	sfence  }
0xb7: {  	s30 =	sld [smem:$0x0];
	_ =	sdelay $0x2  }
0xb8: {  	s31 =	sshll.u32 s1, $0xD;
	s1 =	sshrl.u32 s1, $0x2  }
0xb9: {  	s3 =	sand.u32 $0x4000, s31;
	s1 =	sadd.s32 s1, s30  }
0xba: {  	s0 =	sor.u32 s3, s0;
	s1 =	sshll.u32 s1, $0x11  }
0xbb: {  	s0 =	sor.u32 s1, s0  }
0xbc: {  	s0 =	sadd.s32 $0x8F2B, s0  }
0xbd: {  	[sflag:s0] =	ssyncadd.remote.s32 $0x1  }
0xbe: {  	_ =	sfence.sel $0xFFFF  }
0xbf: {  	[dreg:$0x0] =	wrdreg $0xFFFFFFFF;
	(pc) =	sbr.abs _section_cstart, $3  }
0xc0: {  	[dreg:$0x1] =	wrdreg $0xFFFFFFFF  }
0xc1: {  	_ =	task.clear_ibuf [dreg:s7], $0x2FFFF;
	_ =	strace $0x9FFFFFFF  }
0xc2: {  	(tm) =	ssettm $0x7FFFFFFF  }
0xc3: {  	_ =	shalt  }
tec
execute0_lowered:
.L_overlay_start_1:
0x0: {  	(tag) =	ssettag $0x1  }
0x1: {  	v0 =	vlaneseq.u32;
	s0 =	srdreg.scid;
	s2 =	stileid.u32  }
0x2: {  	v29 =	vmul.u32 $0x20, v0;
	s1 =	sand.u32 $0x1, s0;
	s26 =	sshll.u32 s2, $0x1  }
0x3: {  	s0 =	sor.u32 s1, s26  }
0x4: {  	v1 =	vor.u32 $0x200, v29;
	v0 =	vor.u32 s0, v29;
	v2 =	vor.u32 $0x400, v29  }
0x5: {  	v3 =	vor.u32 $0x600, v29;
	v4 =	vor.u32 $0x800, v29;
	v5 =	vor.u32 $0xA00, v29  }
0x6: {  	v6 =	vor.u32 $0xC00, v29;
	v7 =	vor.u32 $0xE00, v29;
	v8 =	vor.u32 $0x1000, v29  }
0x7: {  	v9 =	vor.u32 $0x1200, v29;
	v10 =	vor.u32 $0x1400, v29;
	v11 =	vor.u32 $0x1600, v29  }
0x8: {  	v12 =	vor.u32 $0x1800, v29;
	v13 =	vor.u32 $0x1A00, v29;
	v14 =	vor.u32 $0x1C00, v29  }
0x9: {  	v15 =	vor.u32 $0x1E00, v29;
	v16 =	vor.u32 $0x2000, v29;
	v17 =	vor.u32 $0x2200, v29  }
0xa: {  	v18 =	vor.u32 $0x2400, v29;
	v19 =	vor.u32 $0x2600, v29;
	v20 =	vor.u32 $0x2800, v29  }
0xb: {  	v21 =	vor.u32 $0x2A00, v29;
	v22 =	vor.u32 $0x2C00, v29;
	v23 =	vor.u32 $0x2E00, v29  }
0xc: {  	s28 =	rddreg [dreg:$0x0];
	v24 =	vor.u32 $0x3000, v29;
	v25 =	vor.u32 $0x3200, v29;
	v26 =	vor.u32 $0x3400, v29  }
0xd: {  	s3 =	rddreg [dreg:$0x1];
	s6 =	simm.s32 $0x0;
	v27 =	vor.u32 $0x3600, v29;
	v28 =	vor.u32 $0x3800, v29;
	v30 =	vor.u32 $0x3A00, v29  }
0xe: {  	[smem:$0x7FF] =	sst s6;
	s4 =	sadd.s32 $0x2600, s28;
	v31 =	vor.u32 $0x3C00, v29;
	v32 =	vor.u32 $0x3E00, v29;
	v1 =	vor.u32 s0, v1  }
0xf: {  	s7 =	sadd.s32 $0x600, s28;
	_ =	strace $0x80000047;
	[dreg:$0x1c] =	wrdreg s4;
	v2 =	vor.u32 s0, v2;
	v3 =	vor.u32 s0, v3;
	v4 =	vor.u32 s0, v4  }
0x10: {  	s11 =	sadd.s32 $0x1600, s28;
	[dreg:$0x1b] =	wrdreg s7;
	v5 =	vor.u32 s0, v5;
	v6 =	vor.u32 s0, v6;
	v7 =	vor.u32 s0, v7  }
0x11: {  	s12 =	sadd.s32 $0x1E00, s28;
	[dreg:$0x1f] =	wrdreg s11;
	v8 =	vor.u32 s0, v8;
	v9 =	vor.u32 s0, v9;
	v10 =	vor.u32 s0, v10  }
0x12: {  	s4 =	sadd.s32 $0xE00, s28;
	[smem:$0x7FD] =	sst s12;
	s5 =	sshll.u32 s0, $0xD;
	v11 =	vor.u32 s0, v11;
	v12 =	vor.u32 s0, v12;
	v13 =	vor.u32 s0, v13  }
0x13: {  	[dreg:$0x1d] =	wrdreg s4;
	v14 =	vor.u32 s0, v14;
	v15 =	vor.u32 s0, v15;
	v16 =	vor.u32 s0, v16;
	s3 =	sadd.s32 s3, s5  }
0x14: {  	s1 =	ssub.s32 $0x2, s1;
	v17 =	vor.u32 s0, v17;
	v18 =	vor.u32 s0, v18;
	v19 =	vor.u32 s0, v19;
	s5 =	sadd.s32 $0x800, s3;
	[dreg:$0x1e] =	wrdreg s3  }
0x15: {  	s29 =	sshrl.u32 s1, $0x1;
	v20 =	vor.u32 s0, v20;
	v21 =	vor.u32 s0, v21;
	v22 =	vor.u32 s0, v22;
	s30 =	sadd.s32 $0x1000, s3;
	[smem:$0x7F9] =	sst s5  }
0x16: {  	s1 =	ssub.s32 s1, s29;
	v23 =	vor.u32 s0, v23;
	v24 =	vor.u32 s0, v24;
	v25 =	vor.u32 s0, v25;
	s31 =	sadd.s32 $0x1800, s3;
	[smem:$0x7FA] =	sst s30  }
0x17: {  	s13 =	simm.s32 $0x2;
	v26 =	vor.u32 s0, v26;
	v27 =	vor.u32 s0, v27;
	v28 =	vor.u32 s0, v28;
	s1 =	smax.u32 s1, $0x1;
	[smem:$0x7FB] =	sst s31  }
0x18: {  	s16 =	simm.s32 $0x4000;
	v29 =	vor.u32 s0, v30;
	v30 =	vor.u32 s0, v31;
	v31 =	vor.u32 s0, v32;
	[smem:$0x7FC] =	sst s1;
	s1 =	simm.s32 $0x0  }
.LBB2_1:
0x19: {  	[smem:$0x7F8] =	sst s1;
	s0 =	simm.s32 $0x4200  }
0x1a: {  	s1 =	simm.s32 $0x10;
	s3 =	sadd.s32 $0x0, s7;
	s2 =	simm.s32 $0x4300  }
.LBB2_2:
0x1b: {  	[tilespmem:s0], [sflag:$0x2] =	stream.linear.gather [hbm4b:s3+s6], $0x80, $0x38;
	[tilespmem:$0x1C200] =	vst v63  }
0x1c: {  	s3 =	smov.u32 s1;
	s0 =	smov.u32 s2;
	p0 =	sne.s32 s1, $0x7F0  }
.Ltmp0:
0x1d: {  	s1 =	sadd.s32 $0x10, s1;
	(pc) =	sbr.rel @p0 .LBB2_2-.Ltmp0, $2  }
0x1e: {  	_ =	sdelay $0x2  }
0x1f: {  	s2 =	sadd.s32 $0x100, s2;
	s3 =	sadd.s32 s3, s7  }
0x20: {  	[tilespmem:s0], [sflag:$0x2] =	stream.linear.gather [hbm4b:s3+s6], $0x80, $0x38;
	[tilespmem:$0x1C200] =	vst v63  }
0x21: {  	s2 =	simm.s32 $0x0;
	s30 =	rddreg [dreg:$0x1c];
	s31 =	simm.s32 $0x3  }
0x22: {  	[tilespmem:s2], [sflag:$0x3] =	stream.linear.gather [hbm4b:s30+s2], $0x4000, $0x38;
	[tilespmem:$0x1C200] =	vst v63  }
0x23: {  	_ =	swait.ge [sflag:s31], $0x4000  }
0x24: {  	[sflag:s31] =	ssyncset.done $0x0  }
0x25: {  	[sflag:s31] =	ssyncadd.s32 $0xFFFFC000  }
0x26: {  	v32 =	vld.idx.msk [tilespmem:v0+s2+$0x0], $0xffff;
	_ =	sdelay $0x4  }
0x27: {  	[tilespmem:$0x4000] =	vst v32  }
0x28: {  	v32 =	vld.idx.msk [tilespmem:v1+s2+$0x0], $0xffff;
	_ =	sdelay $0x4  }
0x29: {  	[tilespmem:$0x4010] =	vst v32  }
0x2a: {  	v32 =	vld.idx.msk [tilespmem:v2+s2+$0x0], $0xffff;
	_ =	sdelay $0x4  }
0x2b: {  	[tilespmem:$0x4020] =	vst v32  }
0x2c: {  	v32 =	vld.idx.msk [tilespmem:v3+s2+$0x0], $0xffff;
	_ =	sdelay $0x4  }
0x2d: {  	[tilespmem:$0x4030] =	vst v32  }
0x2e: {  	v32 =	vld.idx.msk [tilespmem:v4+s2+$0x0], $0xffff;
	_ =	sdelay $0x4  }
0x2f: {  	[tilespmem:$0x4040] =	vst v32  }
0x30: {  	v32 =	vld.idx.msk [tilespmem:v5+s2+$0x0], $0xffff;
	_ =	sdelay $0x4  }
0x31: {  	[tilespmem:$0x4050] =	vst v32  }
0x32: {  	v32 =	vld.idx.msk [tilespmem:v6+s2+$0x0], $0xffff;
	_ =	sdelay $0x4  }
0x33: {  	[tilespmem:$0x4060] =	vst v32  }
0x34: {  	v32 =	vld.idx.msk [tilespmem:v7+s2+$0x0], $0xffff;
	_ =	sdelay $0x4  }
0x35: {  	[tilespmem:$0x4070] =	vst v32  }
0x36: {  	v32 =	vld.idx.msk [tilespmem:v8+s2+$0x0], $0xffff;
	_ =	sdelay $0x4  }
0x37: {  	[tilespmem:$0x4080] =	vst v32  }
0x38: {  	v32 =	vld.idx.msk [tilespmem:v9+s2+$0x0], $0xffff;
	_ =	sdelay $0x4  }
0x39: {  	[tilespmem:$0x4090] =	vst v32  }
0x3a: {  	v32 =	vld.idx.msk [tilespmem:v10+s2+$0x0], $0xffff;
	_ =	sdelay $0x4  }
0x3b: {  	[tilespmem:$0x40A0] =	vst v32  }
0x3c: {  	v32 =	vld.idx.msk [tilespmem:v11+s2+$0x0], $0xffff;
	_ =	sdelay $0x4  }
0x3d: {  	[tilespmem:$0x40B0] =	vst v32  }
0x3e: {  	v32 =	vld.idx.msk [tilespmem:v12+s2+$0x0], $0xffff;
	_ =	sdelay $0x4  }
0x3f: {  	[tilespmem:$0x40C0] =	vst v32  }
0x40: {  	v32 =	vld.idx.msk [tilespmem:v13+s2+$0x0], $0xffff;
	_ =	sdelay $0x4  }
0x41: {  	[tilespmem:$0x40D0] =	vst v32  }
0x42: {  	v32 =	vld.idx.msk [tilespmem:v14+s2+$0x0], $0xffff;
	_ =	sdelay $0x4  }
0x43: {  	[tilespmem:$0x40E0] =	vst v32  }
0x44: {  	v32 =	vld.idx.msk [tilespmem:v15+s2+$0x0], $0xffff;
	_ =	sdelay $0x4  }
0x45: {  	[tilespmem:$0x40F0] =	vst v32  }
0x46: {  	v32 =	vld.idx.msk [tilespmem:v16+s2+$0x0], $0xffff;
	_ =	sdelay $0x4  }
0x47: {  	[tilespmem:$0x4100] =	vst v32  }
0x48: {  	v32 =	vld.idx.msk [tilespmem:v17+s2+$0x0], $0xffff;
	_ =	sdelay $0x4  }
0x49: {  	[tilespmem:$0x4110] =	vst v32  }
0x4a: {  	v32 =	vld.idx.msk [tilespmem:v18+s2+$0x0], $0xffff;
	_ =	sdelay $0x4  }
0x4b: {  	[tilespmem:$0x4120] =	vst v32  }
0x4c: {  	v32 =	vld.idx.msk [tilespmem:v19+s2+$0x0], $0xffff;
	_ =	sdelay $0x4  }
0x4d: {  	[tilespmem:$0x4130] =	vst v32  }
0x4e: {  	v32 =	vld.idx.msk [tilespmem:v20+s2+$0x0], $0xffff;
	_ =	sdelay $0x4  }
0x4f: {  	[tilespmem:$0x4140] =	vst v32  }
0x50: {  	v32 =	vld.idx.msk [tilespmem:v21+s2+$0x0], $0xffff;
	_ =	sdelay $0x4  }
0x51: {  	[tilespmem:$0x4150] =	vst v32  }
0x52: {  	v32 =	vld.idx.msk [tilespmem:v22+s2+$0x0], $0xffff;
	_ =	sdelay $0x4  }
0x53: {  	[tilespmem:$0x4160] =	vst v32  }
0x54: {  	v32 =	vld.idx.msk [tilespmem:v23+s2+$0x0], $0xffff;
	_ =	sdelay $0x4  }
0x55: {  	[tilespmem:$0x4170] =	vst v32  }
0x56: {  	v32 =	vld.idx.msk [tilespmem:v24+s2+$0x0], $0xffff;
	_ =	sdelay $0x4  }
0x57: {  	[tilespmem:$0x4180] =	vst v32  }
0x58: {  	v32 =	vld.idx.msk [tilespmem:v25+s2+$0x0], $0xffff;
	_ =	sdelay $0x4  }
0x59: {  	[tilespmem:$0x4190] =	vst v32  }
0x5a: {  	v32 =	vld.idx.msk [tilespmem:v26+s2+$0x0], $0xffff;
	_ =	sdelay $0x4  }
0x5b: {  	[tilespmem:$0x41A0] =	vst v32  }
0x5c: {  	v32 =	vld.idx.msk [tilespmem:v27+s2+$0x0], $0xffff;
	_ =	sdelay $0x4  }
0x5d: {  	[tilespmem:$0x41B0] =	vst v32  }
0x5e: {  	v32 =	vld.idx.msk [tilespmem:v28+s2+$0x0], $0xffff;
	_ =	sdelay $0x4  }
0x5f: {  	[tilespmem:$0x41C0] =	vst v32  }
0x60: {  	v32 =	vld.idx.msk [tilespmem:v29+s2+$0x0], $0xffff;
	_ =	sdelay $0x4  }
0x61: {  	[tilespmem:$0x41D0] =	vst v32  }
0x62: {  	v32 =	vld.idx.msk [tilespmem:v30+s2+$0x0], $0xffff;
	_ =	sdelay $0x4  }
0x63: {  	[tilespmem:$0x41E0] =	vst v32  }
0x64: {  	v32 =	vld.idx.msk [tilespmem:v31+s2+$0x0], $0xffff;
	_ =	sdelay $0x4  }
0x65: {  	[tilespmem:$0x41F0] =	vst v32  }
0x66: {  	_ =	swait.ge [sflag:s13], $0x4000  }
0x67: {  	[sflag:s13] =	ssyncset.done $0x0  }
0x68: {  	s0 =	simm.s32 $0x4280;
	s1 =	simm.s32 $0x0;
	[sflag:s13] =	ssyncadd.s32 $0xFFFFC000  }
.LBB2_4:
0x69: {  	p0 =	sne.s32 s1, $0x7F0  }
.Ltmp1:
0x6a: {  	_ = 	snop;
	(pc) =	sbr.rel @p0 .LBB2_4-.Ltmp1, $4  }
0x6b: {  	_ = 	snop  }
0x6c: {  	s3 =	sadd.s32 s1, s4  }
0x6d: {  	[tilespmem:s0], [sflag:$0x2] =	stream.linear.gather [hbm4b:s3+s2], $0x80, $0x38;
	[tilespmem:$0x1C200] =	vst v63  }
0x6e: {  	s1 =	sadd.s32 $0x10, s1;
	s0 =	sadd.s32 $0x100, s0  }
0x6f: {  	s5 =	simm.s32 $0x4600  }
0x70: {  	v32 =	vld [tilespmem:s5+$0x200]  }
0x71: {  	v33 =	vld [tilespmem:s5+$0xFFFFFC00]  }
0x72: {  	v34 =	vld [tilespmem:s5+$0xFFFFFE00];
	_ =	sdelay $0x1  }
0x73: {  	v35 =	vld [tilespmem:s5+$0x0];
	_ =	sdelay $0x3  }
0x74: {  	v32 =	vld.idx.msk [tilespmem:v32+s16+$0x0], $0xffff  }
0x75: {  	v33 =	vld.idx.msk [tilespmem:v33+s16+$0x0], $0xffff  }
0x76: {  	s0 =	simm.s32 $0x180;
	s1 =	sand.u32 $0x3800, s2;
	v34 =	vld.idx.msk [tilespmem:v34+s16+$0x0], $0xffff  }
0x77: {  	s26 =	simm.s32 $0x0;
	s4 =	sor.u32 $0xC200, s1;
	s0 =	sand.u32 $0x380, s0  }
0x78: {  	s3 =	simm.s32 $0x80;
	s1 =	sand.u32 $0x200, s26;
	s0 =	sadd.s32 s0, s4;
	v35 =	vld.idx.msk [tilespmem:v35+s16+$0x0], $0xffff  }
0x79: {  	s3 =	sand.u32 $0x280, s3;
	s1 =	sadd.s32 s1, s4;
	[tilespmem:s0+$0x0] =	vst v32  }
0x7a: {  	s6 =	simm.s32 $0x100;
	s3 =	sadd.s32 s3, s4;
	[tilespmem:s1+$0x0] =	vst v33;
	v32 =	vld [tilespmem:s5+$0x210]  }
0x7b: {  	s6 =	sand.u32 $0x300, s6;
	[tilespmem:s3+$0x0] =	vst v34;
	v33 =	vld [tilespmem:s5+$0xFFFFFC10]  }
0x7c: {  	s4 =	sadd.s32 s6, s4;
	v34 =	vld [tilespmem:s5+$0xFFFFFE10]  }
0x7d: {  	[tilespmem:s4+$0x0] =	vst v35  }
0x7e: {  	v35 =	vld [tilespmem:s5+$0x10];
	_ =	sdelay $0x3  }
0x7f: {  	v32 =	vld.idx.msk [tilespmem:v32+s16+$0x0], $0xffff  }
0x80: {  	v33 =	vld.idx.msk [tilespmem:v33+s16+$0x0], $0xffff  }
0x81: {  	v34 =	vld.idx.msk [tilespmem:v34+s16+$0x0], $0xffff;
	_ =	sdelay $0x1  }
0x82: {  	v35 =	vld.idx.msk [tilespmem:v35+s16+$0x0], $0xffff  }
0x83: {  	[tilespmem:s0+$0x10] =	vst v32  }
0x84: {  	[tilespmem:s1+$0x10] =	vst v33;
	v32 =	vld [tilespmem:s5+$0x220]  }
0x85: {  	[tilespmem:s3+$0x10] =	vst v34;
	v33 =	vld [tilespmem:s5+$0xFFFFFC20]  }
0x86: {  	v34 =	vld [tilespmem:s5+$0xFFFFFE20]  }
0x87: {  	[tilespmem:s4+$0x10] =	vst v35  }
0x88: {  	v35 =	vld [tilespmem:s5+$0x20];
	_ =	sdelay $0x3  }
0x89: {  	v32 =	vld.idx.msk [tilespmem:v32+s16+$0x0], $0xffff  }
0x8a: {  	v33 =	vld.idx.msk [tilespmem:v33+s16+$0x0], $0xffff  }
0x8b: {  	v34 =	vld.idx.msk [tilespmem:v34+s16+$0x0], $0xffff;
	_ =	sdelay $0x1  }
0x8c: {  	v35 =	vld.idx.msk [tilespmem:v35+s16+$0x0], $0xffff  }
0x8d: {  	[tilespmem:s0+$0x20] =	vst v32  }
0x8e: {  	[tilespmem:s1+$0x20] =	vst v33;
	v32 =	vld [tilespmem:s5+$0x230]  }
0x8f: {  	[tilespmem:s3+$0x20] =	vst v34;
	v33 =	vld [tilespmem:s5+$0xFFFFFC30]  }
0x90: {  	v34 =	vld [tilespmem:s5+$0xFFFFFE30]  }
0x91: {  	[tilespmem:s4+$0x20] =	vst v35  }
0x92: {  	v35 =	vld [tilespmem:s5+$0x30];
	_ =	sdelay $0x3  }
0x93: {  	v32 =	vld.idx.msk [tilespmem:v32+s16+$0x0], $0xffff  }
0x94: {  	v33 =	vld.idx.msk [tilespmem:v33+s16+$0x0], $0xffff  }
0x95: {  	v34 =	vld.idx.msk [tilespmem:v34+s16+$0x0], $0xffff;
	_ =	sdelay $0x1  }
0x96: {  	v35 =	vld.idx.msk [tilespmem:v35+s16+$0x0], $0xffff  }
0x97: {  	[tilespmem:s0+$0x30] =	vst v32  }
0x98: {  	[tilespmem:s1+$0x30] =	vst v33;
	v32 =	vld [tilespmem:s5+$0x240]  }
0x99: {  	[tilespmem:s3+$0x30] =	vst v34;
	v33 =	vld [tilespmem:s5+$0xFFFFFC40]  }
0x9a: {  	v34 =	vld [tilespmem:s5+$0xFFFFFE40]  }
0x9b: {  	[tilespmem:s4+$0x30] =	vst v35  }
0x9c: {  	v35 =	vld [tilespmem:s5+$0x40];
	_ =	sdelay $0x3  }
0x9d: {  	v32 =	vld.idx.msk [tilespmem:v32+s16+$0x0], $0xffff  }
0x9e: {  	v33 =	vld.idx.msk [tilespmem:v33+s16+$0x0], $0xffff  }
0x9f: {  	v34 =	vld.idx.msk [tilespmem:v34+s16+$0x0], $0xffff;
	_ =	sdelay $0x1  }
0xa0: {  	v35 =	vld.idx.msk [tilespmem:v35+s16+$0x0], $0xffff  }
0xa1: {  	[tilespmem:s0+$0x40] =	vst v32  }
0xa2: {  	[tilespmem:s1+$0x40] =	vst v33;
	v32 =	vld [tilespmem:s5+$0x250]  }
0xa3: {  	[tilespmem:s3+$0x40] =	vst v34;
	v33 =	vld [tilespmem:s5+$0xFFFFFC50]  }
0xa4: {  	v34 =	vld [tilespmem:s5+$0xFFFFFE50]  }
0xa5: {  	[tilespmem:s4+$0x40] =	vst v35  }
0xa6: {  	v35 =	vld [tilespmem:s5+$0x50];
	_ =	sdelay $0x3  }
0xa7: {  	v32 =	vld.idx.msk [tilespmem:v32+s16+$0x0], $0xffff  }
0xa8: {  	v33 =	vld.idx.msk [tilespmem:v33+s16+$0x0], $0xffff  }
0xa9: {  	v34 =	vld.idx.msk [tilespmem:v34+s16+$0x0], $0xffff;
	_ =	sdelay $0x1  }
0xaa: {  	v35 =	vld.idx.msk [tilespmem:v35+s16+$0x0], $0xffff  }
0xab: {  	[tilespmem:s0+$0x50] =	vst v32  }
0xac: {  	[tilespmem:s1+$0x50] =	vst v33;
	v32 =	vld [tilespmem:s5+$0x260]  }
0xad: {  	[tilespmem:s3+$0x50] =	vst v34;
	v33 =	vld [tilespmem:s5+$0xFFFFFC60]  }
0xae: {  	v34 =	vld [tilespmem:s5+$0xFFFFFE60]  }
0xaf: {  	[tilespmem:s4+$0x50] =	vst v35  }
0xb0: {  	v35 =	vld [tilespmem:s5+$0x60];
	_ =	sdelay $0x3  }
0xb1: {  	v32 =	vld.idx.msk [tilespmem:v32+s16+$0x0], $0xffff  }
0xb2: {  	v33 =	vld.idx.msk [tilespmem:v33+s16+$0x0], $0xffff  }
0xb3: {  	v34 =	vld.idx.msk [tilespmem:v34+s16+$0x0], $0xffff;
	_ =	sdelay $0x1  }
0xb4: {  	v35 =	vld.idx.msk [tilespmem:v35+s16+$0x0], $0xffff  }
0xb5: {  	[tilespmem:s0+$0x60] =	vst v32  }
0xb6: {  	[tilespmem:s1+$0x60] =	vst v33;
	v32 =	vld [tilespmem:s5+$0x270]  }
0xb7: {  	[tilespmem:s3+$0x60] =	vst v34;
	v33 =	vld [tilespmem:s5+$0xFFFFFC70]  }
0xb8: {  	v34 =	vld [tilespmem:s5+$0xFFFFFE70]  }
0xb9: {  	[tilespmem:s4+$0x60] =	vst v35  }
0xba: {  	v35 =	vld [tilespmem:s5+$0x70];
	_ =	sdelay $0x3  }
0xbb: {  	v32 =	vld.idx.msk [tilespmem:v32+s16+$0x0], $0xffff  }
0xbc: {  	v33 =	vld.idx.msk [tilespmem:v33+s16+$0x0], $0xffff  }
0xbd: {  	v34 =	vld.idx.msk [tilespmem:v34+s16+$0x0], $0xffff;
	_ =	sdelay $0x1  }
0xbe: {  	v35 =	vld.idx.msk [tilespmem:v35+s16+$0x0], $0xffff  }
0xbf: {  	[tilespmem:s0+$0x70] =	vst v32  }
0xc0: {  	[tilespmem:s1+$0x70] =	vst v33;
	v32 =	vld [tilespmem:s5+$0x300]  }
0xc1: {  	[tilespmem:s3+$0x70] =	vst v34;
	v33 =	vld [tilespmem:s5+$0xFFFFFD00]  }
0xc2: {  	s0 =	simm.s32 $0x4E00;
	v34 =	vld [tilespmem:s5+$0xFFFFFF00]  }
0xc3: {  	[tilespmem:s4+$0x70] =	vst v35;
	v36 =	vld [tilespmem:s0+$0x200]  }
0xc4: {  	v35 =	vld [tilespmem:s5+$0x100]  }
0xc5: {  	v37 =	vld [tilespmem:s0+$0xFFFFFC00]  }
0xc6: {  	v38 =	vld [tilespmem:s0+$0xFFFFFE00]  }
0xc7: {  	v39 =	vld [tilespmem:s0+$0x0]  }
0xc8: {  	s30 =	sand.u32 $0x7, s2;
	v32 =	vld.idx.msk [tilespmem:v32+s16+$0x0], $0xffff  }
0xc9: {  	p0 =	por $0x0, $0x0;
	s10 =	sand.u32 $0x3, s2;
	s8 =	simm.s32 $0x400;
	v33 =	vld.idx.msk [tilespmem:v33+s16+$0x0], $0xffff  }
0xca: {  	s12 =	simm.s32 $0x380;
	s1 =	sshll.u32 s30, $0x7;
	s4 =	simm.s32 $0x1;
	v34 =	vld.idx.msk [tilespmem:v34+s16+$0x0], $0xffff  }
0xcb: {  	s2 =	sshll.u32 s10, $0x8;
	s31 =	sadd.s32 $0x0, s1;
	s4 =	simm.s32 @!p0 $0x0;
	v36 =	vld.idx.msk [tilespmem:v36+s16+$0x0], $0xffff  }
0xcc: {  	s11 =	sand.u32 $0x3800, s8;
	s1 =	sadd.s32 $0x180, s31;
	s4 =	sshll.u32 s4, $0x9;
	v35 =	vld.idx.msk [tilespmem:v35+s16+$0x0], $0xffff  }
0xcd: {  	s13 =	sand.u32 $0x380, s12;
	s9 =	sor.u32 $0x400, s1;
	s4 =	sadd.s32 $0x0, s4;
	v37 =	vld.idx.msk [tilespmem:v37+s16+$0x0], $0xffff  }
0xce: {  	s2 =	sadd.s32 $0x0, s2;
	s10 =	sor.u32 $0xC200, s11;
	s7 =	sor.u32 $0x400, s4;
	v38 =	vld.idx.msk [tilespmem:v38+s16+$0x0], $0xffff;
	[tilespmem:s9+$0xC200] =	vst v32  }
0xcf: {  	s15 =	simm.s32 $0x200;
	s8 =	sadd.s32 $0x100, s2;
	s2 =	sadd.s32 s13, s10;
	v48 =	vld.idx.msk [tilespmem:v39+s16+$0x0], $0xffff;
	[tilespmem:s7+$0xC200] =	vst v33  }
0xd0: {  	s18 =	sand.u32 $0x200, s15;
	s14 =	sor.u32 $0x400, s8;
	[tilespmem:s2+$0x0] =	vst v36;
	v32 =	vld [tilespmem:s5+$0x310]  }
0xd1: {  	s3 =	sadd.s32 s18, s10;
	s6 =	sadd.s32 $0x80, s31;
	[tilespmem:s14+$0xC200] =	vst v35;
	v49 =	vld [tilespmem:s5+$0xFFFFFD10]  }
0xd2: {  	s17 =	simm.s32 $0x280;
	s9 =	sor.u32 $0x400, s6;
	[tilespmem:s3+$0x0] =	vst v37;
	v51 =	vld [tilespmem:s0+$0x210]  }
0xd3: {  	s19 =	simm.s32 $0x300;
	[tilespmem:s9+$0xC200] =	vst v34;
	s9 =	sand.u32 $0x280, s17;
	v52 =	vld [tilespmem:s5+$0x110]  }
0xd4: {  	s11 =	sand.u32 $0x300, s19;
	v37 =	vld [tilespmem:s0+$0xFFFFFC10];
	s7 =	sadd.s32 s9, s10  }
0xd5: {  	v50 =	vld [tilespmem:s5+$0xFFFFFF10];
	s9 =	sadd.s32 s11, s10;
	[tilespmem:s7+$0x0] =	vst v38  }
0xd6: {  	[tilespmem:s9+$0x0] =	vst v48;
	v53 =	vld [tilespmem:s0+$0xFFFFFE10]  }
0xd7: {  	v54 =	vld [tilespmem:s0+$0x10]  }
0xd8: {  	v32 =	vld.idx.msk [tilespmem:v32+s16+$0x0], $0xffff  }
0xd9: {  	v34 =	vld.idx.msk [tilespmem:v49+s16+$0x0], $0xffff  }
0xda: {  	v35 =	vld.idx.msk [tilespmem:v51+s16+$0x0], $0xffff  }
0xdb: {  	v39 =	vld.idx.msk [tilespmem:v52+s16+$0x0], $0xffff  }
0xdc: {  	v37 =	vld.idx.msk [tilespmem:v37+s16+$0x0], $0xffff  }
0xdd: {  	v36 =	vld.idx.msk [tilespmem:v50+s16+$0x0], $0xffff  }
0xde: {  	s20 =	sor.u32 $0x410, s1;
	v33 =	vld.idx.msk [tilespmem:v53+s16+$0x0], $0xffff  }
0xdf: {  	s21 =	sor.u32 $0x410, s4;
	v55 =	vld.idx.msk [tilespmem:v54+s16+$0x0], $0xffff;
	[tilespmem:s20+$0xC200] =	vst v32  }
0xe0: {  	[tilespmem:s21+$0xC200] =	vst v34;
	v32 =	vld [tilespmem:s5+$0x320]  }
0xe1: {  	[tilespmem:s2+$0x10] =	vst v35;
	v56 =	vld [tilespmem:s5+$0xFFFFFD20]  }
0xe2: {  	s23 =	sor.u32 $0x410, s8;
	[tilespmem:s3+$0x10] =	vst v37;
	v57 =	vld [tilespmem:s0+$0x220]  }
0xe3: {  	s22 =	sor.u32 $0x410, s6;
	[tilespmem:s23+$0xC200] =	vst v39;
	v37 =	vld [tilespmem:s0+$0xFFFFFC20]  }
0xe4: {  	[tilespmem:s22+$0xC200] =	vst v36;
	v39 =	vld [tilespmem:s5+$0x120]  }
0xe5: {  	v58 =	vld [tilespmem:s5+$0xFFFFFF20];
	[tilespmem:s7+$0x10] =	vst v33  }
0xe6: {  	[tilespmem:s9+$0x10] =	vst v55;
	v33 =	vld [tilespmem:s0+$0xFFFFFE20]  }
0xe7: {  	v34 =	vld [tilespmem:s0+$0x20]  }
0xe8: {  	v32 =	vld.idx.msk [tilespmem:v32+s16+$0x0], $0xffff  }
0xe9: {  	v35 =	vld.idx.msk [tilespmem:v56+s16+$0x0], $0xffff  }
0xea: {  	v36 =	vld.idx.msk [tilespmem:v57+s16+$0x0], $0xffff  }
0xeb: {  	v37 =	vld.idx.msk [tilespmem:v37+s16+$0x0], $0xffff  }
0xec: {  	v59 =	vld.idx.msk [tilespmem:v39+s16+$0x0], $0xffff  }
0xed: {  	v38 =	vld.idx.msk [tilespmem:v58+s16+$0x0], $0xffff  }
0xee: {  	s24 =	sor.u32 $0x420, s1;
	v33 =	vld.idx.msk [tilespmem:v33+s16+$0x0], $0xffff  }
0xef: {  	v34 =	vld.idx.msk [tilespmem:v34+s16+$0x0], $0xffff;
	[tilespmem:s24+$0xC200] =	vst v32  }
0xf0: {  	s25 =	sor.u32 $0x420, s4;
	[tilespmem:s2+$0x20] =	vst v36;
	v32 =	vld [tilespmem:s5+$0x330]  }
0xf1: {  	[tilespmem:s25+$0xC200] =	vst v35;
	v60 =	vld [tilespmem:s0+$0x230]  }
0xf2: {  	s30 =	sor.u32 $0x420, s8;
	[tilespmem:s3+$0x20] =	vst v37;
	v61 =	vld [tilespmem:s5+$0xFFFFFD30]  }
0xf3: {  	s26 =	sor.u32 $0x420, s6;
	[tilespmem:s30+$0xC200] =	vst v59;
	v37 =	vld [tilespmem:s0+$0xFFFFFC30]  }
0xf4: {  	[tilespmem:s26+$0xC200] =	vst v38;
	v63 =	vld [tilespmem:s5+$0x130]  }
0xf5: {  	v62 =	vld [tilespmem:s5+$0xFFFFFF30];
	[tilespmem:s7+$0x20] =	vst v33  }
0xf6: {  	[tilespmem:s9+$0x20] =	vst v34;
	v33 =	vld [tilespmem:s0+$0xFFFFFE30]  }
0xf7: {  	v34 =	vld [tilespmem:s0+$0x30]  }
0xf8: {  	v32 =	vld.idx.msk [tilespmem:v32+s16+$0x0], $0xffff  }
0xf9: {  	v35 =	vld.idx.msk [tilespmem:v60+s16+$0x0], $0xffff  }
0xfa: {  	v39 =	vld.idx.msk [tilespmem:v61+s16+$0x0], $0xffff  }
0xfb: {  	v37 =	vld.idx.msk [tilespmem:v37+s16+$0x0], $0xffff  }
0xfc: {  	v38 =	vld.idx.msk [tilespmem:v63+s16+$0x0], $0xffff  }
0xfd: {  	v42 =	vld.idx.msk [tilespmem:v62+s16+$0x0], $0xffff  }
0xfe: {  	s31 =	sor.u32 $0x430, s1;
	v33 =	vld.idx.msk [tilespmem:v33+s16+$0x0], $0xffff  }
0xff: {  	v34 =	vld.idx.msk [tilespmem:v34+s16+$0x0], $0xffff;
	[tilespmem:s31+$0xC200] =	vst v32  }
0x100: {  	[tilespmem:s2+$0x30] =	vst v35;
	v32 =	vld [tilespmem:s5+$0x340]  }
0x101: {  	s11 =	sor.u32 $0x430, s4;
	[tilespmem:s3+$0x30] =	vst v37;
	v43 =	vld [tilespmem:s0+$0x240]  }
0x102: {  	s14 =	sor.u32 $0x430, s8;
	[tilespmem:s11+$0xC200] =	vst v39;
	v37 =	vld [tilespmem:s0+$0xFFFFFC40]  }
0x103: {  	s12 =	sor.u32 $0x430, s6;
	[tilespmem:s14+$0xC200] =	vst v38;
	v44 =	vld [tilespmem:s5+$0xFFFFFD40]  }
0x104: {  	[tilespmem:s12+$0xC200] =	vst v42;
	v38 =	vld [tilespmem:s5+$0x140]  }
0x105: {  	v45 =	vld [tilespmem:s5+$0xFFFFFF40];
	[tilespmem:s7+$0x30] =	vst v33  }
0x106: {  	[tilespmem:s9+$0x30] =	vst v34;
	v33 =	vld [tilespmem:s0+$0xFFFFFE40]  }
0x107: {  	v34 =	vld [tilespmem:s0+$0x40]  }
0x108: {  	v32 =	vld.idx.msk [tilespmem:v32+s16+$0x0], $0xffff  }
0x109: {  	v36 =	vld.idx.msk [tilespmem:v43+s16+$0x0], $0xffff  }
0x10a: {  	v37 =	vld.idx.msk [tilespmem:v37+s16+$0x0], $0xffff  }
0x10b: {  	v35 =	vld.idx.msk [tilespmem:v44+s16+$0x0], $0xffff  }
0x10c: {  	v46 =	vld.idx.msk [tilespmem:v38+s16+$0x0], $0xffff  }
0x10d: {  	v39 =	vld.idx.msk [tilespmem:v45+s16+$0x0], $0xffff  }
0x10e: {  	s13 =	sor.u32 $0x440, s1;
	v33 =	vld.idx.msk [tilespmem:v33+s16+$0x0], $0xffff  }
0x10f: {  	v34 =	vld.idx.msk [tilespmem:v34+s16+$0x0], $0xffff;
	[tilespmem:s13+$0xC200] =	vst v32  }
0x110: {  	[tilespmem:s2+$0x40] =	vst v36;
	v32 =	vld [tilespmem:s5+$0x350]  }
0x111: {  	s15 =	sor.u32 $0x440, s4;
	[tilespmem:s3+$0x40] =	vst v37;
	v36 =	vld [tilespmem:s0+$0x250]  }
0x112: {  	s19 =	sor.u32 $0x440, s8;
	[tilespmem:s15+$0xC200] =	vst v35;
	v37 =	vld [tilespmem:s0+$0xFFFFFC50]  }
0x113: {  	s18 =	sor.u32 $0x440, s6;
	[tilespmem:s19+$0xC200] =	vst v46;
	v47 =	vld [tilespmem:s5+$0xFFFFFD50]  }
0x114: {  	[tilespmem:s18+$0xC200] =	vst v39;
	v35 =	vld [tilespmem:s5+$0x150]  }
0x115: {  	v39 =	vld [tilespmem:s5+$0xFFFFFF50];
	[tilespmem:s7+$0x40] =	vst v33  }
0x116: {  	[tilespmem:s9+$0x40] =	vst v34;
	v33 =	vld [tilespmem:s0+$0xFFFFFE50]  }
0x117: {  	v34 =	vld [tilespmem:s0+$0x50]  }
0x118: {  	v32 =	vld.idx.msk [tilespmem:v32+s16+$0x0], $0xffff  }
0x119: {  	v36 =	vld.idx.msk [tilespmem:v36+s16+$0x0], $0xffff  }
0x11a: {  	v37 =	vld.idx.msk [tilespmem:v37+s16+$0x0], $0xffff  }
0x11b: {  	v38 =	vld.idx.msk [tilespmem:v47+s16+$0x0], $0xffff  }
0x11c: {  	v35 =	vld.idx.msk [tilespmem:v35+s16+$0x0], $0xffff  }
0x11d: {  	v39 =	vld.idx.msk [tilespmem:v39+s16+$0x0], $0xffff  }
0x11e: {  	s17 =	sor.u32 $0x450, s1;
	v33 =	vld.idx.msk [tilespmem:v33+s16+$0x0], $0xffff  }
0x11f: {  	v34 =	vld.idx.msk [tilespmem:v34+s16+$0x0], $0xffff;
	[tilespmem:s17+$0xC200] =	vst v32  }
0x120: {  	[tilespmem:s2+$0x50] =	vst v36;
	v32 =	vld [tilespmem:s5+$0x360]  }
0x121: {  	s21 =	sor.u32 $0x450, s4;
	[tilespmem:s3+$0x50] =	vst v37;
	v36 =	vld [tilespmem:s0+$0x260]  }
0x122: {  	s23 =	sor.u32 $0x450, s8;
	[tilespmem:s21+$0xC200] =	vst v38;
	v37 =	vld [tilespmem:s0+$0xFFFFFC60]  }
0x123: {  	s22 =	sor.u32 $0x450, s6;
	[tilespmem:s23+$0xC200] =	vst v35;
	v38 =	vld [tilespmem:s5+$0xFFFFFD60]  }
0x124: {  	[tilespmem:s22+$0xC200] =	vst v39;
	v49 =	vld [tilespmem:s5+$0x160]  }
0x125: {  	s22 =	simm.s32 $0x5600;
	v48 =	vld [tilespmem:s5+$0xFFFFFF60]  }
0x126: {  	v54 =	vld [tilespmem:s22+$0x200]  }
0x127: {  	v55 =	vld [tilespmem:s22+$0xFFFFFC00]  }
0x128: {  	v42 =	vld [tilespmem:s22+$0xFFFFFE00];
	[tilespmem:s7+$0x50] =	vst v33  }
0x129: {  	[tilespmem:s9+$0x50] =	vst v34;
	v33 =	vld [tilespmem:s0+$0xFFFFFE60]  }
0x12a: {  	v34 =	vld [tilespmem:s0+$0x60]  }
0x12b: {  	v43 =	vld [tilespmem:s22+$0x0]  }
0x12c: {  	v32 =	vld.idx.msk [tilespmem:v32+s16+$0x0], $0xffff  }
0x12d: {  	v36 =	vld.idx.msk [tilespmem:v36+s16+$0x0], $0xffff  }
0x12e: {  	v37 =	vld.idx.msk [tilespmem:v37+s16+$0x0], $0xffff  }
0x12f: {  	v38 =	vld.idx.msk [tilespmem:v38+s16+$0x0], $0xffff  }
0x130: {  	v35 =	vld.idx.msk [tilespmem:v48+s16+$0x0], $0xffff  }
0x131: {  	v33 =	vld.idx.msk [tilespmem:v33+s16+$0x0], $0xffff  }
0x132: {  	v34 =	vld.idx.msk [tilespmem:v34+s16+$0x0], $0xffff;
	[tilespmem:s2+$0x60] =	vst v36  }
0x133: {  	[tilespmem:s3+$0x60] =	vst v37;
	v50 =	vld [tilespmem:s0+$0x270]  }
0x134: {  	s20 =	sor.u32 $0x460, s1;
	v37 =	vld [tilespmem:s0+$0xFFFFFC70]  }
0x135: {  	v42 =	vld.idx.msk [tilespmem:v42+s16+$0x0], $0xffff;
	[tilespmem:s20+$0xC200] =	vst v32  }
0x136: {  	v32 =	vld [tilespmem:s5+$0x370];
	[tilespmem:s7+$0x60] =	vst v33  }
0x137: {  	[tilespmem:s9+$0x60] =	vst v34;
	v33 =	vld [tilespmem:s0+$0xFFFFFE70]  }
0x138: {  	s24 =	sor.u32 $0x460, s4;
	v34 =	vld [tilespmem:s0+$0x70]  }
0x139: {  	v56 =	vld.idx.msk [tilespmem:v43+s16+$0x0], $0xffff;
	[tilespmem:s24+$0xC200] =	vst v38  }
0x13a: {  	v38 =	vld [tilespmem:s5+$0xFFFFFD70]  }
0x13b: {  	v39 =	vld.idx.msk [tilespmem:v50+s16+$0x0], $0xffff  }
0x13c: {  	v37 =	vld.idx.msk [tilespmem:v37+s16+$0x0], $0xffff  }
0x13d: {  	v36 =	vld.idx.msk [tilespmem:v49+s16+$0x0], $0xffff  }
0x13e: {  	v32 =	vld.idx.msk [tilespmem:v32+s16+$0x0], $0xffff  }
0x13f: {  	v40 =	vld.idx.msk [tilespmem:v33+s16+$0x0], $0xffff  }
0x140: {  	v41 =	vld.idx.msk [tilespmem:v34+s16+$0x0], $0xffff;
	[tilespmem:s2+$0x70] =	vst v39  }
0x141: {  	[tilespmem:s3+$0x70] =	vst v37;
	v51 =	vld [tilespmem:s0+$0x300]  }
0x142: {  	s25 =	sor.u32 $0x460, s6;
	v37 =	vld [tilespmem:s0+$0xFFFFFD00]  }
0x143: {  	[tilespmem:s25+$0xC200] =	vst v35;
	v35 =	vld.idx.msk [tilespmem:v38+s16+$0x0], $0xffff  }
0x144: {  	v33 =	vld [tilespmem:s5+$0xFFFFFF70];
	[tilespmem:s7+$0x70] =	vst v40  }
0x145: {  	[tilespmem:s9+$0x70] =	vst v41;
	v52 =	vld [tilespmem:s0+$0xFFFFFF00]  }
0x146: {  	s26 =	sor.u32 $0x460, s8;
	v53 =	vld [tilespmem:s0+$0x100]  }
0x147: {  	p0 =	por !p0, !p0;
	[tilespmem:s26+$0xC200] =	vst v36;
	v38 =	vld.idx.msk [tilespmem:v54+s16+$0x0], $0xffff  }
0x148: {  	s18 =	simm.s32 $0x400;
	s23 =	simm.s32 $0x4;
	s24 =	simm.s32 $0x800;
	v34 =	vld [tilespmem:s5+$0x170]  }
0x149: {  	s30 =	sand.u32 $0x7, s23;
	s13 =	sand.u32 $0x3800, s24;
	s25 =	simm.s32 $0x580;
	v36 =	vld.idx.msk [tilespmem:v51+s16+$0x0], $0xffff  }
0x14a: {  	s14 =	sor.u32 $0xC200, s13;
	s5 =	simm.s32 $0x1;
	s2 =	sshll.u32 s30, $0x7;
	v37 =	vld.idx.msk [tilespmem:v37+s16+$0x0], $0xffff  }
0x14b: {  	s5 =	simm.s32 @!p0 $0x0;
	s31 =	sadd.s32 $0x400, s2;
	s9 =	simm.s32 $0x2;
	v41 =	vld.idx.msk [tilespmem:v55+s16+$0x0], $0xffff  }
0x14c: {  	s5 =	sshll.u32 s5, $0x9;
	s2 =	sadd.s32 $0x180, s31;
	s7 =	sand.u32 $0x3, s9;
	v44 =	vld.idx.msk [tilespmem:v33+s16+$0x0], $0xffff  }
0x14d: {  	s5 =	sadd.s32 $0x400, s5;
	s10 =	sor.u32 $0x400, s2;
	s7 =	sshll.u32 s7, $0x8;
	v39 =	vld.idx.msk [tilespmem:v52+s16+$0x0], $0xffff  }
0x14e: {  	s15 =	sand.u32 $0x380, s25;
	s11 =	sor.u32 $0x400, s5;
	s7 =	sadd.s32 $0x400, s7;
	v40 =	vld.idx.msk [tilespmem:v53+s16+$0x0], $0xffff;
	[tilespmem:s10+$0xC200] =	vst v36  }
0x14f: {  	s19 =	sand.u32 $0x200, s18;
	[tilespmem:s11+$0xC200] =	vst v37;
	s11 =	sadd.s32 $0x100, s7;
	s7 =	sadd.s32 s15, s14;
	v36 =	vld [tilespmem:s0+$0x310]  }
0x150: {  	s3 =	sadd.s32 $0x80, s31;
	s10 =	sadd.s32 s19, s14;
	v57 =	vld [tilespmem:s0+$0xFFFFFD10];
	[tilespmem:s7+$0x0] =	vst v38  }
0x151: {  	s13 =	simm.s32 $0x480;
	s12 =	sor.u32 $0x400, s3;
	[tilespmem:s10+$0x0] =	vst v41;
	v59 =	vld [tilespmem:s22+$0x210]  }
0x152: {  	s20 =	simm.s32 $0x500;
	s13 =	sand.u32 $0x280, s13;
	s17 =	sor.u32 $0x400, s11;
	v41 =	vld [tilespmem:s22+$0xFFFFFC10];
	[tilespmem:s12+$0xC200] =	vst v39  }
0x153: {  	[tilespmem:s17+$0xC200] =	vst v40;
	s12 =	sand.u32 $0x300, s20;
	s17 =	sadd.s32 s13, s14;
	v58 =	vld [tilespmem:s0+$0xFFFFFF10]  }
0x154: {  	v60 =	vld [tilespmem:s0+$0x110];
	s9 =	sadd.s32 s12, s14;
	[tilespmem:s17+$0x0] =	vst v42  }
0x155: {  	[tilespmem:s9+$0x0] =	vst v56;
	v61 =	vld [tilespmem:s22+$0xFFFFFE10]  }
0x156: {  	v62 =	vld [tilespmem:s22+$0x10]  }
0x157: {  	v36 =	vld.idx.msk [tilespmem:v36+s16+$0x0], $0xffff  }
0x158: {  	v39 =	vld.idx.msk [tilespmem:v57+s16+$0x0], $0xffff  }
0x159: {  	v40 =	vld.idx.msk [tilespmem:v59+s16+$0x0], $0xffff  }
0x15a: {  	v41 =	vld.idx.msk [tilespmem:v41+s16+$0x0], $0xffff  }
0x15b: {  	v38 =	vld.idx.msk [tilespmem:v58+s16+$0x0], $0xffff  }
0x15c: {  	v43 =	vld.idx.msk [tilespmem:v60+s16+$0x0], $0xffff  }
0x15d: {  	s21 =	sor.u32 $0x410, s2;
	v37 =	vld.idx.msk [tilespmem:v61+s16+$0x0], $0xffff  }
0x15e: {  	s26 =	sor.u32 $0x410, s5;
	[tilespmem:s21+$0xC200] =	vst v36;
	v63 =	vld.idx.msk [tilespmem:v62+s16+$0x0], $0xffff  }
0x15f: {  	[tilespmem:s26+$0xC200] =	vst v39;
	v36 =	vld [tilespmem:s0+$0x320]  }
0x160: {  	[tilespmem:s7+$0x10] =	vst v40;
	v45 =	vld [tilespmem:s0+$0xFFFFFD20]  }
0x161: {  	s30 =	sor.u32 $0x410, s3;
	[tilespmem:s10+$0x10] =	vst v41;
	v46 =	vld [tilespmem:s22+$0x220]  }
0x162: {  	s31 =	sor.u32 $0x410, s11;
	v41 =	vld [tilespmem:s22+$0xFFFFFC20];
	[tilespmem:s30+$0xC200] =	vst v38  }
0x163: {  	[tilespmem:s31+$0xC200] =	vst v43;
	v47 =	vld [tilespmem:s0+$0xFFFFFF20]  }
0x164: {  	[tilespmem:s17+$0x10] =	vst v37;
	v43 =	vld [tilespmem:s0+$0x120]  }
0x165: {  	v37 =	vld [tilespmem:s22+$0xFFFFFE20];
	[tilespmem:s9+$0x10] =	vst v63  }
0x166: {  	v39 =	vld [tilespmem:s22+$0x20]  }
0x167: {  	v36 =	vld.idx.msk [tilespmem:v36+s16+$0x0], $0xffff  }
0x168: {  	v40 =	vld.idx.msk [tilespmem:v45+s16+$0x0], $0xffff  }
0x169: {  	v38 =	vld.idx.msk [tilespmem:v46+s16+$0x0], $0xffff  }
0x16a: {  	v41 =	vld.idx.msk [tilespmem:v41+s16+$0x0], $0xffff  }
0x16b: {  	v42 =	vld.idx.msk [tilespmem:v47+s16+$0x0], $0xffff  }
0x16c: {  	v48 =	vld.idx.msk [tilespmem:v43+s16+$0x0], $0xffff  }
0x16d: {  	s13 =	sor.u32 $0x420, s2;
	v37 =	vld.idx.msk [tilespmem:v37+s16+$0x0], $0xffff  }
0x16e: {  	s14 =	sor.u32 $0x420, s5;
	[tilespmem:s13+$0xC200] =	vst v36;
	v39 =	vld.idx.msk [tilespmem:v39+s16+$0x0], $0xffff  }
0x16f: {  	[tilespmem:s14+$0xC200] =	vst v40;
	v36 =	vld [tilespmem:s0+$0x330]  }
0x170: {  	[tilespmem:s7+$0x20] =	vst v38;
	v50 =	vld [tilespmem:s0+$0xFFFFFD30]  }
0x171: {  	s15 =	sor.u32 $0x420, s3;
	[tilespmem:s10+$0x20] =	vst v41;
	v49 =	vld [tilespmem:s22+$0x230]  }
0x172: {  	s18 =	sor.u32 $0x420, s11;
	v41 =	vld [tilespmem:s22+$0xFFFFFC30];
	[tilespmem:s15+$0xC200] =	vst v42  }
0x173: {  	[tilespmem:s18+$0xC200] =	vst v48;
	v51 =	vld [tilespmem:s0+$0xFFFFFF30]  }
0x174: {  	[tilespmem:s17+$0x20] =	vst v37;
	v52 =	vld [tilespmem:s0+$0x130]  }
0x175: {  	v37 =	vld [tilespmem:s22+$0xFFFFFE30];
	[tilespmem:s9+$0x20] =	vst v39  }
0x176: {  	v39 =	vld [tilespmem:s22+$0x30]  }
0x177: {  	v36 =	vld.idx.msk [tilespmem:v36+s16+$0x0], $0xffff  }
0x178: {  	v43 =	vld.idx.msk [tilespmem:v50+s16+$0x0], $0xffff  }
0x179: {  	v40 =	vld.idx.msk [tilespmem:v49+s16+$0x0], $0xffff  }
0x17a: {  	v41 =	vld.idx.msk [tilespmem:v41+s16+$0x0], $0xffff  }
0x17b: {  	v38 =	vld.idx.msk [tilespmem:v51+s16+$0x0], $0xffff  }
0x17c: {  	v42 =	vld.idx.msk [tilespmem:v52+s16+$0x0], $0xffff  }
0x17d: {  	s19 =	sor.u32 $0x430, s2;
	v37 =	vld.idx.msk [tilespmem:v37+s16+$0x0], $0xffff  }
0x17e: {  	s20 =	sor.u32 $0x430, s5;
	[tilespmem:s19+$0xC200] =	vst v36;
	v39 =	vld.idx.msk [tilespmem:v39+s16+$0x0], $0xffff  }
0x17f: {  	[tilespmem:s20+$0xC200] =	vst v43;
	v36 =	vld [tilespmem:s0+$0x340]  }
0x180: {  	[tilespmem:s7+$0x30] =	vst v40;
	v53 =	vld [tilespmem:s0+$0xFFFFFD40]  }
0x181: {  	s21 =	sor.u32 $0x430, s3;
	[tilespmem:s10+$0x30] =	vst v41;
	v40 =	vld [tilespmem:s22+$0x240]  }
0x182: {  	s30 =	sor.u32 $0x430, s11;
	v41 =	vld [tilespmem:s22+$0xFFFFFC40];
	[tilespmem:s21+$0xC200] =	vst v38  }
0x183: {  	[tilespmem:s30+$0xC200] =	vst v42;
	v54 =	vld [tilespmem:s0+$0xFFFFFF40]  }
0x184: {  	[tilespmem:s17+$0x30] =	vst v37;
	v42 =	vld [tilespmem:s0+$0x140]  }
0x185: {  	v37 =	vld [tilespmem:s22+$0xFFFFFE40];
	[tilespmem:s9+$0x30] =	vst v39  }
0x186: {  	v39 =	vld [tilespmem:s22+$0x40]  }
0x187: {  	v36 =	vld.idx.msk [tilespmem:v36+s16+$0x0], $0xffff  }
0x188: {  	v38 =	vld.idx.msk [tilespmem:v53+s16+$0x0], $0xffff  }
0x189: {  	v40 =	vld.idx.msk [tilespmem:v40+s16+$0x0], $0xffff  }
0x18a: {  	v41 =	vld.idx.msk [tilespmem:v41+s16+$0x0], $0xffff  }
0x18b: {  	v43 =	vld.idx.msk [tilespmem:v54+s16+$0x0], $0xffff  }
0x18c: {  	v55 =	vld.idx.msk [tilespmem:v42+s16+$0x0], $0xffff  }
0x18d: {  	s26 =	sor.u32 $0x440, s2;
	v37 =	vld.idx.msk [tilespmem:v37+s16+$0x0], $0xffff  }
0x18e: {  	s31 =	sor.u32 $0x440, s5;
	[tilespmem:s26+$0xC200] =	vst v36;
	v39 =	vld.idx.msk [tilespmem:v39+s16+$0x0], $0xffff  }
0x18f: {  	[tilespmem:s31+$0xC200] =	vst v38;
	v36 =	vld [tilespmem:s0+$0x350]  }
0x190: {  	[tilespmem:s7+$0x40] =	vst v40;
	v56 =	vld [tilespmem:s0+$0xFFFFFD50]  }
0x191: {  	s14 =	sor.u32 $0x440, s3;
	[tilespmem:s10+$0x40] =	vst v41;
	v40 =	vld [tilespmem:s22+$0x250]  }
0x192: {  	v41 =	vld [tilespmem:s22+$0xFFFFFC50];
	[tilespmem:s14+$0xC200] =	vst v43  }
0x193: {  	[tilespmem:s17+$0x40] =	vst v37;
	v43 =	vld [tilespmem:s0+$0xFFFFFF50]  }
0x194: {  	s15 =	sor.u32 $0x440, s11;
	v37 =	vld [tilespmem:s22+$0xFFFFFE50];
	[tilespmem:s9+$0x40] =	vst v39  }
0x195: {  	[tilespmem:s15+$0xC200] =	vst v55;
	v39 =	vld [tilespmem:s22+$0x50]  }
0x196: {  	v58 =	vld [tilespmem:s0+$0x150]  }
0x197: {  	v36 =	vld.idx.msk [tilespmem:v36+s16+$0x0], $0xffff  }
0x198: {  	v42 =	vld.idx.msk [tilespmem:v56+s16+$0x0], $0xffff  }
0x199: {  	v40 =	vld.idx.msk [tilespmem:v40+s16+$0x0], $0xffff  }
0x19a: {  	v41 =	vld.idx.msk [tilespmem:v41+s16+$0x0], $0xffff  }
0x19b: {  	v43 =	vld.idx.msk [tilespmem:v43+s16+$0x0], $0xffff  }
0x19c: {  	v37 =	vld.idx.msk [tilespmem:v37+s16+$0x0], $0xffff  }
0x19d: {  	v57 =	vld.idx.msk [tilespmem:v39+s16+$0x0], $0xffff  }
0x19e: {  	s13 =	sor.u32 $0x450, s2;
	v39 =	vld.idx.msk [tilespmem:v58+s16+$0x0], $0xffff;
	[tilespmem:s7+$0x50] =	vst v40  }
0x19f: {  	[tilespmem:s13+$0xC200] =	vst v36;
	v40 =	vld [tilespmem:s22+$0x260]  }
0x1a0: {  	s19 =	sor.u32 $0x450, s5;
	v36 =	vld [tilespmem:s0+$0x360];
	[tilespmem:s10+$0x50] =	vst v41  }
0x1a1: {  	[tilespmem:s19+$0xC200] =	vst v42;
	v41 =	vld [tilespmem:s22+$0xFFFFFC60]  }
0x1a2: {  	v42 =	vld [tilespmem:s0+$0xFFFFFD60];
	[tilespmem:s17+$0x50] =	vst v37  }
0x1a3: {  	s20 =	sor.u32 $0x450, s3;
	v37 =	vld [tilespmem:s22+$0xFFFFFE60];
	[tilespmem:s9+$0x50] =	vst v57  }
0x1a4: {  	s21 =	sor.u32 $0x450, s11;
	[tilespmem:s20+$0xC200] =	vst v43;
	v38 =	vld [tilespmem:s22+$0x60]  }
0x1a5: {  	v59 =	vld [tilespmem:s0+$0xFFFFFF60];
	[tilespmem:s21+$0xC200] =	vst v39  }
0x1a6: {  	v60 =	vld [tilespmem:s0+$0x160]  }
0x1a7: {  	v40 =	vld.idx.msk [tilespmem:v40+s16+$0x0], $0xffff  }
0x1a8: {  	v36 =	vld.idx.msk [tilespmem:v36+s16+$0x0], $0xffff  }
0x1a9: {  	v41 =	vld.idx.msk [tilespmem:v41+s16+$0x0], $0xffff  }
0x1aa: {  	v42 =	vld.idx.msk [tilespmem:v42+s16+$0x0], $0xffff  }
0x1ab: {  	v37 =	vld.idx.msk [tilespmem:v37+s16+$0x0], $0xffff  }
0x1ac: {  	s18 =	sor.u32 $0x460, s2;
	v38 =	vld.idx.msk [tilespmem:v38+s16+$0x0], $0xffff;
	[tilespmem:s7+$0x60] =	vst v40  }
0x1ad: {  	[tilespmem:s18+$0xC200] =	vst v36;
	v61 =	vld [tilespmem:s22+$0x270]  }
0x1ae: {  	v36 =	vld [tilespmem:s0+$0x370];
	[tilespmem:s10+$0x60] =	vst v41  }
0x1af: {  	v63 =	vld [tilespmem:s22+$0xFFFFFC70]  }
0x1b0: {  	v39 =	vld.idx.msk [tilespmem:v59+s16+$0x0], $0xffff  }
0x1b1: {  	v40 =	vld.idx.msk [tilespmem:v60+s16+$0x0], $0xffff;
	[tilespmem:s17+$0x60] =	vst v37  }
0x1b2: {  	s26 =	sor.u32 $0x460, s5;
	v37 =	vld [tilespmem:s22+$0xFFFFFE70];
	[tilespmem:s9+$0x60] =	vst v38  }
0x1b3: {  	[tilespmem:s26+$0xC200] =	vst v42;
	v38 =	vld [tilespmem:s22+$0x70]  }
0x1b4: {  	v42 =	vld [tilespmem:s0+$0xFFFFFD70]  }
0x1b5: {  	s1 =	sor.u32 $0x470, s1;
	p0 =	por !p0, !p0;
	s14 =	simm.s32 $0x4;
	v43 =	vld.idx.msk [tilespmem:v61+s16+$0x0], $0xffff  }
0x1b6: {  	[tilespmem:s1+$0xC200] =	vst v32;
	s12 =	sor.u32 $0x470, s8;
	s15 =	sor.u32 $0x460, s3;
	s31 =	sand.u32 $0x3, s14;
	v62 =	vld.idx.msk [tilespmem:v36+s16+$0x0], $0xffff  }
0x1b7: {  	s8 =	sor.u32 $0x470, s6;
	s30 =	sor.u32 $0x460, s11;
	s6 =	sshll.u32 s31, $0x8;
	[tilespmem:s15+$0xC200] =	vst v39;
	v36 =	vld.idx.msk [tilespmem:v63+s16+$0x0], $0xffff  }
0x1b8: {  	s1 =	simm.s32 $0x1;
	s26 =	sor.u32 $0x470, s5;
	s5 =	sadd.s32 $0x800, s6;
	v33 =	vld [tilespmem:s0+$0xFFFFFF70];
	[tilespmem:s30+$0xC200] =	vst v40  }
0x1b9: {  	s1 =	simm.s32 @!p0 $0x0;
	s18 =	sor.u32 $0x470, s11;
	s11 =	sadd.s32 $0x100, s5;
	v32 =	vld [tilespmem:s0+$0x170]  }
0x1ba: {  	s1 =	sshll.u32 s1, $0x9;
	s13 =	sor.u32 $0x410, s11;
	v37 =	vld.idx.msk [tilespmem:v37+s16+$0x0], $0xffff;
	[tilespmem:s7+$0x70] =	vst v43  }
0x1bb: {  	s1 =	sadd.s32 $0x800, s1;
	v38 =	vld.idx.msk [tilespmem:v38+s16+$0x0], $0xffff;
	[dreg:$0x6] =	wrdreg s13  }
0x1bc: {  	s19 =	sor.u32 $0x410, s1;
	[tilespmem:s10+$0x70] =	vst v36  }
0x1bd: {  	s20 =	sor.u32 $0x420, s1;
	v39 =	vld [tilespmem:s22+$0x300];
	[dreg:$0x7] =	wrdreg s19  }
0x1be: {  	s21 =	sor.u32 $0x420, s11;
	[dreg:$0x5] =	wrdreg s20  }
0x1bf: {  	[dreg:$0x4] =	wrdreg s21  }
0x1c0: {  	s4 =	sor.u32 $0x470, s4;
	s31 =	sor.u32 $0x470, s2;
	s30 =	sor.u32 $0x430, s1;
	[tilespmem:s17+$0x70] =	vst v37  }
0x1c1: {  	s6 =	sor.u32 $0x470, s3;
	s5 =	sor.u32 $0x400, s1;
	v36 =	vld [tilespmem:s22+$0xFFFFFD00];
	[dreg:$0x3] =	wrdreg s30  }
0x1c2: {  	s29 =	sor.u32 $0x400, s11;
	s28 =	sor.u32 $0x430, s11;
	s15 =	simm.s32 $0x8;
	v37 =	vld [tilespmem:s22+$0xFFFFFF00];
	[tilespmem:s9+$0x70] =	vst v38  }
0x1c3: {  	s7 =	simm.s32 $0x5E00;
	s13 =	sor.u32 $0x450, s11;
	s10 =	sor.u32 $0x460, s1;
	[tilespmem:s4+$0xC200] =	vst v35;
	v35 =	vld.idx.msk [tilespmem:v34+s16+$0x0], $0xffff  }
0x1c4: {  	s20 =	sor.u32 $0x440, s11;
	s21 =	sor.u32 $0x440, s1;
	s19 =	sor.u32 $0x450, s1;
	[tilespmem:s31+$0xC200] =	vst v62;
	v34 =	vld.idx.msk [tilespmem:v42+s16+$0x0], $0xffff  }
0x1c5: {  	s17 =	sor.u32 $0x470, s1;
	s4 =	sor.u32 $0x460, s11;
	[tilespmem:s8+$0xC200] =	vst v44;
	s11 =	sor.u32 $0x470, s11;
	v38 =	vld [tilespmem:s22+$0x100]  }
.LBB2_6:
0x1c6: {  	[dreg:$0x19] =	wrdreg s21  }
0x1c7: {  	[dreg:$0x15] =	wrdreg s19  }
0x1c8: {  	[dreg:$0x12] =	wrdreg s13  }
0x1c9: {  	[dreg:$0x11] =	wrdreg s20  }
0x1ca: {  	[dreg:$0xd] =	wrdreg s10;
	v40 =	vld [tilespmem:s7+$0x200]  }
0x1cb: {  	[dreg:$0x9] =	wrdreg s4;
	v41 =	vld [tilespmem:s7+$0xFFFFFC00]  }
0x1cc: {  	[dreg:$0x8] =	wrdreg s6;
	s21 =	sadd.s32 $0x4, s23;
	v42 =	vld [tilespmem:s7+$0xFFFFFE00]  }
0x1cd: {  	v43 =	vld [tilespmem:s7+$0x0];
	p0 =	por !p0, !p0;
	s6 =	smov.u32 s18;
	s1 =	simm.s32 $0x1  }
0x1ce: {  	s14 =	sadd.s32 $0x2, s14;
	s25 =	sadd.s32 $0x200, s25;
	s0 =	sand.u32 $0x7, s21;
	v39 =	vld.idx.msk [tilespmem:v39+s16+$0x0], $0xffff  }
0x1cf: {  	s1 =	simm.s32 @!p0 $0x0;
	s2 =	sand.u32 $0x3, s14;
	s0 =	sshll.u32 s0, $0x7;
	v51 =	vld.idx.msk [tilespmem:v36+s16+$0x0], $0xffff  }
0x1d0: {  	s30 =	sadd.s32 $0xFFFFFE80, s25;
	s10 =	sadd.s32 $0xFFFFFF00, s25;
	s0 =	sadd.s32 s0, s24;
	[tilespmem:s12+$0xC200] =	vst v35;
	v52 =	vld.idx.msk [tilespmem:v37+s16+$0x0], $0xffff  }
0x1d1: {  	s23 =	sshll.u32 s2, $0x8;
	s24 =	sadd.s32 $0x400, s24;
	s31 =	sadd.s32 $0x80, s0;
	v53 =	vld.idx.msk [tilespmem:v38+s16+$0x0], $0xffff  }
0x1d2: {  	[tilespmem:s26+$0xC200] =	vst v34;
	s3 =	sadd.s32 $0x180, s0;
	s26 =	sand.u32 $0x3800, s24;
	s12 =	sor.u32 $0x430, s31;
	v54 =	vld.idx.msk [tilespmem:v40+s16+$0x0], $0xffff  }
0x1d3: {  	s8 =	sor.u32 $0x400, s31;
	s13 =	sor.u32 $0x440, s31;
	[dreg:$0x17] =	wrdreg s12;
	v56 =	vld.idx.msk [tilespmem:v41+s16+$0x0], $0xffff  }
0x1d4: {  	s9 =	sor.u32 $0x400, s3;
	s18 =	sor.u32 $0x450, s31;
	[dreg:$0x13] =	wrdreg s13;
	v57 =	vld.idx.msk [tilespmem:v42+s16+$0x0], $0xffff  }
0x1d5: {  	s20 =	sor.u32 $0x410, s31;
	s19 =	sor.u32 $0x460, s31;
	[dreg:$0xc] =	wrdreg s18;
	v58 =	vld.idx.msk [tilespmem:v43+s16+$0x0], $0xffff;
	[tilespmem:s9+$0xC200] =	vst v39  }
0x1d6: {  	s0 =	sor.u32 $0x420, s31;
	s4 =	sor.u32 $0x470, s31;
	[dreg:$0xb] =	wrdreg s19;
	[tilespmem:s5+$0xC200] =	vst v51;
	v55 =	vld [tilespmem:s22+$0x310]  }
0x1d7: {  	s31 =	sor.u32 $0xC200, s26;
	[dreg:$0xa] =	wrdreg s4;
	s9 =	sand.u32 $0x380, s25;
	[tilespmem:s8+$0xC200] =	vst v52;
	v59 =	vld [tilespmem:s22+$0xFFFFFD10]  }
0x1d8: {  	s4 =	sshll.u32 s1, $0x9;
	s18 =	sand.u32 $0x200, s30;
	s26 =	sadd.s32 s9, s31;
	[tilespmem:s29+$0xC200] =	vst v53;
	v60 =	vld [tilespmem:s22+$0xFFFFFF10]  }
0x1d9: {  	s13 =	sadd.s32 $0xFFFFFF80, s25;
	s19 =	sand.u32 $0x280, s10;
	s1 =	sadd.s32 s18, s31;
	v61 =	vld [tilespmem:s22+$0x110];
	[tilespmem:s26+$0x0] =	vst v54  }
0x1da: {  	s12 =	sadd.s32 s24, s23;
	s23 =	sand.u32 $0x300, s13;
	s2 =	sadd.s32 s19, s31;
	[tilespmem:s1+$0x0] =	vst v56;
	v37 =	vld [tilespmem:s7+$0x210]  }
0x1db: {  	s9 =	sadd.s32 s23, s31;
	[tilespmem:s2+$0x0] =	vst v57;
	v62 =	vld [tilespmem:s7+$0xFFFFFC10]  }
0x1dc: {  	s12 =	sadd.s32 $0x100, s12;
	[tilespmem:s9+$0x0] =	vst v58;
	v63 =	vld [tilespmem:s7+$0xFFFFFE10]  }
0x1dd: {  	s13 =	smov.u32 s17;
	s17 =	sadd.s32 s4, s24;
	s30 =	sor.u32 $0x400, s12;
	v44 =	vld [tilespmem:s7+$0x10]  }
0x1de: {  	s10 =	sor.u32 $0x410, s12;
	[dreg:$0x1a] =	wrdreg s30;
	s30 =	sor.u32 $0x450, s17;
	v38 =	vld.idx.msk [tilespmem:v55+s16+$0x0], $0xffff  }
0x1df: {  	s4 =	sor.u32 $0x420, s12;
	[dreg:$0x16] =	wrdreg s30;
	s30 =	sor.u32 $0x450, s12;
	v34 =	vld.idx.msk [tilespmem:v59+s16+$0x0], $0xffff  }
0x1e0: {  	s18 =	sor.u32 $0x430, s12;
	[dreg:$0x14] =	wrdreg s30;
	s30 =	sor.u32 $0x460, s17;
	v36 =	vld.idx.msk [tilespmem:v60+s16+$0x0], $0xffff  }
0x1e1: {  	s29 =	smov.u32 s11;
	[dreg:$0x10] =	wrdreg s30;
	s30 =	sor.u32 $0x460, s12;
	v39 =	vld.idx.msk [tilespmem:v61+s16+$0x0], $0xffff  }
0x1e2: {  	s31 =	sor.u32 $0x440, s12;
	[dreg:$0xf] =	wrdreg s30;
	s30 =	smov.u32 s13;
	v37 =	vld.idx.msk [tilespmem:v37+s16+$0x0], $0xffff  }
0x1e3: {  	s11 =	sor.u32 $0x470, s12;
	s12 =	sor.u32 $0x410, s3;
	[dreg:$0xe] =	wrdreg s30;
	v40 =	vld.idx.msk [tilespmem:v62+s16+$0x0], $0xffff  }
0x1e4: {  	s30 =	rddreg [dreg:$0x7];
	v35 =	vld.idx.msk [tilespmem:v63+s16+$0x0], $0xffff;
	[tilespmem:s12+$0xC200] =	vst v38  }
0x1e5: {  	v45 =	vld.idx.msk [tilespmem:v44+s16+$0x0], $0xffff;
	[tilespmem:s30+$0xC200] =	vst v34  }
0x1e6: {  	[tilespmem:s20+$0xC200] =	vst v36;
	s20 =	rddreg [dreg:$0x6];
	v38 =	vld [tilespmem:s22+$0x320]  }
0x1e7: {  	v46 =	vld [tilespmem:s22+$0xFFFFFD20];
	[tilespmem:s20+$0xC200] =	vst v39  }
0x1e8: {  	v47 =	vld [tilespmem:s22+$0xFFFFFF20];
	[tilespmem:s26+$0x10] =	vst v37  }
0x1e9: {  	[tilespmem:s1+$0x10] =	vst v40;
	v37 =	vld [tilespmem:s7+$0x220]  }
0x1ea: {  	[tilespmem:s2+$0x10] =	vst v35;
	v48 =	vld [tilespmem:s7+$0xFFFFFC20]  }
0x1eb: {  	[tilespmem:s9+$0x10] =	vst v45;
	v35 =	vld [tilespmem:s7+$0xFFFFFE20]  }
0x1ec: {  	v34 =	vld [tilespmem:s7+$0x20]  }
0x1ed: {  	v49 =	vld [tilespmem:s22+$0x120]  }
0x1ee: {  	v38 =	vld.idx.msk [tilespmem:v38+s16+$0x0], $0xffff  }
0x1ef: {  	v36 =	vld.idx.msk [tilespmem:v46+s16+$0x0], $0xffff  }
0x1f0: {  	v41 =	vld.idx.msk [tilespmem:v47+s16+$0x0], $0xffff  }
0x1f1: {  	s5 =	smov.u32 s28;
	s28 =	sor.u32 $0x410, s17;
	v37 =	vld.idx.msk [tilespmem:v37+s16+$0x0], $0xffff  }
0x1f2: {  	s13 =	smov.u32 s28;
	v39 =	vld.idx.msk [tilespmem:v48+s16+$0x0], $0xffff  }
0x1f3: {  	[dreg:$0x7] =	wrdreg s13;
	s12 =	smov.u32 s6;
	s6 =	sor.u32 $0x420, s3;
	v35 =	vld.idx.msk [tilespmem:v35+s16+$0x0], $0xffff  }
0x1f4: {  	s13 =	rddreg [dreg:$0x5];
	v34 =	vld.idx.msk [tilespmem:v34+s16+$0x0], $0xffff;
	[tilespmem:s6+$0xC200] =	vst v38  }
0x1f5: {  	v50 =	vld.idx.msk [tilespmem:v49+s16+$0x0], $0xffff;
	[tilespmem:s13+$0xC200] =	vst v36  }
0x1f6: {  	[tilespmem:s0+$0xC200] =	vst v41;
	v38 =	vld [tilespmem:s22+$0x330]  }
0x1f7: {  	v51 =	vld [tilespmem:s22+$0xFFFFFD30];
	[tilespmem:s26+$0x20] =	vst v37  }
0x1f8: {  	[tilespmem:s1+$0x20] =	vst v39;
	v37 =	vld [tilespmem:s7+$0x230]  }
0x1f9: {  	s30 =	smov.u32 s10;
	[tilespmem:s2+$0x20] =	vst v35;
	v39 =	vld [tilespmem:s7+$0xFFFFFC30]  }
0x1fa: {  	[dreg:$0x6] =	wrdreg s30;
	[tilespmem:s9+$0x20] =	vst v34;
	v35 =	vld [tilespmem:s7+$0xFFFFFE30]  }
0x1fb: {  	s30 =	rddreg [dreg:$0x4];
	v34 =	vld [tilespmem:s7+$0x30]  }
0x1fc: {  	[tilespmem:s30+$0xC200] =	vst v50;
	v52 =	vld [tilespmem:s22+$0xFFFFFF30]  }
0x1fd: {  	v53 =	vld [tilespmem:s22+$0x130]  }
0x1fe: {  	v38 =	vld.idx.msk [tilespmem:v38+s16+$0x0], $0xffff  }
0x1ff: {  	v40 =	vld.idx.msk [tilespmem:v51+s16+$0x0], $0xffff  }
0x200: {  	v37 =	vld.idx.msk [tilespmem:v37+s16+$0x0], $0xffff  }
0x201: {  	v39 =	vld.idx.msk [tilespmem:v39+s16+$0x0], $0xffff  }
0x202: {  	s8 =	sor.u32 $0x420, s17;
	v35 =	vld.idx.msk [tilespmem:v35+s16+$0x0], $0xffff  }
0x203: {  	s20 =	smov.u32 s8;
	s8 =	sor.u32 $0x430, s3;
	v34 =	vld.idx.msk [tilespmem:v34+s16+$0x0], $0xffff  }
0x204: {  	s10 =	rddreg [dreg:$0x3];
	v36 =	vld.idx.msk [tilespmem:v52+s16+$0x0], $0xffff;
	[tilespmem:s8+$0xC200] =	vst v38  }
0x205: {  	[tilespmem:s10+$0xC200] =	vst v40;
	v54 =	vld.idx.msk [tilespmem:v53+s16+$0x0], $0xffff  }
0x206: {  	v38 =	vld [tilespmem:s22+$0x340];
	[tilespmem:s26+$0x30] =	vst v37  }
0x207: {  	[tilespmem:s1+$0x30] =	vst v39;
	v37 =	vld [tilespmem:s7+$0x240]  }
0x208: {  	[tilespmem:s2+$0x30] =	vst v35;
	v39 =	vld [tilespmem:s7+$0xFFFFFC40]  }
0x209: {  	[dreg:$0x5] =	wrdreg s20;
	[tilespmem:s9+$0x30] =	vst v34;
	v35 =	vld [tilespmem:s7+$0xFFFFFE40]  }
0x20a: {  	s20 =	rddreg [dreg:$0x17];
	v34 =	vld [tilespmem:s7+$0x40]  }
0x20b: {  	[tilespmem:s20+$0xC200] =	vst v36;
	v55 =	vld [tilespmem:s22+$0xFFFFFD40]  }
0x20c: {  	[tilespmem:s5+$0xC200] =	vst v54;
	v56 =	vld [tilespmem:s22+$0xFFFFFF40]  }
0x20d: {  	v40 =	vld [tilespmem:s22+$0x140]  }
0x20e: {  	v38 =	vld.idx.msk [tilespmem:v38+s16+$0x0], $0xffff  }
0x20f: {  	v37 =	vld.idx.msk [tilespmem:v37+s16+$0x0], $0xffff  }
0x210: {  	v39 =	vld.idx.msk [tilespmem:v39+s16+$0x0], $0xffff  }
0x211: {  	v35 =	vld.idx.msk [tilespmem:v35+s16+$0x0], $0xffff  }
0x212: {  	v34 =	vld.idx.msk [tilespmem:v34+s16+$0x0], $0xffff  }
0x213: {  	s30 =	sor.u32 $0x440, s3;
	v36 =	vld.idx.msk [tilespmem:v55+s16+$0x0], $0xffff  }
0x214: {  	[tilespmem:s30+$0xC200] =	vst v38;
	v41 =	vld.idx.msk [tilespmem:v56+s16+$0x0], $0xffff  }
0x215: {  	v38 =	vld [tilespmem:s22+$0x350];
	[tilespmem:s26+$0x40] =	vst v37  }
0x216: {  	[tilespmem:s1+$0x40] =	vst v39;
	v37 =	vld [tilespmem:s7+$0x250]  }
0x217: {  	[tilespmem:s9+$0x40] =	vst v34;
	v39 =	vld [tilespmem:s7+$0xFFFFFC50]  }
0x218: {  	s6 =	smov.u32 s4;
	s4 =	rddreg [dreg:$0x19];
	[tilespmem:s2+$0x40] =	vst v35;
	v57 =	vld.idx.msk [tilespmem:v40+s16+$0x0], $0xffff  }
0x219: {  	[dreg:$0x4] =	wrdreg s6;
	v35 =	vld [tilespmem:s7+$0xFFFFFE50]  }
0x21a: {  	s6 =	rddreg [dreg:$0x13];
	v34 =	vld [tilespmem:s7+$0x50];
	[tilespmem:s4+$0xC200] =	vst v36  }
0x21b: {  	[tilespmem:s6+$0xC200] =	vst v41;
	v58 =	vld [tilespmem:s22+$0xFFFFFD50]  }
0x21c: {  	s10 =	rddreg [dreg:$0x11];
	v41 =	vld [tilespmem:s22+$0xFFFFFF50]  }
0x21d: {  	v38 =	vld.idx.msk [tilespmem:v38+s16+$0x0], $0xffff;
	[tilespmem:s10+$0xC200] =	vst v57  }
0x21e: {  	v36 =	vld [tilespmem:s22+$0x150]  }
0x21f: {  	v37 =	vld.idx.msk [tilespmem:v37+s16+$0x0], $0xffff  }
0x220: {  	v39 =	vld.idx.msk [tilespmem:v39+s16+$0x0], $0xffff  }
0x221: {  	v35 =	vld.idx.msk [tilespmem:v35+s16+$0x0], $0xffff  }
0x222: {  	s8 =	sor.u32 $0x450, s3;
	v34 =	vld.idx.msk [tilespmem:v34+s16+$0x0], $0xffff  }
0x223: {  	[tilespmem:s8+$0xC200] =	vst v38;
	v40 =	vld.idx.msk [tilespmem:v58+s16+$0x0], $0xffff  }
0x224: {  	v38 =	vld [tilespmem:s22+$0x360];
	[tilespmem:s26+$0x50] =	vst v37  }
0x225: {  	[tilespmem:s1+$0x50] =	vst v39;
	v37 =	vld [tilespmem:s7+$0x260]  }
0x226: {  	[tilespmem:s2+$0x50] =	vst v35;
	v39 =	vld [tilespmem:s7+$0xFFFFFC60]  }
0x227: {  	[tilespmem:s9+$0x50] =	vst v34;
	v35 =	vld [tilespmem:s7+$0xFFFFFE60]  }
0x228: {  	s19 =	sor.u32 $0x430, s17;
	v34 =	vld [tilespmem:s7+$0x60]  }
0x229: {  	s13 =	smov.u32 s19;
	s19 =	rddreg [dreg:$0x15];
	v41 =	vld.idx.msk [tilespmem:v41+s16+$0x0], $0xffff  }
0x22a: {  	[tilespmem:s19+$0xC200] =	vst v40;
	v36 =	vld.idx.msk [tilespmem:v36+s16+$0x0], $0xffff  }
0x22b: {  	v40 =	vld [tilespmem:s22+$0xFFFFFD60]  }
0x22c: {  	v38 =	vld.idx.msk [tilespmem:v38+s16+$0x0], $0xffff  }
0x22d: {  	v37 =	vld.idx.msk [tilespmem:v37+s16+$0x0], $0xffff  }
0x22e: {  	v39 =	vld.idx.msk [tilespmem:v39+s16+$0x0], $0xffff  }
0x22f: {  	s6 =	rddreg [dreg:$0xc];
	v35 =	vld.idx.msk [tilespmem:v35+s16+$0x0], $0xffff  }
0x230: {  	s8 =	rddreg [dreg:$0x12];
	[tilespmem:s6+$0xC200] =	vst v41;
	v34 =	vld.idx.msk [tilespmem:v34+s16+$0x0], $0xffff  }
0x231: {  	s30 =	sor.u32 $0x460, s3;
	[tilespmem:s8+$0xC200] =	vst v36;
	v59 =	vld [tilespmem:s22+$0xFFFFFF60]  }
0x232: {  	[tilespmem:s30+$0xC200] =	vst v38;
	v60 =	vld [tilespmem:s22+$0x160]  }
0x233: {  	v38 =	vld [tilespmem:s22+$0x370];
	[tilespmem:s26+$0x60] =	vst v37  }
0x234: {  	[tilespmem:s1+$0x60] =	vst v39;
	v61 =	vld [tilespmem:s7+$0x270]  }
0x235: {  	[tilespmem:s2+$0x60] =	vst v35;
	v39 =	vld [tilespmem:s7+$0xFFFFFC70]  }
0x236: {  	[tilespmem:s9+$0x60] =	vst v34;
	v35 =	vld [tilespmem:s7+$0xFFFFFE70]  }
0x237: {  	v34 =	vld [tilespmem:s7+$0x70]  }
0x238: {  	v40 =	vld.idx.msk [tilespmem:v40+s16+$0x0], $0xffff  }
0x239: {  	v62 =	vld.idx.msk [tilespmem:v33+s16+$0x0], $0xffff  }
0x23a: {  	s23 =	sor.u32 $0x400, s17;
	v36 =	vld.idx.msk [tilespmem:v59+s16+$0x0], $0xffff  }
0x23b: {  	[dreg:$0x18] =	wrdreg s31;
	s31 =	sor.u32 $0x440, s17;
	s5 =	smov.u32 s23;
	v37 =	vld.idx.msk [tilespmem:v60+s16+$0x0], $0xffff  }
0x23c: {  	s23 =	smov.u32 s21;
	s21 =	smov.u32 s31;
	s31 =	rddreg [dreg:$0x16];
	v38 =	vld.idx.msk [tilespmem:v38+s16+$0x0], $0xffff  }
0x23d: {  	s19 =	smov.u32 s31;
	s31 =	rddreg [dreg:$0xd];
	v39 =	vld.idx.msk [tilespmem:v39+s16+$0x0], $0xffff  }
0x23e: {  	s4 =	rddreg [dreg:$0xb];
	v35 =	vld.idx.msk [tilespmem:v35+s16+$0x0], $0xffff;
	[tilespmem:s31+$0xC200] =	vst v40  }
0x23f: {  	s28 =	smov.u32 s18;
	s6 =	rddreg [dreg:$0x9];
	v34 =	vld.idx.msk [tilespmem:v34+s16+$0x0], $0xffff;
	[tilespmem:s4+$0xC200] =	vst v36  }
0x240: {  	s18 =	smov.u32 s29;
	s29 =	rddreg [dreg:$0x1a];
	s30 =	sor.u32 $0x470, s3;
	[tilespmem:s6+$0xC200] =	vst v37;
	v40 =	vld [tilespmem:s22+$0xFFFFFD70]  }
0x241: {  	[tilespmem:s30+$0xC200] =	vst v38;
	v33 =	vld [tilespmem:s22+$0xFFFFFF70];
	s30 =	rddreg [dreg:$0x8]  }
0x242: {  	[dreg:$0x3] =	wrdreg s13;
	v41 =	vld.idx.msk [tilespmem:v61+s16+$0x0], $0xffff;
	[tilespmem:s30+$0xC200] =	vst v62  }
0x243: {  	s15 =	sadd.s32 $0x4, s15;
	s13 =	rddreg [dreg:$0x18];
	v63 =	vld [tilespmem:s22+$0x170];
	[tilespmem:s1+$0x70] =	vst v39  }
0x244: {  	p1 =	slt.u32 s15, $0x3C;
	s10 =	rddreg [dreg:$0x14];
	[tilespmem:s2+$0x70] =	vst v35;
	v36 =	vld [tilespmem:s7+$0xFFFFFD00]  }
.Ltmp2:
0x245: {  	s8 =	rddreg [dreg:$0xf];
	[tilespmem:s9+$0x70] =	vst v34;
	v37 =	vld [tilespmem:s7+$0xFFFFFF00];
	(pc) =	sbr.rel @p1 .LBB2_6-.Ltmp2, $4  }
0x246: {  	s17 =	sor.u32 $0x470, s17;
	s3 =	rddreg [dreg:$0x10];
	v38 =	vld [tilespmem:s7+$0x100]  }
0x247: {  	s20 =	smov.u32 s13;
	s13 =	smov.u32 s10;
	s31 =	rddreg [dreg:$0xa];
	v35 =	vld.idx.msk [tilespmem:v32+s16+$0x0], $0xffff;
	[tilespmem:s26+$0x70] =	vst v41  }
0x248: {  	s10 =	smov.u32 s3;
	s4 =	smov.u32 s8;
	s6 =	smov.u32 s31;
	v39 =	vld [tilespmem:s7+$0x300]  }
0x249: {  	s22 =	smov.u32 s7;
	v32 =	vmov v63;
	s26 =	rddreg [dreg:$0xe];
	s7 =	sadd.s32 $0x800, s7;
	v34 =	vld.idx.msk [tilespmem:v40+s16+$0x0], $0xffff  }
0x24a: {  	_ =	sdelay $0x5  }
0x24b: {  	s0 =	sadd.s32 $0x4, s23  }
0x24c: {  	s0 =	sand.u32 $0x7, s0;
	v39 =	vld.idx.msk [tilespmem:v39+s16+$0x0], $0xffff  }
0x24d: {  	v37 =	vld.idx.msk [tilespmem:v37+s16+$0x0], $0xffff;
	s0 =	sshll.u32 s0, $0x7  }
0x24e: {  	v36 =	vld.idx.msk [tilespmem:v36+s16+$0x0], $0xffff;
	s0 =	sadd.s32 s0, s24  }
0x24f: {  	s1 =	sadd.s32 $0x180, s0  }
0x250: {  	v38 =	vld.idx.msk [tilespmem:v38+s16+$0x0], $0xffff;
	s0 =	sadd.s32 $0x80, s0;
	s2 =	sor.u32 $0x400, s1  }
0x251: {  	s3 =	sor.u32 $0x400, s0;
	[tilespmem:s2+$0xC200] =	vst v39  }
0x252: {  	[tilespmem:s3+$0xC200] =	vst v37;
	v39 =	vld [tilespmem:s22+$0x310]  }
0x253: {  	[tilespmem:s5+$0xC200] =	vst v36;
	v37 =	vld [tilespmem:s22+$0xFFFFFF10]  }
0x254: {  	v36 =	vld [tilespmem:s22+$0xFFFFFD10]  }
0x255: {  	[tilespmem:s29+$0xC200] =	vst v38  }
0x256: {  	v38 =	vld [tilespmem:s22+$0x110];
	_ =	sdelay $0x3  }
0x257: {  	v39 =	vld.idx.msk [tilespmem:v39+s16+$0x0], $0xffff  }
0x258: {  	v37 =	vld.idx.msk [tilespmem:v37+s16+$0x0], $0xffff  }
0x259: {  	v36 =	vld.idx.msk [tilespmem:v36+s16+$0x0], $0xffff;
	_ =	sdelay $0x1  }
0x25a: {  	s5 =	sor.u32 $0x410, s1;
	v38 =	vld.idx.msk [tilespmem:v38+s16+$0x0], $0xffff  }
0x25b: {  	s7 =	sor.u32 $0x410, s0;
	[tilespmem:s5+$0xC200] =	vst v39  }
0x25c: {  	v39 =	vld [tilespmem:s22+$0x320];
	s2 =	rddreg [dreg:$0x7];
	[tilespmem:s7+$0xC200] =	vst v37  }
0x25d: {  	[tilespmem:s2+$0xC200] =	vst v36;
	v37 =	vld [tilespmem:s22+$0xFFFFFF20]  }
0x25e: {  	v36 =	vld [tilespmem:s22+$0xFFFFFD20];
	s2 =	rddreg [dreg:$0x6]  }
0x25f: {  	[tilespmem:s2+$0xC200] =	vst v38  }
0x260: {  	v38 =	vld [tilespmem:s22+$0x120];
	_ =	sdelay $0x3  }
0x261: {  	v39 =	vld.idx.msk [tilespmem:v39+s16+$0x0], $0xffff  }
0x262: {  	v37 =	vld.idx.msk [tilespmem:v37+s16+$0x0], $0xffff  }
0x263: {  	v36 =	vld.idx.msk [tilespmem:v36+s16+$0x0], $0xffff;
	_ =	sdelay $0x1  }
0x264: {  	s8 =	sor.u32 $0x420, s1;
	v38 =	vld.idx.msk [tilespmem:v38+s16+$0x0], $0xffff  }
0x265: {  	s9 =	sor.u32 $0x420, s0;
	[tilespmem:s8+$0xC200] =	vst v39  }
0x266: {  	s2 =	rddreg [dreg:$0x5];
	[tilespmem:s9+$0xC200] =	vst v37  }
0x267: {  	v39 =	vld [tilespmem:s22+$0x330];
	[tilespmem:s2+$0xC200] =	vst v36  }
0x268: {  	v37 =	vld [tilespmem:s22+$0xFFFFFF30];
	s2 =	rddreg [dreg:$0x4]  }
0x269: {  	v36 =	vld [tilespmem:s22+$0xFFFFFD30];
	[tilespmem:s2+$0xC200] =	vst v38  }
0x26a: {  	v38 =	vld [tilespmem:s22+$0x130];
	_ =	sdelay $0x4  }
0x26b: {  	v39 =	vld.idx.msk [tilespmem:v39+s16+$0x0], $0xffff  }
0x26c: {  	v37 =	vld.idx.msk [tilespmem:v37+s16+$0x0], $0xffff  }
0x26d: {  	v36 =	vld.idx.msk [tilespmem:v36+s16+$0x0], $0xffff  }
0x26e: {  	v38 =	vld.idx.msk [tilespmem:v38+s16+$0x0], $0xffff  }
0x26f: {  	s14 =	sor.u32 $0x430, s1  }
0x270: {  	s15 =	sor.u32 $0x430, s0;
	[tilespmem:s14+$0xC200] =	vst v39  }
0x271: {  	v39 =	vld [tilespmem:s22+$0x340];
	s2 =	rddreg [dreg:$0x3];
	[tilespmem:s15+$0xC200] =	vst v37  }
0x272: {  	[tilespmem:s2+$0xC200] =	vst v36;
	v37 =	vld [tilespmem:s22+$0xFFFFFF40]  }
0x273: {  	v36 =	vld [tilespmem:s22+$0xFFFFFD40];
	[tilespmem:s28+$0xC200] =	vst v38  }
0x274: {  	v38 =	vld [tilespmem:s22+$0x140];
	_ =	sdelay $0x4  }
0x275: {  	v39 =	vld.idx.msk [tilespmem:v39+s16+$0x0], $0xffff  }
0x276: {  	v37 =	vld.idx.msk [tilespmem:v37+s16+$0x0], $0xffff  }
0x277: {  	v36 =	vld.idx.msk [tilespmem:v36+s16+$0x0], $0xffff  }
0x278: {  	v38 =	vld.idx.msk [tilespmem:v38+s16+$0x0], $0xffff  }
0x279: {  	s23 =	sor.u32 $0x440, s1  }
0x27a: {  	s24 =	sor.u32 $0x440, s0;
	[tilespmem:s23+$0xC200] =	vst v39  }
0x27b: {  	v39 =	vld [tilespmem:s22+$0x350];
	[tilespmem:s24+$0xC200] =	vst v37  }
0x27c: {  	[tilespmem:s21+$0xC200] =	vst v36;
	v37 =	vld [tilespmem:s22+$0xFFFFFF50]  }
0x27d: {  	v36 =	vld [tilespmem:s22+$0xFFFFFD50];
	[tilespmem:s20+$0xC200] =	vst v38  }
0x27e: {  	v38 =	vld [tilespmem:s22+$0x150];
	_ =	sdelay $0x4  }
0x27f: {  	v39 =	vld.idx.msk [tilespmem:v39+s16+$0x0], $0xffff  }
0x280: {  	v37 =	vld.idx.msk [tilespmem:v37+s16+$0x0], $0xffff  }
0x281: {  	v36 =	vld.idx.msk [tilespmem:v36+s16+$0x0], $0xffff  }
0x282: {  	v38 =	vld.idx.msk [tilespmem:v38+s16+$0x0], $0xffff  }
0x283: {  	s25 =	sor.u32 $0x450, s1  }
0x284: {  	s28 =	sor.u32 $0x450, s0;
	[tilespmem:s25+$0xC200] =	vst v39  }
0x285: {  	v39 =	vld [tilespmem:s22+$0x360];
	[tilespmem:s28+$0xC200] =	vst v37  }
0x286: {  	[tilespmem:s19+$0xC200] =	vst v36;
	v37 =	vld [tilespmem:s22+$0xFFFFFF60]  }
0x287: {  	v36 =	vld [tilespmem:s22+$0xFFFFFD60];
	[tilespmem:s13+$0xC200] =	vst v38  }
0x288: {  	v38 =	vld [tilespmem:s22+$0x160];
	_ =	sdelay $0x4  }
0x289: {  	v39 =	vld.idx.msk [tilespmem:v39+s16+$0x0], $0xffff  }
0x28a: {  	v37 =	vld.idx.msk [tilespmem:v37+s16+$0x0], $0xffff  }
0x28b: {  	v36 =	vld.idx.msk [tilespmem:v36+s16+$0x0], $0xffff  }
0x28c: {  	v38 =	vld.idx.msk [tilespmem:v38+s16+$0x0], $0xffff  }
0x28d: {  	s29 =	sor.u32 $0x460, s1  }
0x28e: {  	s30 =	sor.u32 $0x460, s0;
	[tilespmem:s29+$0xC200] =	vst v39  }
0x28f: {  	v39 =	vld [tilespmem:s22+$0x370];
	[tilespmem:s30+$0xC200] =	vst v37  }
0x290: {  	[tilespmem:s10+$0xC200] =	vst v36;
	v37 =	vld [tilespmem:s22+$0xFFFFFF70]  }
0x291: {  	v36 =	vld [tilespmem:s22+$0xFFFFFD70];
	[tilespmem:s4+$0xC200] =	vst v38  }
0x292: {  	v38 =	vld [tilespmem:s22+$0x170];
	_ =	sdelay $0x2  }
0x293: {  	v33 =	vld.idx.msk [tilespmem:v33+s16+$0x0], $0xffff  }
0x294: {  	v32 =	vld.idx.msk [tilespmem:v32+s16+$0x0], $0xffff  }
0x295: {  	v39 =	vld.idx.msk [tilespmem:v39+s16+$0x0], $0xffff  }
0x296: {  	[tilespmem:s12+$0xC200] =	vst v35;
	v62 =	vld.idx.msk [tilespmem:v37+s16+$0x0], $0xffff  }
0x297: {  	[tilespmem:s26+$0xC200] =	vst v34;
	v61 =	vld.idx.msk [tilespmem:v36+s16+$0x0], $0xffff  }
0x298: {  	[tilespmem:s6+$0xC200] =	vst v33;
	v63 =	vld.idx.msk [tilespmem:v38+s16+$0x0], $0xffff  }
0x299: {  	s1 =	sor.u32 $0x470, s1;
	[tilespmem:s18+$0xC200] =	vst v32  }
0x29a: {  	s0 =	sor.u32 $0x470, s0;
	[tilespmem:s1+$0xC200] =	vst v39  }
0x29b: {  	[tilespmem:s0+$0xC200] =	vst v62  }
0x29c: {  	[tilespmem:s17+$0xC200] =	vst v61  }
0x29d: {  	s31 =	simm.s32 $0xC200;
	[tilespmem:s11+$0xC200] =	vst v63  }
0x29e: {  	s13 =	simm.s32 $0x2;
	s0 =	simm.s32 $0x0;
	s1 =	rddreg [dreg:$0x1e]  }
0x29f: {  	[hbm4b:s1+s0] =	stream.linear.scatter [tilespmem:s31], [sflag:$0x1], $0x4000, $0x38;
	[tilespmem:$0x1C200] =	vst v63  }
0x2a0: {  	_ =	swait.ge [sflag:s13], $0x4000  }
0x2a1: {  	s2 =	simm.s32 $0x0;
	[sflag:s13] =	ssyncset.done $0x0;
	s11 =	rddreg [dreg:$0x1f]  }
0x2a2: {  	s1 =	simm.s32 $0x4200;
	s12 =	sld [smem:$0x7FD];
	[sflag:s13] =	ssyncadd.s32 $0xFFFFC000  }
.LBB2_8:
0x2a3: {  	p0 =	sne.s32 s2, $0x7F0  }
.Ltmp3:
0x2a4: {  	_ = 	snop;
	(pc) =	sbr.rel @p0 .LBB2_8-.Ltmp3, $4  }
0x2a5: {  	_ = 	snop  }
0x2a6: {  	s3 =	sadd.s32 s2, s11  }
0x2a7: {  	[tilespmem:s1], [sflag:$0x2] =	stream.linear.gather [hbm4b:s3+s0], $0x80, $0x38;
	[tilespmem:$0x1C200] =	vst v63  }
0x2a8: {  	s2 =	sadd.s32 $0x10, s2;
	s1 =	sadd.s32 $0x100, s1  }
0x2a9: {  	s1 =	simm.s32 $0x4680  }
0x2aa: {  	v33 =	vld [tilespmem:s1+$0xFFFFFC00]  }
0x2ab: {  	v35 =	vld [tilespmem:s1+$0x0]  }
0x2ac: {  	v32 =	vld [tilespmem:s1+$0x200]  }
0x2ad: {  	v34 =	vld [tilespmem:s1+$0xFFFFFE00];
	_ =	sdelay $0x4  }
0x2ae: {  	s4 =	sand.u32 $0x3800, s0;
	v33 =	vld.idx.msk [tilespmem:v33+s16+$0x0], $0xffff  }
0x2af: {  	s9 =	sand.u32 $0x200, s0;
	s14 =	simm.s32 $0x4200;
	s5 =	simm.s32 $0x2100;
	v35 =	vld.idx.msk [tilespmem:v35+s16+$0x0], $0xffff  }
0x2b0: {  	s0 =	sor.u32 s9, s4;
	s4 =	sand.u32 $0x7800, s14;
	s18 =	sand.u32 $0x300, s5;
	v32 =	vld.idx.msk [tilespmem:v32+s16+$0x0], $0xffff  }
0x2b1: {  	s2 =	simm.s32 $0x4300;
	s22 =	sor.u32 s18, s4;
	s4 =	simm.s32 $0x4E80;
	v34 =	vld.idx.msk [tilespmem:v34+s16+$0x0], $0xffff  }
0x2b2: {  	s3 =	simm.s32 $0x2180;
	s10 =	simm.s32 $0x4100;
	s15 =	sadd.s32 $0xC200, s0;
	v37 =	vld [tilespmem:s4+$0xFFFFFC00]  }
0x2b3: {  	s11 =	simm.s32 $0x2080;
	s2 =	sand.u32 $0x7800, s2;
	s3 =	sand.u32 $0x380, s3;
	v38 =	vld [tilespmem:s4+$0xFFFFFE00];
	[tilespmem:s15+$0x4000] =	vst v33  }
0x2b4: {  	s6 =	sand.u32 $0x7800, s10;
	s17 =	sor.u32 s3, s2;
	s3 =	sand.u32 $0x280, s11;
	[tilespmem:s22+$0xC200] =	vst v35;
	v33 =	vld [tilespmem:s1+$0xFFFFFC10]  }
0x2b5: {  	s0 =	sor.u32 s3, s6;
	[tilespmem:s17+$0xC200] =	vst v32;
	v35 =	vld [tilespmem:s1+$0x10]  }
0x2b6: {  	[tilespmem:s0+$0xC200] =	vst v34;
	v32 =	vld [tilespmem:s1+$0x210]  }
0x2b7: {  	v34 =	vld [tilespmem:s1+$0xFFFFFE10]  }
0x2b8: {  	p0 =	por $0x0, $0x0;
	s19 =	simm.s32 $0x4700;
	s2 =	simm.s32 $0x1  }
0x2b9: {  	s20 =	simm.s32 $0x2380;
	s21 =	simm.s32 $0x400;
	s2 =	simm.s32 @!p0 $0x0  }
0x2ba: {  	s7 =	simm.s32 $0x200;
	s24 =	simm.s32 $0x4500;
	s2 =	sshll.u32 s2, $0x9;
	v37 =	vld.idx.msk [tilespmem:v37+s16+$0x0], $0xffff  }
0x2bb: {  	s8 =	sand.u32 $0x3800, s21;
	s23 =	sand.u32 $0x200, s7;
	s2 =	sadd.s32 $0x0, s2;
	v38 =	vld.idx.msk [tilespmem:v38+s16+$0x0], $0xffff  }
0x2bc: {  	s3 =	sand.u32 $0x380, s20;
	s5 =	sor.u32 $0x4400, s2;
	s2 =	sand.u32 $0x7800, s19;
	v33 =	vld.idx.msk [tilespmem:v33+s16+$0x0], $0xffff  }
0x2bd: {  	s25 =	simm.s32 $0x2280;
	s6 =	sor.u32 s3, s2;
	s2 =	sor.u32 s23, s8;
	v35 =	vld.idx.msk [tilespmem:v35+s16+$0x0], $0xffff  }
0x2be: {  	s7 =	sand.u32 $0x280, s25;
	s3 =	sand.u32 $0x7800, s24;
	s2 =	sadd.s32 $0xC200, s2;
	v32 =	vld.idx.msk [tilespmem:v32+s16+$0x0], $0xffff  }
0x2bf: {  	s23 =	sor.u32 s7, s3;
	[tilespmem:s2+$0x4000] =	vst v37;
	v34 =	vld.idx.msk [tilespmem:v34+s16+$0x0], $0xffff  }
0x2c0: {  	[tilespmem:s23+$0xC200] =	vst v38;
	v37 =	vld [tilespmem:s4+$0xFFFFFC10]  }
0x2c1: {  	v38 =	vld [tilespmem:s4+$0xFFFFFE10];
	[tilespmem:s15+$0x4010] =	vst v33  }
0x2c2: {  	[tilespmem:s22+$0xC210] =	vst v35;
	v33 =	vld [tilespmem:s1+$0xFFFFFC20]  }
0x2c3: {  	[tilespmem:s17+$0xC210] =	vst v32;
	v35 =	vld [tilespmem:s1+$0x20]  }
0x2c4: {  	[tilespmem:s0+$0xC210] =	vst v34;
	v32 =	vld [tilespmem:s1+$0x220]  }
0x2c5: {  	v34 =	vld [tilespmem:s1+$0xFFFFFE20];
	_ =	sdelay $0x2  }
0x2c6: {  	v37 =	vld.idx.msk [tilespmem:v37+s16+$0x0], $0xffff  }
0x2c7: {  	v38 =	vld.idx.msk [tilespmem:v38+s16+$0x0], $0xffff  }
0x2c8: {  	v33 =	vld.idx.msk [tilespmem:v33+s16+$0x0], $0xffff  }
0x2c9: {  	v35 =	vld.idx.msk [tilespmem:v35+s16+$0x0], $0xffff  }
0x2ca: {  	v32 =	vld.idx.msk [tilespmem:v32+s16+$0x0], $0xffff  }
0x2cb: {  	[tilespmem:s2+$0x4010] =	vst v37;
	v34 =	vld.idx.msk [tilespmem:v34+s16+$0x0], $0xffff  }
0x2cc: {  	[tilespmem:s23+$0xC210] =	vst v38;
	v37 =	vld [tilespmem:s4+$0xFFFFFC20]  }
0x2cd: {  	v38 =	vld [tilespmem:s4+$0xFFFFFE20];
	[tilespmem:s15+$0x4020] =	vst v33  }
0x2ce: {  	[tilespmem:s22+$0xC220] =	vst v35;
	v33 =	vld [tilespmem:s1+$0xFFFFFC30]  }
0x2cf: {  	[tilespmem:s17+$0xC220] =	vst v32;
	v35 =	vld [tilespmem:s1+$0x30]  }
0x2d0: {  	[tilespmem:s0+$0xC220] =	vst v34;
	v32 =	vld [tilespmem:s1+$0x230]  }
0x2d1: {  	v34 =	vld [tilespmem:s1+$0xFFFFFE30];
	_ =	sdelay $0x2  }
0x2d2: {  	v37 =	vld.idx.msk [tilespmem:v37+s16+$0x0], $0xffff  }
0x2d3: {  	v38 =	vld.idx.msk [tilespmem:v38+s16+$0x0], $0xffff  }
0x2d4: {  	v33 =	vld.idx.msk [tilespmem:v33+s16+$0x0], $0xffff  }
0x2d5: {  	v35 =	vld.idx.msk [tilespmem:v35+s16+$0x0], $0xffff  }
0x2d6: {  	v32 =	vld.idx.msk [tilespmem:v32+s16+$0x0], $0xffff  }
0x2d7: {  	[tilespmem:s2+$0x4020] =	vst v37;
	v34 =	vld.idx.msk [tilespmem:v34+s16+$0x0], $0xffff  }
0x2d8: {  	[tilespmem:s23+$0xC220] =	vst v38;
	v37 =	vld [tilespmem:s4+$0xFFFFFC30]  }
0x2d9: {  	v38 =	vld [tilespmem:s4+$0xFFFFFE30];
	[tilespmem:s15+$0x4030] =	vst v33  }
0x2da: {  	[tilespmem:s22+$0xC230] =	vst v35;
	v33 =	vld [tilespmem:s1+$0xFFFFFC40]  }
0x2db: {  	[tilespmem:s17+$0xC230] =	vst v32;
	v35 =	vld [tilespmem:s1+$0x40]  }
0x2dc: {  	[tilespmem:s0+$0xC230] =	vst v34;
	v32 =	vld [tilespmem:s1+$0x240]  }
0x2dd: {  	v34 =	vld [tilespmem:s1+$0xFFFFFE40];
	_ =	sdelay $0x2  }
0x2de: {  	v37 =	vld.idx.msk [tilespmem:v37+s16+$0x0], $0xffff  }
0x2df: {  	v38 =	vld.idx.msk [tilespmem:v38+s16+$0x0], $0xffff  }
0x2e0: {  	v33 =	vld.idx.msk [tilespmem:v33+s16+$0x0], $0xffff  }
0x2e1: {  	v35 =	vld.idx.msk [tilespmem:v35+s16+$0x0], $0xffff  }
0x2e2: {  	v32 =	vld.idx.msk [tilespmem:v32+s16+$0x0], $0xffff  }
0x2e3: {  	[tilespmem:s2+$0x4030] =	vst v37;
	v34 =	vld.idx.msk [tilespmem:v34+s16+$0x0], $0xffff  }
0x2e4: {  	[tilespmem:s23+$0xC230] =	vst v38;
	v37 =	vld [tilespmem:s4+$0xFFFFFC40]  }
0x2e5: {  	v38 =	vld [tilespmem:s4+$0xFFFFFE40];
	[tilespmem:s15+$0x4040] =	vst v33  }
0x2e6: {  	[tilespmem:s22+$0xC240] =	vst v35;
	v33 =	vld [tilespmem:s1+$0xFFFFFC50]  }
0x2e7: {  	[tilespmem:s17+$0xC240] =	vst v32;
	v35 =	vld [tilespmem:s1+$0x50]  }
0x2e8: {  	[tilespmem:s0+$0xC240] =	vst v34;
	v32 =	vld [tilespmem:s1+$0x250]  }
0x2e9: {  	s25 =	simm.s32 $0x5680;
	v34 =	vld [tilespmem:s1+$0xFFFFFE50]  }
0x2ea: {  	v58 =	vld [tilespmem:s25+$0x200]  }
0x2eb: {  	v41 =	vld [tilespmem:s25+$0xFFFFFC00]  }
0x2ec: {  	v37 =	vld.idx.msk [tilespmem:v37+s16+$0x0], $0xffff  }
0x2ed: {  	v38 =	vld.idx.msk [tilespmem:v38+s16+$0x0], $0xffff  }
0x2ee: {  	v33 =	vld.idx.msk [tilespmem:v33+s16+$0x0], $0xffff  }
0x2ef: {  	v35 =	vld.idx.msk [tilespmem:v35+s16+$0x0], $0xffff  }
0x2f0: {  	v32 =	vld.idx.msk [tilespmem:v32+s16+$0x0], $0xffff  }
0x2f1: {  	[tilespmem:s2+$0x4040] =	vst v37;
	v34 =	vld.idx.msk [tilespmem:v34+s16+$0x0], $0xffff  }
0x2f2: {  	[tilespmem:s23+$0xC240] =	vst v38;
	v37 =	vld [tilespmem:s4+$0xFFFFFC50]  }
0x2f3: {  	v38 =	vld [tilespmem:s4+$0xFFFFFE50];
	[tilespmem:s15+$0x4050] =	vst v33  }
0x2f4: {  	[tilespmem:s22+$0xC250] =	vst v35;
	v33 =	vld [tilespmem:s1+$0xFFFFFC60]  }
0x2f5: {  	[tilespmem:s17+$0xC250] =	vst v32;
	v35 =	vld [tilespmem:s1+$0x60]  }
0x2f6: {  	[tilespmem:s0+$0xC250] =	vst v34;
	v32 =	vld [tilespmem:s1+$0x260]  }
0x2f7: {  	v34 =	vld [tilespmem:s1+$0xFFFFFE60]  }
0x2f8: {  	v36 =	vld [tilespmem:s4+$0x200]  }
0x2f9: {  	v39 =	vld [tilespmem:s4+$0x0]  }
0x2fa: {  	v37 =	vld.idx.msk [tilespmem:v37+s16+$0x0], $0xffff  }
0x2fb: {  	v38 =	vld.idx.msk [tilespmem:v38+s16+$0x0], $0xffff  }
0x2fc: {  	v33 =	vld.idx.msk [tilespmem:v33+s16+$0x0], $0xffff  }
0x2fd: {  	v35 =	vld.idx.msk [tilespmem:v35+s16+$0x0], $0xffff  }
0x2fe: {  	v32 =	vld.idx.msk [tilespmem:v32+s16+$0x0], $0xffff  }
0x2ff: {  	[tilespmem:s2+$0x4050] =	vst v37;
	v34 =	vld.idx.msk [tilespmem:v34+s16+$0x0], $0xffff  }
0x300: {  	[tilespmem:s23+$0xC250] =	vst v38;
	v37 =	vld [tilespmem:s4+$0xFFFFFC60]  }
0x301: {  	v38 =	vld [tilespmem:s4+$0xFFFFFE60];
	[tilespmem:s15+$0x4060] =	vst v33  }
0x302: {  	[tilespmem:s22+$0xC260] =	vst v35;
	v33 =	vld [tilespmem:s1+$0xFFFFFC70]  }
0x303: {  	[tilespmem:s17+$0xC260] =	vst v32;
	v35 =	vld [tilespmem:s1+$0x70]  }
0x304: {  	[tilespmem:s0+$0xC260] =	vst v34;
	v32 =	vld [tilespmem:s1+$0x270]  }
0x305: {  	v34 =	vld [tilespmem:s1+$0xFFFFFE70]  }
0x306: {  	v41 =	vld.idx.msk [tilespmem:v41+s16+$0x0], $0xffff  }
0x307: {  	v36 =	vld.idx.msk [tilespmem:v36+s16+$0x0], $0xffff  }
0x308: {  	v37 =	vld.idx.msk [tilespmem:v37+s16+$0x0], $0xffff  }
0x309: {  	v38 =	vld.idx.msk [tilespmem:v38+s16+$0x0], $0xffff  }
0x30a: {  	v33 =	vld.idx.msk [tilespmem:v33+s16+$0x0], $0xffff  }
0x30b: {  	v35 =	vld.idx.msk [tilespmem:v35+s16+$0x0], $0xffff  }
0x30c: {  	v32 =	vld.idx.msk [tilespmem:v32+s16+$0x0], $0xffff  }
0x30d: {  	[tilespmem:s2+$0x4060] =	vst v37;
	v34 =	vld.idx.msk [tilespmem:v34+s16+$0x0], $0xffff  }
0x30e: {  	[tilespmem:s23+$0xC260] =	vst v38;
	v37 =	vld [tilespmem:s4+$0xFFFFFC70]  }
0x30f: {  	v38 =	vld [tilespmem:s4+$0xFFFFFE70];
	[tilespmem:s15+$0x4070] =	vst v33  }
0x310: {  	[tilespmem:s22+$0xC270] =	vst v35;
	v33 =	vld [tilespmem:s1+$0xFFFFFD00]  }
0x311: {  	[tilespmem:s17+$0xC270] =	vst v32;
	v35 =	vld [tilespmem:s1+$0x100]  }
0x312: {  	[tilespmem:s0+$0xC270] =	vst v34;
	v32 =	vld [tilespmem:s1+$0x300]  }
0x313: {  	v34 =	vld [tilespmem:s1+$0xFFFFFF00]  }
0x314: {  	v61 =	vld.idx.msk [tilespmem:v39+s16+$0x0], $0xffff;
	[tilespmem:s6+$0xC200] =	vst v36  }
0x315: {  	v42 =	vld [tilespmem:s4+$0x210]  }
0x316: {  	v37 =	vld.idx.msk [tilespmem:v37+s16+$0x0], $0xffff  }
0x317: {  	v38 =	vld.idx.msk [tilespmem:v38+s16+$0x0], $0xffff  }
0x318: {  	v33 =	vld.idx.msk [tilespmem:v33+s16+$0x0], $0xffff  }
0x319: {  	s26 =	simm.s32 $0x4600;
	s9 =	simm.s32 $0x2300;
	v35 =	vld.idx.msk [tilespmem:v35+s16+$0x0], $0xffff  }
0x31a: {  	s8 =	sand.u32 $0x7800, s26;
	s7 =	sand.u32 $0x300, s9;
	v32 =	vld.idx.msk [tilespmem:v32+s16+$0x0], $0xffff  }
0x31b: {  	s24 =	sor.u32 s7, s8;
	[tilespmem:s2+$0x4070] =	vst v37;
	v34 =	vld.idx.msk [tilespmem:v34+s16+$0x0], $0xffff  }
0x31c: {  	[tilespmem:s24+$0xC200] =	vst v61;
	v37 =	vld [tilespmem:s4+$0xFFFFFD00]  }
0x31d: {  	[tilespmem:s5+$0xC200] =	vst v33;
	v33 =	vld [tilespmem:s4+$0x10]  }
0x31e: {  	[tilespmem:s22+$0xC600] =	vst v35;
	v35 =	vld.idx.msk [tilespmem:v42+s16+$0x0], $0xffff  }
0x31f: {  	[tilespmem:s17+$0xC600] =	vst v32;
	v62 =	vld [tilespmem:s1+$0xFFFFFD10]  }
0x320: {  	[tilespmem:s0+$0xC600] =	vst v34;
	v32 =	vld [tilespmem:s1+$0x310]  }
0x321: {  	v63 =	vld [tilespmem:s1+$0xFFFFFF10]  }
0x322: {  	[tilespmem:s23+$0xC270] =	vst v38;
	v43 =	vld [tilespmem:s1+$0x110]  }
0x323: {  	v38 =	vld [tilespmem:s4+$0xFFFFFF00];
	[tilespmem:s6+$0xC210] =	vst v35  }
0x324: {  	v35 =	vld [tilespmem:s4+$0x220]  }
0x325: {  	v33 =	vld.idx.msk [tilespmem:v33+s16+$0x0], $0xffff  }
0x326: {  	v42 =	vld [tilespmem:s25+$0xFFFFFE00]  }
0x327: {  	v34 =	vld.idx.msk [tilespmem:v62+s16+$0x0], $0xffff  }
0x328: {  	v32 =	vld.idx.msk [tilespmem:v32+s16+$0x0], $0xffff  }
0x329: {  	v36 =	vld.idx.msk [tilespmem:v63+s16+$0x0], $0xffff  }
0x32a: {  	v39 =	vld.idx.msk [tilespmem:v43+s16+$0x0], $0xffff;
	[tilespmem:s24+$0xC210] =	vst v33  }
0x32b: {  	v33 =	vld [tilespmem:s4+$0x20]  }
0x32c: {  	[tilespmem:s5+$0xC210] =	vst v34;
	v35 =	vld.idx.msk [tilespmem:v35+s16+$0x0], $0xffff  }
0x32d: {  	[tilespmem:s17+$0xC610] =	vst v32;
	v34 =	vld [tilespmem:s1+$0xFFFFFD20]  }
0x32e: {  	v32 =	vld [tilespmem:s1+$0x320]  }
0x32f: {  	v42 =	vld.idx.msk [tilespmem:v42+s16+$0x0], $0xffff;
	[tilespmem:s0+$0xC610] =	vst v36  }
0x330: {  	[tilespmem:s22+$0xC610] =	vst v39;
	v36 =	vld [tilespmem:s1+$0xFFFFFF20]  }
0x331: {  	v39 =	vld [tilespmem:s1+$0x120];
	[tilespmem:s6+$0xC220] =	vst v35  }
0x332: {  	v45 =	vld [tilespmem:s4+$0x230]  }
0x333: {  	s18 =	simm.s32 $0x2480;
	s8 =	simm.s32 $0x4B00;
	s15 =	simm.s32 $0x4900;
	v33 =	vld.idx.msk [tilespmem:v33+s16+$0x0], $0xffff  }
0x334: {  	s10 =	sand.u32 $0x7800, s8;
	s8 =	sand.u32 $0x280, s18;
	s3 =	sand.u32 $0x7800, s15;
	v37 =	vld.idx.msk [tilespmem:v37+s16+$0x0], $0xffff  }
0x335: {  	s29 =	sor.u32 s8, s3;
	v34 =	vld.idx.msk [tilespmem:v34+s16+$0x0], $0xffff  }
0x336: {  	[tilespmem:s29+$0xC200] =	vst v42;
	v32 =	vld.idx.msk [tilespmem:v32+s16+$0x0], $0xffff  }
0x337: {  	v42 =	vld [tilespmem:s25+$0xFFFFFE10]  }
0x338: {  	v36 =	vld.idx.msk [tilespmem:v36+s16+$0x0], $0xffff;
	[tilespmem:s24+$0xC220] =	vst v33  }
0x339: {  	v33 =	vld [tilespmem:s4+$0x30]  }
0x33a: {  	[tilespmem:s5+$0xC220] =	vst v34;
	v34 =	vld.idx.msk [tilespmem:v45+s16+$0x0], $0xffff  }
0x33b: {  	v44 =	vld.idx.msk [tilespmem:v39+s16+$0x0], $0xffff;
	[tilespmem:s17+$0xC620] =	vst v32  }
0x33c: {  	v32 =	vld [tilespmem:s1+$0x330]  }
0x33d: {  	[tilespmem:s0+$0xC620] =	vst v36;
	v46 =	vld [tilespmem:s1+$0xFFFFFD30]  }
0x33e: {  	v47 =	vld [tilespmem:s1+$0xFFFFFF30]  }
0x33f: {  	v38 =	vld.idx.msk [tilespmem:v38+s16+$0x0], $0xffff;
	[tilespmem:s6+$0xC230] =	vst v34  }
0x340: {  	v50 =	vld [tilespmem:s4+$0x240]  }
0x341: {  	[tilespmem:s22+$0xC620] =	vst v44;
	v33 =	vld.idx.msk [tilespmem:v33+s16+$0x0], $0xffff  }
0x342: {  	v48 =	vld [tilespmem:s1+$0x130]  }
0x343: {  	v42 =	vld.idx.msk [tilespmem:v42+s16+$0x0], $0xffff  }
0x344: {  	v32 =	vld.idx.msk [tilespmem:v32+s16+$0x0], $0xffff  }
0x345: {  	v39 =	vld.idx.msk [tilespmem:v46+s16+$0x0], $0xffff  }
0x346: {  	v49 =	vld.idx.msk [tilespmem:v47+s16+$0x0], $0xffff;
	[tilespmem:s24+$0xC230] =	vst v33  }
0x347: {  	v33 =	vld [tilespmem:s4+$0x40]  }
0x348: {  	[tilespmem:s29+$0xC210] =	vst v42;
	v35 =	vld.idx.msk [tilespmem:v50+s16+$0x0], $0xffff  }
0x349: {  	v42 =	vld [tilespmem:s25+$0xFFFFFE20]  }
0x34a: {  	v36 =	vld.idx.msk [tilespmem:v48+s16+$0x0], $0xffff;
	[tilespmem:s5+$0xC230] =	vst v39  }
0x34b: {  	[tilespmem:s17+$0xC630] =	vst v32;
	v51 =	vld [tilespmem:s1+$0xFFFFFD40]  }
0x34c: {  	[tilespmem:s0+$0xC630] =	vst v49;
	v32 =	vld [tilespmem:s1+$0x340]  }
0x34d: {  	v52 =	vld [tilespmem:s1+$0xFFFFFF40];
	[tilespmem:s6+$0xC240] =	vst v35  }
0x34e: {  	v35 =	vld [tilespmem:s4+$0x250]  }
0x34f: {  	[tilespmem:s22+$0xC630] =	vst v36;
	v33 =	vld.idx.msk [tilespmem:v33+s16+$0x0], $0xffff  }
0x350: {  	[tilespmem:s23+$0xC600] =	vst v38;
	v36 =	vld [tilespmem:s1+$0x140]  }
0x351: {  	v61 =	vld [tilespmem:s4+$0xFFFFFF10]  }
0x352: {  	v42 =	vld.idx.msk [tilespmem:v42+s16+$0x0], $0xffff  }
0x353: {  	v34 =	vld.idx.msk [tilespmem:v51+s16+$0x0], $0xffff  }
0x354: {  	v32 =	vld.idx.msk [tilespmem:v32+s16+$0x0], $0xffff;
	[tilespmem:s24+$0xC240] =	vst v33  }
0x355: {  	v33 =	vld [tilespmem:s4+$0x50]  }
0x356: {  	v35 =	vld.idx.msk [tilespmem:v35+s16+$0x0], $0xffff  }
0x357: {  	v39 =	vld.idx.msk [tilespmem:v52+s16+$0x0], $0xffff  }
0x358: {  	v53 =	vld.idx.msk [tilespmem:v36+s16+$0x0], $0xffff;
	[tilespmem:s5+$0xC240] =	vst v34  }
0x359: {  	[tilespmem:s17+$0xC640] =	vst v32;
	v54 =	vld [tilespmem:s1+$0xFFFFFD50]  }
0x35a: {  	[tilespmem:s29+$0xC220] =	vst v42;
	v32 =	vld [tilespmem:s1+$0x350]  }
0x35b: {  	v42 =	vld [tilespmem:s25+$0xFFFFFE30];
	[tilespmem:s6+$0xC250] =	vst v35  }
0x35c: {  	v35 =	vld [tilespmem:s4+$0x260]  }
0x35d: {  	[tilespmem:s22+$0xC640] =	vst v53;
	v33 =	vld.idx.msk [tilespmem:v33+s16+$0x0], $0xffff  }
0x35e: {  	v34 =	vld [tilespmem:s1+$0x150]  }
0x35f: {  	v43 =	vld [tilespmem:s25+$0x0];
	[tilespmem:s0+$0xC640] =	vst v39  }
0x360: {  	v39 =	vld [tilespmem:s1+$0xFFFFFF50]  }
0x361: {  	v36 =	vld.idx.msk [tilespmem:v54+s16+$0x0], $0xffff  }
0x362: {  	v32 =	vld.idx.msk [tilespmem:v32+s16+$0x0], $0xffff;
	[tilespmem:s24+$0xC250] =	vst v33  }
0x363: {  	v33 =	vld [tilespmem:s4+$0x60]  }
0x364: {  	v35 =	vld.idx.msk [tilespmem:v35+s16+$0x0], $0xffff  }
0x365: {  	v42 =	vld.idx.msk [tilespmem:v42+s16+$0x0], $0xffff  }
0x366: {  	v34 =	vld.idx.msk [tilespmem:v34+s16+$0x0], $0xffff;
	[tilespmem:s5+$0xC250] =	vst v36  }
0x367: {  	v36 =	vld [tilespmem:s1+$0xFFFFFD60]  }
0x368: {  	v39 =	vld.idx.msk [tilespmem:v39+s16+$0x0], $0xffff;
	[tilespmem:s17+$0xC650] =	vst v32  }
0x369: {  	v32 =	vld [tilespmem:s1+$0x360];
	[tilespmem:s6+$0xC260] =	vst v35  }
0x36a: {  	v57 =	vld [tilespmem:s4+$0x270]  }
0x36b: {  	[tilespmem:s22+$0xC650] =	vst v34;
	v33 =	vld.idx.msk [tilespmem:v33+s16+$0x0], $0xffff  }
0x36c: {  	[tilespmem:s29+$0xC230] =	vst v42;
	v56 =	vld [tilespmem:s1+$0x160]  }
0x36d: {  	v42 =	vld [tilespmem:s25+$0xFFFFFE40];
	[tilespmem:s0+$0xC650] =	vst v39  }
0x36e: {  	v55 =	vld [tilespmem:s1+$0xFFFFFF60]  }
0x36f: {  	v36 =	vld.idx.msk [tilespmem:v36+s16+$0x0], $0xffff  }
0x370: {  	v59 =	vld.idx.msk [tilespmem:v43+s16+$0x0], $0xffff;
	[tilespmem:s24+$0xC260] =	vst v33  }
0x371: {  	v33 =	vld [tilespmem:s4+$0x70]  }
0x372: {  	v39 =	vld.idx.msk [tilespmem:v57+s16+$0x0], $0xffff  }
0x373: {  	v32 =	vld.idx.msk [tilespmem:v32+s16+$0x0], $0xffff  }
0x374: {  	v35 =	vld.idx.msk [tilespmem:v56+s16+$0x0], $0xffff;
	[tilespmem:s5+$0xC260] =	vst v36  }
0x375: {  	v36 =	vld [tilespmem:s1+$0xFFFFFD70]  }
0x376: {  	v34 =	vld.idx.msk [tilespmem:v55+s16+$0x0], $0xffff  }
0x377: {  	v42 =	vld.idx.msk [tilespmem:v42+s16+$0x0], $0xffff;
	[tilespmem:s6+$0xC270] =	vst v39  }
0x378: {  	v39 =	vld [tilespmem:s4+$0x300]  }
0x379: {  	[tilespmem:s17+$0xC660] =	vst v32;
	v40 =	vld.idx.msk [tilespmem:v33+s16+$0x0], $0xffff  }
0x37a: {  	[tilespmem:s22+$0xC660] =	vst v35;
	v32 =	vld [tilespmem:s1+$0x370]  }
0x37b: {  	[tilespmem:s0+$0xC660] =	vst v34;
	v34 =	vld [tilespmem:s1+$0x170]  }
0x37c: {  	v33 =	vld [tilespmem:s1+$0xFFFFFF70]  }
0x37d: {  	p0 =	por !p0, !p0;
	s1 =	simm.s32 $0x1;
	v35 =	vld.idx.msk [tilespmem:v36+s16+$0x0], $0xffff  }
0x37e: {  	s20 =	simm.s32 $0x2500;
	s19 =	simm.s32 $0x4A00;
	s1 =	simm.s32 @!p0 $0x0;
	v36 =	vld.idx.msk [tilespmem:v58+s16+$0x0], $0xffff;
	[tilespmem:s24+$0xC270] =	vst v40  }
0x37f: {  	s21 =	sand.u32 $0x300, s20;
	s7 =	sand.u32 $0x7800, s19;
	s1 =	sshll.u32 s1, $0x9;
	v40 =	vld [tilespmem:s4+$0x100]  }
0x380: {  	s30 =	sor.u32 s21, s7;
	[tilespmem:s29+$0xC240] =	vst v42;
	s1 =	sadd.s32 $0x400, s1;
	v39 =	vld.idx.msk [tilespmem:v39+s16+$0x0], $0xffff  }
0x381: {  	s9 =	simm.s32 $0x2580;
	[tilespmem:s30+$0xC200] =	vst v59;
	v42 =	vld [tilespmem:s25+$0xFFFFFE50];
	s26 =	sor.u32 $0x4400, s1  }
0x382: {  	s31 =	simm.s32 $0x800;
	s2 =	sand.u32 $0x380, s9;
	s1 =	simm.s32 $0x400;
	[tilespmem:s26+$0xC200] =	vst v37;
	v37 =	vld [tilespmem:s25+$0x10]  }
0x383: {  	s11 =	sand.u32 $0x3800, s31;
	s28 =	sor.u32 s2, s10;
	s14 =	sand.u32 $0x200, s1;
	v60 =	vld [tilespmem:s4+$0xFFFFFD10]  }
0x384: {  	[tilespmem:s28+$0xC200] =	vst v36;
	s2 =	sor.u32 s14, s11;
	v36 =	vld.idx.msk [tilespmem:v61+s16+$0x0], $0xffff  }
0x385: {  	v62 =	vld [tilespmem:s25+$0x210];
	s2 =	sadd.s32 $0xC200, s2;
	[tilespmem:s6+$0xC600] =	vst v39  }
0x386: {  	[tilespmem:s2+$0x4000] =	vst v41;
	v39 =	vld [tilespmem:s4+$0x310]  }
0x387: {  	v41 =	vld [tilespmem:s25+$0xFFFFFC10]  }
0x388: {  	v40 =	vld.idx.msk [tilespmem:v40+s16+$0x0], $0xffff  }
0x389: {  	v42 =	vld.idx.msk [tilespmem:v42+s16+$0x0], $0xffff  }
0x38a: {  	[tilespmem:s23+$0xC610] =	vst v36;
	v37 =	vld.idx.msk [tilespmem:v37+s16+$0x0], $0xffff  }
0x38b: {  	v46 =	vld [tilespmem:s4+$0xFFFFFF20]  }
0x38c: {  	v38 =	vld.idx.msk [tilespmem:v60+s16+$0x0], $0xffff  }
0x38d: {  	[tilespmem:s24+$0xC600] =	vst v40;
	v40 =	vld.idx.msk [tilespmem:v62+s16+$0x0], $0xffff  }
0x38e: {  	v39 =	vld.idx.msk [tilespmem:v39+s16+$0x0], $0xffff  }
0x38f: {  	v41 =	vld.idx.msk [tilespmem:v41+s16+$0x0], $0xffff;
	[tilespmem:s30+$0xC210] =	vst v37  }
0x390: {  	v37 =	vld [tilespmem:s25+$0x20]  }
0x391: {  	[tilespmem:s26+$0xC210] =	vst v38;
	v63 =	vld [tilespmem:s4+$0x110]  }
0x392: {  	v38 =	vld [tilespmem:s4+$0xFFFFFD20];
	[tilespmem:s28+$0xC210] =	vst v40  }
0x393: {  	[tilespmem:s6+$0xC610] =	vst v39;
	v45 =	vld [tilespmem:s25+$0x220]  }
0x394: {  	[tilespmem:s2+$0x4010] =	vst v41;
	v39 =	vld [tilespmem:s4+$0x320]  }
0x395: {  	[tilespmem:s29+$0xC250] =	vst v42;
	v41 =	vld [tilespmem:s25+$0xFFFFFC20]  }
0x396: {  	v42 =	vld [tilespmem:s25+$0xFFFFFE60]  }
0x397: {  	v40 =	vld.idx.msk [tilespmem:v46+s16+$0x0], $0xffff  }
0x398: {  	v37 =	vld.idx.msk [tilespmem:v37+s16+$0x0], $0xffff  }
0x399: {  	v43 =	vld.idx.msk [tilespmem:v63+s16+$0x0], $0xffff  }
0x39a: {  	v38 =	vld.idx.msk [tilespmem:v38+s16+$0x0], $0xffff  }
0x39b: {  	v36 =	vld.idx.msk [tilespmem:v45+s16+$0x0], $0xffff  }
0x39c: {  	v39 =	vld.idx.msk [tilespmem:v39+s16+$0x0], $0xffff  }
0x39d: {  	[tilespmem:s23+$0xC620] =	vst v40;
	v41 =	vld.idx.msk [tilespmem:v41+s16+$0x0], $0xffff  }
0x39e: {  	v50 =	vld [tilespmem:s4+$0xFFFFFF30];
	[tilespmem:s30+$0xC220] =	vst v37  }
0x39f: {  	[tilespmem:s24+$0xC610] =	vst v43;
	v37 =	vld [tilespmem:s25+$0x30]  }
0x3a0: {  	v43 =	vld [tilespmem:s4+$0x120];
	[tilespmem:s28+$0xC220] =	vst v36  }
0x3a1: {  	[tilespmem:s6+$0xC620] =	vst v39;
	v48 =	vld [tilespmem:s25+$0x230]  }
0x3a2: {  	[tilespmem:s2+$0x4020] =	vst v41;
	v39 =	vld [tilespmem:s4+$0x330]  }
0x3a3: {  	[tilespmem:s26+$0xC220] =	vst v38;
	v41 =	vld [tilespmem:s25+$0xFFFFFC30]  }
0x3a4: {  	v49 =	vld [tilespmem:s4+$0xFFFFFD30]  }
0x3a5: {  	v42 =	vld.idx.msk [tilespmem:v42+s16+$0x0], $0xffff  }
0x3a6: {  	v36 =	vld.idx.msk [tilespmem:v50+s16+$0x0], $0xffff  }
0x3a7: {  	v37 =	vld.idx.msk [tilespmem:v37+s16+$0x0], $0xffff  }
0x3a8: {  	v47 =	vld.idx.msk [tilespmem:v43+s16+$0x0], $0xffff  }
0x3a9: {  	v38 =	vld.idx.msk [tilespmem:v48+s16+$0x0], $0xffff  }
0x3aa: {  	v39 =	vld.idx.msk [tilespmem:v39+s16+$0x0], $0xffff  }
0x3ab: {  	v41 =	vld.idx.msk [tilespmem:v41+s16+$0x0], $0xffff  }
0x3ac: {  	v43 =	vld.idx.msk [tilespmem:v49+s16+$0x0], $0xffff;
	[tilespmem:s23+$0xC630] =	vst v36  }
0x3ad: {  	v53 =	vld [tilespmem:s4+$0xFFFFFF40];
	[tilespmem:s30+$0xC230] =	vst v37  }
0x3ae: {  	v37 =	vld [tilespmem:s25+$0x40];
	[tilespmem:s28+$0xC230] =	vst v38  }
0x3af: {  	[tilespmem:s6+$0xC630] =	vst v39;
	v38 =	vld [tilespmem:s25+$0x240]  }
0x3b0: {  	[tilespmem:s2+$0x4030] =	vst v41;
	v39 =	vld [tilespmem:s4+$0x340]  }
0x3b1: {  	[tilespmem:s24+$0xC620] =	vst v47;
	v41 =	vld [tilespmem:s25+$0xFFFFFC40]  }
0x3b2: {  	[tilespmem:s26+$0xC230] =	vst v43;
	v51 =	vld [tilespmem:s4+$0x130]  }
0x3b3: {  	v52 =	vld [tilespmem:s4+$0xFFFFFD40]  }
0x3b4: {  	v32 =	vld.idx.msk [tilespmem:v32+s16+$0x0], $0xffff  }
0x3b5: {  	v43 =	vld.idx.msk [tilespmem:v53+s16+$0x0], $0xffff  }
0x3b6: {  	v37 =	vld.idx.msk [tilespmem:v37+s16+$0x0], $0xffff  }
0x3b7: {  	v38 =	vld.idx.msk [tilespmem:v38+s16+$0x0], $0xffff  }
0x3b8: {  	v39 =	vld.idx.msk [tilespmem:v39+s16+$0x0], $0xffff  }
0x3b9: {  	v41 =	vld.idx.msk [tilespmem:v41+s16+$0x0], $0xffff  }
0x3ba: {  	v40 =	vld.idx.msk [tilespmem:v51+s16+$0x0], $0xffff  }
0x3bb: {  	v36 =	vld.idx.msk [tilespmem:v52+s16+$0x0], $0xffff;
	[tilespmem:s23+$0xC640] =	vst v43  }
0x3bc: {  	v43 =	vld [tilespmem:s4+$0xFFFFFF50];
	[tilespmem:s28+$0xC240] =	vst v38  }
0x3bd: {  	[tilespmem:s6+$0xC640] =	vst v39;
	v38 =	vld [tilespmem:s25+$0x250]  }
0x3be: {  	[tilespmem:s2+$0x4040] =	vst v41;
	v39 =	vld [tilespmem:s4+$0x350]  }
0x3bf: {  	[tilespmem:s30+$0xC240] =	vst v37;
	v41 =	vld [tilespmem:s25+$0xFFFFFC50]  }
0x3c0: {  	[tilespmem:s24+$0xC630] =	vst v40;
	v37 =	vld [tilespmem:s25+$0x50]  }
0x3c1: {  	[tilespmem:s26+$0xC240] =	vst v36;
	v40 =	vld [tilespmem:s4+$0x140]  }
0x3c2: {  	v55 =	vld [tilespmem:s4+$0xFFFFFD50]  }
0x3c3: {  	v34 =	vld.idx.msk [tilespmem:v34+s16+$0x0], $0xffff  }
0x3c4: {  	v43 =	vld.idx.msk [tilespmem:v43+s16+$0x0], $0xffff  }
0x3c5: {  	v38 =	vld.idx.msk [tilespmem:v38+s16+$0x0], $0xffff  }
0x3c6: {  	v39 =	vld.idx.msk [tilespmem:v39+s16+$0x0], $0xffff  }
0x3c7: {  	v41 =	vld.idx.msk [tilespmem:v41+s16+$0x0], $0xffff  }
0x3c8: {  	v56 =	vld.idx.msk [tilespmem:v37+s16+$0x0], $0xffff  }
0x3c9: {  	v54 =	vld.idx.msk [tilespmem:v40+s16+$0x0], $0xffff  }
0x3ca: {  	v40 =	vld.idx.msk [tilespmem:v55+s16+$0x0], $0xffff;
	[tilespmem:s28+$0xC250] =	vst v38  }
0x3cb: {  	[tilespmem:s6+$0xC650] =	vst v39;
	v38 =	vld [tilespmem:s25+$0x260]  }
0x3cc: {  	[tilespmem:s2+$0x4050] =	vst v41;
	v39 =	vld [tilespmem:s4+$0x360]  }
0x3cd: {  	[tilespmem:s30+$0xC250] =	vst v56;
	v41 =	vld [tilespmem:s25+$0xFFFFFC60]  }
0x3ce: {  	[tilespmem:s24+$0xC640] =	vst v54;
	v36 =	vld [tilespmem:s25+$0x60]  }
0x3cf: {  	[tilespmem:s26+$0xC250] =	vst v40;
	v57 =	vld [tilespmem:s4+$0x150]  }
0x3d0: {  	[tilespmem:s29+$0xC260] =	vst v42;
	v40 =	vld [tilespmem:s4+$0xFFFFFD60]  }
0x3d1: {  	v42 =	vld [tilespmem:s25+$0xFFFFFE70];
	[tilespmem:s23+$0xC650] =	vst v43  }
0x3d2: {  	v58 =	vld [tilespmem:s4+$0xFFFFFF60]  }
0x3d3: {  	v38 =	vld.idx.msk [tilespmem:v38+s16+$0x0], $0xffff  }
0x3d4: {  	v39 =	vld.idx.msk [tilespmem:v39+s16+$0x0], $0xffff  }
0x3d5: {  	v41 =	vld.idx.msk [tilespmem:v41+s16+$0x0], $0xffff  }
0x3d6: {  	v36 =	vld.idx.msk [tilespmem:v36+s16+$0x0], $0xffff  }
0x3d7: {  	v37 =	vld.idx.msk [tilespmem:v57+s16+$0x0], $0xffff  }
0x3d8: {  	v40 =	vld.idx.msk [tilespmem:v40+s16+$0x0], $0xffff;
	[tilespmem:s28+$0xC260] =	vst v38  }
0x3d9: {  	[tilespmem:s6+$0xC660] =	vst v39;
	v60 =	vld [tilespmem:s25+$0x270]  }
0x3da: {  	[tilespmem:s2+$0x4060] =	vst v41;
	v39 =	vld [tilespmem:s4+$0x370]  }
0x3db: {  	v62 =	vld [tilespmem:s25+$0xFFFFFC70]  }
0x3dc: {  	v42 =	vld.idx.msk [tilespmem:v42+s16+$0x0], $0xffff;
	[tilespmem:s30+$0xC260] =	vst v36  }
0x3dd: {  	v36 =	vld [tilespmem:s25+$0x70]  }
0x3de: {  	[tilespmem:s24+$0xC650] =	vst v37;
	v37 =	vld.idx.msk [tilespmem:v58+s16+$0x0], $0xffff  }
0x3df: {  	[tilespmem:s26+$0xC260] =	vst v40;
	v59 =	vld [tilespmem:s4+$0x160]  }
0x3e0: {  	v45 =	vld [tilespmem:s4+$0xFFFFFD70]  }
0x3e1: {  	v43 =	vld.idx.msk [tilespmem:v60+s16+$0x0], $0xffff  }
0x3e2: {  	v61 =	vld.idx.msk [tilespmem:v39+s16+$0x0], $0xffff  }
0x3e3: {  	v39 =	vld.idx.msk [tilespmem:v62+s16+$0x0], $0xffff  }
0x3e4: {  	v44 =	vld.idx.msk [tilespmem:v33+s16+$0x0], $0xffff;
	[tilespmem:s29+$0xC270] =	vst v42  }
0x3e5: {  	[tilespmem:s23+$0xC660] =	vst v37;
	v37 =	vld [tilespmem:s25+$0xFFFFFF00]  }
0x3e6: {  	[tilespmem:s17+$0xC670] =	vst v32;
	v63 =	vld.idx.msk [tilespmem:v36+s16+$0x0], $0xffff  }
0x3e7: {  	v38 =	vld.idx.msk [tilespmem:v59+s16+$0x0], $0xffff;
	[tilespmem:s28+$0xC270] =	vst v43  }
0x3e8: {  	[tilespmem:s2+$0x4070] =	vst v39;
	v39 =	vld [tilespmem:s25+$0x300]  }
0x3e9: {  	p0 =	por !p0, !p0;
	[tilespmem:s5+$0xC270] =	vst v35;
	v33 =	vld [tilespmem:s4+$0xFFFFFF70];
	s2 =	simm.s32 $0x1  }
0x3ea: {  	[tilespmem:s0+$0xC670] =	vst v44;
	v35 =	vld.idx.msk [tilespmem:v45+s16+$0x0], $0xffff;
	s2 =	simm.s32 @!p0 $0x0  }
0x3eb: {  	[tilespmem:s30+$0xC270] =	vst v63;
	v36 =	vld [tilespmem:s25+$0xFFFFFD00];
	s2 =	sshll.u32 s2, $0x9  }
0x3ec: {  	s5 =	simm.s32 $0x8;
	[tilespmem:s24+$0xC660] =	vst v38;
	v38 =	vld [tilespmem:s25+$0x100];
	s2 =	sadd.s32 $0x800, s2  }
0x3ed: {  	s14 =	simm.s32 $0x1;
	s0 =	simm.s32 $0x5E80;
	v32 =	vld [tilespmem:s4+$0x170];
	[tilespmem:s6+$0xC670] =	vst v61;
	s4 =	sor.u32 $0x4400, s2  }
.LBB2_10:
0x3ee: {  	v40 =	vld [tilespmem:s0+$0x200]  }
0x3ef: {  	v41 =	vld [tilespmem:s0+$0xFFFFFC00]  }
0x3f0: {  	s5 =	sadd.s32 $0x4, s5;
	v39 =	vld.idx.msk [tilespmem:v39+s16+$0x0], $0xffff  }
0x3f1: {  	p1 =	slt.u32 s5, $0x3C;
	v42 =	vld [tilespmem:s0+$0xFFFFFE00]  }
0x3f2: {  	v43 =	vld [tilespmem:s0+$0x0];
	[tilespmem:s22+$0xC670] =	vst v34;
	s22 =	smov.u32 s24;
	s24 =	smov.u32 s30  }
0x3f3: {  	v34 =	vld.idx.msk [tilespmem:v36+s16+$0x0], $0xffff;
	[tilespmem:s26+$0xC270] =	vst v35;
	s26 =	smov.u32 s4  }
0x3f4: {  	v35 =	vld.idx.msk [tilespmem:v37+s16+$0x0], $0xffff  }
0x3f5: {  	v36 =	vld.idx.msk [tilespmem:v38+s16+$0x0], $0xffff  }
0x3f6: {  	p0 =	por !p0, !p0;
	s2 =	simm.s32 $0x1;
	v37 =	vld.idx.msk [tilespmem:v40+s16+$0x0], $0xffff;
	[tilespmem:s28+$0xC600] =	vst v39  }
0x3f7: {  	s2 =	simm.s32 @!p0 $0x0;
	v38 =	vld [tilespmem:s25+$0x310]  }
0x3f8: {  	s1 =	sadd.s32 $0x200, s1;
	s31 =	sadd.s32 $0x400, s31;
	s4 =	sshll.u32 s2, $0x9;
	v39 =	vld.idx.msk [tilespmem:v41+s16+$0x0], $0xffff  }
0x3f9: {  	s3 =	sadd.s32 $0x4300, s31;
	s6 =	sadd.s32 $0x2180, s1;
	s2 =	sand.u32 $0x3800, s31;
	v40 =	vld.idx.msk [tilespmem:v42+s16+$0x0], $0xffff;
	[tilespmem:s26+$0xC200] =	vst v34  }
0x3fa: {  	s7 =	sand.u32 $0x200, s1;
	s3 =	sand.u32 $0x7800, s3;
	s6 =	sand.u32 $0x380, s6;
	v34 =	vld.idx.msk [tilespmem:v43+s16+$0x0], $0xffff;
	[tilespmem:s29+$0xC600] =	vst v35  }
0x3fb: {  	s8 =	sadd.s32 $0x4100, s31;
	s9 =	sadd.s32 $0x2080, s1;
	s6 =	sor.u32 s6, s3;
	v35 =	vld [tilespmem:s25+$0xFFFFFD10];
	[tilespmem:s24+$0xC600] =	vst v36  }
0x3fc: {  	s3 =	sadd.s32 $0x4200, s31;
	s2 =	sor.u32 s7, s2;
	s7 =	sadd.s32 $0x2100, s1;
	[tilespmem:s6+$0xC200] =	vst v37;
	v36 =	vld [tilespmem:s25+$0xFFFFFF10]  }
0x3fd: {  	s8 =	sand.u32 $0x7800, s8;
	s9 =	sand.u32 $0x280, s9;
	s10 =	sand.u32 $0x7800, s3;
	v37 =	vld [tilespmem:s0+$0x210]  }
0x3fe: {  	s3 =	sor.u32 s9, s8;
	s2 =	sadd.s32 $0xC200, s2;
	s7 =	sand.u32 $0x300, s7;
	v41 =	vld [tilespmem:s25+$0x110]  }
0x3ff: {  	s4 =	sadd.s32 s4, s31;
	s30 =	sor.u32 s7, s10;
	[tilespmem:s2+$0x4000] =	vst v39;
	v38 =	vld.idx.msk [tilespmem:v38+s16+$0x0], $0xffff  }
0x400: {  	s4 =	sor.u32 $0x4400, s4;
	v39 =	vld [tilespmem:s0+$0xFFFFFC10];
	[tilespmem:s3+$0xC200] =	vst v40  }
0x401: {  	v40 =	vld [tilespmem:s0+$0xFFFFFE10];
	[tilespmem:s30+$0xC200] =	vst v34  }
0x402: {  	v34 =	vld [tilespmem:s0+$0x10]  }
0x403: {  	v35 =	vld.idx.msk [tilespmem:v35+s16+$0x0], $0xffff  }
0x404: {  	v36 =	vld.idx.msk [tilespmem:v36+s16+$0x0], $0xffff  }
0x405: {  	v37 =	vld.idx.msk [tilespmem:v37+s16+$0x0], $0xffff;
	[tilespmem:s28+$0xC610] =	vst v38  }
0x406: {  	v38 =	vld [tilespmem:s25+$0x320]  }
0x407: {  	v41 =	vld.idx.msk [tilespmem:v41+s16+$0x0], $0xffff  }
0x408: {  	v39 =	vld.idx.msk [tilespmem:v39+s16+$0x0], $0xffff  }
0x409: {  	v40 =	vld.idx.msk [tilespmem:v40+s16+$0x0], $0xffff;
	[tilespmem:s26+$0xC210] =	vst v35  }
0x40a: {  	v34 =	vld.idx.msk [tilespmem:v34+s16+$0x0], $0xffff;
	[tilespmem:s29+$0xC610] =	vst v36  }
0x40b: {  	[tilespmem:s6+$0xC210] =	vst v37;
	v35 =	vld [tilespmem:s25+$0xFFFFFD20]  }
0x40c: {  	v36 =	vld [tilespmem:s0+$0x220]  }
0x40d: {  	v37 =	vld [tilespmem:s25+$0xFFFFFF20];
	[tilespmem:s24+$0xC610] =	vst v41  }
0x40e: {  	[tilespmem:s2+$0x4010] =	vst v39;
	v38 =	vld.idx.msk [tilespmem:v38+s16+$0x0], $0xffff  }
0x40f: {  	v39 =	vld [tilespmem:s0+$0xFFFFFC20];
	[tilespmem:s3+$0xC210] =	vst v40  }
0x410: {  	v40 =	vld [tilespmem:s0+$0xFFFFFE20];
	[tilespmem:s30+$0xC210] =	vst v34  }
0x411: {  	v34 =	vld [tilespmem:s0+$0x20]  }
0x412: {  	v41 =	vld [tilespmem:s25+$0x120]  }
0x413: {  	v35 =	vld.idx.msk [tilespmem:v35+s16+$0x0], $0xffff  }
0x414: {  	v36 =	vld.idx.msk [tilespmem:v36+s16+$0x0], $0xffff;
	[tilespmem:s28+$0xC620] =	vst v38  }
0x415: {  	v38 =	vld [tilespmem:s25+$0x330]  }
0x416: {  	v37 =	vld.idx.msk [tilespmem:v37+s16+$0x0], $0xffff  }
0x417: {  	v39 =	vld.idx.msk [tilespmem:v39+s16+$0x0], $0xffff  }
0x418: {  	v40 =	vld.idx.msk [tilespmem:v40+s16+$0x0], $0xffff  }
0x419: {  	v34 =	vld.idx.msk [tilespmem:v34+s16+$0x0], $0xffff;
	[tilespmem:s26+$0xC220] =	vst v35  }
0x41a: {  	[tilespmem:s6+$0xC220] =	vst v36;
	v35 =	vld.idx.msk [tilespmem:v41+s16+$0x0], $0xffff  }
0x41b: {  	v36 =	vld [tilespmem:s0+$0x230]  }
0x41c: {  	v41 =	vld [tilespmem:s25+$0xFFFFFD30];
	[tilespmem:s29+$0xC620] =	vst v37  }
0x41d: {  	[tilespmem:s2+$0x4020] =	vst v39;
	v37 =	vld.idx.msk [tilespmem:v38+s16+$0x0], $0xffff  }
0x41e: {  	v38 =	vld [tilespmem:s0+$0xFFFFFC30];
	[tilespmem:s3+$0xC220] =	vst v40  }
0x41f: {  	v39 =	vld [tilespmem:s0+$0xFFFFFE30];
	[tilespmem:s30+$0xC220] =	vst v34  }
0x420: {  	v34 =	vld [tilespmem:s0+$0x30];
	[tilespmem:s24+$0xC620] =	vst v35  }
0x421: {  	v35 =	vld [tilespmem:s25+$0xFFFFFF30]  }
0x422: {  	v40 =	vld [tilespmem:s25+$0x130]  }
0x423: {  	v36 =	vld.idx.msk [tilespmem:v36+s16+$0x0], $0xffff;
	[tilespmem:s28+$0xC630] =	vst v37  }
0x424: {  	v37 =	vld [tilespmem:s25+$0x340]  }
0x425: {  	v41 =	vld.idx.msk [tilespmem:v41+s16+$0x0], $0xffff  }
0x426: {  	v38 =	vld.idx.msk [tilespmem:v38+s16+$0x0], $0xffff  }
0x427: {  	v39 =	vld.idx.msk [tilespmem:v39+s16+$0x0], $0xffff  }
0x428: {  	v34 =	vld.idx.msk [tilespmem:v34+s16+$0x0], $0xffff  }
0x429: {  	[tilespmem:s6+$0xC230] =	vst v36;
	v35 =	vld.idx.msk [tilespmem:v35+s16+$0x0], $0xffff  }
0x42a: {  	v36 =	vld [tilespmem:s0+$0x240]  }
0x42b: {  	[tilespmem:s26+$0xC230] =	vst v41;
	v40 =	vld.idx.msk [tilespmem:v40+s16+$0x0], $0xffff  }
0x42c: {  	[tilespmem:s2+$0x4030] =	vst v38;
	v37 =	vld.idx.msk [tilespmem:v37+s16+$0x0], $0xffff  }
0x42d: {  	v38 =	vld [tilespmem:s0+$0xFFFFFC40];
	[tilespmem:s3+$0xC230] =	vst v39  }
0x42e: {  	v39 =	vld [tilespmem:s0+$0xFFFFFE40];
	[tilespmem:s30+$0xC230] =	vst v34  }
0x42f: {  	v34 =	vld [tilespmem:s0+$0x40];
	[tilespmem:s29+$0xC630] =	vst v35  }
0x430: {  	v35 =	vld [tilespmem:s25+$0xFFFFFD40]  }
0x431: {  	v41 =	vld [tilespmem:s25+$0xFFFFFF40];
	[tilespmem:s24+$0xC630] =	vst v40  }
0x432: {  	v36 =	vld.idx.msk [tilespmem:v36+s16+$0x0], $0xffff;
	[tilespmem:s28+$0xC640] =	vst v37  }
0x433: {  	v37 =	vld [tilespmem:s25+$0x350]  }
0x434: {  	v40 =	vld [tilespmem:s25+$0x140]  }
0x435: {  	v38 =	vld.idx.msk [tilespmem:v38+s16+$0x0], $0xffff  }
0x436: {  	v39 =	vld.idx.msk [tilespmem:v39+s16+$0x0], $0xffff  }
0x437: {  	v34 =	vld.idx.msk [tilespmem:v34+s16+$0x0], $0xffff  }
0x438: {  	[tilespmem:s6+$0xC240] =	vst v36;
	v35 =	vld.idx.msk [tilespmem:v35+s16+$0x0], $0xffff  }
0x439: {  	v36 =	vld [tilespmem:s0+$0x250]  }
0x43a: {  	v41 =	vld.idx.msk [tilespmem:v41+s16+$0x0], $0xffff  }
0x43b: {  	[tilespmem:s2+$0x4040] =	vst v38;
	v37 =	vld.idx.msk [tilespmem:v37+s16+$0x0], $0xffff  }
0x43c: {  	v38 =	vld [tilespmem:s0+$0xFFFFFC50];
	[tilespmem:s3+$0xC240] =	vst v39  }
0x43d: {  	v39 =	vld [tilespmem:s0+$0xFFFFFE50];
	[tilespmem:s30+$0xC240] =	vst v34  }
0x43e: {  	v34 =	vld [tilespmem:s0+$0x50];
	[tilespmem:s26+$0xC240] =	vst v35  }
0x43f: {  	v35 =	vld.idx.msk [tilespmem:v40+s16+$0x0], $0xffff  }
0x440: {  	v40 =	vld [tilespmem:s25+$0xFFFFFD50];
	[tilespmem:s29+$0xC640] =	vst v41  }
0x441: {  	v36 =	vld.idx.msk [tilespmem:v36+s16+$0x0], $0xffff;
	[tilespmem:s28+$0xC650] =	vst v37  }
0x442: {  	v37 =	vld [tilespmem:s25+$0x360]  }
0x443: {  	v41 =	vld [tilespmem:s25+$0xFFFFFF50]  }
0x444: {  	v38 =	vld.idx.msk [tilespmem:v38+s16+$0x0], $0xffff  }
0x445: {  	v39 =	vld.idx.msk [tilespmem:v39+s16+$0x0], $0xffff;
	[tilespmem:s24+$0xC640] =	vst v35  }
0x446: {  	v34 =	vld.idx.msk [tilespmem:v34+s16+$0x0], $0xffff  }
0x447: {  	[tilespmem:s6+$0xC250] =	vst v36;
	v35 =	vld [tilespmem:s25+$0x150]  }
0x448: {  	v36 =	vld [tilespmem:s0+$0x260]  }
0x449: {  	v40 =	vld.idx.msk [tilespmem:v40+s16+$0x0], $0xffff  }
0x44a: {  	[tilespmem:s2+$0x4050] =	vst v38;
	v37 =	vld.idx.msk [tilespmem:v37+s16+$0x0], $0xffff  }
0x44b: {  	v38 =	vld [tilespmem:s0+$0xFFFFFC60];
	[tilespmem:s3+$0xC250] =	vst v39  }
0x44c: {  	v39 =	vld [tilespmem:s0+$0xFFFFFE60];
	[tilespmem:s30+$0xC250] =	vst v34  }
0x44d: {  	v34 =	vld [tilespmem:s0+$0x60]  }
0x44e: {  	v41 =	vld.idx.msk [tilespmem:v41+s16+$0x0], $0xffff  }
0x44f: {  	[tilespmem:s26+$0xC250] =	vst v40;
	v35 =	vld.idx.msk [tilespmem:v35+s16+$0x0], $0xffff  }
0x450: {  	v36 =	vld.idx.msk [tilespmem:v36+s16+$0x0], $0xffff;
	[tilespmem:s28+$0xC660] =	vst v37  }
0x451: {  	v37 =	vld [tilespmem:s25+$0x370]  }
0x452: {  	v40 =	vld [tilespmem:s25+$0xFFFFFD60]  }
0x453: {  	v38 =	vld.idx.msk [tilespmem:v38+s16+$0x0], $0xffff  }
0x454: {  	v39 =	vld.idx.msk [tilespmem:v39+s16+$0x0], $0xffff;
	[tilespmem:s29+$0xC650] =	vst v41  }
0x455: {  	v34 =	vld.idx.msk [tilespmem:v34+s16+$0x0], $0xffff;
	[tilespmem:s24+$0xC650] =	vst v35  }
0x456: {  	v35 =	vld [tilespmem:s25+$0xFFFFFF60]  }
0x457: {  	[tilespmem:s6+$0xC260] =	vst v36;
	v36 =	vld [tilespmem:s25+$0x160]  }
0x458: {  	v41 =	vld [tilespmem:s0+$0x270]  }
0x459: {  	[tilespmem:s2+$0x4060] =	vst v38;
	v37 =	vld.idx.msk [tilespmem:v37+s16+$0x0], $0xffff  }
0x45a: {  	v38 =	vld [tilespmem:s0+$0xFFFFFC70];
	[tilespmem:s3+$0xC260] =	vst v39  }
0x45b: {  	v39 =	vld [tilespmem:s0+$0xFFFFFE70];
	[tilespmem:s30+$0xC260] =	vst v34  }
0x45c: {  	v34 =	vld [tilespmem:s0+$0x70]  }
0x45d: {  	v40 =	vld.idx.msk [tilespmem:v40+s16+$0x0], $0xffff  }
0x45e: {  	v35 =	vld.idx.msk [tilespmem:v35+s16+$0x0], $0xffff  }
0x45f: {  	v36 =	vld.idx.msk [tilespmem:v36+s16+$0x0], $0xffff;
	[tilespmem:s28+$0xC670] =	vst v37;
	s28 =	smov.u32 s6  }
0x460: {  	v37 =	vld.idx.msk [tilespmem:v33+s16+$0x0], $0xffff  }
0x461: {  	v41 =	vld.idx.msk [tilespmem:v41+s16+$0x0], $0xffff  }
0x462: {  	v38 =	vld.idx.msk [tilespmem:v38+s16+$0x0], $0xffff  }
0x463: {  	v42 =	vld.idx.msk [tilespmem:v39+s16+$0x0], $0xffff;
	[tilespmem:s26+$0xC260] =	vst v40  }
0x464: {  	v34 =	vld.idx.msk [tilespmem:v34+s16+$0x0], $0xffff;
	[tilespmem:s29+$0xC660] =	vst v35  }
0x465: {  	v35 =	vld [tilespmem:s25+$0xFFFFFD70];
	[tilespmem:s24+$0xC660] =	vst v36  }
0x466: {  	v33 =	vld [tilespmem:s25+$0xFFFFFF70];
	[tilespmem:s23+$0xC670] =	vst v37;
	s23 =	smov.u32 s29;
	s29 =	smov.u32 s3  }
0x467: {  	[tilespmem:s28+$0xC270] =	vst v41;
	v40 =	vld [tilespmem:s25+$0x170];
	s25 =	smov.u32 s0  }
0x468: {  	[tilespmem:s2+$0x4070] =	vst v38;
	v39 =	vld [tilespmem:s0+$0x300]  }
.Ltmp4:
0x469: {  	v36 =	vld [tilespmem:s0+$0xFFFFFD00];
	[tilespmem:s29+$0xC270] =	vst v42;
	(pc) =	sbr.rel @p1 .LBB2_10-.Ltmp4, $4  }
0x46a: {  	v37 =	vld [tilespmem:s0+$0xFFFFFF00];
	[tilespmem:s30+$0xC270] =	vst v34  }
0x46b: {  	v38 =	vld [tilespmem:s0+$0x100]  }
0x46c: {  	v34 =	vld.idx.msk [tilespmem:v32+s16+$0x0], $0xffff;
	v32 =	vmov v40  }
0x46d: {  	s0 =	sadd.s32 $0x800, s0;
	v35 =	vld.idx.msk [tilespmem:v35+s16+$0x0], $0xffff  }
0x46e: {  	_ =	sdelay $0x3  }
0x46f: {  	v39 =	vld.idx.msk [tilespmem:v39+s16+$0x0], $0xffff  }
0x470: {  	v36 =	vld.idx.msk [tilespmem:v36+s16+$0x0], $0xffff  }
0x471: {  	v37 =	vld.idx.msk [tilespmem:v37+s16+$0x0], $0xffff  }
0x472: {  	v38 =	vld.idx.msk [tilespmem:v38+s16+$0x0], $0xffff;
	_ =	sdelay $0x1  }
0x473: {  	[tilespmem:s28+$0xC600] =	vst v39  }
0x474: {  	[tilespmem:s4+$0xC200] =	vst v36;
	v39 =	vld [tilespmem:s25+$0x310]  }
0x475: {  	[tilespmem:s29+$0xC600] =	vst v37;
	v36 =	vld [tilespmem:s25+$0xFFFFFD10]  }
0x476: {  	[tilespmem:s30+$0xC600] =	vst v38;
	v37 =	vld [tilespmem:s25+$0xFFFFFF10]  }
0x477: {  	v38 =	vld [tilespmem:s25+$0x110];
	_ =	sdelay $0x4  }
0x478: {  	v39 =	vld.idx.msk [tilespmem:v39+s16+$0x0], $0xffff  }
0x479: {  	v36 =	vld.idx.msk [tilespmem:v36+s16+$0x0], $0xffff  }
0x47a: {  	v37 =	vld.idx.msk [tilespmem:v37+s16+$0x0], $0xffff  }
0x47b: {  	v38 =	vld.idx.msk [tilespmem:v38+s16+$0x0], $0xffff;
	_ =	sdelay $0x1  }
0x47c: {  	[tilespmem:s28+$0xC610] =	vst v39  }
0x47d: {  	[tilespmem:s4+$0xC210] =	vst v36;
	v39 =	vld [tilespmem:s25+$0x320]  }
0x47e: {  	[tilespmem:s29+$0xC610] =	vst v37;
	v36 =	vld [tilespmem:s25+$0xFFFFFD20]  }
0x47f: {  	v37 =	vld [tilespmem:s25+$0xFFFFFF20];
	[tilespmem:s30+$0xC610] =	vst v38  }
0x480: {  	v38 =	vld [tilespmem:s25+$0x120];
	_ =	sdelay $0x4  }
0x481: {  	v39 =	vld.idx.msk [tilespmem:v39+s16+$0x0], $0xffff  }
0x482: {  	v36 =	vld.idx.msk [tilespmem:v36+s16+$0x0], $0xffff  }
0x483: {  	v37 =	vld.idx.msk [tilespmem:v37+s16+$0x0], $0xffff  }
0x484: {  	v38 =	vld.idx.msk [tilespmem:v38+s16+$0x0], $0xffff;
	_ =	sdelay $0x1  }
0x485: {  	[tilespmem:s28+$0xC620] =	vst v39  }
0x486: {  	[tilespmem:s4+$0xC220] =	vst v36;
	v39 =	vld [tilespmem:s25+$0x330]  }
0x487: {  	v36 =	vld [tilespmem:s25+$0xFFFFFD30];
	[tilespmem:s29+$0xC620] =	vst v37  }
0x488: {  	[tilespmem:s30+$0xC620] =	vst v38;
	v37 =	vld [tilespmem:s25+$0xFFFFFF30]  }
0x489: {  	v38 =	vld [tilespmem:s25+$0x130];
	_ =	sdelay $0x4  }
0x48a: {  	v39 =	vld.idx.msk [tilespmem:v39+s16+$0x0], $0xffff  }
0x48b: {  	v36 =	vld.idx.msk [tilespmem:v36+s16+$0x0], $0xffff  }
0x48c: {  	v37 =	vld.idx.msk [tilespmem:v37+s16+$0x0], $0xffff  }
0x48d: {  	v38 =	vld.idx.msk [tilespmem:v38+s16+$0x0], $0xffff;
	_ =	sdelay $0x1  }
0x48e: {  	[tilespmem:s28+$0xC630] =	vst v39  }
0x48f: {  	[tilespmem:s4+$0xC230] =	vst v36;
	v39 =	vld [tilespmem:s25+$0x340]  }
0x490: {  	[tilespmem:s29+$0xC630] =	vst v37;
	v36 =	vld [tilespmem:s25+$0xFFFFFD40]  }
0x491: {  	v37 =	vld [tilespmem:s25+$0xFFFFFF40];
	[tilespmem:s30+$0xC630] =	vst v38  }
0x492: {  	v38 =	vld [tilespmem:s25+$0x140];
	_ =	sdelay $0x4  }
0x493: {  	v39 =	vld.idx.msk [tilespmem:v39+s16+$0x0], $0xffff  }
0x494: {  	v36 =	vld.idx.msk [tilespmem:v36+s16+$0x0], $0xffff  }
0x495: {  	v37 =	vld.idx.msk [tilespmem:v37+s16+$0x0], $0xffff  }
0x496: {  	v38 =	vld.idx.msk [tilespmem:v38+s16+$0x0], $0xffff;
	_ =	sdelay $0x1  }
0x497: {  	[tilespmem:s28+$0xC640] =	vst v39  }
0x498: {  	[tilespmem:s4+$0xC240] =	vst v36;
	v39 =	vld [tilespmem:s25+$0x350]  }
0x499: {  	v36 =	vld [tilespmem:s25+$0xFFFFFD50];
	[tilespmem:s29+$0xC640] =	vst v37  }
0x49a: {  	v37 =	vld [tilespmem:s25+$0xFFFFFF50];
	[tilespmem:s30+$0xC640] =	vst v38  }
0x49b: {  	v38 =	vld [tilespmem:s25+$0x150];
	_ =	sdelay $0x4  }
0x49c: {  	v39 =	vld.idx.msk [tilespmem:v39+s16+$0x0], $0xffff  }
0x49d: {  	v36 =	vld.idx.msk [tilespmem:v36+s16+$0x0], $0xffff  }
0x49e: {  	v37 =	vld.idx.msk [tilespmem:v37+s16+$0x0], $0xffff  }
0x49f: {  	v38 =	vld.idx.msk [tilespmem:v38+s16+$0x0], $0xffff;
	_ =	sdelay $0x1  }
0x4a0: {  	[tilespmem:s28+$0xC650] =	vst v39  }
0x4a1: {  	[tilespmem:s4+$0xC250] =	vst v36;
	v39 =	vld [tilespmem:s25+$0x360]  }
0x4a2: {  	v36 =	vld [tilespmem:s25+$0xFFFFFD60];
	[tilespmem:s29+$0xC650] =	vst v37  }
0x4a3: {  	[tilespmem:s30+$0xC650] =	vst v38;
	v37 =	vld [tilespmem:s25+$0xFFFFFF60]  }
0x4a4: {  	v38 =	vld [tilespmem:s25+$0x160];
	_ =	sdelay $0x4  }
0x4a5: {  	v39 =	vld.idx.msk [tilespmem:v39+s16+$0x0], $0xffff  }
0x4a6: {  	v36 =	vld.idx.msk [tilespmem:v36+s16+$0x0], $0xffff  }
0x4a7: {  	v37 =	vld.idx.msk [tilespmem:v37+s16+$0x0], $0xffff  }
0x4a8: {  	v38 =	vld.idx.msk [tilespmem:v38+s16+$0x0], $0xffff;
	_ =	sdelay $0x1  }
0x4a9: {  	[tilespmem:s28+$0xC660] =	vst v39  }
0x4aa: {  	[tilespmem:s4+$0xC260] =	vst v36;
	v39 =	vld [tilespmem:s25+$0x370]  }
0x4ab: {  	[tilespmem:s29+$0xC660] =	vst v37;
	v36 =	vld [tilespmem:s25+$0xFFFFFD70]  }
0x4ac: {  	[tilespmem:s30+$0xC660] =	vst v38;
	v37 =	vld [tilespmem:s25+$0xFFFFFF70]  }
0x4ad: {  	v38 =	vld [tilespmem:s25+$0x170];
	_ =	sdelay $0x2  }
0x4ae: {  	v33 =	vld.idx.msk [tilespmem:v33+s16+$0x0], $0xffff  }
0x4af: {  	v32 =	vld.idx.msk [tilespmem:v32+s16+$0x0], $0xffff  }
0x4b0: {  	v39 =	vld.idx.msk [tilespmem:v39+s16+$0x0], $0xffff  }
0x4b1: {  	[tilespmem:s22+$0xC670] =	vst v34;
	v61 =	vld.idx.msk [tilespmem:v36+s16+$0x0], $0xffff  }
0x4b2: {  	[tilespmem:s26+$0xC270] =	vst v35;
	v62 =	vld.idx.msk [tilespmem:v37+s16+$0x0], $0xffff  }
0x4b3: {  	[tilespmem:s23+$0xC670] =	vst v33;
	v63 =	vld.idx.msk [tilespmem:v38+s16+$0x0], $0xffff  }
0x4b4: {  	[tilespmem:s24+$0xC670] =	vst v32  }
0x4b5: {  	[tilespmem:s28+$0xC670] =	vst v39  }
0x4b6: {  	[tilespmem:s4+$0xC270] =	vst v61  }
0x4b7: {  	[tilespmem:s29+$0xC670] =	vst v62  }
0x4b8: {  	[tilespmem:s30+$0xC670] =	vst v63  }
0x4b9: {  	s1 =	sld [smem:$0x7F9];
	_ =	sdelay $0x1  }
0x4ba: {  	s0 =	simm.s32 $0x0;
	s2 =	simm.s32 $0x10200  }
0x4bb: {  	[hbm4b:s1+s0] =	stream.linear.scatter [tilespmem:s2], [sflag:$0x1], $0x4000, $0x38;
	[tilespmem:$0x1C200] =	vst v63  }
0x4bc: {  	_ =	swait.ge [sflag:s13], $0x4000  }
0x4bd: {  	[sflag:s13] =	ssyncset.done $0x0  }
0x4be: {  	s1 =	simm.s32 $0x4280;
	s2 =	simm.s32 $0x0;
	[sflag:s13] =	ssyncadd.s32 $0xFFFFC000  }
.LBB2_12:
0x4bf: {  	p0 =	sne.s32 s2, $0x7F0  }
.Ltmp5:
0x4c0: {  	_ = 	snop;
	(pc) =	sbr.rel @p0 .LBB2_12-.Ltmp5, $4  }
0x4c1: {  	_ = 	snop  }
0x4c2: {  	s3 =	sadd.s32 s2, s12  }
0x4c3: {  	[tilespmem:s1], [sflag:$0x2] =	stream.linear.gather [hbm4b:s3+s0], $0x80, $0x38;
	[tilespmem:$0x1C200] =	vst v63  }
0x4c4: {  	s2 =	sadd.s32 $0x10, s2;
	s1 =	sadd.s32 $0x100, s1  }
0x4c5: {  	s1 =	simm.s32 $0x4600  }
0x4c6: {  	v33 =	vld [tilespmem:s1+$0xFFFFFC00]  }
0x4c7: {  	v35 =	vld [tilespmem:s1+$0x0]  }
0x4c8: {  	v32 =	vld [tilespmem:s1+$0x200]  }
0x4c9: {  	v34 =	vld [tilespmem:s1+$0xFFFFFE00];
	_ =	sdelay $0x4  }
0x4ca: {  	s4 =	sand.u32 $0x3800, s0;
	v33 =	vld.idx.msk [tilespmem:v33+s16+$0x0], $0xffff  }
0x4cb: {  	s9 =	sand.u32 $0x200, s0;
	s12 =	simm.s32 $0x8200;
	s5 =	simm.s32 $0x4100;
	v35 =	vld.idx.msk [tilespmem:v35+s16+$0x0], $0xffff  }
0x4cc: {  	s0 =	sor.u32 s9, s4;
	s4 =	sand.u32 $0xB800, s12;
	s18 =	sand.u32 $0x300, s5;
	v32 =	vld.idx.msk [tilespmem:v32+s16+$0x0], $0xffff  }
0x4cd: {  	s2 =	simm.s32 $0x8300;
	s22 =	sor.u32 s18, s4;
	s4 =	simm.s32 $0x4E00;
	v34 =	vld.idx.msk [tilespmem:v34+s16+$0x0], $0xffff  }
0x4ce: {  	s3 =	simm.s32 $0x4180;
	s10 =	simm.s32 $0x8100;
	s15 =	sadd.s32 $0xC200, s0;
	v37 =	vld [tilespmem:s4+$0xFFFFFC00]  }
0x4cf: {  	s11 =	simm.s32 $0x4080;
	s2 =	sand.u32 $0xB800, s2;
	s3 =	sand.u32 $0x380, s3;
	v38 =	vld [tilespmem:s4+$0xFFFFFE00];
	[tilespmem:s15+$0x8000] =	vst v33  }
0x4d0: {  	s6 =	sand.u32 $0xB800, s10;
	s17 =	sor.u32 s3, s2;
	s3 =	sand.u32 $0x280, s11;
	[tilespmem:s22+$0xC200] =	vst v35;
	v33 =	vld [tilespmem:s1+$0xFFFFFC10]  }
0x4d1: {  	s0 =	sor.u32 s3, s6;
	[tilespmem:s17+$0xC200] =	vst v32;
	v35 =	vld [tilespmem:s1+$0x10]  }
0x4d2: {  	[tilespmem:s0+$0xC200] =	vst v34;
	v32 =	vld [tilespmem:s1+$0x210]  }
0x4d3: {  	v34 =	vld [tilespmem:s1+$0xFFFFFE10]  }
0x4d4: {  	p0 =	por $0x0, $0x0;
	s19 =	simm.s32 $0x8700;
	s2 =	simm.s32 $0x1  }
0x4d5: {  	s20 =	simm.s32 $0x4380;
	s21 =	simm.s32 $0x400;
	s2 =	simm.s32 @!p0 $0x0  }
0x4d6: {  	s7 =	simm.s32 $0x200;
	s24 =	simm.s32 $0x8500;
	s2 =	sshll.u32 s2, $0x9;
	v37 =	vld.idx.msk [tilespmem:v37+s16+$0x0], $0xffff  }
0x4d7: {  	s8 =	sand.u32 $0x3800, s21;
	s23 =	sand.u32 $0x200, s7;
	s2 =	sadd.s32 $0x0, s2;
	v38 =	vld.idx.msk [tilespmem:v38+s16+$0x0], $0xffff  }
0x4d8: {  	s3 =	sand.u32 $0x380, s20;
	s5 =	sor.u32 $0x8400, s2;
	s2 =	sand.u32 $0xB800, s19;
	v33 =	vld.idx.msk [tilespmem:v33+s16+$0x0], $0xffff  }
0x4d9: {  	s25 =	simm.s32 $0x4280;
	s6 =	sor.u32 s3, s2;
	s2 =	sor.u32 s23, s8;
	v35 =	vld.idx.msk [tilespmem:v35+s16+$0x0], $0xffff  }
0x4da: {  	s7 =	sand.u32 $0x280, s25;
	s3 =	sand.u32 $0xB800, s24;
	s2 =	sadd.s32 $0xC200, s2;
	v32 =	vld.idx.msk [tilespmem:v32+s16+$0x0], $0xffff  }
0x4db: {  	s23 =	sor.u32 s7, s3;
	[tilespmem:s2+$0x8000] =	vst v37;
	v34 =	vld.idx.msk [tilespmem:v34+s16+$0x0], $0xffff  }
0x4dc: {  	[tilespmem:s23+$0xC200] =	vst v38;
	v37 =	vld [tilespmem:s4+$0xFFFFFC10]  }
0x4dd: {  	v38 =	vld [tilespmem:s4+$0xFFFFFE10];
	[tilespmem:s15+$0x8010] =	vst v33  }
0x4de: {  	[tilespmem:s22+$0xC210] =	vst v35;
	v33 =	vld [tilespmem:s1+$0xFFFFFC20]  }
0x4df: {  	[tilespmem:s17+$0xC210] =	vst v32;
	v35 =	vld [tilespmem:s1+$0x20]  }
0x4e0: {  	[tilespmem:s0+$0xC210] =	vst v34;
	v32 =	vld [tilespmem:s1+$0x220]  }
0x4e1: {  	v34 =	vld [tilespmem:s1+$0xFFFFFE20];
	_ =	sdelay $0x2  }
0x4e2: {  	v37 =	vld.idx.msk [tilespmem:v37+s16+$0x0], $0xffff  }
0x4e3: {  	v38 =	vld.idx.msk [tilespmem:v38+s16+$0x0], $0xffff  }
0x4e4: {  	v33 =	vld.idx.msk [tilespmem:v33+s16+$0x0], $0xffff  }
0x4e5: {  	v35 =	vld.idx.msk [tilespmem:v35+s16+$0x0], $0xffff  }
0x4e6: {  	v32 =	vld.idx.msk [tilespmem:v32+s16+$0x0], $0xffff  }
0x4e7: {  	[tilespmem:s2+$0x8010] =	vst v37;
	v34 =	vld.idx.msk [tilespmem:v34+s16+$0x0], $0xffff  }
0x4e8: {  	[tilespmem:s23+$0xC210] =	vst v38;
	v37 =	vld [tilespmem:s4+$0xFFFFFC20]  }
0x4e9: {  	v38 =	vld [tilespmem:s4+$0xFFFFFE20];
	[tilespmem:s15+$0x8020] =	vst v33  }
0x4ea: {  	[tilespmem:s22+$0xC220] =	vst v35;
	v33 =	vld [tilespmem:s1+$0xFFFFFC30]  }
0x4eb: {  	[tilespmem:s17+$0xC220] =	vst v32;
	v35 =	vld [tilespmem:s1+$0x30]  }
0x4ec: {  	[tilespmem:s0+$0xC220] =	vst v34;
	v32 =	vld [tilespmem:s1+$0x230]  }
0x4ed: {  	v34 =	vld [tilespmem:s1+$0xFFFFFE30];
	_ =	sdelay $0x2  }
0x4ee: {  	v37 =	vld.idx.msk [tilespmem:v37+s16+$0x0], $0xffff  }
0x4ef: {  	v38 =	vld.idx.msk [tilespmem:v38+s16+$0x0], $0xffff  }
0x4f0: {  	v33 =	vld.idx.msk [tilespmem:v33+s16+$0x0], $0xffff  }
0x4f1: {  	v35 =	vld.idx.msk [tilespmem:v35+s16+$0x0], $0xffff  }
0x4f2: {  	v32 =	vld.idx.msk [tilespmem:v32+s16+$0x0], $0xffff  }
0x4f3: {  	[tilespmem:s2+$0x8020] =	vst v37;
	v34 =	vld.idx.msk [tilespmem:v34+s16+$0x0], $0xffff  }
0x4f4: {  	[tilespmem:s23+$0xC220] =	vst v38;
	v37 =	vld [tilespmem:s4+$0xFFFFFC30]  }
0x4f5: {  	v38 =	vld [tilespmem:s4+$0xFFFFFE30];
	[tilespmem:s15+$0x8030] =	vst v33  }
0x4f6: {  	[tilespmem:s22+$0xC230] =	vst v35;
	v33 =	vld [tilespmem:s1+$0xFFFFFC40]  }
0x4f7: {  	[tilespmem:s17+$0xC230] =	vst v32;
	v35 =	vld [tilespmem:s1+$0x40]  }
0x4f8: {  	[tilespmem:s0+$0xC230] =	vst v34;
	v32 =	vld [tilespmem:s1+$0x240]  }
0x4f9: {  	v34 =	vld [tilespmem:s1+$0xFFFFFE40];
	_ =	sdelay $0x2  }
0x4fa: {  	v37 =	vld.idx.msk [tilespmem:v37+s16+$0x0], $0xffff  }
0x4fb: {  	v38 =	vld.idx.msk [tilespmem:v38+s16+$0x0], $0xffff  }
0x4fc: {  	v33 =	vld.idx.msk [tilespmem:v33+s16+$0x0], $0xffff  }
0x4fd: {  	v35 =	vld.idx.msk [tilespmem:v35+s16+$0x0], $0xffff  }
0x4fe: {  	v32 =	vld.idx.msk [tilespmem:v32+s16+$0x0], $0xffff  }
0x4ff: {  	[tilespmem:s2+$0x8030] =	vst v37;
	v34 =	vld.idx.msk [tilespmem:v34+s16+$0x0], $0xffff  }
0x500: {  	[tilespmem:s23+$0xC230] =	vst v38;
	v37 =	vld [tilespmem:s4+$0xFFFFFC40]  }
0x501: {  	v38 =	vld [tilespmem:s4+$0xFFFFFE40];
	[tilespmem:s15+$0x8040] =	vst v33  }
0x502: {  	[tilespmem:s22+$0xC240] =	vst v35;
	v33 =	vld [tilespmem:s1+$0xFFFFFC50]  }
0x503: {  	[tilespmem:s17+$0xC240] =	vst v32;
	v35 =	vld [tilespmem:s1+$0x50]  }
0x504: {  	[tilespmem:s0+$0xC240] =	vst v34;
	v32 =	vld [tilespmem:s1+$0x250]  }
0x505: {  	s25 =	simm.s32 $0x5600;
	v34 =	vld [tilespmem:s1+$0xFFFFFE50]  }
0x506: {  	v58 =	vld [tilespmem:s25+$0x200]  }
0x507: {  	v41 =	vld [tilespmem:s25+$0xFFFFFC00]  }
0x508: {  	v37 =	vld.idx.msk [tilespmem:v37+s16+$0x0], $0xffff  }
0x509: {  	v38 =	vld.idx.msk [tilespmem:v38+s16+$0x0], $0xffff  }
0x50a: {  	v33 =	vld.idx.msk [tilespmem:v33+s16+$0x0], $0xffff  }
0x50b: {  	v35 =	vld.idx.msk [tilespmem:v35+s16+$0x0], $0xffff  }
0x50c: {  	v32 =	vld.idx.msk [tilespmem:v32+s16+$0x0], $0xffff  }
0x50d: {  	[tilespmem:s2+$0x8040] =	vst v37;
	v34 =	vld.idx.msk [tilespmem:v34+s16+$0x0], $0xffff  }
0x50e: {  	[tilespmem:s23+$0xC240] =	vst v38;
	v37 =	vld [tilespmem:s4+$0xFFFFFC50]  }
0x50f: {  	v38 =	vld [tilespmem:s4+$0xFFFFFE50];
	[tilespmem:s15+$0x8050] =	vst v33  }
0x510: {  	[tilespmem:s22+$0xC250] =	vst v35;
	v33 =	vld [tilespmem:s1+$0xFFFFFC60]  }
0x511: {  	[tilespmem:s17+$0xC250] =	vst v32;
	v35 =	vld [tilespmem:s1+$0x60]  }
0x512: {  	[tilespmem:s0+$0xC250] =	vst v34;
	v32 =	vld [tilespmem:s1+$0x260]  }
0x513: {  	v34 =	vld [tilespmem:s1+$0xFFFFFE60]  }
0x514: {  	v36 =	vld [tilespmem:s4+$0x200]  }
0x515: {  	v39 =	vld [tilespmem:s4+$0x0]  }
0x516: {  	v37 =	vld.idx.msk [tilespmem:v37+s16+$0x0], $0xffff  }
0x517: {  	v38 =	vld.idx.msk [tilespmem:v38+s16+$0x0], $0xffff  }
0x518: {  	v33 =	vld.idx.msk [tilespmem:v33+s16+$0x0], $0xffff  }
0x519: {  	v35 =	vld.idx.msk [tilespmem:v35+s16+$0x0], $0xffff  }
0x51a: {  	v32 =	vld.idx.msk [tilespmem:v32+s16+$0x0], $0xffff  }
0x51b: {  	[tilespmem:s2+$0x8050] =	vst v37;
	v34 =	vld.idx.msk [tilespmem:v34+s16+$0x0], $0xffff  }
0x51c: {  	[tilespmem:s23+$0xC250] =	vst v38;
	v37 =	vld [tilespmem:s4+$0xFFFFFC60]  }
0x51d: {  	v38 =	vld [tilespmem:s4+$0xFFFFFE60];
	[tilespmem:s15+$0x8060] =	vst v33  }
0x51e: {  	[tilespmem:s22+$0xC260] =	vst v35;
	v33 =	vld [tilespmem:s1+$0xFFFFFC70]  }
0x51f: {  	[tilespmem:s17+$0xC260] =	vst v32;
	v35 =	vld [tilespmem:s1+$0x70]  }
0x520: {  	[tilespmem:s0+$0xC260] =	vst v34;
	v32 =	vld [tilespmem:s1+$0x270]  }
0x521: {  	v34 =	vld [tilespmem:s1+$0xFFFFFE70]  }
0x522: {  	v41 =	vld.idx.msk [tilespmem:v41+s16+$0x0], $0xffff  }
0x523: {  	v36 =	vld.idx.msk [tilespmem:v36+s16+$0x0], $0xffff  }
0x524: {  	v37 =	vld.idx.msk [tilespmem:v37+s16+$0x0], $0xffff  }
0x525: {  	v38 =	vld.idx.msk [tilespmem:v38+s16+$0x0], $0xffff  }
0x526: {  	v33 =	vld.idx.msk [tilespmem:v33+s16+$0x0], $0xffff  }
0x527: {  	v35 =	vld.idx.msk [tilespmem:v35+s16+$0x0], $0xffff  }
0x528: {  	v32 =	vld.idx.msk [tilespmem:v32+s16+$0x0], $0xffff  }
0x529: {  	[tilespmem:s2+$0x8060] =	vst v37;
	v34 =	vld.idx.msk [tilespmem:v34+s16+$0x0], $0xffff  }
0x52a: {  	[tilespmem:s23+$0xC260] =	vst v38;
	v37 =	vld [tilespmem:s4+$0xFFFFFC70]  }
0x52b: {  	v38 =	vld [tilespmem:s4+$0xFFFFFE70];
	[tilespmem:s15+$0x8070] =	vst v33  }
0x52c: {  	[tilespmem:s22+$0xC270] =	vst v35;
	v33 =	vld [tilespmem:s1+$0xFFFFFD00]  }
0x52d: {  	[tilespmem:s17+$0xC270] =	vst v32;
	v35 =	vld [tilespmem:s1+$0x100]  }
0x52e: {  	[tilespmem:s0+$0xC270] =	vst v34;
	v32 =	vld [tilespmem:s1+$0x300]  }
0x52f: {  	v34 =	vld [tilespmem:s1+$0xFFFFFF00]  }
0x530: {  	v61 =	vld.idx.msk [tilespmem:v39+s16+$0x0], $0xffff;
	[tilespmem:s6+$0xC200] =	vst v36  }
0x531: {  	v42 =	vld [tilespmem:s4+$0x210]  }
0x532: {  	v37 =	vld.idx.msk [tilespmem:v37+s16+$0x0], $0xffff  }
0x533: {  	v38 =	vld.idx.msk [tilespmem:v38+s16+$0x0], $0xffff  }
0x534: {  	v33 =	vld.idx.msk [tilespmem:v33+s16+$0x0], $0xffff  }
0x535: {  	s26 =	simm.s32 $0x8600;
	s9 =	simm.s32 $0x4300;
	v35 =	vld.idx.msk [tilespmem:v35+s16+$0x0], $0xffff  }
0x536: {  	s8 =	sand.u32 $0xB800, s26;
	s7 =	sand.u32 $0x300, s9;
	v32 =	vld.idx.msk [tilespmem:v32+s16+$0x0], $0xffff  }
0x537: {  	s24 =	sor.u32 s7, s8;
	[tilespmem:s2+$0x8070] =	vst v37;
	v34 =	vld.idx.msk [tilespmem:v34+s16+$0x0], $0xffff  }
0x538: {  	[tilespmem:s24+$0xC200] =	vst v61;
	v37 =	vld [tilespmem:s4+$0xFFFFFD00]  }
0x539: {  	[tilespmem:s5+$0xC200] =	vst v33;
	v33 =	vld [tilespmem:s4+$0x10]  }
0x53a: {  	[tilespmem:s22+$0xC600] =	vst v35;
	v35 =	vld.idx.msk [tilespmem:v42+s16+$0x0], $0xffff  }
0x53b: {  	[tilespmem:s17+$0xC600] =	vst v32;
	v62 =	vld [tilespmem:s1+$0xFFFFFD10]  }
0x53c: {  	[tilespmem:s0+$0xC600] =	vst v34;
	v32 =	vld [tilespmem:s1+$0x310]  }
0x53d: {  	v63 =	vld [tilespmem:s1+$0xFFFFFF10]  }
0x53e: {  	[tilespmem:s23+$0xC270] =	vst v38;
	v43 =	vld [tilespmem:s1+$0x110]  }
0x53f: {  	v38 =	vld [tilespmem:s4+$0xFFFFFF00];
	[tilespmem:s6+$0xC210] =	vst v35  }
0x540: {  	v35 =	vld [tilespmem:s4+$0x220]  }
0x541: {  	v33 =	vld.idx.msk [tilespmem:v33+s16+$0x0], $0xffff  }
0x542: {  	v42 =	vld [tilespmem:s25+$0xFFFFFE00]  }
0x543: {  	v34 =	vld.idx.msk [tilespmem:v62+s16+$0x0], $0xffff  }
0x544: {  	v32 =	vld.idx.msk [tilespmem:v32+s16+$0x0], $0xffff  }
0x545: {  	v36 =	vld.idx.msk [tilespmem:v63+s16+$0x0], $0xffff  }
0x546: {  	v39 =	vld.idx.msk [tilespmem:v43+s16+$0x0], $0xffff;
	[tilespmem:s24+$0xC210] =	vst v33  }
0x547: {  	v33 =	vld [tilespmem:s4+$0x20]  }
0x548: {  	[tilespmem:s5+$0xC210] =	vst v34;
	v35 =	vld.idx.msk [tilespmem:v35+s16+$0x0], $0xffff  }
0x549: {  	[tilespmem:s17+$0xC610] =	vst v32;
	v34 =	vld [tilespmem:s1+$0xFFFFFD20]  }
0x54a: {  	v32 =	vld [tilespmem:s1+$0x320]  }
0x54b: {  	v42 =	vld.idx.msk [tilespmem:v42+s16+$0x0], $0xffff;
	[tilespmem:s0+$0xC610] =	vst v36  }
0x54c: {  	[tilespmem:s22+$0xC610] =	vst v39;
	v36 =	vld [tilespmem:s1+$0xFFFFFF20]  }
0x54d: {  	v39 =	vld [tilespmem:s1+$0x120];
	[tilespmem:s6+$0xC220] =	vst v35  }
0x54e: {  	v45 =	vld [tilespmem:s4+$0x230]  }
0x54f: {  	s18 =	simm.s32 $0x4480;
	s8 =	simm.s32 $0x8B00;
	s15 =	simm.s32 $0x8900;
	v33 =	vld.idx.msk [tilespmem:v33+s16+$0x0], $0xffff  }
0x550: {  	s10 =	sand.u32 $0xB800, s8;
	s8 =	sand.u32 $0x280, s18;
	s3 =	sand.u32 $0xB800, s15;
	v37 =	vld.idx.msk [tilespmem:v37+s16+$0x0], $0xffff  }
0x551: {  	s29 =	sor.u32 s8, s3;
	v34 =	vld.idx.msk [tilespmem:v34+s16+$0x0], $0xffff  }
0x552: {  	[tilespmem:s29+$0xC200] =	vst v42;
	v32 =	vld.idx.msk [tilespmem:v32+s16+$0x0], $0xffff  }
0x553: {  	v42 =	vld [tilespmem:s25+$0xFFFFFE10]  }
0x554: {  	v36 =	vld.idx.msk [tilespmem:v36+s16+$0x0], $0xffff;
	[tilespmem:s24+$0xC220] =	vst v33  }
0x555: {  	v33 =	vld [tilespmem:s4+$0x30]  }
0x556: {  	[tilespmem:s5+$0xC220] =	vst v34;
	v34 =	vld.idx.msk [tilespmem:v45+s16+$0x0], $0xffff  }
0x557: {  	v44 =	vld.idx.msk [tilespmem:v39+s16+$0x0], $0xffff;
	[tilespmem:s17+$0xC620] =	vst v32  }
0x558: {  	v32 =	vld [tilespmem:s1+$0x330]  }
0x559: {  	[tilespmem:s0+$0xC620] =	vst v36;
	v46 =	vld [tilespmem:s1+$0xFFFFFD30]  }
0x55a: {  	v47 =	vld [tilespmem:s1+$0xFFFFFF30]  }
0x55b: {  	v38 =	vld.idx.msk [tilespmem:v38+s16+$0x0], $0xffff;
	[tilespmem:s6+$0xC230] =	vst v34  }
0x55c: {  	v50 =	vld [tilespmem:s4+$0x240]  }
0x55d: {  	[tilespmem:s22+$0xC620] =	vst v44;
	v33 =	vld.idx.msk [tilespmem:v33+s16+$0x0], $0xffff  }
0x55e: {  	v48 =	vld [tilespmem:s1+$0x130]  }
0x55f: {  	v42 =	vld.idx.msk [tilespmem:v42+s16+$0x0], $0xffff  }
0x560: {  	v32 =	vld.idx.msk [tilespmem:v32+s16+$0x0], $0xffff  }
0x561: {  	v39 =	vld.idx.msk [tilespmem:v46+s16+$0x0], $0xffff  }
0x562: {  	v49 =	vld.idx.msk [tilespmem:v47+s16+$0x0], $0xffff;
	[tilespmem:s24+$0xC230] =	vst v33  }
0x563: {  	v33 =	vld [tilespmem:s4+$0x40]  }
0x564: {  	[tilespmem:s29+$0xC210] =	vst v42;
	v35 =	vld.idx.msk [tilespmem:v50+s16+$0x0], $0xffff  }
0x565: {  	v42 =	vld [tilespmem:s25+$0xFFFFFE20]  }
0x566: {  	v36 =	vld.idx.msk [tilespmem:v48+s16+$0x0], $0xffff;
	[tilespmem:s5+$0xC230] =	vst v39  }
0x567: {  	[tilespmem:s17+$0xC630] =	vst v32;
	v51 =	vld [tilespmem:s1+$0xFFFFFD40]  }
0x568: {  	[tilespmem:s0+$0xC630] =	vst v49;
	v32 =	vld [tilespmem:s1+$0x340]  }
0x569: {  	v52 =	vld [tilespmem:s1+$0xFFFFFF40];
	[tilespmem:s6+$0xC240] =	vst v35  }
0x56a: {  	v35 =	vld [tilespmem:s4+$0x250]  }
0x56b: {  	[tilespmem:s22+$0xC630] =	vst v36;
	v33 =	vld.idx.msk [tilespmem:v33+s16+$0x0], $0xffff  }
0x56c: {  	[tilespmem:s23+$0xC600] =	vst v38;
	v36 =	vld [tilespmem:s1+$0x140]  }
0x56d: {  	v61 =	vld [tilespmem:s4+$0xFFFFFF10]  }
0x56e: {  	v42 =	vld.idx.msk [tilespmem:v42+s16+$0x0], $0xffff  }
0x56f: {  	v34 =	vld.idx.msk [tilespmem:v51+s16+$0x0], $0xffff  }
0x570: {  	v32 =	vld.idx.msk [tilespmem:v32+s16+$0x0], $0xffff;
	[tilespmem:s24+$0xC240] =	vst v33  }
0x571: {  	v33 =	vld [tilespmem:s4+$0x50]  }
0x572: {  	v35 =	vld.idx.msk [tilespmem:v35+s16+$0x0], $0xffff  }
0x573: {  	v39 =	vld.idx.msk [tilespmem:v52+s16+$0x0], $0xffff  }
0x574: {  	v53 =	vld.idx.msk [tilespmem:v36+s16+$0x0], $0xffff;
	[tilespmem:s5+$0xC240] =	vst v34  }
0x575: {  	[tilespmem:s17+$0xC640] =	vst v32;
	v54 =	vld [tilespmem:s1+$0xFFFFFD50]  }
0x576: {  	[tilespmem:s29+$0xC220] =	vst v42;
	v32 =	vld [tilespmem:s1+$0x350]  }
0x577: {  	v42 =	vld [tilespmem:s25+$0xFFFFFE30];
	[tilespmem:s6+$0xC250] =	vst v35  }
0x578: {  	v35 =	vld [tilespmem:s4+$0x260]  }
0x579: {  	[tilespmem:s22+$0xC640] =	vst v53;
	v33 =	vld.idx.msk [tilespmem:v33+s16+$0x0], $0xffff  }
0x57a: {  	v34 =	vld [tilespmem:s1+$0x150]  }
0x57b: {  	v43 =	vld [tilespmem:s25+$0x0];
	[tilespmem:s0+$0xC640] =	vst v39  }
0x57c: {  	v39 =	vld [tilespmem:s1+$0xFFFFFF50]  }
0x57d: {  	v36 =	vld.idx.msk [tilespmem:v54+s16+$0x0], $0xffff  }
0x57e: {  	v32 =	vld.idx.msk [tilespmem:v32+s16+$0x0], $0xffff;
	[tilespmem:s24+$0xC250] =	vst v33  }
0x57f: {  	v33 =	vld [tilespmem:s4+$0x60]  }
0x580: {  	v35 =	vld.idx.msk [tilespmem:v35+s16+$0x0], $0xffff  }
0x581: {  	v42 =	vld.idx.msk [tilespmem:v42+s16+$0x0], $0xffff  }
0x582: {  	v34 =	vld.idx.msk [tilespmem:v34+s16+$0x0], $0xffff;
	[tilespmem:s5+$0xC250] =	vst v36  }
0x583: {  	v36 =	vld [tilespmem:s1+$0xFFFFFD60]  }
0x584: {  	v39 =	vld.idx.msk [tilespmem:v39+s16+$0x0], $0xffff;
	[tilespmem:s17+$0xC650] =	vst v32  }
0x585: {  	v32 =	vld [tilespmem:s1+$0x360];
	[tilespmem:s6+$0xC260] =	vst v35  }
0x586: {  	v57 =	vld [tilespmem:s4+$0x270]  }
0x587: {  	[tilespmem:s22+$0xC650] =	vst v34;
	v33 =	vld.idx.msk [tilespmem:v33+s16+$0x0], $0xffff  }
0x588: {  	[tilespmem:s29+$0xC230] =	vst v42;
	v56 =	vld [tilespmem:s1+$0x160]  }
0x589: {  	v42 =	vld [tilespmem:s25+$0xFFFFFE40];
	[tilespmem:s0+$0xC650] =	vst v39  }
0x58a: {  	v55 =	vld [tilespmem:s1+$0xFFFFFF60]  }
0x58b: {  	v36 =	vld.idx.msk [tilespmem:v36+s16+$0x0], $0xffff  }
0x58c: {  	v59 =	vld.idx.msk [tilespmem:v43+s16+$0x0], $0xffff;
	[tilespmem:s24+$0xC260] =	vst v33  }
0x58d: {  	v33 =	vld [tilespmem:s4+$0x70]  }
0x58e: {  	v39 =	vld.idx.msk [tilespmem:v57+s16+$0x0], $0xffff  }
0x58f: {  	v32 =	vld.idx.msk [tilespmem:v32+s16+$0x0], $0xffff  }
0x590: {  	v35 =	vld.idx.msk [tilespmem:v56+s16+$0x0], $0xffff;
	[tilespmem:s5+$0xC260] =	vst v36  }
0x591: {  	v36 =	vld [tilespmem:s1+$0xFFFFFD70]  }
0x592: {  	v34 =	vld.idx.msk [tilespmem:v55+s16+$0x0], $0xffff  }
0x593: {  	v42 =	vld.idx.msk [tilespmem:v42+s16+$0x0], $0xffff;
	[tilespmem:s6+$0xC270] =	vst v39  }
0x594: {  	v39 =	vld [tilespmem:s4+$0x300]  }
0x595: {  	[tilespmem:s17+$0xC660] =	vst v32;
	v40 =	vld.idx.msk [tilespmem:v33+s16+$0x0], $0xffff  }
0x596: {  	[tilespmem:s22+$0xC660] =	vst v35;
	v32 =	vld [tilespmem:s1+$0x370]  }
0x597: {  	[tilespmem:s0+$0xC660] =	vst v34;
	v34 =	vld [tilespmem:s1+$0x170]  }
0x598: {  	v33 =	vld [tilespmem:s1+$0xFFFFFF70]  }
0x599: {  	p0 =	por !p0, !p0;
	s1 =	simm.s32 $0x1;
	v35 =	vld.idx.msk [tilespmem:v36+s16+$0x0], $0xffff  }
0x59a: {  	s20 =	simm.s32 $0x4500;
	s19 =	simm.s32 $0x8A00;
	s1 =	simm.s32 @!p0 $0x0;
	v36 =	vld.idx.msk [tilespmem:v58+s16+$0x0], $0xffff;
	[tilespmem:s24+$0xC270] =	vst v40  }
0x59b: {  	s21 =	sand.u32 $0x300, s20;
	s7 =	sand.u32 $0xB800, s19;
	s1 =	sshll.u32 s1, $0x9;
	v40 =	vld [tilespmem:s4+$0x100]  }
0x59c: {  	s30 =	sor.u32 s21, s7;
	[tilespmem:s29+$0xC240] =	vst v42;
	s1 =	sadd.s32 $0x400, s1;
	v39 =	vld.idx.msk [tilespmem:v39+s16+$0x0], $0xffff  }
0x59d: {  	s9 =	simm.s32 $0x4580;
	[tilespmem:s30+$0xC200] =	vst v59;
	v42 =	vld [tilespmem:s25+$0xFFFFFE50];
	s26 =	sor.u32 $0x8400, s1  }
0x59e: {  	s31 =	simm.s32 $0x800;
	s2 =	sand.u32 $0x380, s9;
	s1 =	simm.s32 $0x400;
	[tilespmem:s26+$0xC200] =	vst v37;
	v37 =	vld [tilespmem:s25+$0x10]  }
0x59f: {  	s11 =	sand.u32 $0x3800, s31;
	s28 =	sor.u32 s2, s10;
	s12 =	sand.u32 $0x200, s1;
	v60 =	vld [tilespmem:s4+$0xFFFFFD10]  }
0x5a0: {  	[tilespmem:s28+$0xC200] =	vst v36;
	s2 =	sor.u32 s12, s11;
	v36 =	vld.idx.msk [tilespmem:v61+s16+$0x0], $0xffff  }
0x5a1: {  	v62 =	vld [tilespmem:s25+$0x210];
	s2 =	sadd.s32 $0xC200, s2;
	[tilespmem:s6+$0xC600] =	vst v39  }
0x5a2: {  	[tilespmem:s2+$0x8000] =	vst v41;
	v39 =	vld [tilespmem:s4+$0x310]  }
0x5a3: {  	v41 =	vld [tilespmem:s25+$0xFFFFFC10]  }
0x5a4: {  	v40 =	vld.idx.msk [tilespmem:v40+s16+$0x0], $0xffff  }
0x5a5: {  	v42 =	vld.idx.msk [tilespmem:v42+s16+$0x0], $0xffff  }
0x5a6: {  	[tilespmem:s23+$0xC610] =	vst v36;
	v37 =	vld.idx.msk [tilespmem:v37+s16+$0x0], $0xffff  }
0x5a7: {  	v46 =	vld [tilespmem:s4+$0xFFFFFF20]  }
0x5a8: {  	v38 =	vld.idx.msk [tilespmem:v60+s16+$0x0], $0xffff  }
0x5a9: {  	[tilespmem:s24+$0xC600] =	vst v40;
	v40 =	vld.idx.msk [tilespmem:v62+s16+$0x0], $0xffff  }
0x5aa: {  	v39 =	vld.idx.msk [tilespmem:v39+s16+$0x0], $0xffff  }
0x5ab: {  	v41 =	vld.idx.msk [tilespmem:v41+s16+$0x0], $0xffff;
	[tilespmem:s30+$0xC210] =	vst v37  }
0x5ac: {  	v37 =	vld [tilespmem:s25+$0x20]  }
0x5ad: {  	[tilespmem:s26+$0xC210] =	vst v38;
	v63 =	vld [tilespmem:s4+$0x110]  }
0x5ae: {  	v38 =	vld [tilespmem:s4+$0xFFFFFD20];
	[tilespmem:s28+$0xC210] =	vst v40  }
0x5af: {  	[tilespmem:s6+$0xC610] =	vst v39;
	v45 =	vld [tilespmem:s25+$0x220]  }
0x5b0: {  	[tilespmem:s2+$0x8010] =	vst v41;
	v39 =	vld [tilespmem:s4+$0x320]  }
0x5b1: {  	[tilespmem:s29+$0xC250] =	vst v42;
	v41 =	vld [tilespmem:s25+$0xFFFFFC20]  }
0x5b2: {  	v42 =	vld [tilespmem:s25+$0xFFFFFE60]  }
0x5b3: {  	v40 =	vld.idx.msk [tilespmem:v46+s16+$0x0], $0xffff  }
0x5b4: {  	v37 =	vld.idx.msk [tilespmem:v37+s16+$0x0], $0xffff  }
0x5b5: {  	v43 =	vld.idx.msk [tilespmem:v63+s16+$0x0], $0xffff  }
0x5b6: {  	v38 =	vld.idx.msk [tilespmem:v38+s16+$0x0], $0xffff  }
0x5b7: {  	v36 =	vld.idx.msk [tilespmem:v45+s16+$0x0], $0xffff  }
0x5b8: {  	v39 =	vld.idx.msk [tilespmem:v39+s16+$0x0], $0xffff  }
0x5b9: {  	[tilespmem:s23+$0xC620] =	vst v40;
	v41 =	vld.idx.msk [tilespmem:v41+s16+$0x0], $0xffff  }
0x5ba: {  	v50 =	vld [tilespmem:s4+$0xFFFFFF30];
	[tilespmem:s30+$0xC220] =	vst v37  }
0x5bb: {  	[tilespmem:s24+$0xC610] =	vst v43;
	v37 =	vld [tilespmem:s25+$0x30]  }
0x5bc: {  	v43 =	vld [tilespmem:s4+$0x120];
	[tilespmem:s28+$0xC220] =	vst v36  }
0x5bd: {  	[tilespmem:s6+$0xC620] =	vst v39;
	v48 =	vld [tilespmem:s25+$0x230]  }
0x5be: {  	[tilespmem:s2+$0x8020] =	vst v41;
	v39 =	vld [tilespmem:s4+$0x330]  }
0x5bf: {  	[tilespmem:s26+$0xC220] =	vst v38;
	v41 =	vld [tilespmem:s25+$0xFFFFFC30]  }
0x5c0: {  	v49 =	vld [tilespmem:s4+$0xFFFFFD30]  }
0x5c1: {  	v42 =	vld.idx.msk [tilespmem:v42+s16+$0x0], $0xffff  }
0x5c2: {  	v36 =	vld.idx.msk [tilespmem:v50+s16+$0x0], $0xffff  }
0x5c3: {  	v37 =	vld.idx.msk [tilespmem:v37+s16+$0x0], $0xffff  }
0x5c4: {  	v47 =	vld.idx.msk [tilespmem:v43+s16+$0x0], $0xffff  }
0x5c5: {  	v38 =	vld.idx.msk [tilespmem:v48+s16+$0x0], $0xffff  }
0x5c6: {  	v39 =	vld.idx.msk [tilespmem:v39+s16+$0x0], $0xffff  }
0x5c7: {  	v41 =	vld.idx.msk [tilespmem:v41+s16+$0x0], $0xffff  }
0x5c8: {  	v43 =	vld.idx.msk [tilespmem:v49+s16+$0x0], $0xffff;
	[tilespmem:s23+$0xC630] =	vst v36  }
0x5c9: {  	v53 =	vld [tilespmem:s4+$0xFFFFFF40];
	[tilespmem:s30+$0xC230] =	vst v37  }
0x5ca: {  	v37 =	vld [tilespmem:s25+$0x40];
	[tilespmem:s28+$0xC230] =	vst v38  }
0x5cb: {  	[tilespmem:s6+$0xC630] =	vst v39;
	v38 =	vld [tilespmem:s25+$0x240]  }
0x5cc: {  	[tilespmem:s2+$0x8030] =	vst v41;
	v39 =	vld [tilespmem:s4+$0x340]  }
0x5cd: {  	[tilespmem:s24+$0xC620] =	vst v47;
	v41 =	vld [tilespmem:s25+$0xFFFFFC40]  }
0x5ce: {  	[tilespmem:s26+$0xC230] =	vst v43;
	v51 =	vld [tilespmem:s4+$0x130]  }
0x5cf: {  	v52 =	vld [tilespmem:s4+$0xFFFFFD40]  }
0x5d0: {  	v32 =	vld.idx.msk [tilespmem:v32+s16+$0x0], $0xffff  }
0x5d1: {  	v43 =	vld.idx.msk [tilespmem:v53+s16+$0x0], $0xffff  }
0x5d2: {  	v37 =	vld.idx.msk [tilespmem:v37+s16+$0x0], $0xffff  }
0x5d3: {  	v38 =	vld.idx.msk [tilespmem:v38+s16+$0x0], $0xffff  }
0x5d4: {  	v39 =	vld.idx.msk [tilespmem:v39+s16+$0x0], $0xffff  }
0x5d5: {  	v41 =	vld.idx.msk [tilespmem:v41+s16+$0x0], $0xffff  }
0x5d6: {  	v40 =	vld.idx.msk [tilespmem:v51+s16+$0x0], $0xffff  }
0x5d7: {  	v36 =	vld.idx.msk [tilespmem:v52+s16+$0x0], $0xffff;
	[tilespmem:s23+$0xC640] =	vst v43  }
0x5d8: {  	v43 =	vld [tilespmem:s4+$0xFFFFFF50];
	[tilespmem:s28+$0xC240] =	vst v38  }
0x5d9: {  	[tilespmem:s6+$0xC640] =	vst v39;
	v38 =	vld [tilespmem:s25+$0x250]  }
0x5da: {  	[tilespmem:s2+$0x8040] =	vst v41;
	v39 =	vld [tilespmem:s4+$0x350]  }
0x5db: {  	[tilespmem:s30+$0xC240] =	vst v37;
	v41 =	vld [tilespmem:s25+$0xFFFFFC50]  }
0x5dc: {  	[tilespmem:s24+$0xC630] =	vst v40;
	v37 =	vld [tilespmem:s25+$0x50]  }
0x5dd: {  	[tilespmem:s26+$0xC240] =	vst v36;
	v40 =	vld [tilespmem:s4+$0x140]  }
0x5de: {  	v55 =	vld [tilespmem:s4+$0xFFFFFD50]  }
0x5df: {  	v34 =	vld.idx.msk [tilespmem:v34+s16+$0x0], $0xffff  }
0x5e0: {  	v43 =	vld.idx.msk [tilespmem:v43+s16+$0x0], $0xffff  }
0x5e1: {  	v38 =	vld.idx.msk [tilespmem:v38+s16+$0x0], $0xffff  }
0x5e2: {  	v39 =	vld.idx.msk [tilespmem:v39+s16+$0x0], $0xffff  }
0x5e3: {  	v41 =	vld.idx.msk [tilespmem:v41+s16+$0x0], $0xffff  }
0x5e4: {  	v56 =	vld.idx.msk [tilespmem:v37+s16+$0x0], $0xffff  }
0x5e5: {  	v54 =	vld.idx.msk [tilespmem:v40+s16+$0x0], $0xffff  }
0x5e6: {  	v40 =	vld.idx.msk [tilespmem:v55+s16+$0x0], $0xffff;
	[tilespmem:s28+$0xC250] =	vst v38  }
0x5e7: {  	[tilespmem:s6+$0xC650] =	vst v39;
	v38 =	vld [tilespmem:s25+$0x260]  }
0x5e8: {  	[tilespmem:s2+$0x8050] =	vst v41;
	v39 =	vld [tilespmem:s4+$0x360]  }
0x5e9: {  	[tilespmem:s30+$0xC250] =	vst v56;
	v41 =	vld [tilespmem:s25+$0xFFFFFC60]  }
0x5ea: {  	[tilespmem:s24+$0xC640] =	vst v54;
	v36 =	vld [tilespmem:s25+$0x60]  }
0x5eb: {  	[tilespmem:s26+$0xC250] =	vst v40;
	v57 =	vld [tilespmem:s4+$0x150]  }
0x5ec: {  	[tilespmem:s29+$0xC260] =	vst v42;
	v40 =	vld [tilespmem:s4+$0xFFFFFD60]  }
0x5ed: {  	v42 =	vld [tilespmem:s25+$0xFFFFFE70];
	[tilespmem:s23+$0xC650] =	vst v43  }
0x5ee: {  	v58 =	vld [tilespmem:s4+$0xFFFFFF60]  }
0x5ef: {  	v38 =	vld.idx.msk [tilespmem:v38+s16+$0x0], $0xffff  }
0x5f0: {  	v39 =	vld.idx.msk [tilespmem:v39+s16+$0x0], $0xffff  }
0x5f1: {  	v41 =	vld.idx.msk [tilespmem:v41+s16+$0x0], $0xffff  }
0x5f2: {  	v36 =	vld.idx.msk [tilespmem:v36+s16+$0x0], $0xffff  }
0x5f3: {  	v37 =	vld.idx.msk [tilespmem:v57+s16+$0x0], $0xffff  }
0x5f4: {  	v40 =	vld.idx.msk [tilespmem:v40+s16+$0x0], $0xffff;
	[tilespmem:s28+$0xC260] =	vst v38  }
0x5f5: {  	[tilespmem:s6+$0xC660] =	vst v39;
	v60 =	vld [tilespmem:s25+$0x270]  }
0x5f6: {  	[tilespmem:s2+$0x8060] =	vst v41;
	v39 =	vld [tilespmem:s4+$0x370]  }
0x5f7: {  	v62 =	vld [tilespmem:s25+$0xFFFFFC70]  }
0x5f8: {  	v42 =	vld.idx.msk [tilespmem:v42+s16+$0x0], $0xffff;
	[tilespmem:s30+$0xC260] =	vst v36  }
0x5f9: {  	v36 =	vld [tilespmem:s25+$0x70]  }
0x5fa: {  	[tilespmem:s24+$0xC650] =	vst v37;
	v37 =	vld.idx.msk [tilespmem:v58+s16+$0x0], $0xffff  }
0x5fb: {  	[tilespmem:s26+$0xC260] =	vst v40;
	v59 =	vld [tilespmem:s4+$0x160]  }
0x5fc: {  	v45 =	vld [tilespmem:s4+$0xFFFFFD70]  }
0x5fd: {  	v43 =	vld.idx.msk [tilespmem:v60+s16+$0x0], $0xffff  }
0x5fe: {  	v61 =	vld.idx.msk [tilespmem:v39+s16+$0x0], $0xffff  }
0x5ff: {  	v39 =	vld.idx.msk [tilespmem:v62+s16+$0x0], $0xffff  }
0x600: {  	v44 =	vld.idx.msk [tilespmem:v33+s16+$0x0], $0xffff;
	[tilespmem:s29+$0xC270] =	vst v42  }
0x601: {  	[tilespmem:s23+$0xC660] =	vst v37;
	v37 =	vld [tilespmem:s25+$0xFFFFFF00]  }
0x602: {  	[tilespmem:s17+$0xC670] =	vst v32;
	v63 =	vld.idx.msk [tilespmem:v36+s16+$0x0], $0xffff  }
0x603: {  	v38 =	vld.idx.msk [tilespmem:v59+s16+$0x0], $0xffff;
	[tilespmem:s28+$0xC270] =	vst v43  }
0x604: {  	[tilespmem:s2+$0x8070] =	vst v39;
	v39 =	vld [tilespmem:s25+$0x300]  }
0x605: {  	p0 =	por !p0, !p0;
	[tilespmem:s5+$0xC270] =	vst v35;
	v33 =	vld [tilespmem:s4+$0xFFFFFF70];
	s2 =	simm.s32 $0x1  }
0x606: {  	[tilespmem:s0+$0xC670] =	vst v44;
	v35 =	vld.idx.msk [tilespmem:v45+s16+$0x0], $0xffff;
	s2 =	simm.s32 @!p0 $0x0  }
0x607: {  	[tilespmem:s30+$0xC270] =	vst v63;
	v36 =	vld [tilespmem:s25+$0xFFFFFD00];
	s2 =	sshll.u32 s2, $0x9  }
0x608: {  	[tilespmem:s24+$0xC660] =	vst v38;
	v38 =	vld [tilespmem:s25+$0x100];
	s2 =	sadd.s32 $0x800, s2  }
0x609: {  	s5 =	simm.s32 $0x8;
	s0 =	simm.s32 $0x5E00;
	v32 =	vld [tilespmem:s4+$0x170];
	[tilespmem:s6+$0xC670] =	vst v61;
	s4 =	sor.u32 $0x8400, s2  }
.LBB2_14:
0x60a: {  	v40 =	vld [tilespmem:s0+$0x200]  }
0x60b: {  	v41 =	vld [tilespmem:s0+$0xFFFFFC00]  }
0x60c: {  	s5 =	sadd.s32 $0x4, s5;
	v39 =	vld.idx.msk [tilespmem:v39+s16+$0x0], $0xffff  }
0x60d: {  	p1 =	slt.u32 s5, $0x3C;
	v42 =	vld [tilespmem:s0+$0xFFFFFE00]  }
0x60e: {  	v43 =	vld [tilespmem:s0+$0x0];
	[tilespmem:s22+$0xC670] =	vst v34;
	s22 =	smov.u32 s24;
	s24 =	smov.u32 s30  }
0x60f: {  	v34 =	vld.idx.msk [tilespmem:v36+s16+$0x0], $0xffff;
	[tilespmem:s26+$0xC270] =	vst v35;
	s26 =	smov.u32 s4  }
0x610: {  	v35 =	vld.idx.msk [tilespmem:v37+s16+$0x0], $0xffff  }
0x611: {  	v36 =	vld.idx.msk [tilespmem:v38+s16+$0x0], $0xffff  }
0x612: {  	p0 =	por !p0, !p0;
	s2 =	simm.s32 $0x1;
	v37 =	vld.idx.msk [tilespmem:v40+s16+$0x0], $0xffff;
	[tilespmem:s28+$0xC600] =	vst v39  }
0x613: {  	s2 =	simm.s32 @!p0 $0x0;
	v38 =	vld [tilespmem:s25+$0x310]  }
0x614: {  	s1 =	sadd.s32 $0x200, s1;
	s31 =	sadd.s32 $0x400, s31;
	s4 =	sshll.u32 s2, $0x9;
	v39 =	vld.idx.msk [tilespmem:v41+s16+$0x0], $0xffff  }
0x615: {  	s3 =	sadd.s32 $0x8300, s31;
	s6 =	sadd.s32 $0x4180, s1;
	s2 =	sand.u32 $0x3800, s31;
	v40 =	vld.idx.msk [tilespmem:v42+s16+$0x0], $0xffff;
	[tilespmem:s26+$0xC200] =	vst v34  }
0x616: {  	s7 =	sand.u32 $0x200, s1;
	s3 =	sand.u32 $0xB800, s3;
	s6 =	sand.u32 $0x380, s6;
	v34 =	vld.idx.msk [tilespmem:v43+s16+$0x0], $0xffff;
	[tilespmem:s29+$0xC600] =	vst v35  }
0x617: {  	s8 =	sadd.s32 $0x8100, s31;
	s9 =	sadd.s32 $0x4080, s1;
	s6 =	sor.u32 s6, s3;
	v35 =	vld [tilespmem:s25+$0xFFFFFD10];
	[tilespmem:s24+$0xC600] =	vst v36  }
0x618: {  	s3 =	sadd.s32 $0x8200, s31;
	s2 =	sor.u32 s7, s2;
	s7 =	sadd.s32 $0x4100, s1;
	[tilespmem:s6+$0xC200] =	vst v37;
	v36 =	vld [tilespmem:s25+$0xFFFFFF10]  }
0x619: {  	s8 =	sand.u32 $0xB800, s8;
	s9 =	sand.u32 $0x280, s9;
	s10 =	sand.u32 $0xB800, s3;
	v37 =	vld [tilespmem:s0+$0x210]  }
0x61a: {  	s3 =	sor.u32 s9, s8;
	s2 =	sadd.s32 $0xC200, s2;
	s7 =	sand.u32 $0x300, s7;
	v41 =	vld [tilespmem:s25+$0x110]  }
0x61b: {  	s4 =	sadd.s32 s4, s31;
	s30 =	sor.u32 s7, s10;
	[tilespmem:s2+$0x8000] =	vst v39;
	v38 =	vld.idx.msk [tilespmem:v38+s16+$0x0], $0xffff  }
0x61c: {  	s4 =	sor.u32 $0x8400, s4;
	v39 =	vld [tilespmem:s0+$0xFFFFFC10];
	[tilespmem:s3+$0xC200] =	vst v40  }
0x61d: {  	v40 =	vld [tilespmem:s0+$0xFFFFFE10];
	[tilespmem:s30+$0xC200] =	vst v34  }
0x61e: {  	v34 =	vld [tilespmem:s0+$0x10]  }
0x61f: {  	v35 =	vld.idx.msk [tilespmem:v35+s16+$0x0], $0xffff  }
0x620: {  	v36 =	vld.idx.msk [tilespmem:v36+s16+$0x0], $0xffff  }
0x621: {  	v37 =	vld.idx.msk [tilespmem:v37+s16+$0x0], $0xffff;
	[tilespmem:s28+$0xC610] =	vst v38  }
0x622: {  	v38 =	vld [tilespmem:s25+$0x320]  }
0x623: {  	v41 =	vld.idx.msk [tilespmem:v41+s16+$0x0], $0xffff  }
0x624: {  	v39 =	vld.idx.msk [tilespmem:v39+s16+$0x0], $0xffff  }
0x625: {  	v40 =	vld.idx.msk [tilespmem:v40+s16+$0x0], $0xffff;
	[tilespmem:s26+$0xC210] =	vst v35  }
0x626: {  	v34 =	vld.idx.msk [tilespmem:v34+s16+$0x0], $0xffff;
	[tilespmem:s29+$0xC610] =	vst v36  }
0x627: {  	[tilespmem:s6+$0xC210] =	vst v37;
	v35 =	vld [tilespmem:s25+$0xFFFFFD20]  }
0x628: {  	v36 =	vld [tilespmem:s0+$0x220]  }
0x629: {  	v37 =	vld [tilespmem:s25+$0xFFFFFF20];
	[tilespmem:s24+$0xC610] =	vst v41  }
0x62a: {  	[tilespmem:s2+$0x8010] =	vst v39;
	v38 =	vld.idx.msk [tilespmem:v38+s16+$0x0], $0xffff  }
0x62b: {  	v39 =	vld [tilespmem:s0+$0xFFFFFC20];
	[tilespmem:s3+$0xC210] =	vst v40  }
0x62c: {  	v40 =	vld [tilespmem:s0+$0xFFFFFE20];
	[tilespmem:s30+$0xC210] =	vst v34  }
0x62d: {  	v34 =	vld [tilespmem:s0+$0x20]  }
0x62e: {  	v41 =	vld [tilespmem:s25+$0x120]  }
0x62f: {  	v35 =	vld.idx.msk [tilespmem:v35+s16+$0x0], $0xffff  }
0x630: {  	v36 =	vld.idx.msk [tilespmem:v36+s16+$0x0], $0xffff;
	[tilespmem:s28+$0xC620] =	vst v38  }
0x631: {  	v38 =	vld [tilespmem:s25+$0x330]  }
0x632: {  	v37 =	vld.idx.msk [tilespmem:v37+s16+$0x0], $0xffff  }
0x633: {  	v39 =	vld.idx.msk [tilespmem:v39+s16+$0x0], $0xffff  }
0x634: {  	v40 =	vld.idx.msk [tilespmem:v40+s16+$0x0], $0xffff  }
0x635: {  	v34 =	vld.idx.msk [tilespmem:v34+s16+$0x0], $0xffff;
	[tilespmem:s26+$0xC220] =	vst v35  }
0x636: {  	[tilespmem:s6+$0xC220] =	vst v36;
	v35 =	vld.idx.msk [tilespmem:v41+s16+$0x0], $0xffff  }
0x637: {  	v36 =	vld [tilespmem:s0+$0x230]  }
0x638: {  	v41 =	vld [tilespmem:s25+$0xFFFFFD30];
	[tilespmem:s29+$0xC620] =	vst v37  }
0x639: {  	[tilespmem:s2+$0x8020] =	vst v39;
	v37 =	vld.idx.msk [tilespmem:v38+s16+$0x0], $0xffff  }
0x63a: {  	v38 =	vld [tilespmem:s0+$0xFFFFFC30];
	[tilespmem:s3+$0xC220] =	vst v40  }
0x63b: {  	v39 =	vld [tilespmem:s0+$0xFFFFFE30];
	[tilespmem:s30+$0xC220] =	vst v34  }
0x63c: {  	v34 =	vld [tilespmem:s0+$0x30];
	[tilespmem:s24+$0xC620] =	vst v35  }
0x63d: {  	v35 =	vld [tilespmem:s25+$0xFFFFFF30]  }
0x63e: {  	v40 =	vld [tilespmem:s25+$0x130]  }
0x63f: {  	v36 =	vld.idx.msk [tilespmem:v36+s16+$0x0], $0xffff;
	[tilespmem:s28+$0xC630] =	vst v37  }
0x640: {  	v37 =	vld [tilespmem:s25+$0x340]  }
0x641: {  	v41 =	vld.idx.msk [tilespmem:v41+s16+$0x0], $0xffff  }
0x642: {  	v38 =	vld.idx.msk [tilespmem:v38+s16+$0x0], $0xffff  }
0x643: {  	v39 =	vld.idx.msk [tilespmem:v39+s16+$0x0], $0xffff  }
0x644: {  	v34 =	vld.idx.msk [tilespmem:v34+s16+$0x0], $0xffff  }
0x645: {  	[tilespmem:s6+$0xC230] =	vst v36;
	v35 =	vld.idx.msk [tilespmem:v35+s16+$0x0], $0xffff  }
0x646: {  	v36 =	vld [tilespmem:s0+$0x240]  }
0x647: {  	[tilespmem:s26+$0xC230] =	vst v41;
	v40 =	vld.idx.msk [tilespmem:v40+s16+$0x0], $0xffff  }
0x648: {  	[tilespmem:s2+$0x8030] =	vst v38;
	v37 =	vld.idx.msk [tilespmem:v37+s16+$0x0], $0xffff  }
0x649: {  	v38 =	vld [tilespmem:s0+$0xFFFFFC40];
	[tilespmem:s3+$0xC230] =	vst v39  }
0x64a: {  	v39 =	vld [tilespmem:s0+$0xFFFFFE40];
	[tilespmem:s30+$0xC230] =	vst v34  }
0x64b: {  	v34 =	vld [tilespmem:s0+$0x40];
	[tilespmem:s29+$0xC630] =	vst v35  }
0x64c: {  	v35 =	vld [tilespmem:s25+$0xFFFFFD40]  }
0x64d: {  	v41 =	vld [tilespmem:s25+$0xFFFFFF40];
	[tilespmem:s24+$0xC630] =	vst v40  }
0x64e: {  	v36 =	vld.idx.msk [tilespmem:v36+s16+$0x0], $0xffff;
	[tilespmem:s28+$0xC640] =	vst v37  }
0x64f: {  	v37 =	vld [tilespmem:s25+$0x350]  }
0x650: {  	v40 =	vld [tilespmem:s25+$0x140]  }
0x651: {  	v38 =	vld.idx.msk [tilespmem:v38+s16+$0x0], $0xffff  }
0x652: {  	v39 =	vld.idx.msk [tilespmem:v39+s16+$0x0], $0xffff  }
0x653: {  	v34 =	vld.idx.msk [tilespmem:v34+s16+$0x0], $0xffff  }
0x654: {  	[tilespmem:s6+$0xC240] =	vst v36;
	v35 =	vld.idx.msk [tilespmem:v35+s16+$0x0], $0xffff  }
0x655: {  	v36 =	vld [tilespmem:s0+$0x250]  }
0x656: {  	v41 =	vld.idx.msk [tilespmem:v41+s16+$0x0], $0xffff  }
0x657: {  	[tilespmem:s2+$0x8040] =	vst v38;
	v37 =	vld.idx.msk [tilespmem:v37+s16+$0x0], $0xffff  }
0x658: {  	v38 =	vld [tilespmem:s0+$0xFFFFFC50];
	[tilespmem:s3+$0xC240] =	vst v39  }
0x659: {  	v39 =	vld [tilespmem:s0+$0xFFFFFE50];
	[tilespmem:s30+$0xC240] =	vst v34  }
0x65a: {  	v34 =	vld [tilespmem:s0+$0x50];
	[tilespmem:s26+$0xC240] =	vst v35  }
0x65b: {  	v35 =	vld.idx.msk [tilespmem:v40+s16+$0x0], $0xffff  }
0x65c: {  	v40 =	vld [tilespmem:s25+$0xFFFFFD50];
	[tilespmem:s29+$0xC640] =	vst v41  }
0x65d: {  	v36 =	vld.idx.msk [tilespmem:v36+s16+$0x0], $0xffff;
	[tilespmem:s28+$0xC650] =	vst v37  }
0x65e: {  	v37 =	vld [tilespmem:s25+$0x360]  }
0x65f: {  	v41 =	vld [tilespmem:s25+$0xFFFFFF50]  }
0x660: {  	v38 =	vld.idx.msk [tilespmem:v38+s16+$0x0], $0xffff  }
0x661: {  	v39 =	vld.idx.msk [tilespmem:v39+s16+$0x0], $0xffff;
	[tilespmem:s24+$0xC640] =	vst v35  }
0x662: {  	v34 =	vld.idx.msk [tilespmem:v34+s16+$0x0], $0xffff  }
0x663: {  	[tilespmem:s6+$0xC250] =	vst v36;
	v35 =	vld [tilespmem:s25+$0x150]  }
0x664: {  	v36 =	vld [tilespmem:s0+$0x260]  }
0x665: {  	v40 =	vld.idx.msk [tilespmem:v40+s16+$0x0], $0xffff  }
0x666: {  	[tilespmem:s2+$0x8050] =	vst v38;
	v37 =	vld.idx.msk [tilespmem:v37+s16+$0x0], $0xffff  }
0x667: {  	v38 =	vld [tilespmem:s0+$0xFFFFFC60];
	[tilespmem:s3+$0xC250] =	vst v39  }
0x668: {  	v39 =	vld [tilespmem:s0+$0xFFFFFE60];
	[tilespmem:s30+$0xC250] =	vst v34  }
0x669: {  	v34 =	vld [tilespmem:s0+$0x60]  }
0x66a: {  	v41 =	vld.idx.msk [tilespmem:v41+s16+$0x0], $0xffff  }
0x66b: {  	[tilespmem:s26+$0xC250] =	vst v40;
	v35 =	vld.idx.msk [tilespmem:v35+s16+$0x0], $0xffff  }
0x66c: {  	v36 =	vld.idx.msk [tilespmem:v36+s16+$0x0], $0xffff;
	[tilespmem:s28+$0xC660] =	vst v37  }
0x66d: {  	v37 =	vld [tilespmem:s25+$0x370]  }
0x66e: {  	v40 =	vld [tilespmem:s25+$0xFFFFFD60]  }
0x66f: {  	v38 =	vld.idx.msk [tilespmem:v38+s16+$0x0], $0xffff  }
0x670: {  	v39 =	vld.idx.msk [tilespmem:v39+s16+$0x0], $0xffff;
	[tilespmem:s29+$0xC650] =	vst v41  }
0x671: {  	v34 =	vld.idx.msk [tilespmem:v34+s16+$0x0], $0xffff;
	[tilespmem:s24+$0xC650] =	vst v35  }
0x672: {  	v35 =	vld [tilespmem:s25+$0xFFFFFF60]  }
0x673: {  	[tilespmem:s6+$0xC260] =	vst v36;
	v36 =	vld [tilespmem:s25+$0x160]  }
0x674: {  	v41 =	vld [tilespmem:s0+$0x270]  }
0x675: {  	[tilespmem:s2+$0x8060] =	vst v38;
	v37 =	vld.idx.msk [tilespmem:v37+s16+$0x0], $0xffff  }
0x676: {  	v38 =	vld [tilespmem:s0+$0xFFFFFC70];
	[tilespmem:s3+$0xC260] =	vst v39  }
0x677: {  	v39 =	vld [tilespmem:s0+$0xFFFFFE70];
	[tilespmem:s30+$0xC260] =	vst v34  }
0x678: {  	v34 =	vld [tilespmem:s0+$0x70]  }
0x679: {  	v40 =	vld.idx.msk [tilespmem:v40+s16+$0x0], $0xffff  }
0x67a: {  	v35 =	vld.idx.msk [tilespmem:v35+s16+$0x0], $0xffff  }
0x67b: {  	v36 =	vld.idx.msk [tilespmem:v36+s16+$0x0], $0xffff;
	[tilespmem:s28+$0xC670] =	vst v37;
	s28 =	smov.u32 s6  }
0x67c: {  	v37 =	vld.idx.msk [tilespmem:v33+s16+$0x0], $0xffff  }
0x67d: {  	v41 =	vld.idx.msk [tilespmem:v41+s16+$0x0], $0xffff  }
0x67e: {  	v38 =	vld.idx.msk [tilespmem:v38+s16+$0x0], $0xffff  }
0x67f: {  	v42 =	vld.idx.msk [tilespmem:v39+s16+$0x0], $0xffff;
	[tilespmem:s26+$0xC260] =	vst v40  }
0x680: {  	v34 =	vld.idx.msk [tilespmem:v34+s16+$0x0], $0xffff;
	[tilespmem:s29+$0xC660] =	vst v35  }
0x681: {  	v35 =	vld [tilespmem:s25+$0xFFFFFD70];
	[tilespmem:s24+$0xC660] =	vst v36  }
0x682: {  	v33 =	vld [tilespmem:s25+$0xFFFFFF70];
	[tilespmem:s23+$0xC670] =	vst v37;
	s23 =	smov.u32 s29;
	s29 =	smov.u32 s3  }
0x683: {  	[tilespmem:s28+$0xC270] =	vst v41;
	v40 =	vld [tilespmem:s25+$0x170];
	s25 =	smov.u32 s0  }
0x684: {  	[tilespmem:s2+$0x8070] =	vst v38;
	v39 =	vld [tilespmem:s0+$0x300]  }
.Ltmp6:
0x685: {  	v36 =	vld [tilespmem:s0+$0xFFFFFD00];
	[tilespmem:s29+$0xC270] =	vst v42;
	(pc) =	sbr.rel @p1 .LBB2_14-.Ltmp6, $4  }
0x686: {  	v37 =	vld [tilespmem:s0+$0xFFFFFF00];
	[tilespmem:s30+$0xC270] =	vst v34  }
0x687: {  	v38 =	vld [tilespmem:s0+$0x100]  }
0x688: {  	v34 =	vld.idx.msk [tilespmem:v32+s16+$0x0], $0xffff;
	v32 =	vmov v40  }
0x689: {  	s0 =	sadd.s32 $0x800, s0;
	v35 =	vld.idx.msk [tilespmem:v35+s16+$0x0], $0xffff  }
0x68a: {  	_ =	sdelay $0x3  }
0x68b: {  	v39 =	vld.idx.msk [tilespmem:v39+s16+$0x0], $0xffff;
	_ =	sdelay $0x4  }
0x68c: {  	[tilespmem:s28+$0xC600] =	vst v39  }
0x68d: {  	v39 =	vld [tilespmem:s25+$0x310];
	_ =	sdelay $0x7  }
0x68e: {  	v39 =	vld.idx.msk [tilespmem:v39+s16+$0x0], $0xffff  }
0x68f: {  	v36 =	vld.idx.msk [tilespmem:v36+s16+$0x0], $0xffff  }
0x690: {  	v37 =	vld.idx.msk [tilespmem:v37+s16+$0x0], $0xffff  }
0x691: {  	v38 =	vld.idx.msk [tilespmem:v38+s16+$0x0], $0xffff;
	_ =	sdelay $0x1  }
0x692: {  	[tilespmem:s28+$0xC610] =	vst v39  }
0x693: {  	[tilespmem:s4+$0xC200] =	vst v36;
	v45 =	vld [tilespmem:s25+$0x320]  }
0x694: {  	[tilespmem:s29+$0xC600] =	vst v37;
	v46 =	vld [tilespmem:s25+$0xFFFFFD10]  }
0x695: {  	[tilespmem:s30+$0xC600] =	vst v38;
	v47 =	vld [tilespmem:s25+$0xFFFFFF10]  }
0x696: {  	v48 =	vld [tilespmem:s25+$0x110];
	_ =	sdelay $0x4  }
0x697: {  	v36 =	vld.idx.msk [tilespmem:v45+s16+$0x0], $0xffff  }
0x698: {  	v37 =	vld.idx.msk [tilespmem:v46+s16+$0x0], $0xffff  }
0x699: {  	v38 =	vld.idx.msk [tilespmem:v47+s16+$0x0], $0xffff  }
0x69a: {  	v39 =	vld.idx.msk [tilespmem:v48+s16+$0x0], $0xffff;
	_ =	sdelay $0x1  }
0x69b: {  	[tilespmem:s28+$0xC620] =	vst v36  }
0x69c: {  	[tilespmem:s4+$0xC210] =	vst v37;
	v36 =	vld [tilespmem:s25+$0x330]  }
0x69d: {  	[tilespmem:s29+$0xC610] =	vst v38;
	v37 =	vld [tilespmem:s25+$0xFFFFFD20]  }
0x69e: {  	v38 =	vld [tilespmem:s25+$0xFFFFFF20];
	[tilespmem:s30+$0xC610] =	vst v39  }
0x69f: {  	v39 =	vld [tilespmem:s25+$0x120];
	_ =	sdelay $0x4  }
0x6a0: {  	v36 =	vld.idx.msk [tilespmem:v36+s16+$0x0], $0xffff  }
0x6a1: {  	v37 =	vld.idx.msk [tilespmem:v37+s16+$0x0], $0xffff  }
0x6a2: {  	v38 =	vld.idx.msk [tilespmem:v38+s16+$0x0], $0xffff  }
0x6a3: {  	v39 =	vld.idx.msk [tilespmem:v39+s16+$0x0], $0xffff;
	_ =	sdelay $0x1  }
0x6a4: {  	[tilespmem:s28+$0xC630] =	vst v36  }
0x6a5: {  	[tilespmem:s4+$0xC220] =	vst v37;
	v36 =	vld [tilespmem:s25+$0x340]  }
0x6a6: {  	v37 =	vld [tilespmem:s25+$0xFFFFFD30];
	[tilespmem:s29+$0xC620] =	vst v38  }
0x6a7: {  	v38 =	vld [tilespmem:s25+$0xFFFFFF30];
	[tilespmem:s30+$0xC620] =	vst v39  }
0x6a8: {  	v39 =	vld [tilespmem:s25+$0x130];
	_ =	sdelay $0x4  }
0x6a9: {  	v36 =	vld.idx.msk [tilespmem:v36+s16+$0x0], $0xffff  }
0x6aa: {  	v37 =	vld.idx.msk [tilespmem:v37+s16+$0x0], $0xffff  }
0x6ab: {  	v38 =	vld.idx.msk [tilespmem:v38+s16+$0x0], $0xffff  }
0x6ac: {  	v39 =	vld.idx.msk [tilespmem:v39+s16+$0x0], $0xffff;
	_ =	sdelay $0x1  }
0x6ad: {  	[tilespmem:s28+$0xC640] =	vst v36  }
0x6ae: {  	[tilespmem:s4+$0xC230] =	vst v37;
	v36 =	vld [tilespmem:s25+$0x350]  }
0x6af: {  	[tilespmem:s29+$0xC630] =	vst v38;
	v37 =	vld [tilespmem:s25+$0xFFFFFD40]  }
0x6b0: {  	v38 =	vld [tilespmem:s25+$0xFFFFFF40];
	[tilespmem:s30+$0xC630] =	vst v39  }
0x6b1: {  	v39 =	vld [tilespmem:s25+$0x140];
	_ =	sdelay $0x4  }
0x6b2: {  	v36 =	vld.idx.msk [tilespmem:v36+s16+$0x0], $0xffff  }
0x6b3: {  	v37 =	vld.idx.msk [tilespmem:v37+s16+$0x0], $0xffff  }
0x6b4: {  	v38 =	vld.idx.msk [tilespmem:v38+s16+$0x0], $0xffff  }
0x6b5: {  	v39 =	vld.idx.msk [tilespmem:v39+s16+$0x0], $0xffff;
	_ =	sdelay $0x1  }
0x6b6: {  	[tilespmem:s28+$0xC650] =	vst v36  }
0x6b7: {  	[tilespmem:s4+$0xC240] =	vst v37;
	v36 =	vld [tilespmem:s25+$0x360]  }
0x6b8: {  	v37 =	vld [tilespmem:s25+$0xFFFFFD50];
	[tilespmem:s29+$0xC640] =	vst v38  }
0x6b9: {  	v38 =	vld [tilespmem:s25+$0xFFFFFF50];
	[tilespmem:s30+$0xC640] =	vst v39  }
0x6ba: {  	v39 =	vld [tilespmem:s25+$0x150];
	_ =	sdelay $0x4  }
0x6bb: {  	v36 =	vld.idx.msk [tilespmem:v36+s16+$0x0], $0xffff  }
0x6bc: {  	v37 =	vld.idx.msk [tilespmem:v37+s16+$0x0], $0xffff  }
0x6bd: {  	v38 =	vld.idx.msk [tilespmem:v38+s16+$0x0], $0xffff  }
0x6be: {  	v39 =	vld.idx.msk [tilespmem:v39+s16+$0x0], $0xffff;
	_ =	sdelay $0x1  }
0x6bf: {  	[tilespmem:s28+$0xC660] =	vst v36  }
0x6c0: {  	[tilespmem:s4+$0xC250] =	vst v37;
	v36 =	vld [tilespmem:s25+$0x370]  }
0x6c1: {  	v37 =	vld [tilespmem:s25+$0xFFFFFD60];
	[tilespmem:s29+$0xC650] =	vst v38  }
0x6c2: {  	v38 =	vld [tilespmem:s25+$0xFFFFFF60];
	[tilespmem:s30+$0xC650] =	vst v39  }
0x6c3: {  	v39 =	vld [tilespmem:s25+$0x160];
	_ =	sdelay $0x4  }
0x6c4: {  	v36 =	vld.idx.msk [tilespmem:v36+s16+$0x0], $0xffff  }
0x6c5: {  	v37 =	vld.idx.msk [tilespmem:v37+s16+$0x0], $0xffff  }
0x6c6: {  	v38 =	vld.idx.msk [tilespmem:v38+s16+$0x0], $0xffff  }
0x6c7: {  	[tilespmem:s22+$0xC670] =	vst v34;
	v49 =	vld.idx.msk [tilespmem:v39+s16+$0x0], $0xffff  }
0x6c8: {  	[tilespmem:s26+$0xC270] =	vst v35  }
0x6c9: {  	[tilespmem:s28+$0xC670] =	vst v36  }
0x6ca: {  	[tilespmem:s4+$0xC260] =	vst v37  }
0x6cb: {  	[tilespmem:s29+$0xC660] =	vst v38;
	v50 =	vld [tilespmem:s25+$0xFFFFFD70]  }
0x6cc: {  	[tilespmem:s30+$0xC660] =	vst v49;
	v51 =	vld [tilespmem:s25+$0xFFFFFF70]  }
0x6cd: {  	v52 =	vld [tilespmem:s25+$0x170];
	_ =	sdelay $0x3  }
0x6ce: {  	v33 =	vld.idx.msk [tilespmem:v33+s16+$0x0], $0xffff  }
0x6cf: {  	v32 =	vld.idx.msk [tilespmem:v32+s16+$0x0], $0xffff  }
0x6d0: {  	v35 =	vld.idx.msk [tilespmem:v50+s16+$0x0], $0xffff  }
0x6d1: {  	v34 =	vld.idx.msk [tilespmem:v51+s16+$0x0], $0xffff  }
0x6d2: {  	v36 =	vld.idx.msk [tilespmem:v52+s16+$0x0], $0xffff  }
0x6d3: {  	[tilespmem:s23+$0xC670] =	vst v33  }
0x6d4: {  	[tilespmem:s24+$0xC670] =	vst v32  }
0x6d5: {  	[tilespmem:s4+$0xC270] =	vst v35  }
0x6d6: {  	[tilespmem:s29+$0xC670] =	vst v34  }
0x6d7: {  	[tilespmem:s30+$0xC670] =	vst v36  }
0x6d8: {  	_ =	swait.ge [sflag:s14], $0x4000  }
0x6d9: {  	s1 =	sld [smem:$0x7FA]  }
0x6da: {  	[sflag:s14] =	ssyncset.done $0x0  }
0x6db: {  	s0 =	simm.s32 $0x0;
	s2 =	simm.s32 $0x14200;
	[sflag:s14] =	ssyncadd.s32 $0xFFFFC000  }
0x6dc: {  	[hbm4b:s1+s0] =	stream.linear.scatter [tilespmem:s2], [sflag:$0x1], $0x4000, $0x38;
	[tilespmem:$0x1C200] =	vst v63  }
0x6dd: {  	_ =	swait.ge [sflag:s13], $0x4000  }
0x6de: {  	[sflag:s13] =	ssyncset.done $0x0  }
0x6df: {  	s1 =	simm.s32 $0x4680;
	[sflag:s13] =	ssyncadd.s32 $0xFFFFC000  }
0x6e0: {  	v54 =	vld [tilespmem:s1+$0xFFFFFC00]  }
0x6e1: {  	v56 =	vld [tilespmem:s1+$0x0]  }
0x6e2: {  	v53 =	vld [tilespmem:s1+$0x200]  }
0x6e3: {  	v55 =	vld [tilespmem:s1+$0xFFFFFE00];
	_ =	sdelay $0x4  }
0x6e4: {  	s8 =	simm.s32 $0xC300;
	v33 =	vld.idx.msk [tilespmem:v54+s16+$0x0], $0xffff  }
0x6e5: {  	s12 =	simm.s32 $0xC200;
	s5 =	simm.s32 $0x6100;
	s9 =	sand.u32 $0x3800, s0;
	v35 =	vld.idx.msk [tilespmem:v56+s16+$0x0], $0xffff  }
0x6e6: {  	s18 =	sand.u32 $0x300, s5;
	s4 =	sand.u32 $0xF800, s12;
	s0 =	sand.u32 $0x200, s0;
	v32 =	vld.idx.msk [tilespmem:v53+s16+$0x0], $0xffff  }
0x6e7: {  	s22 =	sor.u32 s18, s4;
	s4 =	simm.s32 $0x4E80;
	s0 =	sor.u32 s0, s9;
	v34 =	vld.idx.msk [tilespmem:v55+s16+$0x0], $0xffff  }
0x6e8: {  	s3 =	simm.s32 $0x6180;
	s10 =	simm.s32 $0xC100;
	s15 =	sadd.s32 $0xC200, s0;
	v58 =	vld [tilespmem:s4+$0xFFFFFC00]  }
0x6e9: {  	s11 =	simm.s32 $0x6080;
	s3 =	sand.u32 $0x380, s3;
	s2 =	sand.u32 $0xF800, s8;
	v59 =	vld [tilespmem:s4+$0xFFFFFE00];
	[tilespmem:s15+$0xC000] =	vst v33  }
0x6ea: {  	s6 =	sand.u32 $0xF800, s10;
	s17 =	sor.u32 s3, s2;
	s3 =	sand.u32 $0x280, s11;
	[tilespmem:s22+$0xC200] =	vst v35;
	v33 =	vld [tilespmem:s1+$0xFFFFFC10]  }
0x6eb: {  	s0 =	sor.u32 s3, s6;
	[tilespmem:s17+$0xC200] =	vst v32;
	v35 =	vld [tilespmem:s1+$0x10]  }
0x6ec: {  	[tilespmem:s0+$0xC200] =	vst v34;
	v32 =	vld [tilespmem:s1+$0x210]  }
0x6ed: {  	v34 =	vld [tilespmem:s1+$0xFFFFFE10]  }
0x6ee: {  	p0 =	por $0x0, $0x0;
	s19 =	simm.s32 $0xC700;
	s2 =	simm.s32 $0x1  }
0x6ef: {  	s20 =	simm.s32 $0x6380;
	s21 =	simm.s32 $0x400;
	s2 =	simm.s32 @!p0 $0x0  }
0x6f0: {  	s7 =	simm.s32 $0x200;
	s25 =	simm.s32 $0x6280;
	s2 =	sshll.u32 s2, $0x9;
	v37 =	vld.idx.msk [tilespmem:v58+s16+$0x0], $0xffff  }
0x6f1: {  	s23 =	sand.u32 $0x200, s7;
	s8 =	sand.u32 $0x3800, s21;
	s2 =	sadd.s32 $0x0, s2;
	v38 =	vld.idx.msk [tilespmem:v59+s16+$0x0], $0xffff  }
0x6f2: {  	s3 =	sand.u32 $0x380, s20;
	s5 =	sor.u32 $0xC400, s2;
	s2 =	sand.u32 $0xF800, s19;
	v33 =	vld.idx.msk [tilespmem:v33+s16+$0x0], $0xffff  }
0x6f3: {  	s24 =	simm.s32 $0xC500;
	s6 =	sor.u32 s3, s2;
	s2 =	sor.u32 s23, s8;
	v35 =	vld.idx.msk [tilespmem:v35+s16+$0x0], $0xffff  }
0x6f4: {  	s7 =	sand.u32 $0x280, s25;
	s3 =	sand.u32 $0xF800, s24;
	s2 =	sadd.s32 $0xC200, s2;
	v32 =	vld.idx.msk [tilespmem:v32+s16+$0x0], $0xffff  }
0x6f5: {  	s23 =	sor.u32 s7, s3;
	[tilespmem:s2+$0xC000] =	vst v37;
	v34 =	vld.idx.msk [tilespmem:v34+s16+$0x0], $0xffff  }
0x6f6: {  	[tilespmem:s23+$0xC200] =	vst v38;
	v37 =	vld [tilespmem:s4+$0xFFFFFC10]  }
0x6f7: {  	v38 =	vld [tilespmem:s4+$0xFFFFFE10];
	[tilespmem:s15+$0xC010] =	vst v33  }
0x6f8: {  	[tilespmem:s22+$0xC210] =	vst v35;
	v33 =	vld [tilespmem:s1+$0xFFFFFC20]  }
0x6f9: {  	[tilespmem:s17+$0xC210] =	vst v32;
	v35 =	vld [tilespmem:s1+$0x20]  }
0x6fa: {  	[tilespmem:s0+$0xC210] =	vst v34;
	v32 =	vld [tilespmem:s1+$0x220]  }
0x6fb: {  	v34 =	vld [tilespmem:s1+$0xFFFFFE20];
	_ =	sdelay $0x2  }
0x6fc: {  	v37 =	vld.idx.msk [tilespmem:v37+s16+$0x0], $0xffff  }
0x6fd: {  	v38 =	vld.idx.msk [tilespmem:v38+s16+$0x0], $0xffff  }
0x6fe: {  	v33 =	vld.idx.msk [tilespmem:v33+s16+$0x0], $0xffff  }
0x6ff: {  	v35 =	vld.idx.msk [tilespmem:v35+s16+$0x0], $0xffff  }
0x700: {  	v32 =	vld.idx.msk [tilespmem:v32+s16+$0x0], $0xffff  }
0x701: {  	[tilespmem:s2+$0xC010] =	vst v37;
	v34 =	vld.idx.msk [tilespmem:v34+s16+$0x0], $0xffff  }
0x702: {  	[tilespmem:s23+$0xC210] =	vst v38;
	v37 =	vld [tilespmem:s4+$0xFFFFFC20]  }
0x703: {  	v38 =	vld [tilespmem:s4+$0xFFFFFE20];
	[tilespmem:s15+$0xC020] =	vst v33  }
0x704: {  	[tilespmem:s22+$0xC220] =	vst v35;
	v33 =	vld [tilespmem:s1+$0xFFFFFC30]  }
0x705: {  	[tilespmem:s17+$0xC220] =	vst v32;
	v35 =	vld [tilespmem:s1+$0x30]  }
0x706: {  	[tilespmem:s0+$0xC220] =	vst v34;
	v32 =	vld [tilespmem:s1+$0x230]  }
0x707: {  	v34 =	vld [tilespmem:s1+$0xFFFFFE30];
	_ =	sdelay $0x2  }
0x708: {  	v37 =	vld.idx.msk [tilespmem:v37+s16+$0x0], $0xffff  }
0x709: {  	v38 =	vld.idx.msk [tilespmem:v38+s16+$0x0], $0xffff  }
0x70a: {  	v33 =	vld.idx.msk [tilespmem:v33+s16+$0x0], $0xffff  }
0x70b: {  	v35 =	vld.idx.msk [tilespmem:v35+s16+$0x0], $0xffff  }
0x70c: {  	v32 =	vld.idx.msk [tilespmem:v32+s16+$0x0], $0xffff  }
0x70d: {  	[tilespmem:s2+$0xC020] =	vst v37;
	v34 =	vld.idx.msk [tilespmem:v34+s16+$0x0], $0xffff  }
0x70e: {  	[tilespmem:s23+$0xC220] =	vst v38;
	v37 =	vld [tilespmem:s4+$0xFFFFFC30]  }
0x70f: {  	v38 =	vld [tilespmem:s4+$0xFFFFFE30];
	[tilespmem:s15+$0xC030] =	vst v33  }
0x710: {  	[tilespmem:s22+$0xC230] =	vst v35;
	v33 =	vld [tilespmem:s1+$0xFFFFFC40]  }
0x711: {  	[tilespmem:s17+$0xC230] =	vst v32;
	v35 =	vld [tilespmem:s1+$0x40]  }
0x712: {  	[tilespmem:s0+$0xC230] =	vst v34;
	v32 =	vld [tilespmem:s1+$0x240]  }
0x713: {  	v34 =	vld [tilespmem:s1+$0xFFFFFE40];
	_ =	sdelay $0x2  }
0x714: {  	v37 =	vld.idx.msk [tilespmem:v37+s16+$0x0], $0xffff  }
0x715: {  	v38 =	vld.idx.msk [tilespmem:v38+s16+$0x0], $0xffff  }
0x716: {  	v33 =	vld.idx.msk [tilespmem:v33+s16+$0x0], $0xffff  }
0x717: {  	v35 =	vld.idx.msk [tilespmem:v35+s16+$0x0], $0xffff  }
0x718: {  	v32 =	vld.idx.msk [tilespmem:v32+s16+$0x0], $0xffff  }
0x719: {  	[tilespmem:s2+$0xC030] =	vst v37;
	v34 =	vld.idx.msk [tilespmem:v34+s16+$0x0], $0xffff  }
0x71a: {  	[tilespmem:s23+$0xC230] =	vst v38;
	v37 =	vld [tilespmem:s4+$0xFFFFFC40]  }
0x71b: {  	v38 =	vld [tilespmem:s4+$0xFFFFFE40];
	[tilespmem:s15+$0xC040] =	vst v33  }
0x71c: {  	[tilespmem:s22+$0xC240] =	vst v35;
	v33 =	vld [tilespmem:s1+$0xFFFFFC50]  }
0x71d: {  	[tilespmem:s17+$0xC240] =	vst v32;
	v35 =	vld [tilespmem:s1+$0x50]  }
0x71e: {  	[tilespmem:s0+$0xC240] =	vst v34;
	v32 =	vld [tilespmem:s1+$0x250]  }
0x71f: {  	v34 =	vld [tilespmem:s1+$0xFFFFFE50]  }
0x720: {  	v57 =	vld [tilespmem:s4+$0x200]  }
0x721: {  	v60 =	vld [tilespmem:s4+$0x0]  }
0x722: {  	v37 =	vld.idx.msk [tilespmem:v37+s16+$0x0], $0xffff  }
0x723: {  	v38 =	vld.idx.msk [tilespmem:v38+s16+$0x0], $0xffff  }
0x724: {  	v33 =	vld.idx.msk [tilespmem:v33+s16+$0x0], $0xffff  }
0x725: {  	v35 =	vld.idx.msk [tilespmem:v35+s16+$0x0], $0xffff  }
0x726: {  	v32 =	vld.idx.msk [tilespmem:v32+s16+$0x0], $0xffff  }
0x727: {  	[tilespmem:s2+$0xC040] =	vst v37;
	v34 =	vld.idx.msk [tilespmem:v34+s16+$0x0], $0xffff  }
0x728: {  	[tilespmem:s23+$0xC240] =	vst v38;
	v37 =	vld [tilespmem:s4+$0xFFFFFC50]  }
0x729: {  	v38 =	vld [tilespmem:s4+$0xFFFFFE50];
	[tilespmem:s15+$0xC050] =	vst v33  }
0x72a: {  	[tilespmem:s22+$0xC250] =	vst v35;
	v33 =	vld [tilespmem:s1+$0xFFFFFC60]  }
0x72b: {  	[tilespmem:s17+$0xC250] =	vst v32;
	v35 =	vld [tilespmem:s1+$0x60]  }
0x72c: {  	[tilespmem:s0+$0xC250] =	vst v34;
	v32 =	vld [tilespmem:s1+$0x260]  }
0x72d: {  	s25 =	simm.s32 $0x5680;
	v34 =	vld [tilespmem:s1+$0xFFFFFE60]  }
0x72e: {  	v41 =	vld [tilespmem:s25+$0xFFFFFC00]  }
0x72f: {  	v36 =	vld.idx.msk [tilespmem:v57+s16+$0x0], $0xffff  }
0x730: {  	v37 =	vld.idx.msk [tilespmem:v37+s16+$0x0], $0xffff  }
0x731: {  	v38 =	vld.idx.msk [tilespmem:v38+s16+$0x0], $0xffff  }
0x732: {  	v33 =	vld.idx.msk [tilespmem:v33+s16+$0x0], $0xffff  }
0x733: {  	v35 =	vld.idx.msk [tilespmem:v35+s16+$0x0], $0xffff  }
0x734: {  	v32 =	vld.idx.msk [tilespmem:v32+s16+$0x0], $0xffff  }
0x735: {  	[tilespmem:s2+$0xC050] =	vst v37;
	v34 =	vld.idx.msk [tilespmem:v34+s16+$0x0], $0xffff  }
0x736: {  	[tilespmem:s23+$0xC250] =	vst v38;
	v37 =	vld [tilespmem:s4+$0xFFFFFC60]  }
0x737: {  	v38 =	vld [tilespmem:s4+$0xFFFFFE60];
	[tilespmem:s15+$0xC060] =	vst v33  }
0x738: {  	[tilespmem:s22+$0xC260] =	vst v35;
	v33 =	vld [tilespmem:s1+$0xFFFFFC70]  }
0x739: {  	[tilespmem:s17+$0xC260] =	vst v32;
	v35 =	vld [tilespmem:s1+$0x70]  }
0x73a: {  	[tilespmem:s0+$0xC260] =	vst v34;
	v32 =	vld [tilespmem:s1+$0x270]  }
0x73b: {  	v34 =	vld [tilespmem:s1+$0xFFFFFE70]  }
0x73c: {  	v61 =	vld.idx.msk [tilespmem:v60+s16+$0x0], $0xffff  }
0x73d: {  	v58 =	vld [tilespmem:s25+$0x200]  }
0x73e: {  	v37 =	vld.idx.msk [tilespmem:v37+s16+$0x0], $0xffff  }
0x73f: {  	v38 =	vld.idx.msk [tilespmem:v38+s16+$0x0], $0xffff  }
0x740: {  	v33 =	vld.idx.msk [tilespmem:v33+s16+$0x0], $0xffff  }
0x741: {  	v35 =	vld.idx.msk [tilespmem:v35+s16+$0x0], $0xffff  }
0x742: {  	v32 =	vld.idx.msk [tilespmem:v32+s16+$0x0], $0xffff  }
0x743: {  	[tilespmem:s2+$0xC060] =	vst v37;
	v34 =	vld.idx.msk [tilespmem:v34+s16+$0x0], $0xffff  }
0x744: {  	[tilespmem:s23+$0xC260] =	vst v38;
	v37 =	vld [tilespmem:s4+$0xFFFFFC70]  }
0x745: {  	v38 =	vld [tilespmem:s4+$0xFFFFFE70];
	[tilespmem:s15+$0xC070] =	vst v33  }
0x746: {  	[tilespmem:s22+$0xC270] =	vst v35;
	v33 =	vld [tilespmem:s1+$0xFFFFFD00]  }
0x747: {  	[tilespmem:s17+$0xC270] =	vst v32;
	v35 =	vld [tilespmem:s1+$0x100]  }
0x748: {  	[tilespmem:s0+$0xC270] =	vst v34;
	v32 =	vld [tilespmem:s1+$0x300]  }
0x749: {  	v34 =	vld [tilespmem:s1+$0xFFFFFF00]  }
0x74a: {  	v41 =	vld.idx.msk [tilespmem:v41+s16+$0x0], $0xffff;
	[tilespmem:s6+$0xC200] =	vst v36  }
0x74b: {  	v42 =	vld [tilespmem:s4+$0x210]  }
0x74c: {  	v37 =	vld.idx.msk [tilespmem:v37+s16+$0x0], $0xffff  }
0x74d: {  	v38 =	vld.idx.msk [tilespmem:v38+s16+$0x0], $0xffff  }
0x74e: {  	v33 =	vld.idx.msk [tilespmem:v33+s16+$0x0], $0xffff  }
0x74f: {  	s26 =	simm.s32 $0xC600;
	s9 =	simm.s32 $0x6300;
	v35 =	vld.idx.msk [tilespmem:v35+s16+$0x0], $0xffff  }
0x750: {  	s8 =	sand.u32 $0xF800, s26;
	s7 =	sand.u32 $0x300, s9;
	v32 =	vld.idx.msk [tilespmem:v32+s16+$0x0], $0xffff  }
0x751: {  	s24 =	sor.u32 s7, s8;
	[tilespmem:s2+$0xC070] =	vst v37;
	v34 =	vld.idx.msk [tilespmem:v34+s16+$0x0], $0xffff  }
0x752: {  	[tilespmem:s24+$0xC200] =	vst v61;
	v37 =	vld [tilespmem:s4+$0xFFFFFD00]  }
0x753: {  	[tilespmem:s5+$0xC200] =	vst v33;
	v33 =	vld [tilespmem:s4+$0x10]  }
0x754: {  	[tilespmem:s22+$0xC600] =	vst v35;
	v35 =	vld.idx.msk [tilespmem:v42+s16+$0x0], $0xffff  }
0x755: {  	[tilespmem:s17+$0xC600] =	vst v32;
	v62 =	vld [tilespmem:s1+$0xFFFFFD10]  }
0x756: {  	[tilespmem:s0+$0xC600] =	vst v34;
	v32 =	vld [tilespmem:s1+$0x310]  }
0x757: {  	v63 =	vld [tilespmem:s1+$0xFFFFFF10]  }
0x758: {  	[tilespmem:s23+$0xC270] =	vst v38;
	v43 =	vld [tilespmem:s1+$0x110]  }
0x759: {  	v38 =	vld [tilespmem:s4+$0xFFFFFF00];
	[tilespmem:s6+$0xC210] =	vst v35  }
0x75a: {  	v35 =	vld [tilespmem:s4+$0x220]  }
0x75b: {  	v33 =	vld.idx.msk [tilespmem:v33+s16+$0x0], $0xffff  }
0x75c: {  	v42 =	vld [tilespmem:s25+$0xFFFFFE00]  }
0x75d: {  	v34 =	vld.idx.msk [tilespmem:v62+s16+$0x0], $0xffff  }
0x75e: {  	v32 =	vld.idx.msk [tilespmem:v32+s16+$0x0], $0xffff  }
0x75f: {  	v36 =	vld.idx.msk [tilespmem:v63+s16+$0x0], $0xffff  }
0x760: {  	v39 =	vld.idx.msk [tilespmem:v43+s16+$0x0], $0xffff;
	[tilespmem:s24+$0xC210] =	vst v33  }
0x761: {  	v33 =	vld [tilespmem:s4+$0x20]  }
0x762: {  	[tilespmem:s5+$0xC210] =	vst v34;
	v35 =	vld.idx.msk [tilespmem:v35+s16+$0x0], $0xffff  }
0x763: {  	[tilespmem:s17+$0xC610] =	vst v32;
	v34 =	vld [tilespmem:s1+$0xFFFFFD20]  }
0x764: {  	v32 =	vld [tilespmem:s1+$0x320]  }
0x765: {  	v42 =	vld.idx.msk [tilespmem:v42+s16+$0x0], $0xffff;
	[tilespmem:s0+$0xC610] =	vst v36  }
0x766: {  	[tilespmem:s22+$0xC610] =	vst v39;
	v36 =	vld [tilespmem:s1+$0xFFFFFF20]  }
0x767: {  	v39 =	vld [tilespmem:s1+$0x120];
	[tilespmem:s6+$0xC220] =	vst v35  }
0x768: {  	v45 =	vld [tilespmem:s4+$0x230]  }
0x769: {  	s18 =	simm.s32 $0x6480;
	s8 =	simm.s32 $0xCB00;
	s15 =	simm.s32 $0xC900;
	v33 =	vld.idx.msk [tilespmem:v33+s16+$0x0], $0xffff  }
0x76a: {  	s10 =	sand.u32 $0xF800, s8;
	s8 =	sand.u32 $0x280, s18;
	s3 =	sand.u32 $0xF800, s15;
	v37 =	vld.idx.msk [tilespmem:v37+s16+$0x0], $0xffff  }
0x76b: {  	s29 =	sor.u32 s8, s3;
	v34 =	vld.idx.msk [tilespmem:v34+s16+$0x0], $0xffff  }
0x76c: {  	[tilespmem:s29+$0xC200] =	vst v42;
	v32 =	vld.idx.msk [tilespmem:v32+s16+$0x0], $0xffff  }
0x76d: {  	v42 =	vld [tilespmem:s25+$0xFFFFFE10]  }
0x76e: {  	v36 =	vld.idx.msk [tilespmem:v36+s16+$0x0], $0xffff;
	[tilespmem:s24+$0xC220] =	vst v33  }
0x76f: {  	v33 =	vld [tilespmem:s4+$0x30]  }
0x770: {  	[tilespmem:s5+$0xC220] =	vst v34;
	v34 =	vld.idx.msk [tilespmem:v45+s16+$0x0], $0xffff  }
0x771: {  	v44 =	vld.idx.msk [tilespmem:v39+s16+$0x0], $0xffff;
	[tilespmem:s17+$0xC620] =	vst v32  }
0x772: {  	v32 =	vld [tilespmem:s1+$0x330]  }
0x773: {  	[tilespmem:s0+$0xC620] =	vst v36;
	v46 =	vld [tilespmem:s1+$0xFFFFFD30]  }
0x774: {  	v47 =	vld [tilespmem:s1+$0xFFFFFF30]  }
0x775: {  	v38 =	vld.idx.msk [tilespmem:v38+s16+$0x0], $0xffff;
	[tilespmem:s6+$0xC230] =	vst v34  }
0x776: {  	v50 =	vld [tilespmem:s4+$0x240]  }
0x777: {  	[tilespmem:s22+$0xC620] =	vst v44;
	v33 =	vld.idx.msk [tilespmem:v33+s16+$0x0], $0xffff  }
0x778: {  	v48 =	vld [tilespmem:s1+$0x130]  }
0x779: {  	v42 =	vld.idx.msk [tilespmem:v42+s16+$0x0], $0xffff  }
0x77a: {  	v32 =	vld.idx.msk [tilespmem:v32+s16+$0x0], $0xffff  }
0x77b: {  	v39 =	vld.idx.msk [tilespmem:v46+s16+$0x0], $0xffff  }
0x77c: {  	v49 =	vld.idx.msk [tilespmem:v47+s16+$0x0], $0xffff;
	[tilespmem:s24+$0xC230] =	vst v33  }
0x77d: {  	v33 =	vld [tilespmem:s4+$0x40]  }
0x77e: {  	[tilespmem:s29+$0xC210] =	vst v42;
	v35 =	vld.idx.msk [tilespmem:v50+s16+$0x0], $0xffff  }
0x77f: {  	v42 =	vld [tilespmem:s25+$0xFFFFFE20]  }
0x780: {  	v36 =	vld.idx.msk [tilespmem:v48+s16+$0x0], $0xffff;
	[tilespmem:s5+$0xC230] =	vst v39  }
0x781: {  	[tilespmem:s17+$0xC630] =	vst v32;
	v51 =	vld [tilespmem:s1+$0xFFFFFD40]  }
0x782: {  	[tilespmem:s0+$0xC630] =	vst v49;
	v32 =	vld [tilespmem:s1+$0x340]  }
0x783: {  	v52 =	vld [tilespmem:s1+$0xFFFFFF40];
	[tilespmem:s6+$0xC240] =	vst v35  }
0x784: {  	v35 =	vld [tilespmem:s4+$0x250]  }
0x785: {  	[tilespmem:s22+$0xC630] =	vst v36;
	v33 =	vld.idx.msk [tilespmem:v33+s16+$0x0], $0xffff  }
0x786: {  	[tilespmem:s23+$0xC600] =	vst v38;
	v36 =	vld [tilespmem:s1+$0x140]  }
0x787: {  	v61 =	vld [tilespmem:s4+$0xFFFFFF10]  }
0x788: {  	v42 =	vld.idx.msk [tilespmem:v42+s16+$0x0], $0xffff  }
0x789: {  	v34 =	vld.idx.msk [tilespmem:v51+s16+$0x0], $0xffff  }
0x78a: {  	v32 =	vld.idx.msk [tilespmem:v32+s16+$0x0], $0xffff;
	[tilespmem:s24+$0xC240] =	vst v33  }
0x78b: {  	v33 =	vld [tilespmem:s4+$0x50]  }
0x78c: {  	v35 =	vld.idx.msk [tilespmem:v35+s16+$0x0], $0xffff  }
0x78d: {  	v39 =	vld.idx.msk [tilespmem:v52+s16+$0x0], $0xffff  }
0x78e: {  	v53 =	vld.idx.msk [tilespmem:v36+s16+$0x0], $0xffff;
	[tilespmem:s5+$0xC240] =	vst v34  }
0x78f: {  	[tilespmem:s17+$0xC640] =	vst v32;
	v54 =	vld [tilespmem:s1+$0xFFFFFD50]  }
0x790: {  	[tilespmem:s29+$0xC220] =	vst v42;
	v32 =	vld [tilespmem:s1+$0x350]  }
0x791: {  	v42 =	vld [tilespmem:s25+$0xFFFFFE30];
	[tilespmem:s6+$0xC250] =	vst v35  }
0x792: {  	v35 =	vld [tilespmem:s4+$0x260]  }
0x793: {  	[tilespmem:s22+$0xC640] =	vst v53;
	v33 =	vld.idx.msk [tilespmem:v33+s16+$0x0], $0xffff  }
0x794: {  	v34 =	vld [tilespmem:s1+$0x150]  }
0x795: {  	v43 =	vld [tilespmem:s25+$0x0];
	[tilespmem:s0+$0xC640] =	vst v39  }
0x796: {  	v39 =	vld [tilespmem:s1+$0xFFFFFF50]  }
0x797: {  	v36 =	vld.idx.msk [tilespmem:v54+s16+$0x0], $0xffff  }
0x798: {  	v32 =	vld.idx.msk [tilespmem:v32+s16+$0x0], $0xffff;
	[tilespmem:s24+$0xC250] =	vst v33  }
0x799: {  	v33 =	vld [tilespmem:s4+$0x60]  }
0x79a: {  	v35 =	vld.idx.msk [tilespmem:v35+s16+$0x0], $0xffff  }
0x79b: {  	v42 =	vld.idx.msk [tilespmem:v42+s16+$0x0], $0xffff  }
0x79c: {  	v34 =	vld.idx.msk [tilespmem:v34+s16+$0x0], $0xffff;
	[tilespmem:s5+$0xC250] =	vst v36  }
0x79d: {  	v36 =	vld [tilespmem:s1+$0xFFFFFD60]  }
0x79e: {  	v39 =	vld.idx.msk [tilespmem:v39+s16+$0x0], $0xffff;
	[tilespmem:s17+$0xC650] =	vst v32  }
0x79f: {  	v32 =	vld [tilespmem:s1+$0x360];
	[tilespmem:s6+$0xC260] =	vst v35  }
0x7a0: {  	v57 =	vld [tilespmem:s4+$0x270]  }
0x7a1: {  	[tilespmem:s22+$0xC650] =	vst v34;
	v33 =	vld.idx.msk [tilespmem:v33+s16+$0x0], $0xffff  }
0x7a2: {  	[tilespmem:s29+$0xC230] =	vst v42;
	v56 =	vld [tilespmem:s1+$0x160]  }
0x7a3: {  	v42 =	vld [tilespmem:s25+$0xFFFFFE40];
	[tilespmem:s0+$0xC650] =	vst v39  }
0x7a4: {  	v55 =	vld [tilespmem:s1+$0xFFFFFF60]  }
0x7a5: {  	v36 =	vld.idx.msk [tilespmem:v36+s16+$0x0], $0xffff  }
0x7a6: {  	v59 =	vld.idx.msk [tilespmem:v43+s16+$0x0], $0xffff;
	[tilespmem:s24+$0xC260] =	vst v33  }
0x7a7: {  	v33 =	vld [tilespmem:s4+$0x70]  }
0x7a8: {  	v39 =	vld.idx.msk [tilespmem:v57+s16+$0x0], $0xffff  }
0x7a9: {  	v32 =	vld.idx.msk [tilespmem:v32+s16+$0x0], $0xffff  }
0x7aa: {  	v35 =	vld.idx.msk [tilespmem:v56+s16+$0x0], $0xffff;
	[tilespmem:s5+$0xC260] =	vst v36  }
0x7ab: {  	v36 =	vld [tilespmem:s1+$0xFFFFFD70]  }
0x7ac: {  	v34 =	vld.idx.msk [tilespmem:v55+s16+$0x0], $0xffff  }
0x7ad: {  	v42 =	vld.idx.msk [tilespmem:v42+s16+$0x0], $0xffff;
	[tilespmem:s6+$0xC270] =	vst v39  }
0x7ae: {  	v39 =	vld [tilespmem:s4+$0x300]  }
0x7af: {  	[tilespmem:s17+$0xC660] =	vst v32;
	v40 =	vld.idx.msk [tilespmem:v33+s16+$0x0], $0xffff  }
0x7b0: {  	[tilespmem:s22+$0xC660] =	vst v35;
	v32 =	vld [tilespmem:s1+$0x370]  }
0x7b1: {  	[tilespmem:s0+$0xC660] =	vst v34;
	v34 =	vld [tilespmem:s1+$0x170]  }
0x7b2: {  	v33 =	vld [tilespmem:s1+$0xFFFFFF70]  }
0x7b3: {  	p0 =	por !p0, !p0;
	s1 =	simm.s32 $0x1;
	v35 =	vld.idx.msk [tilespmem:v36+s16+$0x0], $0xffff  }
0x7b4: {  	s20 =	simm.s32 $0x6500;
	s19 =	simm.s32 $0xCA00;
	s1 =	simm.s32 @!p0 $0x0;
	v36 =	vld.idx.msk [tilespmem:v58+s16+$0x0], $0xffff;
	[tilespmem:s24+$0xC270] =	vst v40  }
0x7b5: {  	s21 =	sand.u32 $0x300, s20;
	s7 =	sand.u32 $0xF800, s19;
	s1 =	sshll.u32 s1, $0x9;
	v40 =	vld [tilespmem:s4+$0x100]  }
0x7b6: {  	s30 =	sor.u32 s21, s7;
	[tilespmem:s29+$0xC240] =	vst v42;
	s1 =	sadd.s32 $0x400, s1;
	v39 =	vld.idx.msk [tilespmem:v39+s16+$0x0], $0xffff  }
0x7b7: {  	s9 =	simm.s32 $0x6580;
	[tilespmem:s30+$0xC200] =	vst v59;
	v42 =	vld [tilespmem:s25+$0xFFFFFE50];
	s26 =	sor.u32 $0xC400, s1  }
0x7b8: {  	s31 =	simm.s32 $0x800;
	s2 =	sand.u32 $0x380, s9;
	s1 =	simm.s32 $0x400;
	[tilespmem:s26+$0xC200] =	vst v37;
	v37 =	vld [tilespmem:s25+$0x10]  }
0x7b9: {  	s11 =	sand.u32 $0x3800, s31;
	s28 =	sor.u32 s2, s10;
	s12 =	sand.u32 $0x200, s1;
	v60 =	vld [tilespmem:s4+$0xFFFFFD10]  }
0x7ba: {  	[tilespmem:s28+$0xC200] =	vst v36;
	s2 =	sor.u32 s12, s11;
	v36 =	vld.idx.msk [tilespmem:v61+s16+$0x0], $0xffff  }
0x7bb: {  	v62 =	vld [tilespmem:s25+$0x210];
	s2 =	sadd.s32 $0xC200, s2;
	[tilespmem:s6+$0xC600] =	vst v39  }
0x7bc: {  	[tilespmem:s2+$0xC000] =	vst v41;
	v39 =	vld [tilespmem:s4+$0x310]  }
0x7bd: {  	v41 =	vld [tilespmem:s25+$0xFFFFFC10]  }
0x7be: {  	v40 =	vld.idx.msk [tilespmem:v40+s16+$0x0], $0xffff  }
0x7bf: {  	v42 =	vld.idx.msk [tilespmem:v42+s16+$0x0], $0xffff  }
0x7c0: {  	[tilespmem:s23+$0xC610] =	vst v36;
	v37 =	vld.idx.msk [tilespmem:v37+s16+$0x0], $0xffff  }
0x7c1: {  	v46 =	vld [tilespmem:s4+$0xFFFFFF20]  }
0x7c2: {  	v38 =	vld.idx.msk [tilespmem:v60+s16+$0x0], $0xffff  }
0x7c3: {  	[tilespmem:s24+$0xC600] =	vst v40;
	v40 =	vld.idx.msk [tilespmem:v62+s16+$0x0], $0xffff  }
0x7c4: {  	v39 =	vld.idx.msk [tilespmem:v39+s16+$0x0], $0xffff  }
0x7c5: {  	v41 =	vld.idx.msk [tilespmem:v41+s16+$0x0], $0xffff;
	[tilespmem:s30+$0xC210] =	vst v37  }
0x7c6: {  	v37 =	vld [tilespmem:s25+$0x20]  }
0x7c7: {  	[tilespmem:s26+$0xC210] =	vst v38;
	v63 =	vld [tilespmem:s4+$0x110]  }
0x7c8: {  	v38 =	vld [tilespmem:s4+$0xFFFFFD20];
	[tilespmem:s28+$0xC210] =	vst v40  }
0x7c9: {  	[tilespmem:s6+$0xC610] =	vst v39;
	v45 =	vld [tilespmem:s25+$0x220]  }
0x7ca: {  	[tilespmem:s2+$0xC010] =	vst v41;
	v39 =	vld [tilespmem:s4+$0x320]  }
0x7cb: {  	[tilespmem:s29+$0xC250] =	vst v42;
	v41 =	vld [tilespmem:s25+$0xFFFFFC20]  }
0x7cc: {  	v42 =	vld [tilespmem:s25+$0xFFFFFE60]  }
0x7cd: {  	v40 =	vld.idx.msk [tilespmem:v46+s16+$0x0], $0xffff  }
0x7ce: {  	v37 =	vld.idx.msk [tilespmem:v37+s16+$0x0], $0xffff  }
0x7cf: {  	v43 =	vld.idx.msk [tilespmem:v63+s16+$0x0], $0xffff  }
0x7d0: {  	v38 =	vld.idx.msk [tilespmem:v38+s16+$0x0], $0xffff  }
0x7d1: {  	v36 =	vld.idx.msk [tilespmem:v45+s16+$0x0], $0xffff  }
0x7d2: {  	v39 =	vld.idx.msk [tilespmem:v39+s16+$0x0], $0xffff  }
0x7d3: {  	[tilespmem:s23+$0xC620] =	vst v40;
	v41 =	vld.idx.msk [tilespmem:v41+s16+$0x0], $0xffff  }
0x7d4: {  	v50 =	vld [tilespmem:s4+$0xFFFFFF30];
	[tilespmem:s30+$0xC220] =	vst v37  }
0x7d5: {  	[tilespmem:s24+$0xC610] =	vst v43;
	v37 =	vld [tilespmem:s25+$0x30]  }
0x7d6: {  	v43 =	vld [tilespmem:s4+$0x120];
	[tilespmem:s28+$0xC220] =	vst v36  }
0x7d7: {  	[tilespmem:s6+$0xC620] =	vst v39;
	v48 =	vld [tilespmem:s25+$0x230]  }
0x7d8: {  	[tilespmem:s2+$0xC020] =	vst v41;
	v39 =	vld [tilespmem:s4+$0x330]  }
0x7d9: {  	[tilespmem:s26+$0xC220] =	vst v38;
	v41 =	vld [tilespmem:s25+$0xFFFFFC30]  }
0x7da: {  	v49 =	vld [tilespmem:s4+$0xFFFFFD30]  }
0x7db: {  	v42 =	vld.idx.msk [tilespmem:v42+s16+$0x0], $0xffff  }
0x7dc: {  	v36 =	vld.idx.msk [tilespmem:v50+s16+$0x0], $0xffff  }
0x7dd: {  	v37 =	vld.idx.msk [tilespmem:v37+s16+$0x0], $0xffff  }
0x7de: {  	v47 =	vld.idx.msk [tilespmem:v43+s16+$0x0], $0xffff  }
0x7df: {  	v38 =	vld.idx.msk [tilespmem:v48+s16+$0x0], $0xffff  }
0x7e0: {  	v39 =	vld.idx.msk [tilespmem:v39+s16+$0x0], $0xffff  }
0x7e1: {  	v41 =	vld.idx.msk [tilespmem:v41+s16+$0x0], $0xffff  }
0x7e2: {  	v43 =	vld.idx.msk [tilespmem:v49+s16+$0x0], $0xffff;
	[tilespmem:s23+$0xC630] =	vst v36  }
0x7e3: {  	v53 =	vld [tilespmem:s4+$0xFFFFFF40];
	[tilespmem:s30+$0xC230] =	vst v37  }
0x7e4: {  	v37 =	vld [tilespmem:s25+$0x40];
	[tilespmem:s28+$0xC230] =	vst v38  }
0x7e5: {  	[tilespmem:s6+$0xC630] =	vst v39;
	v38 =	vld [tilespmem:s25+$0x240]  }
0x7e6: {  	[tilespmem:s2+$0xC030] =	vst v41;
	v39 =	vld [tilespmem:s4+$0x340]  }
0x7e7: {  	[tilespmem:s24+$0xC620] =	vst v47;
	v41 =	vld [tilespmem:s25+$0xFFFFFC40]  }
0x7e8: {  	[tilespmem:s26+$0xC230] =	vst v43;
	v51 =	vld [tilespmem:s4+$0x130]  }
0x7e9: {  	v52 =	vld [tilespmem:s4+$0xFFFFFD40]  }
0x7ea: {  	v32 =	vld.idx.msk [tilespmem:v32+s16+$0x0], $0xffff  }
0x7eb: {  	v43 =	vld.idx.msk [tilespmem:v53+s16+$0x0], $0xffff  }
0x7ec: {  	v37 =	vld.idx.msk [tilespmem:v37+s16+$0x0], $0xffff  }
0x7ed: {  	v38 =	vld.idx.msk [tilespmem:v38+s16+$0x0], $0xffff  }
0x7ee: {  	v39 =	vld.idx.msk [tilespmem:v39+s16+$0x0], $0xffff  }
0x7ef: {  	v41 =	vld.idx.msk [tilespmem:v41+s16+$0x0], $0xffff  }
0x7f0: {  	v40 =	vld.idx.msk [tilespmem:v51+s16+$0x0], $0xffff  }
0x7f1: {  	v36 =	vld.idx.msk [tilespmem:v52+s16+$0x0], $0xffff;
	[tilespmem:s23+$0xC640] =	vst v43  }
0x7f2: {  	v43 =	vld [tilespmem:s4+$0xFFFFFF50];
	[tilespmem:s28+$0xC240] =	vst v38  }
0x7f3: {  	[tilespmem:s6+$0xC640] =	vst v39;
	v38 =	vld [tilespmem:s25+$0x250]  }
0x7f4: {  	[tilespmem:s2+$0xC040] =	vst v41;
	v39 =	vld [tilespmem:s4+$0x350]  }
0x7f5: {  	[tilespmem:s30+$0xC240] =	vst v37;
	v41 =	vld [tilespmem:s25+$0xFFFFFC50]  }
0x7f6: {  	[tilespmem:s24+$0xC630] =	vst v40;
	v37 =	vld [tilespmem:s25+$0x50]  }
0x7f7: {  	[tilespmem:s26+$0xC240] =	vst v36;
	v40 =	vld [tilespmem:s4+$0x140]  }
0x7f8: {  	v55 =	vld [tilespmem:s4+$0xFFFFFD50]  }
0x7f9: {  	v34 =	vld.idx.msk [tilespmem:v34+s16+$0x0], $0xffff  }
0x7fa: {  	v43 =	vld.idx.msk [tilespmem:v43+s16+$0x0], $0xffff  }
0x7fb: {  	v38 =	vld.idx.msk [tilespmem:v38+s16+$0x0], $0xffff  }
0x7fc: {  	v39 =	vld.idx.msk [tilespmem:v39+s16+$0x0], $0xffff  }
0x7fd: {  	v41 =	vld.idx.msk [tilespmem:v41+s16+$0x0], $0xffff  }
0x7fe: {  	v56 =	vld.idx.msk [tilespmem:v37+s16+$0x0], $0xffff  }
0x7ff: {  	v54 =	vld.idx.msk [tilespmem:v40+s16+$0x0], $0xffff  }
0x800: {  	v40 =	vld.idx.msk [tilespmem:v55+s16+$0x0], $0xffff;
	[tilespmem:s28+$0xC250] =	vst v38  }
0x801: {  	[tilespmem:s6+$0xC650] =	vst v39;
	v38 =	vld [tilespmem:s25+$0x260]  }
0x802: {  	[tilespmem:s2+$0xC050] =	vst v41;
	v39 =	vld [tilespmem:s4+$0x360]  }
0x803: {  	[tilespmem:s30+$0xC250] =	vst v56;
	v41 =	vld [tilespmem:s25+$0xFFFFFC60]  }
0x804: {  	[tilespmem:s24+$0xC640] =	vst v54;
	v36 =	vld [tilespmem:s25+$0x60]  }
0x805: {  	[tilespmem:s26+$0xC250] =	vst v40;
	v57 =	vld [tilespmem:s4+$0x150]  }
0x806: {  	[tilespmem:s29+$0xC260] =	vst v42;
	v40 =	vld [tilespmem:s4+$0xFFFFFD60]  }
0x807: {  	v42 =	vld [tilespmem:s25+$0xFFFFFE70];
	[tilespmem:s23+$0xC650] =	vst v43  }
0x808: {  	v58 =	vld [tilespmem:s4+$0xFFFFFF60]  }
0x809: {  	v38 =	vld.idx.msk [tilespmem:v38+s16+$0x0], $0xffff  }
0x80a: {  	v39 =	vld.idx.msk [tilespmem:v39+s16+$0x0], $0xffff  }
0x80b: {  	v41 =	vld.idx.msk [tilespmem:v41+s16+$0x0], $0xffff  }
0x80c: {  	v36 =	vld.idx.msk [tilespmem:v36+s16+$0x0], $0xffff  }
0x80d: {  	v37 =	vld.idx.msk [tilespmem:v57+s16+$0x0], $0xffff  }
0x80e: {  	v40 =	vld.idx.msk [tilespmem:v40+s16+$0x0], $0xffff;
	[tilespmem:s28+$0xC260] =	vst v38  }
0x80f: {  	[tilespmem:s6+$0xC660] =	vst v39;
	v60 =	vld [tilespmem:s25+$0x270]  }
0x810: {  	[tilespmem:s2+$0xC060] =	vst v41;
	v39 =	vld [tilespmem:s4+$0x370]  }
0x811: {  	v62 =	vld [tilespmem:s25+$0xFFFFFC70]  }
0x812: {  	v42 =	vld.idx.msk [tilespmem:v42+s16+$0x0], $0xffff;
	[tilespmem:s30+$0xC260] =	vst v36  }
0x813: {  	v36 =	vld [tilespmem:s25+$0x70]  }
0x814: {  	[tilespmem:s24+$0xC650] =	vst v37;
	v37 =	vld.idx.msk [tilespmem:v58+s16+$0x0], $0xffff  }
0x815: {  	[tilespmem:s26+$0xC260] =	vst v40;
	v59 =	vld [tilespmem:s4+$0x160]  }
0x816: {  	v45 =	vld [tilespmem:s4+$0xFFFFFD70]  }
0x817: {  	v43 =	vld.idx.msk [tilespmem:v60+s16+$0x0], $0xffff  }
0x818: {  	v61 =	vld.idx.msk [tilespmem:v39+s16+$0x0], $0xffff  }
0x819: {  	v39 =	vld.idx.msk [tilespmem:v62+s16+$0x0], $0xffff  }
0x81a: {  	v44 =	vld.idx.msk [tilespmem:v33+s16+$0x0], $0xffff;
	[tilespmem:s29+$0xC270] =	vst v42  }
0x81b: {  	[tilespmem:s23+$0xC660] =	vst v37;
	v37 =	vld [tilespmem:s25+$0xFFFFFF00]  }
0x81c: {  	[tilespmem:s17+$0xC670] =	vst v32;
	v63 =	vld.idx.msk [tilespmem:v36+s16+$0x0], $0xffff  }
0x81d: {  	v38 =	vld.idx.msk [tilespmem:v59+s16+$0x0], $0xffff;
	[tilespmem:s28+$0xC270] =	vst v43  }
0x81e: {  	[tilespmem:s2+$0xC070] =	vst v39;
	v39 =	vld [tilespmem:s25+$0x300]  }
0x81f: {  	p0 =	por !p0, !p0;
	[tilespmem:s5+$0xC270] =	vst v35;
	v33 =	vld [tilespmem:s4+$0xFFFFFF70];
	s2 =	simm.s32 $0x1  }
0x820: {  	[tilespmem:s0+$0xC670] =	vst v44;
	v35 =	vld.idx.msk [tilespmem:v45+s16+$0x0], $0xffff;
	s2 =	simm.s32 @!p0 $0x0  }
0x821: {  	[tilespmem:s30+$0xC270] =	vst v63;
	v36 =	vld [tilespmem:s25+$0xFFFFFD00];
	s2 =	sshll.u32 s2, $0x9  }
0x822: {  	[tilespmem:s24+$0xC660] =	vst v38;
	v38 =	vld [tilespmem:s25+$0x100];
	s2 =	sadd.s32 $0x800, s2  }
0x823: {  	s5 =	simm.s32 $0x8;
	s0 =	simm.s32 $0x5E80;
	v32 =	vld [tilespmem:s4+$0x170];
	[tilespmem:s6+$0xC670] =	vst v61;
	s4 =	sor.u32 $0xC400, s2  }
.LBB2_16:
0x824: {  	v40 =	vld [tilespmem:s0+$0x200]  }
0x825: {  	v41 =	vld [tilespmem:s0+$0xFFFFFC00]  }
0x826: {  	s5 =	sadd.s32 $0x4, s5;
	v39 =	vld.idx.msk [tilespmem:v39+s16+$0x0], $0xffff  }
0x827: {  	p1 =	slt.u32 s5, $0x3C;
	v42 =	vld [tilespmem:s0+$0xFFFFFE00]  }
0x828: {  	v43 =	vld [tilespmem:s0+$0x0];
	[tilespmem:s22+$0xC670] =	vst v34;
	s22 =	smov.u32 s24;
	s24 =	smov.u32 s30  }
0x829: {  	v34 =	vld.idx.msk [tilespmem:v36+s16+$0x0], $0xffff;
	[tilespmem:s26+$0xC270] =	vst v35;
	s26 =	smov.u32 s4  }
0x82a: {  	v35 =	vld.idx.msk [tilespmem:v37+s16+$0x0], $0xffff  }
0x82b: {  	v36 =	vld.idx.msk [tilespmem:v38+s16+$0x0], $0xffff  }
0x82c: {  	p0 =	por !p0, !p0;
	s2 =	simm.s32 $0x1;
	v37 =	vld.idx.msk [tilespmem:v40+s16+$0x0], $0xffff;
	[tilespmem:s28+$0xC600] =	vst v39  }
0x82d: {  	s2 =	simm.s32 @!p0 $0x0;
	v38 =	vld [tilespmem:s25+$0x310]  }
0x82e: {  	s1 =	sadd.s32 $0x200, s1;
	s31 =	sadd.s32 $0x400, s31;
	s4 =	sshll.u32 s2, $0x9;
	v39 =	vld.idx.msk [tilespmem:v41+s16+$0x0], $0xffff  }
0x82f: {  	s3 =	sadd.s32 $0xC300, s31;
	s6 =	sadd.s32 $0x6180, s1;
	s2 =	sand.u32 $0x3800, s31;
	v40 =	vld.idx.msk [tilespmem:v42+s16+$0x0], $0xffff;
	[tilespmem:s26+$0xC200] =	vst v34  }
0x830: {  	s7 =	sand.u32 $0x200, s1;
	s3 =	sand.u32 $0xF800, s3;
	s6 =	sand.u32 $0x380, s6;
	v34 =	vld.idx.msk [tilespmem:v43+s16+$0x0], $0xffff;
	[tilespmem:s29+$0xC600] =	vst v35  }
0x831: {  	s8 =	sadd.s32 $0xC100, s31;
	s9 =	sadd.s32 $0x6080, s1;
	s6 =	sor.u32 s6, s3;
	v35 =	vld [tilespmem:s25+$0xFFFFFD10];
	[tilespmem:s24+$0xC600] =	vst v36  }
0x832: {  	s3 =	sadd.s32 $0xC200, s31;
	s2 =	sor.u32 s7, s2;
	s7 =	sadd.s32 $0x6100, s1;
	[tilespmem:s6+$0xC200] =	vst v37;
	v36 =	vld [tilespmem:s25+$0xFFFFFF10]  }
0x833: {  	s8 =	sand.u32 $0xF800, s8;
	s9 =	sand.u32 $0x280, s9;
	s10 =	sand.u32 $0xF800, s3;
	v37 =	vld [tilespmem:s0+$0x210]  }
0x834: {  	s3 =	sor.u32 s9, s8;
	s2 =	sadd.s32 $0xC200, s2;
	s7 =	sand.u32 $0x300, s7;
	v41 =	vld [tilespmem:s25+$0x110]  }
0x835: {  	s4 =	sadd.s32 s4, s31;
	s30 =	sor.u32 s7, s10;
	[tilespmem:s2+$0xC000] =	vst v39;
	v38 =	vld.idx.msk [tilespmem:v38+s16+$0x0], $0xffff  }
0x836: {  	s4 =	sor.u32 $0xC400, s4;
	v39 =	vld [tilespmem:s0+$0xFFFFFC10];
	[tilespmem:s3+$0xC200] =	vst v40  }
0x837: {  	v40 =	vld [tilespmem:s0+$0xFFFFFE10];
	[tilespmem:s30+$0xC200] =	vst v34  }
0x838: {  	v34 =	vld [tilespmem:s0+$0x10]  }
0x839: {  	v35 =	vld.idx.msk [tilespmem:v35+s16+$0x0], $0xffff  }
0x83a: {  	v36 =	vld.idx.msk [tilespmem:v36+s16+$0x0], $0xffff  }
0x83b: {  	v37 =	vld.idx.msk [tilespmem:v37+s16+$0x0], $0xffff;
	[tilespmem:s28+$0xC610] =	vst v38  }
0x83c: {  	v38 =	vld [tilespmem:s25+$0x320]  }
0x83d: {  	v41 =	vld.idx.msk [tilespmem:v41+s16+$0x0], $0xffff  }
0x83e: {  	v39 =	vld.idx.msk [tilespmem:v39+s16+$0x0], $0xffff  }
0x83f: {  	v40 =	vld.idx.msk [tilespmem:v40+s16+$0x0], $0xffff;
	[tilespmem:s26+$0xC210] =	vst v35  }
0x840: {  	v34 =	vld.idx.msk [tilespmem:v34+s16+$0x0], $0xffff;
	[tilespmem:s29+$0xC610] =	vst v36  }
0x841: {  	[tilespmem:s6+$0xC210] =	vst v37;
	v35 =	vld [tilespmem:s25+$0xFFFFFD20]  }
0x842: {  	v36 =	vld [tilespmem:s0+$0x220]  }
0x843: {  	v37 =	vld [tilespmem:s25+$0xFFFFFF20];
	[tilespmem:s24+$0xC610] =	vst v41  }
0x844: {  	[tilespmem:s2+$0xC010] =	vst v39;
	v38 =	vld.idx.msk [tilespmem:v38+s16+$0x0], $0xffff  }
0x845: {  	v39 =	vld [tilespmem:s0+$0xFFFFFC20];
	[tilespmem:s3+$0xC210] =	vst v40  }
0x846: {  	v40 =	vld [tilespmem:s0+$0xFFFFFE20];
	[tilespmem:s30+$0xC210] =	vst v34  }
0x847: {  	v34 =	vld [tilespmem:s0+$0x20]  }
0x848: {  	v41 =	vld [tilespmem:s25+$0x120]  }
0x849: {  	v35 =	vld.idx.msk [tilespmem:v35+s16+$0x0], $0xffff  }
0x84a: {  	v36 =	vld.idx.msk [tilespmem:v36+s16+$0x0], $0xffff;
	[tilespmem:s28+$0xC620] =	vst v38  }
0x84b: {  	v38 =	vld [tilespmem:s25+$0x330]  }
0x84c: {  	v37 =	vld.idx.msk [tilespmem:v37+s16+$0x0], $0xffff  }
0x84d: {  	v39 =	vld.idx.msk [tilespmem:v39+s16+$0x0], $0xffff  }
0x84e: {  	v40 =	vld.idx.msk [tilespmem:v40+s16+$0x0], $0xffff  }
0x84f: {  	v34 =	vld.idx.msk [tilespmem:v34+s16+$0x0], $0xffff;
	[tilespmem:s26+$0xC220] =	vst v35  }
0x850: {  	[tilespmem:s6+$0xC220] =	vst v36;
	v35 =	vld.idx.msk [tilespmem:v41+s16+$0x0], $0xffff  }
0x851: {  	v36 =	vld [tilespmem:s0+$0x230]  }
0x852: {  	v41 =	vld [tilespmem:s25+$0xFFFFFD30];
	[tilespmem:s29+$0xC620] =	vst v37  }
0x853: {  	[tilespmem:s2+$0xC020] =	vst v39;
	v37 =	vld.idx.msk [tilespmem:v38+s16+$0x0], $0xffff  }
0x854: {  	v38 =	vld [tilespmem:s0+$0xFFFFFC30];
	[tilespmem:s3+$0xC220] =	vst v40  }
0x855: {  	v39 =	vld [tilespmem:s0+$0xFFFFFE30];
	[tilespmem:s30+$0xC220] =	vst v34  }
0x856: {  	v34 =	vld [tilespmem:s0+$0x30];
	[tilespmem:s24+$0xC620] =	vst v35  }
0x857: {  	v35 =	vld [tilespmem:s25+$0xFFFFFF30]  }
0x858: {  	v40 =	vld [tilespmem:s25+$0x130]  }
0x859: {  	v36 =	vld.idx.msk [tilespmem:v36+s16+$0x0], $0xffff;
	[tilespmem:s28+$0xC630] =	vst v37  }
0x85a: {  	v37 =	vld [tilespmem:s25+$0x340]  }
0x85b: {  	v41 =	vld.idx.msk [tilespmem:v41+s16+$0x0], $0xffff  }
0x85c: {  	v38 =	vld.idx.msk [tilespmem:v38+s16+$0x0], $0xffff  }
0x85d: {  	v39 =	vld.idx.msk [tilespmem:v39+s16+$0x0], $0xffff  }
0x85e: {  	v34 =	vld.idx.msk [tilespmem:v34+s16+$0x0], $0xffff  }
0x85f: {  	[tilespmem:s6+$0xC230] =	vst v36;
	v35 =	vld.idx.msk [tilespmem:v35+s16+$0x0], $0xffff  }
0x860: {  	v36 =	vld [tilespmem:s0+$0x240]  }
0x861: {  	[tilespmem:s26+$0xC230] =	vst v41;
	v40 =	vld.idx.msk [tilespmem:v40+s16+$0x0], $0xffff  }
0x862: {  	[tilespmem:s2+$0xC030] =	vst v38;
	v37 =	vld.idx.msk [tilespmem:v37+s16+$0x0], $0xffff  }
0x863: {  	v38 =	vld [tilespmem:s0+$0xFFFFFC40];
	[tilespmem:s3+$0xC230] =	vst v39  }
0x864: {  	v39 =	vld [tilespmem:s0+$0xFFFFFE40];
	[tilespmem:s30+$0xC230] =	vst v34  }
0x865: {  	v34 =	vld [tilespmem:s0+$0x40];
	[tilespmem:s29+$0xC630] =	vst v35  }
0x866: {  	v35 =	vld [tilespmem:s25+$0xFFFFFD40]  }
0x867: {  	v41 =	vld [tilespmem:s25+$0xFFFFFF40];
	[tilespmem:s24+$0xC630] =	vst v40  }
0x868: {  	v36 =	vld.idx.msk [tilespmem:v36+s16+$0x0], $0xffff;
	[tilespmem:s28+$0xC640] =	vst v37  }
0x869: {  	v37 =	vld [tilespmem:s25+$0x350]  }
0x86a: {  	v40 =	vld [tilespmem:s25+$0x140]  }
0x86b: {  	v38 =	vld.idx.msk [tilespmem:v38+s16+$0x0], $0xffff  }
0x86c: {  	v39 =	vld.idx.msk [tilespmem:v39+s16+$0x0], $0xffff  }
0x86d: {  	v34 =	vld.idx.msk [tilespmem:v34+s16+$0x0], $0xffff  }
0x86e: {  	[tilespmem:s6+$0xC240] =	vst v36;
	v35 =	vld.idx.msk [tilespmem:v35+s16+$0x0], $0xffff  }
0x86f: {  	v36 =	vld [tilespmem:s0+$0x250]  }
0x870: {  	v41 =	vld.idx.msk [tilespmem:v41+s16+$0x0], $0xffff  }
0x871: {  	[tilespmem:s2+$0xC040] =	vst v38;
	v37 =	vld.idx.msk [tilespmem:v37+s16+$0x0], $0xffff  }
0x872: {  	v38 =	vld [tilespmem:s0+$0xFFFFFC50];
	[tilespmem:s3+$0xC240] =	vst v39  }
0x873: {  	v39 =	vld [tilespmem:s0+$0xFFFFFE50];
	[tilespmem:s30+$0xC240] =	vst v34  }
0x874: {  	v34 =	vld [tilespmem:s0+$0x50];
	[tilespmem:s26+$0xC240] =	vst v35  }
0x875: {  	v35 =	vld.idx.msk [tilespmem:v40+s16+$0x0], $0xffff  }
0x876: {  	v40 =	vld [tilespmem:s25+$0xFFFFFD50];
	[tilespmem:s29+$0xC640] =	vst v41  }
0x877: {  	v36 =	vld.idx.msk [tilespmem:v36+s16+$0x0], $0xffff;
	[tilespmem:s28+$0xC650] =	vst v37  }
0x878: {  	v37 =	vld [tilespmem:s25+$0x360]  }
0x879: {  	v41 =	vld [tilespmem:s25+$0xFFFFFF50]  }
0x87a: {  	v38 =	vld.idx.msk [tilespmem:v38+s16+$0x0], $0xffff  }
0x87b: {  	v39 =	vld.idx.msk [tilespmem:v39+s16+$0x0], $0xffff;
	[tilespmem:s24+$0xC640] =	vst v35  }
0x87c: {  	v34 =	vld.idx.msk [tilespmem:v34+s16+$0x0], $0xffff  }
0x87d: {  	[tilespmem:s6+$0xC250] =	vst v36;
	v35 =	vld [tilespmem:s25+$0x150]  }
0x87e: {  	v36 =	vld [tilespmem:s0+$0x260]  }
0x87f: {  	v40 =	vld.idx.msk [tilespmem:v40+s16+$0x0], $0xffff  }
0x880: {  	[tilespmem:s2+$0xC050] =	vst v38;
	v37 =	vld.idx.msk [tilespmem:v37+s16+$0x0], $0xffff  }
0x881: {  	v38 =	vld [tilespmem:s0+$0xFFFFFC60];
	[tilespmem:s3+$0xC250] =	vst v39  }
0x882: {  	v39 =	vld [tilespmem:s0+$0xFFFFFE60];
	[tilespmem:s30+$0xC250] =	vst v34  }
0x883: {  	v34 =	vld [tilespmem:s0+$0x60]  }
0x884: {  	v41 =	vld.idx.msk [tilespmem:v41+s16+$0x0], $0xffff  }
0x885: {  	[tilespmem:s26+$0xC250] =	vst v40;
	v35 =	vld.idx.msk [tilespmem:v35+s16+$0x0], $0xffff  }
0x886: {  	v36 =	vld.idx.msk [tilespmem:v36+s16+$0x0], $0xffff;
	[tilespmem:s28+$0xC660] =	vst v37  }
0x887: {  	v37 =	vld [tilespmem:s25+$0x370]  }
0x888: {  	v40 =	vld [tilespmem:s25+$0xFFFFFD60]  }
0x889: {  	v38 =	vld.idx.msk [tilespmem:v38+s16+$0x0], $0xffff  }
0x88a: {  	v39 =	vld.idx.msk [tilespmem:v39+s16+$0x0], $0xffff;
	[tilespmem:s29+$0xC650] =	vst v41  }
0x88b: {  	v34 =	vld.idx.msk [tilespmem:v34+s16+$0x0], $0xffff;
	[tilespmem:s24+$0xC650] =	vst v35  }
0x88c: {  	v35 =	vld [tilespmem:s25+$0xFFFFFF60]  }
0x88d: {  	[tilespmem:s6+$0xC260] =	vst v36;
	v36 =	vld [tilespmem:s25+$0x160]  }
0x88e: {  	v41 =	vld [tilespmem:s0+$0x270]  }
0x88f: {  	[tilespmem:s2+$0xC060] =	vst v38;
	v37 =	vld.idx.msk [tilespmem:v37+s16+$0x0], $0xffff  }
0x890: {  	v38 =	vld [tilespmem:s0+$0xFFFFFC70];
	[tilespmem:s3+$0xC260] =	vst v39  }
0x891: {  	v39 =	vld [tilespmem:s0+$0xFFFFFE70];
	[tilespmem:s30+$0xC260] =	vst v34  }
0x892: {  	v34 =	vld [tilespmem:s0+$0x70]  }
0x893: {  	v40 =	vld.idx.msk [tilespmem:v40+s16+$0x0], $0xffff  }
0x894: {  	v35 =	vld.idx.msk [tilespmem:v35+s16+$0x0], $0xffff  }
0x895: {  	v36 =	vld.idx.msk [tilespmem:v36+s16+$0x0], $0xffff;
	[tilespmem:s28+$0xC670] =	vst v37;
	s28 =	smov.u32 s6  }
0x896: {  	v37 =	vld.idx.msk [tilespmem:v33+s16+$0x0], $0xffff  }
0x897: {  	v41 =	vld.idx.msk [tilespmem:v41+s16+$0x0], $0xffff  }
0x898: {  	v38 =	vld.idx.msk [tilespmem:v38+s16+$0x0], $0xffff  }
0x899: {  	v42 =	vld.idx.msk [tilespmem:v39+s16+$0x0], $0xffff;
	[tilespmem:s26+$0xC260] =	vst v40  }
0x89a: {  	v34 =	vld.idx.msk [tilespmem:v34+s16+$0x0], $0xffff;
	[tilespmem:s29+$0xC660] =	vst v35  }
0x89b: {  	v35 =	vld [tilespmem:s25+$0xFFFFFD70];
	[tilespmem:s24+$0xC660] =	vst v36  }
0x89c: {  	v33 =	vld [tilespmem:s25+$0xFFFFFF70];
	[tilespmem:s23+$0xC670] =	vst v37;
	s23 =	smov.u32 s29;
	s29 =	smov.u32 s3  }
0x89d: {  	[tilespmem:s28+$0xC270] =	vst v41;
	v40 =	vld [tilespmem:s25+$0x170];
	s25 =	smov.u32 s0  }
0x89e: {  	[tilespmem:s2+$0xC070] =	vst v38;
	v39 =	vld [tilespmem:s0+$0x300]  }
.Ltmp7:
0x89f: {  	v36 =	vld [tilespmem:s0+$0xFFFFFD00];
	[tilespmem:s29+$0xC270] =	vst v42;
	(pc) =	sbr.rel @p1 .LBB2_16-.Ltmp7, $4  }
0x8a0: {  	v37 =	vld [tilespmem:s0+$0xFFFFFF00];
	[tilespmem:s30+$0xC270] =	vst v34  }
0x8a1: {  	v38 =	vld [tilespmem:s0+$0x100]  }
0x8a2: {  	v34 =	vld.idx.msk [tilespmem:v32+s16+$0x0], $0xffff;
	v32 =	vmov v40  }
0x8a3: {  	s0 =	sadd.s32 $0x800, s0;
	v35 =	vld.idx.msk [tilespmem:v35+s16+$0x0], $0xffff  }
0x8a4: {  	_ =	sdelay $0x3  }
0x8a5: {  	v39 =	vld.idx.msk [tilespmem:v39+s16+$0x0], $0xffff  }
0x8a6: {  	v36 =	vld.idx.msk [tilespmem:v36+s16+$0x0], $0xffff  }
0x8a7: {  	v37 =	vld.idx.msk [tilespmem:v37+s16+$0x0], $0xffff  }
0x8a8: {  	v38 =	vld.idx.msk [tilespmem:v38+s16+$0x0], $0xffff;
	_ =	sdelay $0x1  }
0x8a9: {  	[tilespmem:s28+$0xC600] =	vst v39  }
0x8aa: {  	[tilespmem:s4+$0xC200] =	vst v36;
	v39 =	vld [tilespmem:s25+$0x310]  }
0x8ab: {  	[tilespmem:s29+$0xC600] =	vst v37;
	v36 =	vld [tilespmem:s25+$0xFFFFFD10]  }
0x8ac: {  	[tilespmem:s30+$0xC600] =	vst v38;
	v37 =	vld [tilespmem:s25+$0xFFFFFF10]  }
0x8ad: {  	v38 =	vld [tilespmem:s25+$0x110];
	_ =	sdelay $0x4  }
0x8ae: {  	v39 =	vld.idx.msk [tilespmem:v39+s16+$0x0], $0xffff  }
0x8af: {  	v36 =	vld.idx.msk [tilespmem:v36+s16+$0x0], $0xffff  }
0x8b0: {  	v37 =	vld.idx.msk [tilespmem:v37+s16+$0x0], $0xffff  }
0x8b1: {  	v38 =	vld.idx.msk [tilespmem:v38+s16+$0x0], $0xffff;
	_ =	sdelay $0x1  }
0x8b2: {  	[tilespmem:s28+$0xC610] =	vst v39  }
0x8b3: {  	[tilespmem:s4+$0xC210] =	vst v36;
	v39 =	vld [tilespmem:s25+$0x320]  }
0x8b4: {  	[tilespmem:s29+$0xC610] =	vst v37;
	v36 =	vld [tilespmem:s25+$0xFFFFFD20]  }
0x8b5: {  	v37 =	vld [tilespmem:s25+$0xFFFFFF20];
	[tilespmem:s30+$0xC610] =	vst v38  }
0x8b6: {  	v38 =	vld [tilespmem:s25+$0x120];
	_ =	sdelay $0x4  }
0x8b7: {  	v39 =	vld.idx.msk [tilespmem:v39+s16+$0x0], $0xffff  }
0x8b8: {  	v36 =	vld.idx.msk [tilespmem:v36+s16+$0x0], $0xffff  }
0x8b9: {  	v37 =	vld.idx.msk [tilespmem:v37+s16+$0x0], $0xffff  }
0x8ba: {  	v38 =	vld.idx.msk [tilespmem:v38+s16+$0x0], $0xffff;
	_ =	sdelay $0x1  }
0x8bb: {  	[tilespmem:s28+$0xC620] =	vst v39  }
0x8bc: {  	[tilespmem:s4+$0xC220] =	vst v36;
	v39 =	vld [tilespmem:s25+$0x330]  }
0x8bd: {  	v36 =	vld [tilespmem:s25+$0xFFFFFD30];
	[tilespmem:s29+$0xC620] =	vst v37  }
0x8be: {  	[tilespmem:s30+$0xC620] =	vst v38;
	v37 =	vld [tilespmem:s25+$0xFFFFFF30]  }
0x8bf: {  	v38 =	vld [tilespmem:s25+$0x130];
	_ =	sdelay $0x4  }
0x8c0: {  	v39 =	vld.idx.msk [tilespmem:v39+s16+$0x0], $0xffff  }
0x8c1: {  	v36 =	vld.idx.msk [tilespmem:v36+s16+$0x0], $0xffff  }
0x8c2: {  	v37 =	vld.idx.msk [tilespmem:v37+s16+$0x0], $0xffff  }
0x8c3: {  	v38 =	vld.idx.msk [tilespmem:v38+s16+$0x0], $0xffff;
	_ =	sdelay $0x1  }
0x8c4: {  	[tilespmem:s28+$0xC630] =	vst v39  }
0x8c5: {  	[tilespmem:s4+$0xC230] =	vst v36;
	v39 =	vld [tilespmem:s25+$0x340]  }
0x8c6: {  	[tilespmem:s29+$0xC630] =	vst v37;
	v36 =	vld [tilespmem:s25+$0xFFFFFD40]  }
0x8c7: {  	v37 =	vld [tilespmem:s25+$0xFFFFFF40];
	[tilespmem:s30+$0xC630] =	vst v38  }
0x8c8: {  	v38 =	vld [tilespmem:s25+$0x140];
	_ =	sdelay $0x4  }
0x8c9: {  	v39 =	vld.idx.msk [tilespmem:v39+s16+$0x0], $0xffff  }
0x8ca: {  	v36 =	vld.idx.msk [tilespmem:v36+s16+$0x0], $0xffff  }
0x8cb: {  	v37 =	vld.idx.msk [tilespmem:v37+s16+$0x0], $0xffff  }
0x8cc: {  	v38 =	vld.idx.msk [tilespmem:v38+s16+$0x0], $0xffff;
	_ =	sdelay $0x1  }
0x8cd: {  	[tilespmem:s28+$0xC640] =	vst v39  }
0x8ce: {  	[tilespmem:s4+$0xC240] =	vst v36;
	v39 =	vld [tilespmem:s25+$0x350]  }
0x8cf: {  	v36 =	vld [tilespmem:s25+$0xFFFFFD50];
	[tilespmem:s29+$0xC640] =	vst v37  }
0x8d0: {  	v37 =	vld [tilespmem:s25+$0xFFFFFF50];
	[tilespmem:s30+$0xC640] =	vst v38  }
0x8d1: {  	v38 =	vld [tilespmem:s25+$0x150];
	_ =	sdelay $0x4  }
0x8d2: {  	v39 =	vld.idx.msk [tilespmem:v39+s16+$0x0], $0xffff  }
0x8d3: {  	v36 =	vld.idx.msk [tilespmem:v36+s16+$0x0], $0xffff  }
0x8d4: {  	v37 =	vld.idx.msk [tilespmem:v37+s16+$0x0], $0xffff  }
0x8d5: {  	v38 =	vld.idx.msk [tilespmem:v38+s16+$0x0], $0xffff;
	_ =	sdelay $0x1  }
0x8d6: {  	[tilespmem:s28+$0xC650] =	vst v39  }
0x8d7: {  	[tilespmem:s4+$0xC250] =	vst v36;
	v39 =	vld [tilespmem:s25+$0x360]  }
0x8d8: {  	v36 =	vld [tilespmem:s25+$0xFFFFFD60];
	[tilespmem:s29+$0xC650] =	vst v37  }
0x8d9: {  	[tilespmem:s30+$0xC650] =	vst v38;
	v37 =	vld [tilespmem:s25+$0xFFFFFF60]  }
0x8da: {  	v38 =	vld [tilespmem:s25+$0x160];
	_ =	sdelay $0x4  }
0x8db: {  	v39 =	vld.idx.msk [tilespmem:v39+s16+$0x0], $0xffff  }
0x8dc: {  	v36 =	vld.idx.msk [tilespmem:v36+s16+$0x0], $0xffff  }
0x8dd: {  	v37 =	vld.idx.msk [tilespmem:v37+s16+$0x0], $0xffff  }
0x8de: {  	v38 =	vld.idx.msk [tilespmem:v38+s16+$0x0], $0xffff;
	_ =	sdelay $0x1  }
0x8df: {  	[tilespmem:s28+$0xC660] =	vst v39  }
0x8e0: {  	[tilespmem:s4+$0xC260] =	vst v36;
	v39 =	vld [tilespmem:s25+$0x370]  }
0x8e1: {  	[tilespmem:s29+$0xC660] =	vst v37;
	v36 =	vld [tilespmem:s25+$0xFFFFFD70]  }
0x8e2: {  	[tilespmem:s30+$0xC660] =	vst v38;
	v37 =	vld [tilespmem:s25+$0xFFFFFF70]  }
0x8e3: {  	v38 =	vld [tilespmem:s25+$0x170];
	_ =	sdelay $0x2  }
0x8e4: {  	v33 =	vld.idx.msk [tilespmem:v33+s16+$0x0], $0xffff  }
0x8e5: {  	v32 =	vld.idx.msk [tilespmem:v32+s16+$0x0], $0xffff  }
0x8e6: {  	v39 =	vld.idx.msk [tilespmem:v39+s16+$0x0], $0xffff  }
0x8e7: {  	[tilespmem:s22+$0xC670] =	vst v34;
	v61 =	vld.idx.msk [tilespmem:v36+s16+$0x0], $0xffff  }
0x8e8: {  	[tilespmem:s26+$0xC270] =	vst v35;
	v62 =	vld.idx.msk [tilespmem:v37+s16+$0x0], $0xffff  }
0x8e9: {  	[tilespmem:s23+$0xC670] =	vst v33;
	v63 =	vld.idx.msk [tilespmem:v38+s16+$0x0], $0xffff  }
0x8ea: {  	[tilespmem:s24+$0xC670] =	vst v32  }
0x8eb: {  	[tilespmem:s28+$0xC670] =	vst v39  }
0x8ec: {  	[tilespmem:s4+$0xC270] =	vst v61  }
0x8ed: {  	[tilespmem:s29+$0xC670] =	vst v62  }
0x8ee: {  	[tilespmem:s30+$0xC670] =	vst v63  }
0x8ef: {  	_ =	swait.ge [sflag:s14], $0x4000  }
0x8f0: {  	s0 =	sld [smem:$0x7FB]  }
0x8f1: {  	[sflag:s14] =	ssyncset.done $0x0  }
0x8f2: {  	s6 =	simm.s32 $0x0;
	s1 =	simm.s32 $0x18200;
	[sflag:s14] =	ssyncadd.s32 $0xFFFFC000  }
0x8f3: {  	[hbm4b:s0+s6] =	stream.linear.scatter [tilespmem:s1], [sflag:$0x1], $0x4000, $0x38;
	[tilespmem:$0x1C200] =	vst v63  }
0x8f4: {  	_ =	swait.ge [sflag:s14], $0x4000  }
0x8f5: {  	[sflag:s14] =	ssyncset.done $0x0  }
0x8f6: {  	[sflag:s14] =	ssyncadd.s32 $0xFFFFC000  }
0x8f7: {  	_ =	swait.ge [sflag:s14], $0x4000  }
0x8f8: {  	s30 =	sld [smem:$0x7F8]  }
0x8f9: {  	s31 =	sld [smem:$0x7FC];
	_ =	sdelay $0x1  }
0x8fa: {  	s1 =	sadd.s32 $0x1, s30  }
0x8fb: {  	p0 =	sne.s32 s1, s31  }
.Ltmp8:
0x8fc: {  	_ = 	snop;
	(pc) =	sbr.rel @p0 .LBB2_1-.Ltmp8, $3  }
0x8fd: {  	_ =	sdelay $0x1  }
0x8fe: {  	[sflag:s14] =	ssyncset.done $0x0;
	s7 =	rddreg [dreg:$0x1b]  }
0x8ff: {  	s4 =	rddreg [dreg:$0x1d];
	[sflag:s14] =	ssyncadd.s32 $0xFFFFC000  }
0x900: {  	_ =	sfence.sel $0x180000  }
0x901: {  	[bflag:$0x0] =	sbarrier.arrive $0xFFFF  }
0x902: {  	_ =	strace $0x90000047  }
0x903: {  	s0 =	stileid.u32;
	[bflag:$0x2] =	sbarrier.arrive $0xFFFF  }
0x904: {  	p0 =	sne.s32 s0, $0x0;
	s0 =	rddreg [dreg:$0x2]  }
0x905: {  	s0 =	sadd.s32 @!p0 $0x100000, s0  }
0x906: {  	[sflag:s0] =	ssyncadd.tile.s32 @!p0 $0x1;
	_ =	shalt  }
.Lfunc_end2:
_tile_overlayer_lowered:
.L_overlay_start_2:
0x907: {  	(tag) =	ssettag $0x2  }
0x908: {  	s0 =	rddreg [dreg:$0x0];
	s2 =	stileid.u32  }
0x909: {  	s1 =	rddreg [dreg:$0x1];
	p0 =	sne.s32 s2, $0x0  }
0x90a: {  	s3 =	rddreg [dreg:$0x2];
	[bflag:$0x3] =	sbarrier.arrive $0xFFFF;
	s2 =	simm.s32 @!p0 $0x1C03  }
0x90b: {  	[timem:s3], [sflag:s2] =	dma.local @!p0 [hbm:s0], s1  }
0x90c: {  	s0 =	simm.s32 @!p0 $0x3  }
0x90d: {  	_ =	swait.ge @!p0 [sflag:s0], s1  }
0x90e: {  	s1 =	ssub.s32 @!p0 $0x0, s1;
	[sflag:s0] =	ssyncset.done @!p0 $0x0  }
0x90f: {  	[sflag:s0] =	ssyncadd.s32 @!p0 s1  }
0x910: {  	[bflag:$0x3] =	sbarrier.arrive $0xFFFF  }
0x911: {  	_ =	shalt  }

</sc_bundles>
